<compile_context>
chip_gen: v7x
topology: tpu7x:2x2x1
jax: 0.10.2.dev20260603
libtpu: 0.0.44.dev20260713+nightly
codegen_flags: <defaults>
</compile_context>

<pallas_src>
import functools

import jax
import jax.numpy as jnp
from jax import lax
from jax.experimental import pallas as pl
from jax.experimental.pallas import tpu as pltpu
from jax.experimental.pallas import tpu_sc as plsc

_NC = 2
_NS = 16
_NW = _NC * _NS
_CH = 128
_WIN = 196
_B = 14
_NBLK = _WIN // _B

_SC_PARAMS = pltpu.CompilerParams(use_tc_tiling_on_sc=False)


_GWIN = 224
_GB = 28
_GNBLK = _GWIN // _GB


def _gather_sc(U, idx2d):
    R = idx2d.shape[0]
    D = U.shape[1]
    mesh = plsc.VectorSubcoreMesh(core_axis_name="c", subcore_axis_name="s")

    @functools.partial(
        pl.kernel,
        out_type=jax.ShapeDtypeStruct((R, _CH, D), jnp.float32),
        mesh=mesh,
        scratch_types=[
            pltpu.VMEM((_GWIN, _CH), jnp.int32),
            pltpu.VMEM((2, _GB, _CH, D), jnp.float32),
            pltpu.SemaphoreType.DMA,
            pltpu.SemaphoreType.DMA,
            pltpu.SemaphoreType.DMA,
            pltpu.SemaphoreType.DMA,
            pltpu.SemaphoreType.DMA,
        ],
        compiler_params=_SC_PARAMS,
    )
    def gather_kernel(u_hbm, idx_hbm, ue_hbm, idxw, rowsb, isem, g0, g1, w0, w1):
        gsems = (g0, g1)
        wsems = (w0, w1)
        w = lax.axis_index("s") * _NC + lax.axis_index("c")
        lo = jnp.minimum(w * R // _NW, R - _GWIN)
        pltpu.async_copy(idx_hbm.at[pl.ds(lo, _GWIN)], idxw, isem).wait()

        def body(i, carry):
            for p in range(2):
                blk = i * 2 + p
                row0 = lo + blk * _GB

                @pl.when(i >= 1)
                def _():
                    pltpu.make_async_copy(
                        rowsb.at[p], ue_hbm.at[pl.ds(row0, _GB)], wsems[p]
                    ).wait()

                descs = [
                    pltpu.async_copy(
                        u_hbm.at[idxw.at[blk * _GB + r]], rowsb.at[p, r], gsems[p]
                    )
                    for r in range(_GB)
                ]
                for d in descs:
                    d.wait()
                pltpu.async_copy(rowsb.at[p], ue_hbm.at[pl.ds(row0, _GB)], wsems[p])
            return carry

        lax.fori_loop(0, _GNBLK // 2, body, 0)
        for p in range(2):
            pltpu.make_async_copy(
                rowsb.at[p], ue_hbm.at[pl.ds(lo, _GB)], wsems[p]
            ).wait()

    return gather_kernel(U, idx2d)


def _matvec_tc(types2, ue2, Gcat, EP):
    E, K = ue2.shape
    T = Gcat.shape[1] // K
    BE = 3584
    assert EP % BE == 0

    def body(t_ref, u_ref, g_ref, o_ref):
        pid = pl.program_id(0)
        u = u_ref[...]
        tt = t_ref[...]
        p = jnp.dot(u, g_ref[...], preferred_element_type=jnp.float32)
        tt64 = jnp.broadcast_to(tt, (BE, K))
        acc = jnp.where(tt64 == 0, p[:, :K], 0.0)
        for t in range(1, T):
            acc = acc + jnp.where(tt64 == t, p[:, t * K:(t + 1) * K], 0.0)
        erow = pid * BE + lax.broadcasted_iota(jnp.int32, (BE, 1), 0)
        o_ref[...] = jnp.where(erow < E, acc, 0.0)

    return pl.pallas_call(
        body,
        grid=(EP // BE,),
        in_specs=[
            pl.BlockSpec((BE, 1), lambda i: (i, 0)),
            pl.BlockSpec((BE, K), lambda i: (i, 0)),
            pl.BlockSpec((K, T * K), lambda i: (0, 0)),
        ],
        out_specs=pl.BlockSpec((BE, K), lambda i: (i, 0)),
        out_shape=jax.ShapeDtypeStruct((EP, K), jnp.float32),
    )(types2, ue2, Gcat)


def _scatter_sc(ku3d, idx2d, zeros_pad):
    R = idx2d.shape[0]
    assert R == _NW * _WIN
    NPAD, D = zeros_pad.shape
    stripe = NPAD // _NS
    mesh = plsc.VectorSubcoreMesh(core_axis_name="c", subcore_axis_name="s")

    @functools.partial(
        pl.kernel,
        out_type=jax.ShapeDtypeStruct((_NC, NPAD, D), jnp.float32),
        mesh=mesh,
        scratch_types=[
            pltpu.VMEM((_WIN, _CH), jnp.int32),
            pltpu.VMEM((2, _B, _CH, D), jnp.float32),
            pltpu.VMEM_SHARED((NPAD, D), jnp.float32),
            pltpu.SemaphoreType.DMA,
            pltpu.SemaphoreType.DMA,
            pltpu.SemaphoreType.DMA,
            pltpu.SemaphoreType.DMA,
            pltpu.SemaphoreType.DMA,
        ],
        compiler_params=_SC_PARAMS,
    )
    def scatter_kernel(ku_hbm, idx_hbm, z_hbm, out_hbm, idxw, rowsb, acc_sh,
                       isem, l0, l1, s0, s1):
        lsems = (l0, l1)
        ssems = (s0, s1)
        c = lax.axis_index("c")
        s = lax.axis_index("s")
        w = s * _NC + c
        lo = w * _WIN

        pltpu.async_copy(idx_hbm.at[pl.ds(lo, _WIN)], idxw, isem)
        pltpu.sync_copy(
            z_hbm.at[pl.ds(s * stripe, stripe)],
            acc_sh.at[pl.ds(s * stripe, stripe)],
        )
        plsc.subcore_barrier()
        pltpu.async_copy(ku_hbm.at[pl.ds(lo, _B)], rowsb.at[0], lsems[0])
        pltpu.make_async_copy(idx_hbm.at[pl.ds(lo, _WIN)], idxw, isem).wait()

        def body(i, carry):
            for p in range(2):
                blk = i * 2 + p
                row0 = lo + blk * _B
                pltpu.make_async_copy(
                    ku_hbm.at[pl.ds(row0, _B)], rowsb.at[p], lsems[p]
                ).wait()

                @pl.when(blk + 1 < _NBLK)
                def _():
                    pltpu.async_copy(
                        ku_hbm.at[pl.ds(row0 + _B, _B)], rowsb.at[1 - p],
                        lsems[1 - p],
                    )

                descs = [
                    pltpu.async_copy(
                        rowsb.at[p, r], acc_sh.at[idxw.at[blk * _B + r]],
                        ssems[p], add=True,
                    )
                    for r in range(_B)
                ]
                for d in descs:
                    d.wait()
            return carry

        lax.fori_loop(0, _NBLK // 2, body, 0)
        plsc.subcore_barrier()
        pltpu.sync_copy(
            acc_sh.at[pl.ds(s * stripe, stripe)],
            out_hbm.at[c, pl.ds(s * stripe, stripe)],
        )

    return scatter_kernel(ku3d, idx2d, zeros_pad)


def _combine_tc(p2):
    M = p2.shape[1]

    def body(p_ref, o_ref):
        o_ref[...] = p_ref[0] + p_ref[1]

    return pl.pallas_call(
        body,
        out_shape=jax.ShapeDtypeStruct((M, 128), jnp.float32),
    )(p2)


def kernel(U, H8types, nodIdx, filters):
    N, D = U.shape
    E, A = nodIdx.shape
    T = filters.shape[0]
    assert (E * A) % _CH == 0
    R = E * A // _CH

    DP = 8
    K = A * DP
    Upad = jnp.pad(U, ((0, 0), (0, DP - D)))
    Fb = filters.reshape(T, A, D, A, D)
    Gt = jnp.transpose(Fb, (0, 3, 4, 1, 2))
    Gp = jnp.pad(Gt, ((0, 0), (0, 0), (0, DP - D), (0, 0), (0, DP - D)))
    Gcat = jnp.transpose(Gp.reshape(T, K, K), (1, 0, 2)).reshape(K, T * K)

    idx2d = nodIdx.reshape(R, _CH).astype(jnp.int32)

    ue3 = _gather_sc(Upad, idx2d)
    ue2 = ue3.reshape(E, K)

    RP = _NW * _WIN
    EP = RP * _CH // A
    ku2 = _matvec_tc(H8types.reshape(E, 1).astype(jnp.int32), ue2, Gcat, EP)
    idx2dp = jnp.pad(idx2d, ((0, RP - R), (0, 0)))

    NPAD = -(-N // 128) * 128
    assert (NPAD * DP) % 128 == 0 and NPAD % _NS == 0
    zeros_pad = jnp.zeros((NPAD, DP), jnp.float32)
    partials = _scatter_sc(ku2.reshape(RP, _CH, DP), idx2dp, zeros_pad)

    out = _combine_tc(partials.reshape(_NC, NPAD * DP // 128, 128))
    return out.reshape(NPAD, DP)[:N, :D]

# --- scband reference (transcript-rebuilt; emitter-appended) ---
"""Pipeline reference for scband-feconv-14121852470122 (READ-ONLY COPY).

The authoritative reference and input builder live on the scoring server;
editing this copy changes nothing except your own understanding.
"""

import jax, jax.numpy as jnp
import numpy as np

N = 100000   # nodes
E = 100000   # H8 elements
T = 8        # element types (materials)
D = 3        # dofs per node -> 24 dofs per element

def setup_inputs(seed: int = 0) -> dict:
    key = jax.random.key(seed)
    k1, k2, k3, k4 = jax.random.split(key, 4)
    U = jax.random.normal(k1, (N, D), dtype=jnp.float32)
    H8types = jax.random.randint(k2, (E,), 0, T)
    nodIdx = jax.random.randint(k3, (E, 8), 0, N)
    filters = jax.random.normal(k4, (T, 24, 24), dtype=jnp.float32) * 0.1
    return {"U": U, "H8types": H8types, "nodIdx": nodIdx, "filters": filters}

def reference(U, H8types, nodIdx, filters):
    # FE convolution: KU = sum_e P_e^T K_{type(e)} P_e U
    # gather element dof vectors
    e_cnt = nodIdx.shape[0]
    d = U.shape[1]
    ue = U[nodIdx].reshape(e_cnt, 8 * d)          # [E, 24] gather
    ku = jnp.zeros_like(ue)
    n_types = filters.shape[0]
    for t in range(n_types):
        m = (H8types == t)[:, None]
        ku = ku + jnp.where(m, ue @ filters[t].T, 0.0)  # per-type element matvec
    out_e = ku.reshape(e_cnt, 8, d)
    KU = jnp.zeros_like(U).at[nodIdx].add(out_e)  # scatter-add assembly
    return KU

if __name__ == "__main__":
    import jax
    _d = setup_inputs()
    print(jax.jit(kernel)(*tuple(_d.values())))

</pallas_src>

<mosaic_0001>
#map = affine_map<(d0, d1) -> (0, 0)>
#map1 = affine_map<(d0, d1) -> (0, 0, 0)>
module attributes {stable_mosaic.version = 14 : i64} {
  func.func @gather_kernel(%arg0: i32, %arg1: i32, %arg2: memref<100000x8xf32, #tpu.memory_space<hbm>>, %arg3: memref<6250x128xi32, #tpu.memory_space<hbm>>, %arg4: memref<6250x128x8xf32, #tpu.memory_space<hbm>>, %arg5: memref<224x128xi32, #tpu.memory_space<vmem>>, %arg6: memref<2x28x128x8xf32, #tpu.memory_space<vmem>>, %arg7: memref<!tpu.dma_semaphore, #tpu.memory_space<semaphore_mem>>, %arg8: memref<!tpu.dma_semaphore, #tpu.memory_space<semaphore_mem>>, %arg9: memref<!tpu.dma_semaphore, #tpu.memory_space<semaphore_mem>>, %arg10: memref<!tpu.dma_semaphore, #tpu.memory_space<semaphore_mem>>, %arg11: memref<!tpu.dma_semaphore, #tpu.memory_space<semaphore_mem>>) attributes {dimension_semantics = [#tpu.dimension_semantics<core_parallel>, #tpu.dimension_semantics<subcore_parallel>], iteration_bounds = array<i64: 2, 16>, scalar_prefetch = 0 : i64, scratch_operands = 7 : i64, tpu.core_type = #tpu.core_type<sc_vector_subcore>, window_params = [{transform_indices = #map}, {transform_indices = #map}, {transform_indices = #map1}]} {
    %mul3A = arith.constant 2 : i32
    %mul3A_0 = arith.muli %arg1, %mul3A : i32
    %add3A = arith.addi %mul3A_0, %arg0 : i32
    %mul3A_1 = arith.constant 6250 : i32
    %mul3A_2 = arith.muli %add3A, %mul3A_1 : i32
    %jit3A = arith.constant 32 : i32
    %div3A = arith.divsi %mul3A_2, %jit3A : i32
    %sign3A = arith.constant 0 : i32
    %sign3A_3 = arith.cmpi sgt, %mul3A_2, %sign3A : i32
    %sign3A_4 = arith.extui %sign3A_3 : i1 to i32
    %sign3A_5 = arith.constant 0 : i32
    %sign3A_6 = arith.cmpi slt, %mul3A_2, %sign3A_5 : i32
    %sign3A_7 = arith.extui %sign3A_6 : i1 to i32
    %sign3A_8 = arith.subi %sign3A_4, %sign3A_7 : i32
    %sign3A_9 = arith.constant 0 : i32
    %sign3A_10 = arith.cmpi sgt, %jit3A, %sign3A_9 : i32
    %sign3A_11 = arith.extui %sign3A_10 : i1 to i32
    %sign3A_12 = arith.constant 0 : i32
    %sign3A_13 = arith.cmpi slt, %jit3A, %sign3A_12 : i32
    %sign3A_14 = arith.extui %sign3A_13 : i1 to i32
    %sign3A_15 = arith.subi %sign3A_11, %sign3A_14 : i32
    %ne3A = arith.cmpi ne, %sign3A_8, %sign3A_15 : i32
    %rem3A = arith.remsi %mul3A_2, %jit3A : i32
    %ne3A_16 = arith.constant 0 : i32
    %ne3A_17 = arith.cmpi ne, %rem3A, %ne3A_16 : i32
    %and3A = arith.andi %ne3A, %ne3A_17 : i1
    %sub3A = arith.constant 1 : i32
    %sub3A_18 = arith.subi %div3A, %sub3A : i32
    %select_n3A = arith.select %and3A, %sub3A_18, %div3A : i32
    %min3A = arith.constant 6026 : i32
    %min3A_19 = arith.minsi %select_n3A, %min3A : i32
    %dma_start3A = arith.constant 0 : i32
    %dma_start3A_20 = tpu.memref_slice %arg3[%min3A_19, %dma_start3A] : memref<6250x128xi32, #tpu.memory_space<hbm>> -> memref<224x128xi32, #tpu.memory_space<hbm>>
    %dma_start3A_21 = arith.constant 0 : i32
    %dma_start3A_22 = tpu.memref_slice %arg3[%min3A_19, %dma_start3A_21] : memref<6250x128xi32, #tpu.memory_space<hbm>> -> memref<224x128xi32, #tpu.memory_space<hbm>>
    tpu.enqueue_dma source(%dma_start3A_22 : memref<224x128xi32, #tpu.memory_space<hbm>>) target(%arg5 : memref<224x128xi32, #tpu.memory_space<vmem>>) target_semaphore(%arg7 : memref<!tpu.dma_semaphore, #tpu.memory_space<semaphore_mem>>)
    %dma_wait3A = arith.constant 0 : i32
    %dma_wait3A_23 = tpu.memref_slice %arg3[%min3A_19, %dma_wait3A] : memref<6250x128xi32, #tpu.memory_space<hbm>> -> memref<224x128xi32, #tpu.memory_space<hbm>>
    %dma_wait3A_24 = arith.constant 0 : i32
    %dma_wait3A_25 = tpu.memref_slice %arg3[%min3A_19, %dma_wait3A_24] : memref<6250x128xi32, #tpu.memory_space<hbm>> -> memref<224x128xi32, #tpu.memory_space<hbm>>
    tpu.wait_dma2 semaphore(%arg7 : memref<!tpu.dma_semaphore, #tpu.memory_space<semaphore_mem>>) src(%dma_wait3A_25 : memref<224x128xi32, #tpu.memory_space<hbm>>) dst(%arg5 : memref<224x128xi32, #tpu.memory_space<vmem>>)
    %scan3A = arith.constant 0 : i32
    %scan3A_26 = arith.constant 0 : i32
    %scan3A_27 = arith.constant 4 : i32
    %scan3A_28 = arith.addi %scan3A_26, %scan3A_27 : i32
    %scan3A_29 = arith.constant 1 : i32
    scf.for %scan3A_65 = %scan3A_26 to %scan3A_28 step %scan3A_29  : i32 {
      %mul3A_66 = arith.constant 2 : i32
      %mul3A_67 = arith.muli %scan3A_65, %mul3A_66 : i32
      %add3A_68 = arith.constant 0 : i32
      %add3A_69 = arith.addi %mul3A_67, %add3A_68 : i32
      %mul3A_70 = arith.constant 28 : i32
      %mul3A_71 = arith.muli %add3A_69, %mul3A_70 : i32
      %add3A_72 = arith.addi %min3A_19, %mul3A_71 : i32
      %ge3A = arith.constant 1 : i32
      %ge3A_73 = arith.cmpi sge, %scan3A_65, %ge3A : i32
      %convert_element_type3A = arith.extui %ge3A_73 : i1 to i32
      %cond3A = arith.constant 0 : i32
      %cond3A_74 = arith.cmpi ne, %convert_element_type3A, %cond3A : i32
      scf.if %cond3A_74 {
        %dma_wait3A_1689 = arith.constant 0 : i32
        %dma_wait3A_1690 = arith.constant 0 : i32
        %dma_wait3A_1691 = arith.constant 0 : i32
        %dma_wait3A_1692 = arith.constant 0 : i32
        %dma_wait3A_1693 = tpu.memref_slice %arg6[%dma_wait3A_1689, %dma_wait3A_1690, %dma_wait3A_1691, %dma_wait3A_1692] : memref<2x28x128x8xf32, #tpu.memory_space<vmem>> -> memref<1x28x128x8xf32, #tpu.memory_space<vmem>>
        %dma_wait3A_1694 = tpu.memref_squeeze %dma_wait3A_1693 : memref<1x28x128x8xf32, #tpu.memory_space<vmem>> -> memref<28x128x8xf32, #tpu.memory_space<vmem>>
        %dma_wait3A_1695 = arith.constant 0 : i32
        %dma_wait3A_1696 = arith.constant 0 : i32
        %dma_wait3A_1697 = tpu.memref_slice %arg4[%add3A_72, %dma_wait3A_1695, %dma_wait3A_1696] : memref<6250x128x8xf32, #tpu.memory_space<hbm>> -> memref<28x128x8xf32, #tpu.memory_space<hbm>>
        %dma_wait3A_1698 = arith.constant 0 : i32
        %dma_wait3A_1699 = arith.constant 0 : i32
        %dma_wait3A_1700 = tpu.memref_slice %arg4[%add3A_72, %dma_wait3A_1698, %dma_wait3A_1699] : memref<6250x128x8xf32, #tpu.memory_space<hbm>> -> memref<28x128x8xf32, #tpu.memory_space<hbm>>
        %dma_wait3A_1701 = arith.constant 0 : i32
        %dma_wait3A_1702 = arith.constant 0 : i32
        %dma_wait3A_1703 = arith.constant 0 : i32
        %dma_wait3A_1704 = tpu.memref_slice %arg6[%dma_wait3A_1689, %dma_wait3A_1701, %dma_wait3A_1702, %dma_wait3A_1703] : memref<2x28x128x8xf32, #tpu.memory_space<vmem>> -> memref<1x28x128x8xf32, #tpu.memory_space<vmem>>
        %dma_wait3A_1705 = tpu.memref_squeeze %dma_wait3A_1704 : memref<1x28x128x8xf32, #tpu.memory_space<vmem>> -> memref<28x128x8xf32, #tpu.memory_space<vmem>>
        tpu.wait_dma2 semaphore(%arg10 : memref<!tpu.dma_semaphore, #tpu.memory_space<semaphore_mem>>) src(%dma_wait3A_1705 : memref<28x128x8xf32, #tpu.memory_space<vmem>>) dst(%dma_wait3A_1700 : memref<28x128x8xf32, #tpu.memory_space<hbm>>)
      } else {
      }
      %mul3A_75 = arith.constant 28 : i32
      %mul3A_76 = arith.muli %add3A_69, %mul3A_75 : i32
      %add3A_77 = arith.constant 0 : i32
      %add3A_78 = arith.addi %mul3A_76, %add3A_77 : i32
      %dma_start3A_79 = arith.constant 0 : i32
      %dma_start3A_80 = arith.constant 0 : i32
      %dma_start3A_81 = arith.constant 0 : i32
      %dma_start3A_82 = arith.constant 0 : i32
      %dma_start3A_83 = tpu.memref_slice %arg6[%dma_start3A_79, %dma_start3A_80, %dma_start3A_81, %dma_start3A_82] : memref<2x28x128x8xf32, #tpu.memory_space<vmem>> -> memref<1x1x128x8xf32, #tpu.memory_space<vmem>>
      %dma_start3A_84 = tpu.memref_squeeze %dma_start3A_83 : memref<1x1x128x8xf32, #tpu.memory_space<vmem>> -> memref<128x8xf32, #tpu.memory_space<vmem>>
      %dma_start3A_85 = arith.constant 0 : i32
      %dma_start3A_86 = tpu.memref_slice %arg5[%add3A_78, %dma_start3A_85] : memref<224x128xi32, #tpu.memory_space<vmem>> -> memref<1x128xi32, #tpu.memory_space<vmem>>
      %dma_start3A_87 = tpu.memref_squeeze %dma_start3A_86 : memref<1x128xi32, #tpu.memory_space<vmem>> -> memref<128xi32, #tpu.memory_space<vmem>>
      %dma_start3A_88 = arith.constant 0 : i32
      %dma_start3A_89 = arith.constant 0 : i32
      %dma_start3A_90 = tpu.memref_slice %arg2[%dma_start3A_88, %dma_start3A_89] : memref<100000x8xf32, #tpu.memory_space<hbm>> -> memref<100000x8xf32, #tpu.memory_space<hbm>>
      tpu.enqueue_indirect_dma source(%dma_start3A_90 : memref<100000x8xf32, #tpu.memory_space<hbm>>) target(%dma_start3A_84 : memref<128x8xf32, #tpu.memory_space<vmem>>) offsets(%dma_start3A_87 : memref<128xi32, #tpu.memory_space<vmem>>) semaphore(%arg8 : memref<!tpu.dma_semaphore, #tpu.memory_space<semaphore_mem>>)
      %mul3A_91 = arith.constant 28 : i32
      %mul3A_92 = arith.muli %add3A_69, %mul3A_91 : i32
      %add3A_93 = arith.constant 1 : i32
      %add3A_94 = arith.addi %mul3A_92, %add3A_93 : i32
      %dma_start3A_95 = arith.constant 0 : i32
      %dma_start3A_96 = arith.constant 1 : i32
      %dma_start3A_97 = arith.constant 0 : i32
      %dma_start3A_98 = arith.constant 0 : i32
      %dma_start3A_99 = tpu.memref_slice %arg6[%dma_start3A_95, %dma_start3A_96, %dma_start3A_97, %dma_start3A_98] : memref<2x28x128x8xf32, #tpu.memory_space<vmem>> -> memref<1x1x128x8xf32, #tpu.memory_space<vmem>>
      %dma_start3A_100 = tpu.memref_squeeze %dma_start3A_99 : memref<1x1x128x8xf32, #tpu.memory_space<vmem>> -> memref<128x8xf32, #tpu.memory_space<vmem>>
      %dma_start3A_101 = arith.constant 0 : i32
      %dma_start3A_102 = tpu.memref_slice %arg5[%add3A_94, %dma_start3A_101] : memref<224x128xi32, #tpu.memory_space<vmem>> -> memref<1x128xi32, #tpu.memory_space<vmem>>
      %dma_start3A_103 = tpu.memref_squeeze %dma_start3A_102 : memref<1x128xi32, #tpu.memory_space<vmem>> -> memref<128xi32, #tpu.memory_space<vmem>>
      %dma_start3A_104 = arith.constant 0 : i32
      %dma_start3A_105 = arith.constant 0 : i32
      %dma_start3A_106 = tpu.memref_slice %arg2[%dma_start3A_104, %dma_start3A_105] : memref<100000x8xf32, #tpu.memory_space<hbm>> -> memref<100000x8xf32, #tpu.memory_space<hbm>>
      tpu.enqueue_indirect_dma source(%dma_start3A_106 : memref<100000x8xf32, #tpu.memory_space<hbm>>) target(%dma_start3A_100 : memref<128x8xf32, #tpu.memory_space<vmem>>) offsets(%dma_start3A_103 : memref<128xi32, #tpu.memory_space<vmem>>) semaphore(%arg8 : memref<!tpu.dma_semaphore, #tpu.memory_space<semaphore_mem>>)
      %mul3A_107 = arith.constant 28 : i32
      %mul3A_108 = arith.muli %add3A_69, %mul3A_107 : i32
      %add3A_109 = arith.constant 2 : i32
      %add3A_110 = arith.addi %mul3A_108, %add3A_109 : i32
      %dma_start3A_111 = arith.constant 0 : i32
      %dma_start3A_112 = arith.constant 2 : i32
      %dma_start3A_113 = arith.constant 0 : i32
      %dma_start3A_114 = arith.constant 0 : i32
      %dma_start3A_115 = tpu.memref_slice %arg6[%dma_start3A_111, %dma_start3A_112, %dma_start3A_113, %dma_start3A_114] : memref<2x28x128x8xf32, #tpu.memory_space<vmem>> -> memref<1x1x128x8xf32, #tpu.memory_space<vmem>>
      %dma_start3A_116 = tpu.memref_squeeze %dma_start3A_115 : memref<1x1x128x8xf32, #tpu.memory_space<vmem>> -> memref<128x8xf32, #tpu.memory_space<vmem>>
      %dma_start3A_117 = arith.constant 0 : i32
      %dma_start3A_118 = tpu.memref_slice %arg5[%add3A_110, %dma_start3A_117] : memref<224x128xi32, #tpu.memory_space<vmem>> -> memref<1x128xi32, #tpu.memory_space<vmem>>
      %dma_start3A_119 = tpu.memref_squeeze %dma_start3A_118 : memref<1x128xi32, #tpu.memory_space<vmem>> -> memref<128xi32, #tpu.memory_space<vmem>>
      %dma_start3A_120 = arith.constant 0 : i32
      %dma_start3A_121 = arith.constant 0 : i32
      %dma_start3A_122 = tpu.memref_slice %arg2[%dma_start3A_120, %dma_start3A_121] : memref<100000x8xf32, #tpu.memory_space<hbm>> -> memref<100000x8xf32, #tpu.memory_space<hbm>>
      tpu.enqueue_indirect_dma source(%dma_start3A_122 : memref<100000x8xf32, #tpu.memory_space<hbm>>) target(%dma_start3A_116 : memref<128x8xf32, #tpu.memory_space<vmem>>) offsets(%dma_start3A_119 : memref<128xi32, #tpu.memory_space<vmem>>) semaphore(%arg8 : memref<!tpu.dma_semaphore, #tpu.memory_space<semaphore_mem>>)
      %mul3A_123 = arith.constant 28 : i32
      %mul3A_124 = arith.muli %add3A_69, %mul3A_123 : i32
      %add3A_125 = arith.constant 3 : i32
      %add3A_126 = arith.addi %mul3A_124, %add3A_125 : i32
      %dma_start3A_127 = arith.constant 0 : i32
      %dma_start3A_128 = arith.constant 3 : i32
      %dma_start3A_129 = arith.constant 0 : i32
      %dma_start3A_130 = arith.constant 0 : i32
      %dma_start3A_131 = tpu.memref_slice %arg6[%dma_start3A_127, %dma_start3A_128, %dma_start3A_129, %dma_start3A_130] : memref<2x28x128x8xf32, #tpu.memory_space<vmem>> -> memref<1x1x128x8xf32, #tpu.memory_space<vmem>>
      %dma_start3A_132 = tpu.memref_squeeze %dma_start3A_131 : memref<1x1x128x8xf32, #tpu.memory_space<vmem>> -> memref<128x8xf32, #tpu.memory_space<vmem>>
      %dma_start3A_133 = arith.constant 0 : i32
      %dma_start3A_134 = tpu.memref_slice %arg5[%add3A_126, %dma_start3A_133] : memref<224x128xi32, #tpu.memory_space<vmem>> -> memref<1x128xi32, #tpu.memory_space<vmem>>
      %dma_start3A_135 = tpu.memref_squeeze %dma_start3A_134 : memref<1x128xi32, #tpu.memory_space<vmem>> -> memref<128xi32, #tpu.memory_space<vmem>>
      %dma_start3A_136 = arith.constant 0 : i32
      %dma_start3A_137 = arith.constant 0 : i32
      %dma_start3A_138 = tpu.memref_slice %arg2[%dma_start3A_136, %dma_start3A_137] : memref<100000x8xf32, #tpu.memory_space<hbm>> -> memref<100000x8xf32, #tpu.memory_space<hbm>>
      tpu.enqueue_indirect_dma source(%dma_start3A_138 : memref<100000x8xf32, #tpu.memory_space<hbm>>) target(%dma_start3A_132 : memref<128x8xf32, #tpu.memory_space<vmem>>) offsets(%dma_start3A_135 : memref<128xi32, #tpu.memory_space<vmem>>) semaphore(%arg8 : memref<!tpu.dma_semaphore, #tpu.memory_space<semaphore_mem>>)
      %mul3A_139 = arith.constant 28 : i32
      %mul3A_140 = arith.muli %add3A_69, %mul3A_139 : i32
      %add3A_141 = arith.constant 4 : i32
      %add3A_142 = arith.addi %mul3A_140, %add3A_141 : i32
      %dma_start3A_143 = arith.constant 0 : i32
      %dma_start3A_144 = arith.constant 4 : i32
      %dma_start3A_145 = arith.constant 0 : i32
      %dma_start3A_146 = arith.constant 0 : i32
      %dma_start3A_147 = tpu.memref_slice %arg6[%dma_start3A_143, %dma_start3A_144, %dma_start3A_145, %dma_start3A_146] : memref<2x28x128x8xf32, #tpu.memory_space<vmem>> -> memref<1x1x128x8xf32, #tpu.memory_space<vmem>>
      %dma_start3A_148 = tpu.memref_squeeze %dma_start3A_147 : memref<1x1x128x8xf32, #tpu.memory_space<vmem>> -> memref<128x8xf32, #tpu.memory_space<vmem>>
      %dma_start3A_149 = arith.constant 0 : i32
      %dma_start3A_150 = tpu.memref_slice %arg5[%add3A_142, %dma_start3A_149] : memref<224x128xi32, #tpu.memory_space<vmem>> -> memref<1x128xi32, #tpu.memory_space<vmem>>
      %dma_start3A_151 = tpu.memref_squeeze %dma_start3A_150 : memref<1x128xi32, #tpu.memory_space<vmem>> -> memref<128xi32, #tpu.memory_space<vmem>>
      %dma_start3A_152 = arith.constant 0 : i32
      %dma_start3A_153 = arith.constant 0 : i32
      %dma_start3A_154 = tpu.memref_slice %arg2[%dma_start3A_152, %dma_start3A_153] : memref<100000x8xf32, #tpu.memory_space<hbm>> -> memref<100000x8xf32, #tpu.memory_space<hbm>>
      tpu.enqueue_indirect_dma source(%dma_start3A_154 : memref<100000x8xf32, #tpu.memory_space<hbm>>) target(%dma_start3A_148 : memref<128x8xf32, #tpu.memory_space<vmem>>) offsets(%dma_start3A_151 : memref<128xi32, #tpu.memory_space<vmem>>) semaphore(%arg8 : memref<!tpu.dma_semaphore, #tpu.memory_space<semaphore_mem>>)
      %mul3A_155 = arith.constant 28 : i32
      %mul3A_156 = arith.muli %add3A_69, %mul3A_155 : i32
      %add3A_157 = arith.constant 5 : i32
      %add3A_158 = arith.addi %mul3A_156, %add3A_157 : i32
      %dma_start3A_159 = arith.constant 0 : i32
      %dma_start3A_160 = arith.constant 5 : i32
      %dma_start3A_161 = arith.constant 0 : i32
      %dma_start3A_162 = arith.constant 0 : i32
      %dma_start3A_163 = tpu.memref_slice %arg6[%dma_start3A_159, %dma_start3A_160, %dma_start3A_161, %dma_start3A_162] : memref<2x28x128x8xf32, #tpu.memory_space<vmem>> -> memref<1x1x128x8xf32, #tpu.memory_space<vmem>>
      %dma_start3A_164 = tpu.memref_squeeze %dma_start3A_163 : memref<1x1x128x8xf32, #tpu.memory_space<vmem>> -> memref<128x8xf32, #tpu.memory_space<vmem>>
      %dma_start3A_165 = arith.constant 0 : i32
      %dma_start3A_166 = tpu.memref_slice %arg5[%add3A_158, %dma_start3A_165] : memref<224x128xi32, #tpu.memory_space<vmem>> -> memref<1x128xi32, #tpu.memory_space<vmem>>
      %dma_start3A_167 = tpu.memref_squeeze %dma_start3A_166 : memref<1x128xi32, #tpu.memory_space<vmem>> -> memref<128xi32, #tpu.memory_space<vmem>>
      %dma_start3A_168 = arith.constant 0 : i32
      %dma_start3A_169 = arith.constant 0 : i32
      %dma_start3A_170 = tpu.memref_slice %arg2[%dma_start3A_168, %dma_start3A_169] : memref<100000x8xf32, #tpu.memory_space<hbm>> -> memref<100000x8xf32, #tpu.memory_space<hbm>>
      tpu.enqueue_indirect_dma source(%dma_start3A_170 : memref<100000x8xf32, #tpu.memory_space<hbm>>) target(%dma_start3A_164 : memref<128x8xf32, #tpu.memory_space<vmem>>) offsets(%dma_start3A_167 : memref<128xi32, #tpu.memory_space<vmem>>) semaphore(%arg8 : memref<!tpu.dma_semaphore, #tpu.memory_space<semaphore_mem>>)
      %mul3A_171 = arith.constant 28 : i32
      %mul3A_172 = arith.muli %add3A_69, %mul3A_171 : i32
      %add3A_173 = arith.constant 6 : i32
      %add3A_174 = arith.addi %mul3A_172, %add3A_173 : i32
      %dma_start3A_175 = arith.constant 0 : i32
      %dma_start3A_176 = arith.constant 6 : i32
      %dma_start3A_177 = arith.constant 0 : i32
      %dma_start3A_178 = arith.constant 0 : i32
      %dma_start3A_179 = tpu.memref_slice %arg6[%dma_start3A_175, %dma_start3A_176, %dma_start3A_177, %dma_start3A_178] : memref<2x28x128x8xf32, #tpu.memory_space<vmem>> -> memref<1x1x128x8xf32, #tpu.memory_space<vmem>>
      %dma_start3A_180 = tpu.memref_squeeze %dma_start3A_179 : memref<1x1x128x8xf32, #tpu.memory_space<vmem>> -> memref<128x8xf32, #tpu.memory_space<vmem>>
      %dma_start3A_181 = arith.constant 0 : i32
      %dma_start3A_182 = tpu.memref_slice %arg5[%add3A_174, %dma_start3A_181] : memref<224x128xi32, #tpu.memory_space<vmem>> -> memref<1x128xi32, #tpu.memory_space<vmem>>
      %dma_start3A_183 = tpu.memref_squeeze %dma_start3A_182 : memref<1x128xi32, #tpu.memory_space<vmem>> -> memref<128xi32, #tpu.memory_space<vmem>>
      %dma_start3A_184 = arith.constant 0 : i32
      %dma_start3A_185 = arith.constant 0 : i32
      %dma_start3A_186 = tpu.memref_slice %arg2[%dma_start3A_184, %dma_start3A_185] : memref<100000x8xf32, #tpu.memory_space<hbm>> -> memref<100000x8xf32, #tpu.memory_space<hbm>>
      tpu.enqueue_indirect_dma source(%dma_start3A_186 : memref<100000x8xf32, #tpu.memory_space<hbm>>) target(%dma_start3A_180 : memref<128x8xf32, #tpu.memory_space<vmem>>) offsets(%dma_start3A_183 : memref<128xi32, #tpu.memory_space<vmem>>) semaphore(%arg8 : memref<!tpu.dma_semaphore, #tpu.memory_space<semaphore_mem>>)
      %mul3A_187 = arith.constant 28 : i32
      %mul3A_188 = arith.muli %add3A_69, %mul3A_187 : i32
      %add3A_189 = arith.constant 7 : i32
      %add3A_190 = arith.addi %mul3A_188, %add3A_189 : i32
      %dma_start3A_191 = arith.constant 0 : i32
      %dma_start3A_192 = arith.constant 7 : i32
      %dma_start3A_193 = arith.constant 0 : i32
      %dma_start3A_194 = arith.constant 0 : i32
      %dma_start3A_195 = tpu.memref_slice %arg6[%dma_start3A_191, %dma_start3A_192, %dma_start3A_193, %dma_start3A_194] : memref<2x28x128x8xf32, #tpu.memory_space<vmem>> -> memref<1x1x128x8xf32, #tpu.memory_space<vmem>>
      %dma_start3A_196 = tpu.memref_squeeze %dma_start3A_195 : memref<1x1x128x8xf32, #tpu.memory_space<vmem>> -> memref<128x8xf32, #tpu.memory_space<vmem>>
      %dma_start3A_197 = arith.constant 0 : i32
      %dma_start3A_198 = tpu.memref_slice %arg5[%add3A_190, %dma_start3A_197] : memref<224x128xi32, #tpu.memory_space<vmem>> -> memref<1x128xi32, #tpu.memory_space<vmem>>
      %dma_start3A_199 = tpu.memref_squeeze %dma_start3A_198 : memref<1x128xi32, #tpu.memory_space<vmem>> -> memref<128xi32, #tpu.memory_space<vmem>>
      %dma_start3A_200 = arith.constant 0 : i32
      %dma_start3A_201 = arith.constant 0 : i32
      %dma_start3A_202 = tpu.memref_slice %arg2[%dma_start3A_200, %dma_start3A_201] : memref<100000x8xf32, #tpu.memory_space<hbm>> -> memref<100000x8xf32, #tpu.memory_space<hbm>>
      tpu.enqueue_indirect_dma source(%dma_start3A_202 : memref<100000x8xf32, #tpu.memory_space<hbm>>) target(%dma_start3A_196 : memref<128x8xf32, #tpu.memory_space<vmem>>) offsets(%dma_start3A_199 : memref<128xi32, #tpu.memory_space<vmem>>) semaphore(%arg8 : memref<!tpu.dma_semaphore, #tpu.memory_space<semaphore_mem>>)
      %mul3A_203 = arith.constant 28 : i32
      %mul3A_204 = arith.muli %add3A_69, %mul3A_203 : i32
      %add3A_205 = arith.constant 8 : i32
      %add3A_206 = arith.addi %mul3A_204, %add3A_205 : i32
      %dma_start3A_207 = arith.constant 0 : i32
      %dma_start3A_208 = arith.constant 8 : i32
      %dma_start3A_209 = arith.constant 0 : i32
      %dma_start3A_210 = arith.constant 0 : i32
      %dma_start3A_211 = tpu.memref_slice %arg6[%dma_start3A_207, %dma_start3A_208, %dma_start3A_209, %dma_start3A_210] : memref<2x28x128x8xf32, #tpu.memory_space<vmem>> -> memref<1x1x128x8xf32, #tpu.memory_space<vmem>>
      %dma_start3A_212 = tpu.memref_squeeze %dma_start3A_211 : memref<1x1x128x8xf32, #tpu.memory_space<vmem>> -> memref<128x8xf32, #tpu.memory_space<vmem>>
      %dma_start3A_213 = arith.constant 0 : i32
      %dma_start3A_214 = tpu.memref_slice %arg5[%add3A_206, %dma_start3A_213] : memref<224x128xi32, #tpu.memory_space<vmem>> -> memref<1x128xi32, #tpu.memory_space<vmem>>
      %dma_start3A_215 = tpu.memref_squeeze %dma_start3A_214 : memref<1x128xi32, #tpu.memory_space<vmem>> -> memref<128xi32, #tpu.memory_space<vmem>>
      %dma_start3A_216 = arith.constant 0 : i32
      %dma_start3A_217 = arith.constant 0 : i32
      %dma_start3A_218 = tpu.memref_slice %arg2[%dma_start3A_216, %dma_start3A_217] : memref<100000x8xf32, #tpu.memory_space<hbm>> -> memref<100000x8xf32, #tpu.memory_space<hbm>>
      tpu.enqueue_indirect_dma source(%dma_start3A_218 : memref<100000x8xf32, #tpu.memory_space<hbm>>) target(%dma_start3A_212 : memref<128x8xf32, #tpu.memory_space<vmem>>) offsets(%dma_start3A_215 : memref<128xi32, #tpu.memory_space<vmem>>) semaphore(%arg8 : memref<!tpu.dma_semaphore, #tpu.memory_space<semaphore_mem>>)
      %mul3A_219 = arith.constant 28 : i32
      %mul3A_220 = arith.muli %add3A_69, %mul3A_219 : i32
      %add3A_221 = arith.constant 9 : i32
      %add3A_222 = arith.addi %mul3A_220, %add3A_221 : i32
      %dma_start3A_223 = arith.constant 0 : i32
      %dma_start3A_224 = arith.constant 9 : i32
      %dma_start3A_225 = arith.constant 0 : i32
      %dma_start3A_226 = arith.constant 0 : i32
      %dma_start3A_227 = tpu.memref_slice %arg6[%dma_start3A_223, %dma_start3A_224, %dma_start3A_225, %dma_start3A_226] : memref<2x28x128x8xf32, #tpu.memory_space<vmem>> -> memref<1x1x128x8xf32, #tpu.memory_space<vmem>>
      %dma_start3A_228 = tpu.memref_squeeze %dma_start3A_227 : memref<1x1x128x8xf32, #tpu.memory_space<vmem>> -> memref<128x8xf32, #tpu.memory_space<vmem>>
      %dma_start3A_229 = arith.constant 0 : i32
      %dma_start3A_230 = tpu.memref_slice %arg5[%add3A_222, %dma_start3A_229] : memref<224x128xi32, #tpu.memory_space<vmem>> -> memref<1x128xi32, #tpu.memory_space<vmem>>
      %dma_start3A_231 = tpu.memref_squeeze %dma_start3A_230 : memref<1x128xi32, #tpu.memory_space<vmem>> -> memref<128xi32, #tpu.memory_space<vmem>>
      %dma_start3A_232 = arith.constant 0 : i32
      %dma_start3A_233 = arith.constant 0 : i32
      %dma_start3A_234 = tpu.memref_slice %arg2[%dma_start3A_232, %dma_start3A_233] : memref<100000x8xf32, #tpu.memory_space<hbm>> -> memref<100000x8xf32, #tpu.memory_space<hbm>>
      tpu.enqueue_indirect_dma source(%dma_start3A_234 : memref<100000x8xf32, #tpu.memory_space<hbm>>) target(%dma_start3A_228 : memref<128x8xf32, #tpu.memory_space<vmem>>) offsets(%dma_start3A_231 : memref<128xi32, #tpu.memory_space<vmem>>) semaphore(%arg8 : memref<!tpu.dma_semaphore, #tpu.memory_space<semaphore_mem>>)
      %mul3A_235 = arith.constant 28 : i32
      %mul3A_236 = arith.muli %add3A_69, %mul3A_235 : i32
      %add3A_237 = arith.constant 10 : i32
      %add3A_238 = arith.addi %mul3A_236, %add3A_237 : i32
      %dma_start3A_239 = arith.constant 0 : i32
      %dma_start3A_240 = arith.constant 10 : i32
      %dma_start3A_241 = arith.constant 0 : i32
      %dma_start3A_242 = arith.constant 0 : i32
      %dma_start3A_243 = tpu.memref_slice %arg6[%dma_start3A_239, %dma_start3A_240, %dma_start3A_241, %dma_start3A_242] : memref<2x28x128x8xf32, #tpu.memory_space<vmem>> -> memref<1x1x128x8xf32, #tpu.memory_space<vmem>>
      %dma_start3A_244 = tpu.memref_squeeze %dma_start3A_243 : memref<1x1x128x8xf32, #tpu.memory_space<vmem>> -> memref<128x8xf32, #tpu.memory_space<vmem>>
      %dma_start3A_245 = arith.constant 0 : i32
      %dma_start3A_246 = tpu.memref_slice %arg5[%add3A_238, %dma_start3A_245] : memref<224x128xi32, #tpu.memory_space<vmem>> -> memref<1x128xi32, #tpu.memory_space<vmem>>
      %dma_start3A_247 = tpu.memref_squeeze %dma_start3A_246 : memref<1x128xi32, #tpu.memory_space<vmem>> -> memref<128xi32, #tpu.memory_space<vmem>>
      %dma_start3A_248 = arith.constant 0 : i32
      %dma_start3A_249 = arith.constant 0 : i32
      %dma_start3A_250 = tpu.memref_slice %arg2[%dma_start3A_248, %dma_start3A_249] : memref<100000x8xf32, #tpu.memory_space<hbm>> -> memref<100000x8xf32, #tpu.memory_space<hbm>>
      tpu.enqueue_indirect_dma source(%dma_start3A_250 : memref<100000x8xf32, #tpu.memory_space<hbm>>) target(%dma_start3A_244 : memref<128x8xf32, #tpu.memory_space<vmem>>) offsets(%dma_start3A_247 : memref<128xi32, #tpu.memory_space<vmem>>) semaphore(%arg8 : memref<!tpu.dma_semaphore, #tpu.memory_space<semaphore_mem>>)
      %mul3A_251 = arith.constant 28 : i32
      %mul3A_252 = arith.muli %add3A_69, %mul3A_251 : i32
      %add3A_253 = arith.constant 11 : i32
      %add3A_254 = arith.addi %mul3A_252, %add3A_253 : i32
      %dma_start3A_255 = arith.constant 0 : i32
      %dma_start3A_256 = arith.constant 11 : i32
      %dma_start3A_257 = arith.constant 0 : i32
      %dma_start3A_258 = arith.constant 0 : i32
      %dma_start3A_259 = tpu.memref_slice %arg6[%dma_start3A_255, %dma_start3A_256, %dma_start3A_257, %dma_start3A_258] : memref<2x28x128x8xf32, #tpu.memory_space<vmem>> -> memref<1x1x128x8xf32, #tpu.memory_space<vmem>>
      %dma_start3A_260 = tpu.memref_squeeze %dma_start3A_259 : memref<1x1x128x8xf32, #tpu.memory_space<vmem>> -> memref<128x8xf32, #tpu.memory_space<vmem>>
      %dma_start3A_261 = arith.constant 0 : i32
      %dma_start3A_262 = tpu.memref_slice %arg5[%add3A_254, %dma_start3A_261] : memref<224x128xi32, #tpu.memory_space<vmem>> -> memref<1x128xi32, #tpu.memory_space<vmem>>
      %dma_start3A_263 = tpu.memref_squeeze %dma_start3A_262 : memref<1x128xi32, #tpu.memory_space<vmem>> -> memref<128xi32, #tpu.memory_space<vmem>>
      %dma_start3A_264 = arith.constant 0 : i32
      %dma_start3A_265 = arith.constant 0 : i32
      %dma_start3A_266 = tpu.memref_slice %arg2[%dma_start3A_264, %dma_start3A_265] : memref<100000x8xf32, #tpu.memory_space<hbm>> -> memref<100000x8xf32, #tpu.memory_space<hbm>>
      tpu.enqueue_indirect_dma source(%dma_start3A_266 : memref<100000x8xf32, #tpu.memory_space<hbm>>) target(%dma_start3A_260 : memref<128x8xf32, #tpu.memory_space<vmem>>) offsets(%dma_start3A_263 : memref<128xi32, #tpu.memory_space<vmem>>) semaphore(%arg8 : memref<!tpu.dma_semaphore, #tpu.memory_space<semaphore_mem>>)
      %mul3A_267 = arith.constant 28 : i32
      %mul3A_268 = arith.muli %add3A_69, %mul3A_267 : i32
      %add3A_269 = arith.constant 12 : i32
      %add3A_270 = arith.addi %mul3A_268, %add3A_269 : i32
      %dma_start3A_271 = arith.constant 0 : i32
      %dma_start3A_272 = arith.constant 12 : i32
      %dma_start3A_273 = arith.constant 0 : i32
      %dma_start3A_274 = arith.constant 0 : i32
      %dma_start3A_275 = tpu.memref_slice %arg6[%dma_start3A_271, %dma_start3A_272, %dma_start3A_273, %dma_start3A_274] : memref<2x28x128x8xf32, #tpu.memory_space<vmem>> -> memref<1x1x128x8xf32, #tpu.memory_space<vmem>>
      %dma_start3A_276 = tpu.memref_squeeze %dma_start3A_275 : memref<1x1x128x8xf32, #tpu.memory_space<vmem>> -> memref<128x8xf32, #tpu.memory_space<vmem>>
      %dma_start3A_277 = arith.constant 0 : i32
      %dma_start3A_278 = tpu.memref_slice %arg5[%add3A_270, %dma_start3A_277] : memref<224x128xi32, #tpu.memory_space<vmem>> -> memref<1x128xi32, #tpu.memory_space<vmem>>
      %dma_start3A_279 = tpu.memref_squeeze %dma_start3A_278 : memref<1x128xi32, #tpu.memory_space<vmem>> -> memref<128xi32, #tpu.memory_space<vmem>>
      %dma_start3A_280 = arith.constant 0 : i32
      %dma_start3A_281 = arith.constant 0 : i32
      %dma_start3A_282 = tpu.memref_slice %arg2[%dma_start3A_280, %dma_start3A_281] : memref<100000x8xf32, #tpu.memory_space<hbm>> -> memref<100000x8xf32, #tpu.memory_space<hbm>>
      tpu.enqueue_indirect_dma source(%dma_start3A_282 : memref<100000x8xf32, #tpu.memory_space<hbm>>) target(%dma_start3A_276 : memref<128x8xf32, #tpu.memory_space<vmem>>) offsets(%dma_start3A_279 : memref<128xi32, #tpu.memory_space<vmem>>) semaphore(%arg8 : memref<!tpu.dma_semaphore, #tpu.memory_space<semaphore_mem>>)
      %mul3A_283 = arith.constant 28 : i32
      %mul3A_284 = arith.muli %add3A_69, %mul3A_283 : i32
      %add3A_285 = arith.constant 13 : i32
      %add3A_286 = arith.addi %mul3A_284, %add3A_285 : i32
      %dma_start3A_287 = arith.constant 0 : i32
      %dma_start3A_288 = arith.constant 13 : i32
      %dma_start3A_289 = arith.constant 0 : i32
      %dma_start3A_290 = arith.constant 0 : i32
      %dma_start3A_291 = tpu.memref_slice %arg6[%dma_start3A_287, %dma_start3A_288, %dma_start3A_289, %dma_start3A_290] : memref<2x28x128x8xf32, #tpu.memory_space<vmem>> -> memref<1x1x128x8xf32, #tpu.memory_space<vmem>>
      %dma_start3A_292 = tpu.memref_squeeze %dma_start3A_291 : memref<1x1x128x8xf32, #tpu.memory_space<vmem>> -> memref<128x8xf32, #tpu.memory_space<vmem>>
      %dma_start3A_293 = arith.constant 0 : i32
      %dma_start3A_294 = tpu.memref_slice %arg5[%add3A_286, %dma_start3A_293] : memref<224x128xi32, #tpu.memory_space<vmem>> -> memref<1x128xi32, #tpu.memory_space<vmem>>
      %dma_start3A_295 = tpu.memref_squeeze %dma_start3A_294 : memref<1x128xi32, #tpu.memory_space<vmem>> -> memref<128xi32, #tpu.memory_space<vmem>>
      %dma_start3A_296 = arith.constant 0 : i32
      %dma_start3A_297 = arith.constant 0 : i32
      %dma_start3A_298 = tpu.memref_slice %arg2[%dma_start3A_296, %dma_start3A_297] : memref<100000x8xf32, #tpu.memory_space<hbm>> -> memref<100000x8xf32, #tpu.memory_space<hbm>>
      tpu.enqueue_indirect_dma source(%dma_start3A_298 : memref<100000x8xf32, #tpu.memory_space<hbm>>) target(%dma_start3A_292 : memref<128x8xf32, #tpu.memory_space<vmem>>) offsets(%dma_start3A_295 : memref<128xi32, #tpu.memory_space<vmem>>) semaphore(%arg8 : memref<!tpu.dma_semaphore, #tpu.memory_space<semaphore_mem>>)
      %mul3A_299 = arith.constant 28 : i32
      %mul3A_300 = arith.muli %add3A_69, %mul3A_299 : i32
      %add3A_301 = arith.constant 14 : i32
      %add3A_302 = arith.addi %mul3A_300, %add3A_301 : i32
      %dma_start3A_303 = arith.constant 0 : i32
      %dma_start3A_304 = arith.constant 14 : i32
      %dma_start3A_305 = arith.constant 0 : i32
      %dma_start3A_306 = arith.constant 0 : i32
      %dma_start3A_307 = tpu.memref_slice %arg6[%dma_start3A_303, %dma_start3A_304, %dma_start3A_305, %dma_start3A_306] : memref<2x28x128x8xf32, #tpu.memory_space<vmem>> -> memref<1x1x128x8xf32, #tpu.memory_space<vmem>>
      %dma_start3A_308 = tpu.memref_squeeze %dma_start3A_307 : memref<1x1x128x8xf32, #tpu.memory_space<vmem>> -> memref<128x8xf32, #tpu.memory_space<vmem>>
      %dma_start3A_309 = arith.constant 0 : i32
      %dma_start3A_310 = tpu.memref_slice %arg5[%add3A_302, %dma_start3A_309] : memref<224x128xi32, #tpu.memory_space<vmem>> -> memref<1x128xi32, #tpu.memory_space<vmem>>
      %dma_start3A_311 = tpu.memref_squeeze %dma_start3A_310 : memref<1x128xi32, #tpu.memory_space<vmem>> -> memref<128xi32, #tpu.memory_space<vmem>>
      %dma_start3A_312 = arith.constant 0 : i32
      %dma_start3A_313 = arith.constant 0 : i32
      %dma_start3A_314 = tpu.memref_slice %arg2[%dma_start3A_312, %dma_start3A_313] : memref<100000x8xf32, #tpu.memory_space<hbm>> -> memref<100000x8xf32, #tpu.memory_space<hbm>>
      tpu.enqueue_indirect_dma source(%dma_start3A_314 : memref<100000x8xf32, #tpu.memory_space<hbm>>) target(%dma_start3A_308 : memref<128x8xf32, #tpu.memory_space<vmem>>) offsets(%dma_start3A_311 : memref<128xi32, #tpu.memory_space<vmem>>) semaphore(%arg8 : memref<!tpu.dma_semaphore, #tpu.memory_space<semaphore_mem>>)
      %mul3A_315 = arith.constant 28 : i32
      %mul3A_316 = arith.muli %add3A_69, %mul3A_315 : i32
      %add3A_317 = arith.constant 15 : i32
      %add3A_318 = arith.addi %mul3A_316, %add3A_317 : i32
      %dma_start3A_319 = arith.constant 0 : i32
      %dma_start3A_320 = arith.constant 15 : i32
      %dma_start3A_321 = arith.constant 0 : i32
      %dma_start3A_322 = arith.constant 0 : i32
      %dma_start3A_323 = tpu.memref_slice %arg6[%dma_start3A_319, %dma_start3A_320, %dma_start3A_321, %dma_start3A_322] : memref<2x28x128x8xf32, #tpu.memory_space<vmem>> -> memref<1x1x128x8xf32, #tpu.memory_space<vmem>>
      %dma_start3A_324 = tpu.memref_squeeze %dma_start3A_323 : memref<1x1x128x8xf32, #tpu.memory_space<vmem>> -> memref<128x8xf32, #tpu.memory_space<vmem>>
      %dma_start3A_325 = arith.constant 0 : i32
      %dma_start3A_326 = tpu.memref_slice %arg5[%add3A_318, %dma_start3A_325] : memref<224x128xi32, #tpu.memory_space<vmem>> -> memref<1x128xi32, #tpu.memory_space<vmem>>
      %dma_start3A_327 = tpu.memref_squeeze %dma_start3A_326 : memref<1x128xi32, #tpu.memory_space<vmem>> -> memref<128xi32, #tpu.memory_space<vmem>>
      %dma_start3A_328 = arith.constant 0 : i32
      %dma_start3A_329 = arith.constant 0 : i32
      %dma_start3A_330 = tpu.memref_slice %arg2[%dma_start3A_328, %dma_start3A_329] : memref<100000x8xf32, #tpu.memory_space<hbm>> -> memref<100000x8xf32, #tpu.memory_space<hbm>>
      tpu.enqueue_indirect_dma source(%dma_start3A_330 : memref<100000x8xf32, #tpu.memory_space<hbm>>) target(%dma_start3A_324 : memref<128x8xf32, #tpu.memory_space<vmem>>) offsets(%dma_start3A_327 : memref<128xi32, #tpu.memory_space<vmem>>) semaphore(%arg8 : memref<!tpu.dma_semaphore, #tpu.memory_space<semaphore_mem>>)
      %mul3A_331 = arith.constant 28 : i32
      %mul3A_332 = arith.muli %add3A_69, %mul3A_331 : i32
      %add3A_333 = arith.constant 16 : i32
      %add3A_334 = arith.addi %mul3A_332, %add3A_333 : i32
      %dma_start3A_335 = arith.constant 0 : i32
      %dma_start3A_336 = arith.constant 16 : i32
      %dma_start3A_337 = arith.constant 0 : i32
      %dma_start3A_338 = arith.constant 0 : i32
      %dma_start3A_339 = tpu.memref_slice %arg6[%dma_start3A_335, %dma_start3A_336, %dma_start3A_337, %dma_start3A_338] : memref<2x28x128x8xf32, #tpu.memory_space<vmem>> -> memref<1x1x128x8xf32, #tpu.memory_space<vmem>>
      %dma_start3A_340 = tpu.memref_squeeze %dma_start3A_339 : memref<1x1x128x8xf32, #tpu.memory_space<vmem>> -> memref<128x8xf32, #tpu.memory_space<vmem>>
      %dma_start3A_341 = arith.constant 0 : i32
      %dma_start3A_342 = tpu.memref_slice %arg5[%add3A_334, %dma_start3A_341] : memref<224x128xi32, #tpu.memory_space<vmem>> -> memref<1x128xi32, #tpu.memory_space<vmem>>
      %dma_start3A_343 = tpu.memref_squeeze %dma_start3A_342 : memref<1x128xi32, #tpu.memory_space<vmem>> -> memref<128xi32, #tpu.memory_space<vmem>>
      %dma_start3A_344 = arith.constant 0 : i32
      %dma_start3A_345 = arith.constant 0 : i32
      %dma_start3A_346 = tpu.memref_slice %arg2[%dma_start3A_344, %dma_start3A_345] : memref<100000x8xf32, #tpu.memory_space<hbm>> -> memref<100000x8xf32, #tpu.memory_space<hbm>>
      tpu.enqueue_indirect_dma source(%dma_start3A_346 : memref<100000x8xf32, #tpu.memory_space<hbm>>) target(%dma_start3A_340 : memref<128x8xf32, #tpu.memory_space<vmem>>) offsets(%dma_start3A_343 : memref<128xi32, #tpu.memory_space<vmem>>) semaphore(%arg8 : memref<!tpu.dma_semaphore, #tpu.memory_space<semaphore_mem>>)
      %mul3A_347 = arith.constant 28 : i32
      %mul3A_348 = arith.muli %add3A_69, %mul3A_347 : i32
      %add3A_349 = arith.constant 17 : i32
      %add3A_350 = arith.addi %mul3A_348, %add3A_349 : i32
      %dma_start3A_351 = arith.constant 0 : i32
      %dma_start3A_352 = arith.constant 17 : i32
      %dma_start3A_353 = arith.constant 0 : i32
      %dma_start3A_354 = arith.constant 0 : i32
      %dma_start3A_355 = tpu.memref_slice %arg6[%dma_start3A_351, %dma_start3A_352, %dma_start3A_353, %dma_start3A_354] : memref<2x28x128x8xf32, #tpu.memory_space<vmem>> -> memref<1x1x128x8xf32, #tpu.memory_space<vmem>>
      %dma_start3A_356 = tpu.memref_squeeze %dma_start3A_355 : memref<1x1x128x8xf32, #tpu.memory_space<vmem>> -> memref<128x8xf32, #tpu.memory_space<vmem>>
      %dma_start3A_357 = arith.constant 0 : i32
      %dma_start3A_358 = tpu.memref_slice %arg5[%add3A_350, %dma_start3A_357] : memref<224x128xi32, #tpu.memory_space<vmem>> -> memref<1x128xi32, #tpu.memory_space<vmem>>
      %dma_start3A_359 = tpu.memref_squeeze %dma_start3A_358 : memref<1x128xi32, #tpu.memory_space<vmem>> -> memref<128xi32, #tpu.memory_space<vmem>>
      %dma_start3A_360 = arith.constant 0 : i32
      %dma_start3A_361 = arith.constant 0 : i32
      %dma_start3A_362 = tpu.memref_slice %arg2[%dma_start3A_360, %dma_start3A_361] : memref<100000x8xf32, #tpu.memory_space<hbm>> -> memref<100000x8xf32, #tpu.memory_space<hbm>>
      tpu.enqueue_indirect_dma source(%dma_start3A_362 : memref<100000x8xf32, #tpu.memory_space<hbm>>) target(%dma_start3A_356 : memref<128x8xf32, #tpu.memory_space<vmem>>) offsets(%dma_start3A_359 : memref<128xi32, #tpu.memory_space<vmem>>) semaphore(%arg8 : memref<!tpu.dma_semaphore, #tpu.memory_space<semaphore_mem>>)
      %mul3A_363 = arith.constant 28 : i32
      %mul3A_364 = arith.muli %add3A_69, %mul3A_363 : i32
      %add3A_365 = arith.constant 18 : i32
      %add3A_366 = arith.addi %mul3A_364, %add3A_365 : i32
      %dma_start3A_367 = arith.constant 0 : i32
      %dma_start3A_368 = arith.constant 18 : i32
      %dma_start3A_369 = arith.constant 0 : i32
      %dma_start3A_370 = arith.constant 0 : i32
      %dma_start3A_371 = tpu.memref_slice %arg6[%dma_start3A_367, %dma_start3A_368, %dma_start3A_369, %dma_start3A_370] : memref<2x28x128x8xf32, #tpu.memory_space<vmem>> -> memref<1x1x128x8xf32, #tpu.memory_space<vmem>>
      %dma_start3A_372 = tpu.memref_squeeze %dma_start3A_371 : memref<1x1x128x8xf32, #tpu.memory_space<vmem>> -> memref<128x8xf32, #tpu.memory_space<vmem>>
      %dma_start3A_373 = arith.constant 0 : i32
      %dma_start3A_374 = tpu.memref_slice %arg5[%add3A_366, %dma_start3A_373] : memref<224x128xi32, #tpu.memory_space<vmem>> -> memref<1x128xi32, #tpu.memory_space<vmem>>
      %dma_start3A_375 = tpu.memref_squeeze %dma_start3A_374 : memref<1x128xi32, #tpu.memory_space<vmem>> -> memref<128xi32, #tpu.memory_space<vmem>>
      %dma_start3A_376 = arith.constant 0 : i32
      %dma_start3A_377 = arith.constant 0 : i32
      %dma_start3A_378 = tpu.memref_slice %arg2[%dma_start3A_376, %dma_start3A_377] : memref<100000x8xf32, #tpu.memory_space<hbm>> -> memref<100000x8xf32, #tpu.memory_space<hbm>>
      tpu.enqueue_indirect_dma source(%dma_start3A_378 : memref<100000x8xf32, #tpu.memory_space<hbm>>) target(%dma_start3A_372 : memref<128x8xf32, #tpu.memory_space<vmem>>) offsets(%dma_start3A_375 : memref<128xi32, #tpu.memory_space<vmem>>) semaphore(%arg8 : memref<!tpu.dma_semaphore, #tpu.memory_space<semaphore_mem>>)
      %mul3A_379 = arith.constant 28 : i32
      %mul3A_380 = arith.muli %add3A_69, %mul3A_379 : i32
      %add3A_381 = arith.constant 19 : i32
      %add3A_382 = arith.addi %mul3A_380, %add3A_381 : i32
      %dma_start3A_383 = arith.constant 0 : i32
      %dma_start3A_384 = arith.constant 19 : i32
      %dma_start3A_385 = arith.constant 0 : i32
      %dma_start3A_386 = arith.constant 0 : i32
      %dma_start3A_387 = tpu.memref_slice %arg6[%dma_start3A_383, %dma_start3A_384, %dma_start3A_385, %dma_start3A_386] : memref<2x28x128x8xf32, #tpu.memory_space<vmem>> -> memref<1x1x128x8xf32, #tpu.memory_space<vmem>>
      %dma_start3A_388 = tpu.memref_squeeze %dma_start3A_387 : memref<1x1x128x8xf32, #tpu.memory_space<vmem>> -> memref<128x8xf32, #tpu.memory_space<vmem>>
      %dma_start3A_389 = arith.constant 0 : i32
      %dma_start3A_390 = tpu.memref_slice %arg5[%add3A_382, %dma_start3A_389] : memref<224x128xi32, #tpu.memory_space<vmem>> -> memref<1x128xi32, #tpu.memory_space<vmem>>
      %dma_start3A_391 = tpu.memref_squeeze %dma_start3A_390 : memref<1x128xi32, #tpu.memory_space<vmem>> -> memref<128xi32, #tpu.memory_space<vmem>>
      %dma_start3A_392 = arith.constant 0 : i32
      %dma_start3A_393 = arith.constant 0 : i32
      %dma_start3A_394 = tpu.memref_slice %arg2[%dma_start3A_392, %dma_start3A_393] : memref<100000x8xf32, #tpu.memory_space<hbm>> -> memref<100000x8xf32, #tpu.memory_space<hbm>>
      tpu.enqueue_indirect_dma source(%dma_start3A_394 : memref<100000x8xf32, #tpu.memory_space<hbm>>) target(%dma_start3A_388 : memref<128x8xf32, #tpu.memory_space<vmem>>) offsets(%dma_start3A_391 : memref<128xi32, #tpu.memory_space<vmem>>) semaphore(%arg8 : memref<!tpu.dma_semaphore, #tpu.memory_space<semaphore_mem>>)
      %mul3A_395 = arith.constant 28 : i32
      %mul3A_396 = arith.muli %add3A_69, %mul3A_395 : i32
      %add3A_397 = arith.constant 20 : i32
      %add3A_398 = arith.addi %mul3A_396, %add3A_397 : i32
      %dma_start3A_399 = arith.constant 0 : i32
      %dma_start3A_400 = arith.constant 20 : i32
      %dma_start3A_401 = arith.constant 0 : i32
      %dma_start3A_402 = arith.constant 0 : i32
      %dma_start3A_403 = tpu.memref_slice %arg6[%dma_start3A_399, %dma_start3A_400, %dma_start3A_401, %dma_start3A_402] : memref<2x28x128x8xf32, #tpu.memory_space<vmem>> -> memref<1x1x128x8xf32, #tpu.memory_space<vmem>>
      %dma_start3A_404 = tpu.memref_squeeze %dma_start3A_403 : memref<1x1x128x8xf32, #tpu.memory_space<vmem>> -> memref<128x8xf32, #tpu.memory_space<vmem>>
      %dma_start3A_405 = arith.constant 0 : i32
      %dma_start3A_406 = tpu.memref_slice %arg5[%add3A_398, %dma_start3A_405] : memref<224x128xi32, #tpu.memory_space<vmem>> -> memref<1x128xi32, #tpu.memory_space<vmem>>
      %dma_start3A_407 = tpu.memref_squeeze %dma_start3A_406 : memref<1x128xi32, #tpu.memory_space<vmem>> -> memref<128xi32, #tpu.memory_space<vmem>>
      %dma_start3A_408 = arith.constant 0 : i32
      %dma_start3A_409 = arith.constant 0 : i32
      %dma_start3A_410 = tpu.memref_slice %arg2[%dma_start3A_408, %dma_start3A_409] : memref<100000x8xf32, #tpu.memory_space<hbm>> -> memref<100000x8xf32, #tpu.memory_space<hbm>>
      tpu.enqueue_indirect_dma source(%dma_start3A_410 : memref<100000x8xf32, #tpu.memory_space<hbm>>) target(%dma_start3A_404 : memref<128x8xf32, #tpu.memory_space<vmem>>) offsets(%dma_start3A_407 : memref<128xi32, #tpu.memory_space<vmem>>) semaphore(%arg8 : memref<!tpu.dma_semaphore, #tpu.memory_space<semaphore_mem>>)
      %mul3A_411 = arith.constant 28 : i32
      %mul3A_412 = arith.muli %add3A_69, %mul3A_411 : i32
      %add3A_413 = arith.constant 21 : i32
      %add3A_414 = arith.addi %mul3A_412, %add3A_413 : i32
      %dma_start3A_415 = arith.constant 0 : i32
      %dma_start3A_416 = arith.constant 21 : i32
      %dma_start3A_417 = arith.constant 0 : i32
      %dma_start3A_418 = arith.constant 0 : i32
      %dma_start3A_419 = tpu.memref_slice %arg6[%dma_start3A_415, %dma_start3A_416, %dma_start3A_417, %dma_start3A_418] : memref<2x28x128x8xf32, #tpu.memory_space<vmem>> -> memref<1x1x128x8xf32, #tpu.memory_space<vmem>>
      %dma_start3A_420 = tpu.memref_squeeze %dma_start3A_419 : memref<1x1x128x8xf32, #tpu.memory_space<vmem>> -> memref<128x8xf32, #tpu.memory_space<vmem>>
      %dma_start3A_421 = arith.constant 0 : i32
      %dma_start3A_422 = tpu.memref_slice %arg5[%add3A_414, %dma_start3A_421] : memref<224x128xi32, #tpu.memory_space<vmem>> -> memref<1x128xi32, #tpu.memory_space<vmem>>
      %dma_start3A_423 = tpu.memref_squeeze %dma_start3A_422 : memref<1x128xi32, #tpu.memory_space<vmem>> -> memref<128xi32, #tpu.memory_space<vmem>>
      %dma_start3A_424 = arith.constant 0 : i32
      %dma_start3A_425 = arith.constant 0 : i32
      %dma_start3A_426 = tpu.memref_slice %arg2[%dma_start3A_424, %dma_start3A_425] : memref<100000x8xf32, #tpu.memory_space<hbm>> -> memref<100000x8xf32, #tpu.memory_space<hbm>>
      tpu.enqueue_indirect_dma source(%dma_start3A_426 : memref<100000x8xf32, #tpu.memory_space<hbm>>) target(%dma_start3A_420 : memref<128x8xf32, #tpu.memory_space<vmem>>) offsets(%dma_start3A_423 : memref<128xi32, #tpu.memory_space<vmem>>) semaphore(%arg8 : memref<!tpu.dma_semaphore, #tpu.memory_space<semaphore_mem>>)
      %mul3A_427 = arith.constant 28 : i32
      %mul3A_428 = arith.muli %add3A_69, %mul3A_427 : i32
      %add3A_429 = arith.constant 22 : i32
      %add3A_430 = arith.addi %mul3A_428, %add3A_429 : i32
      %dma_start3A_431 = arith.constant 0 : i32
      %dma_start3A_432 = arith.constant 22 : i32
      %dma_start3A_433 = arith.constant 0 : i32
      %dma_start3A_434 = arith.constant 0 : i32
      %dma_start3A_435 = tpu.memref_slice %arg6[%dma_start3A_431, %dma_start3A_432, %dma_start3A_433, %dma_start3A_434] : memref<2x28x128x8xf32, #tpu.memory_space<vmem>> -> memref<1x1x128x8xf32, #tpu.memory_space<vmem>>
      %dma_start3A_436 = tpu.memref_squeeze %dma_start3A_435 : memref<1x1x128x8xf32, #tpu.memory_space<vmem>> -> memref<128x8xf32, #tpu.memory_space<vmem>>
      %dma_start3A_437 = arith.constant 0 : i32
      %dma_start3A_438 = tpu.memref_slice %arg5[%add3A_430, %dma_start3A_437] : memref<224x128xi32, #tpu.memory_space<vmem>> -> memref<1x128xi32, #tpu.memory_space<vmem>>
      %dma_start3A_439 = tpu.memref_squeeze %dma_start3A_438 : memref<1x128xi32, #tpu.memory_space<vmem>> -> memref<128xi32, #tpu.memory_space<vmem>>
      %dma_start3A_440 = arith.constant 0 : i32
      %dma_start3A_441 = arith.constant 0 : i32
      %dma_start3A_442 = tpu.memref_slice %arg2[%dma_start3A_440, %dma_start3A_441] : memref<100000x8xf32, #tpu.memory_space<hbm>> -> memref<100000x8xf32, #tpu.memory_space<hbm>>
      tpu.enqueue_indirect_dma source(%dma_start3A_442 : memref<100000x8xf32, #tpu.memory_space<hbm>>) target(%dma_start3A_436 : memref<128x8xf32, #tpu.memory_space<vmem>>) offsets(%dma_start3A_439 : memref<128xi32, #tpu.memory_space<vmem>>) semaphore(%arg8 : memref<!tpu.dma_semaphore, #tpu.memory_space<semaphore_mem>>)
      %mul3A_443 = arith.constant 28 : i32
      %mul3A_444 = arith.muli %add3A_69, %mul3A_443 : i32
      %add3A_445 = arith.constant 23 : i32
      %add3A_446 = arith.addi %mul3A_444, %add3A_445 : i32
      %dma_start3A_447 = arith.constant 0 : i32
      %dma_start3A_448 = arith.constant 23 : i32
      %dma_start3A_449 = arith.constant 0 : i32
      %dma_start3A_450 = arith.constant 0 : i32
      %dma_start3A_451 = tpu.memref_slice %arg6[%dma_start3A_447, %dma_start3A_448, %dma_start3A_449, %dma_start3A_450] : memref<2x28x128x8xf32, #tpu.memory_space<vmem>> -> memref<1x1x128x8xf32, #tpu.memory_space<vmem>>
      %dma_start3A_452 = tpu.memref_squeeze %dma_start3A_451 : memref<1x1x128x8xf32, #tpu.memory_space<vmem>> -> memref<128x8xf32, #tpu.memory_space<vmem>>
      %dma_start3A_453 = arith.constant 0 : i32
      %dma_start3A_454 = tpu.memref_slice %arg5[%add3A_446, %dma_start3A_453] : memref<224x128xi32, #tpu.memory_space<vmem>> -> memref<1x128xi32, #tpu.memory_space<vmem>>
      %dma_start3A_455 = tpu.memref_squeeze %dma_start3A_454 : memref<1x128xi32, #tpu.memory_space<vmem>> -> memref<128xi32, #tpu.memory_space<vmem>>
      %dma_start3A_456 = arith.constant 0 : i32
      %dma_start3A_457 = arith.constant 0 : i32
      %dma_start3A_458 = tpu.memref_slice %arg2[%dma_start3A_456, %dma_start3A_457] : memref<100000x8xf32, #tpu.memory_space<hbm>> -> memref<100000x8xf32, #tpu.memory_space<hbm>>
      tpu.enqueue_indirect_dma source(%dma_start3A_458 : memref<100000x8xf32, #tpu.memory_space<hbm>>) target(%dma_start3A_452 : memref<128x8xf32, #tpu.memory_space<vmem>>) offsets(%dma_start3A_455 : memref<128xi32, #tpu.memory_space<vmem>>) semaphore(%arg8 : memref<!tpu.dma_semaphore, #tpu.memory_space<semaphore_mem>>)
      %mul3A_459 = arith.constant 28 : i32
      %mul3A_460 = arith.muli %add3A_69, %mul3A_459 : i32
      %add3A_461 = arith.constant 24 : i32
      %add3A_462 = arith.addi %mul3A_460, %add3A_461 : i32
      %dma_start3A_463 = arith.constant 0 : i32
      %dma_start3A_464 = arith.constant 24 : i32
      %dma_start3A_465 = arith.constant 0 : i32
      %dma_start3A_466 = arith.constant 0 : i32
      %dma_start3A_467 = tpu.memref_slice %arg6[%dma_start3A_463, %dma_start3A_464, %dma_start3A_465, %dma_start3A_466] : memref<2x28x128x8xf32, #tpu.memory_space<vmem>> -> memref<1x1x128x8xf32, #tpu.memory_space<vmem>>
      %dma_start3A_468 = tpu.memref_squeeze %dma_start3A_467 : memref<1x1x128x8xf32, #tpu.memory_space<vmem>> -> memref<128x8xf32, #tpu.memory_space<vmem>>
      %dma_start3A_469 = arith.constant 0 : i32
      %dma_start3A_470 = tpu.memref_slice %arg5[%add3A_462, %dma_start3A_469] : memref<224x128xi32, #tpu.memory_space<vmem>> -> memref<1x128xi32, #tpu.memory_space<vmem>>
      %dma_start3A_471 = tpu.memref_squeeze %dma_start3A_470 : memref<1x128xi32, #tpu.memory_space<vmem>> -> memref<128xi32, #tpu.memory_space<vmem>>
      %dma_start3A_472 = arith.constant 0 : i32
      %dma_start3A_473 = arith.constant 0 : i32
      %dma_start3A_474 = tpu.memref_slice %arg2[%dma_start3A_472, %dma_start3A_473] : memref<100000x8xf32, #tpu.memory_space<hbm>> -> memref<100000x8xf32, #tpu.memory_space<hbm>>
      tpu.enqueue_indirect_dma source(%dma_start3A_474 : memref<100000x8xf32, #tpu.memory_space<hbm>>) target(%dma_start3A_468 : memref<128x8xf32, #tpu.memory_space<vmem>>) offsets(%dma_start3A_471 : memref<128xi32, #tpu.memory_space<vmem>>) semaphore(%arg8 : memref<!tpu.dma_semaphore, #tpu.memory_space<semaphore_mem>>)
      %mul3A_475 = arith.constant 28 : i32
      %mul3A_476 = arith.muli %add3A_69, %mul3A_475 : i32
      %add3A_477 = arith.constant 25 : i32
      %add3A_478 = arith.addi %mul3A_476, %add3A_477 : i32
      %dma_start3A_479 = arith.constant 0 : i32
      %dma_start3A_480 = arith.constant 25 : i32
      %dma_start3A_481 = arith.constant 0 : i32
      %dma_start3A_482 = arith.constant 0 : i32
      %dma_start3A_483 = tpu.memref_slice %arg6[%dma_start3A_479, %dma_start3A_480, %dma_start3A_481, %dma_start3A_482] : memref<2x28x128x8xf32, #tpu.memory_space<vmem>> -> memref<1x1x128x8xf32, #tpu.memory_space<vmem>>
      %dma_start3A_484 = tpu.memref_squeeze %dma_start3A_483 : memref<1x1x128x8xf32, #tpu.memory_space<vmem>> -> memref<128x8xf32, #tpu.memory_space<vmem>>
      %dma_start3A_485 = arith.constant 0 : i32
      %dma_start3A_486 = tpu.memref_slice %arg5[%add3A_478, %dma_start3A_485] : memref<224x128xi32, #tpu.memory_space<vmem>> -> memref<1x128xi32, #tpu.memory_space<vmem>>
      %dma_start3A_487 = tpu.memref_squeeze %dma_start3A_486 : memref<1x128xi32, #tpu.memory_space<vmem>> -> memref<128xi32, #tpu.memory_space<vmem>>
      %dma_start3A_488 = arith.constant 0 : i32
      %dma_start3A_489 = arith.constant 0 : i32
      %dma_start3A_490 = tpu.memref_slice %arg2[%dma_start3A_488, %dma_start3A_489] : memref<100000x8xf32, #tpu.memory_space<hbm>> -> memref<100000x8xf32, #tpu.memory_space<hbm>>
      tpu.enqueue_indirect_dma source(%dma_start3A_490 : memref<100000x8xf32, #tpu.memory_space<hbm>>) target(%dma_start3A_484 : memref<128x8xf32, #tpu.memory_space<vmem>>) offsets(%dma_start3A_487 : memref<128xi32, #tpu.memory_space<vmem>>) semaphore(%arg8 : memref<!tpu.dma_semaphore, #tpu.memory_space<semaphore_mem>>)
      %mul3A_491 = arith.constant 28 : i32
      %mul3A_492 = arith.muli %add3A_69, %mul3A_491 : i32
      %add3A_493 = arith.constant 26 : i32
      %add3A_494 = arith.addi %mul3A_492, %add3A_493 : i32
      %dma_start3A_495 = arith.constant 0 : i32
      %dma_start3A_496 = arith.constant 26 : i32
      %dma_start3A_497 = arith.constant 0 : i32
      %dma_start3A_498 = arith.constant 0 : i32
      %dma_start3A_499 = tpu.memref_slice %arg6[%dma_start3A_495, %dma_start3A_496, %dma_start3A_497, %dma_start3A_498] : memref<2x28x128x8xf32, #tpu.memory_space<vmem>> -> memref<1x1x128x8xf32, #tpu.memory_space<vmem>>
      %dma_start3A_500 = tpu.memref_squeeze %dma_start3A_499 : memref<1x1x128x8xf32, #tpu.memory_space<vmem>> -> memref<128x8xf32, #tpu.memory_space<vmem>>
      %dma_start3A_501 = arith.constant 0 : i32
      %dma_start3A_502 = tpu.memref_slice %arg5[%add3A_494, %dma_start3A_501] : memref<224x128xi32, #tpu.memory_space<vmem>> -> memref<1x128xi32, #tpu.memory_space<vmem>>
      %dma_start3A_503 = tpu.memref_squeeze %dma_start3A_502 : memref<1x128xi32, #tpu.memory_space<vmem>> -> memref<128xi32, #tpu.memory_space<vmem>>
      %dma_start3A_504 = arith.constant 0 : i32
      %dma_start3A_505 = arith.constant 0 : i32
      %dma_start3A_506 = tpu.memref_slice %arg2[%dma_start3A_504, %dma_start3A_505] : memref<100000x8xf32, #tpu.memory_space<hbm>> -> memref<100000x8xf32, #tpu.memory_space<hbm>>
      tpu.enqueue_indirect_dma source(%dma_start3A_506 : memref<100000x8xf32, #tpu.memory_space<hbm>>) target(%dma_start3A_500 : memref<128x8xf32, #tpu.memory_space<vmem>>) offsets(%dma_start3A_503 : memref<128xi32, #tpu.memory_space<vmem>>) semaphore(%arg8 : memref<!tpu.dma_semaphore, #tpu.memory_space<semaphore_mem>>)
      %mul3A_507 = arith.constant 28 : i32
      %mul3A_508 = arith.muli %add3A_69, %mul3A_507 : i32
      %add3A_509 = arith.constant 27 : i32
      %add3A_510 = arith.addi %mul3A_508, %add3A_509 : i32
      %dma_start3A_511 = arith.constant 0 : i32
      %dma_start3A_512 = arith.constant 27 : i32
      %dma_start3A_513 = arith.constant 0 : i32
      %dma_start3A_514 = arith.constant 0 : i32
      %dma_start3A_515 = tpu.memref_slice %arg6[%dma_start3A_511, %dma_start3A_512, %dma_start3A_513, %dma_start3A_514] : memref<2x28x128x8xf32, #tpu.memory_space<vmem>> -> memref<1x1x128x8xf32, #tpu.memory_space<vmem>>
      %dma_start3A_516 = tpu.memref_squeeze %dma_start3A_515 : memref<1x1x128x8xf32, #tpu.memory_space<vmem>> -> memref<128x8xf32, #tpu.memory_space<vmem>>
      %dma_start3A_517 = arith.constant 0 : i32
      %dma_start3A_518 = tpu.memref_slice %arg5[%add3A_510, %dma_start3A_517] : memref<224x128xi32, #tpu.memory_space<vmem>> -> memref<1x128xi32, #tpu.memory_space<vmem>>
      %dma_start3A_519 = tpu.memref_squeeze %dma_start3A_518 : memref<1x128xi32, #tpu.memory_space<vmem>> -> memref<128xi32, #tpu.memory_space<vmem>>
      %dma_start3A_520 = arith.constant 0 : i32
      %dma_start3A_521 = arith.constant 0 : i32
      %dma_start3A_522 = tpu.memref_slice %arg2[%dma_start3A_520, %dma_start3A_521] : memref<100000x8xf32, #tpu.memory_space<hbm>> -> memref<100000x8xf32, #tpu.memory_space<hbm>>
      tpu.enqueue_indirect_dma source(%dma_start3A_522 : memref<100000x8xf32, #tpu.memory_space<hbm>>) target(%dma_start3A_516 : memref<128x8xf32, #tpu.memory_space<vmem>>) offsets(%dma_start3A_519 : memref<128xi32, #tpu.memory_space<vmem>>) semaphore(%arg8 : memref<!tpu.dma_semaphore, #tpu.memory_space<semaphore_mem>>)
      %dma_wait3A_523 = arith.constant 0 : i32
      %dma_wait3A_524 = arith.constant 0 : i32
      %dma_wait3A_525 = arith.constant 0 : i32
      %dma_wait3A_526 = arith.constant 0 : i32
      %dma_wait3A_527 = tpu.memref_slice %arg6[%dma_wait3A_523, %dma_wait3A_524, %dma_wait3A_525, %dma_wait3A_526] : memref<2x28x128x8xf32, #tpu.memory_space<vmem>> -> memref<1x1x128x8xf32, #tpu.memory_space<vmem>>
      %dma_wait3A_528 = tpu.memref_squeeze %dma_wait3A_527 : memref<1x1x128x8xf32, #tpu.memory_space<vmem>> -> memref<128x8xf32, #tpu.memory_space<vmem>>
      %dma_wait3A_529 = arith.constant 0 : i32
      %dma_wait3A_530 = tpu.memref_slice %arg5[%add3A_78, %dma_wait3A_529] : memref<224x128xi32, #tpu.memory_space<vmem>> -> memref<1x128xi32, #tpu.memory_space<vmem>>
      %dma_wait3A_531 = tpu.memref_squeeze %dma_wait3A_530 : memref<1x128xi32, #tpu.memory_space<vmem>> -> memref<128xi32, #tpu.memory_space<vmem>>
      %dma_wait3A_532 = arith.constant 0 : i32
      %dma_wait3A_533 = arith.constant 0 : i32
      %dma_wait3A_534 = tpu.memref_slice %arg2[%dma_wait3A_532, %dma_wait3A_533] : memref<100000x8xf32, #tpu.memory_space<hbm>> -> memref<100000x8xf32, #tpu.memory_space<hbm>>
      tpu.wait_indirect_dma semaphore(%arg8 : memref<!tpu.dma_semaphore, #tpu.memory_space<semaphore_mem>>) src(%dma_wait3A_534 : memref<100000x8xf32, #tpu.memory_space<hbm>>) dst(%dma_wait3A_528 : memref<128x8xf32, #tpu.memory_space<vmem>>)
      %dma_wait3A_535 = arith.constant 0 : i32
      %dma_wait3A_536 = arith.constant 1 : i32
      %dma_wait3A_537 = arith.constant 0 : i32
      %dma_wait3A_538 = arith.constant 0 : i32
      %dma_wait3A_539 = tpu.memref_slice %arg6[%dma_wait3A_535, %dma_wait3A_536, %dma_wait3A_537, %dma_wait3A_538] : memref<2x28x128x8xf32, #tpu.memory_space<vmem>> -> memref<1x1x128x8xf32, #tpu.memory_space<vmem>>
      %dma_wait3A_540 = tpu.memref_squeeze %dma_wait3A_539 : memref<1x1x128x8xf32, #tpu.memory_space<vmem>> -> memref<128x8xf32, #tpu.memory_space<vmem>>
      %dma_wait3A_541 = arith.constant 0 : i32
      %dma_wait3A_542 = tpu.memref_slice %arg5[%add3A_94, %dma_wait3A_541] : memref<224x128xi32, #tpu.memory_space<vmem>> -> memref<1x128xi32, #tpu.memory_space<vmem>>
      %dma_wait3A_543 = tpu.memref_squeeze %dma_wait3A_542 : memref<1x128xi32, #tpu.memory_space<vmem>> -> memref<128xi32, #tpu.memory_space<vmem>>
      %dma_wait3A_544 = arith.constant 0 : i32
      %dma_wait3A_545 = arith.constant 0 : i32
      %dma_wait3A_546 = tpu.memref_slice %arg2[%dma_wait3A_544, %dma_wait3A_545] : memref<100000x8xf32, #tpu.memory_space<hbm>> -> memref<100000x8xf32, #tpu.memory_space<hbm>>
      tpu.wait_indirect_dma semaphore(%arg8 : memref<!tpu.dma_semaphore, #tpu.memory_space<semaphore_mem>>) src(%dma_wait3A_546 : memref<100000x8xf32, #tpu.memory_space<hbm>>) dst(%dma_wait3A_540 : memref<128x8xf32, #tpu.memory_space<vmem>>)
      %dma_wait3A_547 = arith.constant 0 : i32
      %dma_wait3A_548 = arith.constant 2 : i32
      %dma_wait3A_549 = arith.constant 0 : i32
      %dma_wait3A_550 = arith.constant 0 : i32
      %dma_wait3A_551 = tpu.memref_slice %arg6[%dma_wait3A_547, %dma_wait3A_548, %dma_wait3A_549, %dma_wait3A_550] : memref<2x28x128x8xf32, #tpu.memory_space<vmem>> -> memref<1x1x128x8xf32, #tpu.memory_space<vmem>>
      %dma_wait3A_552 = tpu.memref_squeeze %dma_wait3A_551 : memref<1x1x128x8xf32, #tpu.memory_space<vmem>> -> memref<128x8xf32, #tpu.memory_space<vmem>>
      %dma_wait3A_553 = arith.constant 0 : i32
      %dma_wait3A_554 = tpu.memref_slice %arg5[%add3A_110, %dma_wait3A_553] : memref<224x128xi32, #tpu.memory_space<vmem>> -> memref<1x128xi32, #tpu.memory_space<vmem>>
      %dma_wait3A_555 = tpu.memref_squeeze %dma_wait3A_554 : memref<1x128xi32, #tpu.memory_space<vmem>> -> memref<128xi32, #tpu.memory_space<vmem>>
      %dma_wait3A_556 = arith.constant 0 : i32
      %dma_wait3A_557 = arith.constant 0 : i32
      %dma_wait3A_558 = tpu.memref_slice %arg2[%dma_wait3A_556, %dma_wait3A_557] : memref<100000x8xf32, #tpu.memory_space<hbm>> -> memref<100000x8xf32, #tpu.memory_space<hbm>>
      tpu.wait_indirect_dma semaphore(%arg8 : memref<!tpu.dma_semaphore, #tpu.memory_space<semaphore_mem>>) src(%dma_wait3A_558 : memref<100000x8xf32, #tpu.memory_space<hbm>>) dst(%dma_wait3A_552 : memref<128x8xf32, #tpu.memory_space<vmem>>)
      %dma_wait3A_559 = arith.constant 0 : i32
      %dma_wait3A_560 = arith.constant 3 : i32
      %dma_wait3A_561 = arith.constant 0 : i32
      %dma_wait3A_562 = arith.constant 0 : i32
      %dma_wait3A_563 = tpu.memref_slice %arg6[%dma_wait3A_559, %dma_wait3A_560, %dma_wait3A_561, %dma_wait3A_562] : memref<2x28x128x8xf32, #tpu.memory_space<vmem>> -> memref<1x1x128x8xf32, #tpu.memory_space<vmem>>
      %dma_wait3A_564 = tpu.memref_squeeze %dma_wait3A_563 : memref<1x1x128x8xf32, #tpu.memory_space<vmem>> -> memref<128x8xf32, #tpu.memory_space<vmem>>
      %dma_wait3A_565 = arith.constant 0 : i32
      %dma_wait3A_566 = tpu.memref_slice %arg5[%add3A_126, %dma_wait3A_565] : memref<224x128xi32, #tpu.memory_space<vmem>> -> memref<1x128xi32, #tpu.memory_space<vmem>>
      %dma_wait3A_567 = tpu.memref_squeeze %dma_wait3A_566 : memref<1x128xi32, #tpu.memory_space<vmem>> -> memref<128xi32, #tpu.memory_space<vmem>>
      %dma_wait3A_568 = arith.constant 0 : i32
      %dma_wait3A_569 = arith.constant 0 : i32
      %dma_wait3A_570 = tpu.memref_slice %arg2[%dma_wait3A_568, %dma_wait3A_569] : memref<100000x8xf32, #tpu.memory_space<hbm>> -> memref<100000x8xf32, #tpu.memory_space<hbm>>
      tpu.wait_indirect_dma semaphore(%arg8 : memref<!tpu.dma_semaphore, #tpu.memory_space<semaphore_mem>>) src(%dma_wait3A_570 : memref<100000x8xf32, #tpu.memory_space<hbm>>) dst(%dma_wait3A_564 : memref<128x8xf32, #tpu.memory_space<vmem>>)
      %dma_wait3A_571 = arith.constant 0 : i32
      %dma_wait3A_572 = arith.constant 4 : i32
      %dma_wait3A_573 = arith.constant 0 : i32
      %dma_wait3A_574 = arith.constant 0 : i32
      %dma_wait3A_575 = tpu.memref_slice %arg6[%dma_wait3A_571, %dma_wait3A_572, %dma_wait3A_573, %dma_wait3A_574] : memref<2x28x128x8xf32, #tpu.memory_space<vmem>> -> memref<1x1x128x8xf32, #tpu.memory_space<vmem>>
      %dma_wait3A_576 = tpu.memref_squeeze %dma_wait3A_575 : memref<1x1x128x8xf32, #tpu.memory_space<vmem>> -> memref<128x8xf32, #tpu.memory_space<vmem>>
      %dma_wait3A_577 = arith.constant 0 : i32
      %dma_wait3A_578 = tpu.memref_slice %arg5[%add3A_142, %dma_wait3A_577] : memref<224x128xi32, #tpu.memory_space<vmem>> -> memref<1x128xi32, #tpu.memory_space<vmem>>
      %dma_wait3A_579 = tpu.memref_squeeze %dma_wait3A_578 : memref<1x128xi32, #tpu.memory_space<vmem>> -> memref<128xi32, #tpu.memory_space<vmem>>
      %dma_wait3A_580 = arith.constant 0 : i32
      %dma_wait3A_581 = arith.constant 0 : i32
      %dma_wait3A_582 = tpu.memref_slice %arg2[%dma_wait3A_580, %dma_wait3A_581] : memref<100000x8xf32, #tpu.memory_space<hbm>> -> memref<100000x8xf32, #tpu.memory_space<hbm>>
      tpu.wait_indirect_dma semaphore(%arg8 : memref<!tpu.dma_semaphore, #tpu.memory_space<semaphore_mem>>) src(%dma_wait3A_582 : memref<100000x8xf32, #tpu.memory_space<hbm>>) dst(%dma_wait3A_576 : memref<128x8xf32, #tpu.memory_space<vmem>>)
      %dma_wait3A_583 = arith.constant 0 : i32
      %dma_wait3A_584 = arith.constant 5 : i32
      %dma_wait3A_585 = arith.constant 0 : i32
      %dma_wait3A_586 = arith.constant 0 : i32
      %dma_wait3A_587 = tpu.memref_slice %arg6[%dma_wait3A_583, %dma_wait3A_584, %dma_wait3A_585, %dma_wait3A_586] : memref<2x28x128x8xf32, #tpu.memory_space<vmem>> -> memref<1x1x128x8xf32, #tpu.memory_space<vmem>>
      %dma_wait3A_588 = tpu.memref_squeeze %dma_wait3A_587 : memref<1x1x128x8xf32, #tpu.memory_space<vmem>> -> memref<128x8xf32, #tpu.memory_space<vmem>>
      %dma_wait3A_589 = arith.constant 0 : i32
      %dma_wait3A_590 = tpu.memref_slice %arg5[%add3A_158, %dma_wait3A_589] : memref<224x128xi32, #tpu.memory_space<vmem>> -> memref<1x128xi32, #tpu.memory_space<vmem>>
      %dma_wait3A_591 = tpu.memref_squeeze %dma_wait3A_590 : memref<1x128xi32, #tpu.memory_space<vmem>> -> memref<128xi32, #tpu.memory_space<vmem>>
      %dma_wait3A_592 = arith.constant 0 : i32
      %dma_wait3A_593 = arith.constant 0 : i32
      %dma_wait3A_594 = tpu.memref_slice %arg2[%dma_wait3A_592, %dma_wait3A_593] : memref<100000x8xf32, #tpu.memory_space<hbm>> -> memref<100000x8xf32, #tpu.memory_space<hbm>>
      tpu.wait_indirect_dma semaphore(%arg8 : memref<!tpu.dma_semaphore, #tpu.memory_space<semaphore_mem>>) src(%dma_wait3A_594 : memref<100000x8xf32, #tpu.memory_space<hbm>>) dst(%dma_wait3A_588 : memref<128x8xf32, #tpu.memory_space<vmem>>)
      %dma_wait3A_595 = arith.constant 0 : i32
      %dma_wait3A_596 = arith.constant 6 : i32
      %dma_wait3A_597 = arith.constant 0 : i32
      %dma_wait3A_598 = arith.constant 0 : i32
      %dma_wait3A_599 = tpu.memref_slice %arg6[%dma_wait3A_595, %dma_wait3A_596, %dma_wait3A_597, %dma_wait3A_598] : memref<2x28x128x8xf32, #tpu.memory_space<vmem>> -> memref<1x1x128x8xf32, #tpu.memory_space<vmem>>
      %dma_wait3A_600 = tpu.memref_squeeze %dma_wait3A_599 : memref<1x1x128x8xf32, #tpu.memory_space<vmem>> -> memref<128x8xf32, #tpu.memory_space<vmem>>
      %dma_wait3A_601 = arith.constant 0 : i32
      %dma_wait3A_602 = tpu.memref_slice %arg5[%add3A_174, %dma_wait3A_601] : memref<224x128xi32, #tpu.memory_space<vmem>> -> memref<1x128xi32, #tpu.memory_space<vmem>>
      %dma_wait3A_603 = tpu.memref_squeeze %dma_wait3A_602 : memref<1x128xi32, #tpu.memory_space<vmem>> -> memref<128xi32, #tpu.memory_space<vmem>>
      %dma_wait3A_604 = arith.constant 0 : i32
      %dma_wait3A_605 = arith.constant 0 : i32
      %dma_wait3A_606 = tpu.memref_slice %arg2[%dma_wait3A_604, %dma_wait3A_605] : memref<100000x8xf32, #tpu.memory_space<hbm>> -> memref<100000x8xf32, #tpu.memory_space<hbm>>
      tpu.wait_indirect_dma semaphore(%arg8 : memref<!tpu.dma_semaphore, #tpu.memory_space<semaphore_mem>>) src(%dma_wait3A_606 : memref<100000x8xf32, #tpu.memory_space<hbm>>) dst(%dma_wait3A_600 : memref<128x8xf32, #tpu.memory_space<vmem>>)
      %dma_wait3A_607 = arith.constant 0 : i32
      %dma_wait3A_608 = arith.constant 7 : i32
      %dma_wait3A_609 = arith.constant 0 : i32
      %dma_wait3A_610 = arith.constant 0 : i32
      %dma_wait3A_611 = tpu.memref_slice %arg6[%dma_wait3A_607, %dma_wait3A_608, %dma_wait3A_609, %dma_wait3A_610] : memref<2x28x128x8xf32, #tpu.memory_space<vmem>> -> memref<1x1x128x8xf32, #tpu.memory_space<vmem>>
      %dma_wait3A_612 = tpu.memref_squeeze %dma_wait3A_611 : memref<1x1x128x8xf32, #tpu.memory_space<vmem>> -> memref<128x8xf32, #tpu.memory_space<vmem>>
      %dma_wait3A_613 = arith.constant 0 : i32
      %dma_wait3A_614 = tpu.memref_slice %arg5[%add3A_190, %dma_wait3A_613] : memref<224x128xi32, #tpu.memory_space<vmem>> -> memref<1x128xi32, #tpu.memory_space<vmem>>
      %dma_wait3A_615 = tpu.memref_squeeze %dma_wait3A_614 : memref<1x128xi32, #tpu.memory_space<vmem>> -> memref<128xi32, #tpu.memory_space<vmem>>
      %dma_wait3A_616 = arith.constant 0 : i32
      %dma_wait3A_617 = arith.constant 0 : i32
      %dma_wait3A_618 = tpu.memref_slice %arg2[%dma_wait3A_616, %dma_wait3A_617] : memref<100000x8xf32, #tpu.memory_space<hbm>> -> memref<100000x8xf32, #tpu.memory_space<hbm>>
      tpu.wait_indirect_dma semaphore(%arg8 : memref<!tpu.dma_semaphore, #tpu.memory_space<semaphore_mem>>) src(%dma_wait3A_618 : memref<100000x8xf32, #tpu.memory_space<hbm>>) dst(%dma_wait3A_612 : memref<128x8xf32, #tpu.memory_space<vmem>>)
      %dma_wait3A_619 = arith.constant 0 : i32
      %dma_wait3A_620 = arith.constant 8 : i32
      %dma_wait3A_621 = arith.constant 0 : i32
      %dma_wait3A_622 = arith.constant 0 : i32
      %dma_wait3A_623 = tpu.memref_slice %arg6[%dma_wait3A_619, %dma_wait3A_620, %dma_wait3A_621, %dma_wait3A_622] : memref<2x28x128x8xf32, #tpu.memory_space<vmem>> -> memref<1x1x128x8xf32, #tpu.memory_space<vmem>>
      %dma_wait3A_624 = tpu.memref_squeeze %dma_wait3A_623 : memref<1x1x128x8xf32, #tpu.memory_space<vmem>> -> memref<128x8xf32, #tpu.memory_space<vmem>>
      %dma_wait3A_625 = arith.constant 0 : i32
      %dma_wait3A_626 = tpu.memref_slice %arg5[%add3A_206, %dma_wait3A_625] : memref<224x128xi32, #tpu.memory_space<vmem>> -> memref<1x128xi32, #tpu.memory_space<vmem>>
      %dma_wait3A_627 = tpu.memref_squeeze %dma_wait3A_626 : memref<1x128xi32, #tpu.memory_space<vmem>> -> memref<128xi32, #tpu.memory_space<vmem>>
      %dma_wait3A_628 = arith.constant 0 : i32
      %dma_wait3A_629 = arith.constant 0 : i32
      %dma_wait3A_630 = tpu.memref_slice %arg2[%dma_wait3A_628, %dma_wait3A_629] : memref<100000x8xf32, #tpu.memory_space<hbm>> -> memref<100000x8xf32, #tpu.memory_space<hbm>>
      tpu.wait_indirect_dma semaphore(%arg8 : memref<!tpu.dma_semaphore, #tpu.memory_space<semaphore_mem>>) src(%dma_wait3A_630 : memref<100000x8xf32, #tpu.memory_space<hbm>>) dst(%dma_wait3A_624 : memref<128x8xf32, #tpu.memory_space<vmem>>)
      %dma_wait3A_631 = arith.constant 0 : i32
      %dma_wait3A_632 = arith.constant 9 : i32
      %dma_wait3A_633 = arith.constant 0 : i32
      %dma_wait3A_634 = arith.constant 0 : i32
      %dma_wait3A_635 = tpu.memref_slice %arg6[%dma_wait3A_631, %dma_wait3A_632, %dma_wait3A_633, %dma_wait3A_634] : memref<2x28x128x8xf32, #tpu.memory_space<vmem>> -> memref<1x1x128x8xf32, #tpu.memory_space<vmem>>
      %dma_wait3A_636 = tpu.memref_squeeze %dma_wait3A_635 : memref<1x1x128x8xf32, #tpu.memory_space<vmem>> -> memref<128x8xf32, #tpu.memory_space<vmem>>
      %dma_wait3A_637 = arith.constant 0 : i32
      %dma_wait3A_638 = tpu.memref_slice %arg5[%add3A_222, %dma_wait3A_637] : memref<224x128xi32, #tpu.memory_space<vmem>> -> memref<1x128xi32, #tpu.memory_space<vmem>>
      %dma_wait3A_639 = tpu.memref_squeeze %dma_wait3A_638 : memref<1x128xi32, #tpu.memory_space<vmem>> -> memref<128xi32, #tpu.memory_space<vmem>>
      %dma_wait3A_640 = arith.constant 0 : i32
      %dma_wait3A_641 = arith.constant 0 : i32
      %dma_wait3A_642 = tpu.memref_slice %arg2[%dma_wait3A_640, %dma_wait3A_641] : memref<100000x8xf32, #tpu.memory_space<hbm>> -> memref<100000x8xf32, #tpu.memory_space<hbm>>
      tpu.wait_indirect_dma semaphore(%arg8 : memref<!tpu.dma_semaphore, #tpu.memory_space<semaphore_mem>>) src(%dma_wait3A_642 : memref<100000x8xf32, #tpu.memory_space<hbm>>) dst(%dma_wait3A_636 : memref<128x8xf32, #tpu.memory_space<vmem>>)
      %dma_wait3A_643 = arith.constant 0 : i32
      %dma_wait3A_644 = arith.constant 10 : i32
      %dma_wait3A_645 = arith.constant 0 : i32
      %dma_wait3A_646 = arith.constant 0 : i32
      %dma_wait3A_647 = tpu.memref_slice %arg6[%dma_wait3A_643, %dma_wait3A_644, %dma_wait3A_645, %dma_wait3A_646] : memref<2x28x128x8xf32, #tpu.memory_space<vmem>> -> memref<1x1x128x8xf32, #tpu.memory_space<vmem>>
      %dma_wait3A_648 = tpu.memref_squeeze %dma_wait3A_647 : memref<1x1x128x8xf32, #tpu.memory_space<vmem>> -> memref<128x8xf32, #tpu.memory_space<vmem>>
      %dma_wait3A_649 = arith.constant 0 : i32
      %dma_wait3A_650 = tpu.memref_slice %arg5[%add3A_238, %dma_wait3A_649] : memref<224x128xi32, #tpu.memory_space<vmem>> -> memref<1x128xi32, #tpu.memory_space<vmem>>
      %dma_wait3A_651 = tpu.memref_squeeze %dma_wait3A_650 : memref<1x128xi32, #tpu.memory_space<vmem>> -> memref<128xi32, #tpu.memory_space<vmem>>
      %dma_wait3A_652 = arith.constant 0 : i32
      %dma_wait3A_653 = arith.constant 0 : i32
      %dma_wait3A_654 = tpu.memref_slice %arg2[%dma_wait3A_652, %dma_wait3A_653] : memref<100000x8xf32, #tpu.memory_space<hbm>> -> memref<100000x8xf32, #tpu.memory_space<hbm>>
      tpu.wait_indirect_dma semaphore(%arg8 : memref<!tpu.dma_semaphore, #tpu.memory_space<semaphore_mem>>) src(%dma_wait3A_654 : memref<100000x8xf32, #tpu.memory_space<hbm>>) dst(%dma_wait3A_648 : memref<128x8xf32, #tpu.memory_space<vmem>>)
      %dma_wait3A_655 = arith.constant 0 : i32
      %dma_wait3A_656 = arith.constant 11 : i32
      %dma_wait3A_657 = arith.constant 0 : i32
      %dma_wait3A_658 = arith.constant 0 : i32
      %dma_wait3A_659 = tpu.memref_slice %arg6[%dma_wait3A_655, %dma_wait3A_656, %dma_wait3A_657, %dma_wait3A_658] : memref<2x28x128x8xf32, #tpu.memory_space<vmem>> -> memref<1x1x128x8xf32, #tpu.memory_space<vmem>>
      %dma_wait3A_660 = tpu.memref_squeeze %dma_wait3A_659 : memref<1x1x128x8xf32, #tpu.memory_space<vmem>> -> memref<128x8xf32, #tpu.memory_space<vmem>>
      %dma_wait3A_661 = arith.constant 0 : i32
      %dma_wait3A_662 = tpu.memref_slice %arg5[%add3A_254, %dma_wait3A_661] : memref<224x128xi32, #tpu.memory_space<vmem>> -> memref<1x128xi32, #tpu.memory_space<vmem>>
      %dma_wait3A_663 = tpu.memref_squeeze %dma_wait3A_662 : memref<1x128xi32, #tpu.memory_space<vmem>> -> memref<128xi32, #tpu.memory_space<vmem>>
      %dma_wait3A_664 = arith.constant 0 : i32
      %dma_wait3A_665 = arith.constant 0 : i32
      %dma_wait3A_666 = tpu.memref_slice %arg2[%dma_wait3A_664, %dma_wait3A_665] : memref<100000x8xf32, #tpu.memory_space<hbm>> -> memref<100000x8xf32, #tpu.memory_space<hbm>>
      tpu.wait_indirect_dma semaphore(%arg8 : memref<!tpu.dma_semaphore, #tpu.memory_space<semaphore_mem>>) src(%dma_wait3A_666 : memref<100000x8xf32, #tpu.memory_space<hbm>>) dst(%dma_wait3A_660 : memref<128x8xf32, #tpu.memory_space<vmem>>)
      %dma_wait3A_667 = arith.constant 0 : i32
      %dma_wait3A_668 = arith.constant 12 : i32
      %dma_wait3A_669 = arith.constant 0 : i32
      %dma_wait3A_670 = arith.constant 0 : i32
      %dma_wait3A_671 = tpu.memref_slice %arg6[%dma_wait3A_667, %dma_wait3A_668, %dma_wait3A_669, %dma_wait3A_670] : memref<2x28x128x8xf32, #tpu.memory_space<vmem>> -> memref<1x1x128x8xf32, #tpu.memory_space<vmem>>
      %dma_wait3A_672 = tpu.memref_squeeze %dma_wait3A_671 : memref<1x1x128x8xf32, #tpu.memory_space<vmem>> -> memref<128x8xf32, #tpu.memory_space<vmem>>
      %dma_wait3A_673 = arith.constant 0 : i32
      %dma_wait3A_674 = tpu.memref_slice %arg5[%add3A_270, %dma_wait3A_673] : memref<224x128xi32, #tpu.memory_space<vmem>> -> memref<1x128xi32, #tpu.memory_space<vmem>>
      %dma_wait3A_675 = tpu.memref_squeeze %dma_wait3A_674 : memref<1x128xi32, #tpu.memory_space<vmem>> -> memref<128xi32, #tpu.memory_space<vmem>>
      %dma_wait3A_676 = arith.constant 0 : i32
      %dma_wait3A_677 = arith.constant 0 : i32
      %dma_wait3A_678 = tpu.memref_slice %arg2[%dma_wait3A_676, %dma_wait3A_677] : memref<100000x8xf32, #tpu.memory_space<hbm>> -> memref<100000x8xf32, #tpu.memory_space<hbm>>
      tpu.wait_indirect_dma semaphore(%arg8 : memref<!tpu.dma_semaphore, #tpu.memory_space<semaphore_mem>>) src(%dma_wait3A_678 : memref<100000x8xf32, #tpu.memory_space<hbm>>) dst(%dma_wait3A_672 : memref<128x8xf32, #tpu.memory_space<vmem>>)
      %dma_wait3A_679 = arith.constant 0 : i32
      %dma_wait3A_680 = arith.constant 13 : i32
      %dma_wait3A_681 = arith.constant 0 : i32
      %dma_wait3A_682 = arith.constant 0 : i32
      %dma_wait3A_683 = tpu.memref_slice %arg6[%dma_wait3A_679, %dma_wait3A_680, %dma_wait3A_681, %dma_wait3A_682] : memref<2x28x128x8xf32, #tpu.memory_space<vmem>> -> memref<1x1x128x8xf32, #tpu.memory_space<vmem>>
      %dma_wait3A_684 = tpu.memref_squeeze %dma_wait3A_683 : memref<1x1x128x8xf32, #tpu.memory_space<vmem>> -> memref<128x8xf32, #tpu.memory_space<vmem>>
      %dma_wait3A_685 = arith.constant 0 : i32
      %dma_wait3A_686 = tpu.memref_slice %arg5[%add3A_286, %dma_wait3A_685] : memref<224x128xi32, #tpu.memory_space<vmem>> -> memref<1x128xi32, #tpu.memory_space<vmem>>
      %dma_wait3A_687 = tpu.memref_squeeze %dma_wait3A_686 : memref<1x128xi32, #tpu.memory_space<vmem>> -> memref<128xi32, #tpu.memory_space<vmem>>
      %dma_wait3A_688 = arith.constant 0 : i32
      %dma_wait3A_689 = arith.constant 0 : i32
      %dma_wait3A_690 = tpu.memref_slice %arg2[%dma_wait3A_688, %dma_wait3A_689] : memref<100000x8xf32, #tpu.memory_space<hbm>> -> memref<100000x8xf32, #tpu.memory_space<hbm>>
      tpu.wait_indirect_dma semaphore(%arg8 : memref<!tpu.dma_semaphore, #tpu.memory_space<semaphore_mem>>) src(%dma_wait3A_690 : memref<100000x8xf32, #tpu.memory_space<hbm>>) dst(%dma_wait3A_684 : memref<128x8xf32, #tpu.memory_space<vmem>>)
      %dma_wait3A_691 = arith.constant 0 : i32
      %dma_wait3A_692 = arith.constant 14 : i32
      %dma_wait3A_693 = arith.constant 0 : i32
      %dma_wait3A_694 = arith.constant 0 : i32
      %dma_wait3A_695 = tpu.memref_slice %arg6[%dma_wait3A_691, %dma_wait3A_692, %dma_wait3A_693, %dma_wait3A_694] : memref<2x28x128x8xf32, #tpu.memory_space<vmem>> -> memref<1x1x128x8xf32, #tpu.memory_space<vmem>>
      %dma_wait3A_696 = tpu.memref_squeeze %dma_wait3A_695 : memref<1x1x128x8xf32, #tpu.memory_space<vmem>> -> memref<128x8xf32, #tpu.memory_space<vmem>>
      %dma_wait3A_697 = arith.constant 0 : i32
      %dma_wait3A_698 = tpu.memref_slice %arg5[%add3A_302, %dma_wait3A_697] : memref<224x128xi32, #tpu.memory_space<vmem>> -> memref<1x128xi32, #tpu.memory_space<vmem>>
      %dma_wait3A_699 = tpu.memref_squeeze %dma_wait3A_698 : memref<1x128xi32, #tpu.memory_space<vmem>> -> memref<128xi32, #tpu.memory_space<vmem>>
      %dma_wait3A_700 = arith.constant 0 : i32
      %dma_wait3A_701 = arith.constant 0 : i32
      %dma_wait3A_702 = tpu.memref_slice %arg2[%dma_wait3A_700, %dma_wait3A_701] : memref<100000x8xf32, #tpu.memory_space<hbm>> -> memref<100000x8xf32, #tpu.memory_space<hbm>>
      tpu.wait_indirect_dma semaphore(%arg8 : memref<!tpu.dma_semaphore, #tpu.memory_space<semaphore_mem>>) src(%dma_wait3A_702 : memref<100000x8xf32, #tpu.memory_space<hbm>>) dst(%dma_wait3A_696 : memref<128x8xf32, #tpu.memory_space<vmem>>)
      %dma_wait3A_703 = arith.constant 0 : i32
      %dma_wait3A_704 = arith.constant 15 : i32
      %dma_wait3A_705 = arith.constant 0 : i32
      %dma_wait3A_706 = arith.constant 0 : i32
      %dma_wait3A_707 = tpu.memref_slice %arg6[%dma_wait3A_703, %dma_wait3A_704, %dma_wait3A_705, %dma_wait3A_706] : memref<2x28x128x8xf32, #tpu.memory_space<vmem>> -> memref<1x1x128x8xf32, #tpu.memory_space<vmem>>
      %dma_wait3A_708 = tpu.memref_squeeze %dma_wait3A_707 : memref<1x1x128x8xf32, #tpu.memory_space<vmem>> -> memref<128x8xf32, #tpu.memory_space<vmem>>
      %dma_wait3A_709 = arith.constant 0 : i32
      %dma_wait3A_710 = tpu.memref_slice %arg5[%add3A_318, %dma_wait3A_709] : memref<224x128xi32, #tpu.memory_space<vmem>> -> memref<1x128xi32, #tpu.memory_space<vmem>>
      %dma_wait3A_711 = tpu.memref_squeeze %dma_wait3A_710 : memref<1x128xi32, #tpu.memory_space<vmem>> -> memref<128xi32, #tpu.memory_space<vmem>>
      %dma_wait3A_712 = arith.constant 0 : i32
      %dma_wait3A_713 = arith.constant 0 : i32
      %dma_wait3A_714 = tpu.memref_slice %arg2[%dma_wait3A_712, %dma_wait3A_713] : memref<100000x8xf32, #tpu.memory_space<hbm>> -> memref<100000x8xf32, #tpu.memory_space<hbm>>
      tpu.wait_indirect_dma semaphore(%arg8 : memref<!tpu.dma_semaphore, #tpu.memory_space<semaphore_mem>>) src(%dma_wait3A_714 : memref<100000x8xf32, #tpu.memory_space<hbm>>) dst(%dma_wait3A_708 : memref<128x8xf32, #tpu.memory_space<vmem>>)
      %dma_wait3A_715 = arith.constant 0 : i32
      %dma_wait3A_716 = arith.constant 16 : i32
      %dma_wait3A_717 = arith.constant 0 : i32
      %dma_wait3A_718 = arith.constant 0 : i32
      %dma_wait3A_719 = tpu.memref_slice %arg6[%dma_wait3A_715, %dma_wait3A_716, %dma_wait3A_717, %dma_wait3A_718] : memref<2x28x128x8xf32, #tpu.memory_space<vmem>> -> memref<1x1x128x8xf32, #tpu.memory_space<vmem>>
      %dma_wait3A_720 = tpu.memref_squeeze %dma_wait3A_719 : memref<1x1x128x8xf32, #tpu.memory_space<vmem>> -> memref<128x8xf32, #tpu.memory_space<vmem>>
      %dma_wait3A_721 = arith.constant 0 : i32
      %dma_wait3A_722 = tpu.memref_slice %arg5[%add3A_334, %dma_wait3A_721] : memref<224x128xi32, #tpu.memory_space<vmem>> -> memref<1x128xi32, #tpu.memory_space<vmem>>
      %dma_wait3A_723 = tpu.memref_squeeze %dma_wait3A_722 : memref<1x128xi32, #tpu.memory_space<vmem>> -> memref<128xi32, #tpu.memory_space<vmem>>
      %dma_wait3A_724 = arith.constant 0 : i32
      %dma_wait3A_725 = arith.constant 0 : i32
      %dma_wait3A_726 = tpu.memref_slice %arg2[%dma_wait3A_724, %dma_wait3A_725] : memref<100000x8xf32, #tpu.memory_space<hbm>> -> memref<100000x8xf32, #tpu.memory_space<hbm>>
      tpu.wait_indirect_dma semaphore(%arg8 : memref<!tpu.dma_semaphore, #tpu.memory_space<semaphore_mem>>) src(%dma_wait3A_726 : memref<100000x8xf32, #tpu.memory_space<hbm>>) dst(%dma_wait3A_720 : memref<128x8xf32, #tpu.memory_space<vmem>>)
      %dma_wait3A_727 = arith.constant 0 : i32
      %dma_wait3A_728 = arith.constant 17 : i32
      %dma_wait3A_729 = arith.constant 0 : i32
      %dma_wait3A_730 = arith.constant 0 : i32
      %dma_wait3A_731 = tpu.memref_slice %arg6[%dma_wait3A_727, %dma_wait3A_728, %dma_wait3A_729, %dma_wait3A_730] : memref<2x28x128x8xf32, #tpu.memory_space<vmem>> -> memref<1x1x128x8xf32, #tpu.memory_space<vmem>>
      %dma_wait3A_732 = tpu.memref_squeeze %dma_wait3A_731 : memref<1x1x128x8xf32, #tpu.memory_space<vmem>> -> memref<128x8xf32, #tpu.memory_space<vmem>>
      %dma_wait3A_733 = arith.constant 0 : i32
      %dma_wait3A_734 = tpu.memref_slice %arg5[%add3A_350, %dma_wait3A_733] : memref<224x128xi32, #tpu.memory_space<vmem>> -> memref<1x128xi32, #tpu.memory_space<vmem>>
      %dma_wait3A_735 = tpu.memref_squeeze %dma_wait3A_734 : memref<1x128xi32, #tpu.memory_space<vmem>> -> memref<128xi32, #tpu.memory_space<vmem>>
      %dma_wait3A_736 = arith.constant 0 : i32
      %dma_wait3A_737 = arith.constant 0 : i32
      %dma_wait3A_738 = tpu.memref_slice %arg2[%dma_wait3A_736, %dma_wait3A_737] : memref<100000x8xf32, #tpu.memory_space<hbm>> -> memref<100000x8xf32, #tpu.memory_space<hbm>>
      tpu.wait_indirect_dma semaphore(%arg8 : memref<!tpu.dma_semaphore, #tpu.memory_space<semaphore_mem>>) src(%dma_wait3A_738 : memref<100000x8xf32, #tpu.memory_space<hbm>>) dst(%dma_wait3A_732 : memref<128x8xf32, #tpu.memory_space<vmem>>)
      %dma_wait3A_739 = arith.constant 0 : i32
      %dma_wait3A_740 = arith.constant 18 : i32
      %dma_wait3A_741 = arith.constant 0 : i32
      %dma_wait3A_742 = arith.constant 0 : i32
      %dma_wait3A_743 = tpu.memref_slice %arg6[%dma_wait3A_739, %dma_wait3A_740, %dma_wait3A_741, %dma_wait3A_742] : memref<2x28x128x8xf32, #tpu.memory_space<vmem>> -> memref<1x1x128x8xf32, #tpu.memory_space<vmem>>
      %dma_wait3A_744 = tpu.memref_squeeze %dma_wait3A_743 : memref<1x1x128x8xf32, #tpu.memory_space<vmem>> -> memref<128x8xf32, #tpu.memory_space<vmem>>
      %dma_wait3A_745 = arith.constant 0 : i32
      %dma_wait3A_746 = tpu.memref_slice %arg5[%add3A_366, %dma_wait3A_745] : memref<224x128xi32, #tpu.memory_space<vmem>> -> memref<1x128xi32, #tpu.memory_space<vmem>>
      %dma_wait3A_747 = tpu.memref_squeeze %dma_wait3A_746 : memref<1x128xi32, #tpu.memory_space<vmem>> -> memref<128xi32, #tpu.memory_space<vmem>>
      %dma_wait3A_748 = arith.constant 0 : i32
      %dma_wait3A_749 = arith.constant 0 : i32
      %dma_wait3A_750 = tpu.memref_slice %arg2[%dma_wait3A_748, %dma_wait3A_749] : memref<100000x8xf32, #tpu.memory_space<hbm>> -> memref<100000x8xf32, #tpu.memory_space<hbm>>
      tpu.wait_indirect_dma semaphore(%arg8 : memref<!tpu.dma_semaphore, #tpu.memory_space<semaphore_mem>>) src(%dma_wait3A_750 : memref<100000x8xf32, #tpu.memory_space<hbm>>) dst(%dma_wait3A_744 : memref<128x8xf32, #tpu.memory_space<vmem>>)
      %dma_wait3A_751 = arith.constant 0 : i32
      %dma_wait3A_752 = arith.constant 19 : i32
      %dma_wait3A_753 = arith.constant 0 : i32
      %dma_wait3A_754 = arith.constant 0 : i32
      %dma_wait3A_755 = tpu.memref_slice %arg6[%dma_wait3A_751, %dma_wait3A_752, %dma_wait3A_753, %dma_wait3A_754] : memref<2x28x128x8xf32, #tpu.memory_space<vmem>> -> memref<1x1x128x8xf32, #tpu.memory_space<vmem>>
      %dma_wait3A_756 = tpu.memref_squeeze %dma_wait3A_755 : memref<1x1x128x8xf32, #tpu.memory_space<vmem>> -> memref<128x8xf32, #tpu.memory_space<vmem>>
      %dma_wait3A_757 = arith.constant 0 : i32
      %dma_wait3A_758 = tpu.memref_slice %arg5[%add3A_382, %dma_wait3A_757] : memref<224x128xi32, #tpu.memory_space<vmem>> -> memref<1x128xi32, #tpu.memory_space<vmem>>
      %dma_wait3A_759 = tpu.memref_squeeze %dma_wait3A_758 : memref<1x128xi32, #tpu.memory_space<vmem>> -> memref<128xi32, #tpu.memory_space<vmem>>
      %dma_wait3A_760 = arith.constant 0 : i32
      %dma_wait3A_761 = arith.constant 0 : i32
      %dma_wait3A_762 = tpu.memref_slice %arg2[%dma_wait3A_760, %dma_wait3A_761] : memref<100000x8xf32, #tpu.memory_space<hbm>> -> memref<100000x8xf32, #tpu.memory_space<hbm>>
      tpu.wait_indirect_dma semaphore(%arg8 : memref<!tpu.dma_semaphore, #tpu.memory_space<semaphore_mem>>) src(%dma_wait3A_762 : memref<100000x8xf32, #tpu.memory_space<hbm>>) dst(%dma_wait3A_756 : memref<128x8xf32, #tpu.memory_space<vmem>>)
      %dma_wait3A_763 = arith.constant 0 : i32
      %dma_wait3A_764 = arith.constant 20 : i32
      %dma_wait3A_765 = arith.constant 0 : i32
      %dma_wait3A_766 = arith.constant 0 : i32
      %dma_wait3A_767 = tpu.memref_slice %arg6[%dma_wait3A_763, %dma_wait3A_764, %dma_wait3A_765, %dma_wait3A_766] : memref<2x28x128x8xf32, #tpu.memory_space<vmem>> -> memref<1x1x128x8xf32, #tpu.memory_space<vmem>>
      %dma_wait3A_768 = tpu.memref_squeeze %dma_wait3A_767 : memref<1x1x128x8xf32, #tpu.memory_space<vmem>> -> memref<128x8xf32, #tpu.memory_space<vmem>>
      %dma_wait3A_769 = arith.constant 0 : i32
      %dma_wait3A_770 = tpu.memref_slice %arg5[%add3A_398, %dma_wait3A_769] : memref<224x128xi32, #tpu.memory_space<vmem>> -> memref<1x128xi32, #tpu.memory_space<vmem>>
      %dma_wait3A_771 = tpu.memref_squeeze %dma_wait3A_770 : memref<1x128xi32, #tpu.memory_space<vmem>> -> memref<128xi32, #tpu.memory_space<vmem>>
      %dma_wait3A_772 = arith.constant 0 : i32
      %dma_wait3A_773 = arith.constant 0 : i32
      %dma_wait3A_774 = tpu.memref_slice %arg2[%dma_wait3A_772, %dma_wait3A_773] : memref<100000x8xf32, #tpu.memory_space<hbm>> -> memref<100000x8xf32, #tpu.memory_space<hbm>>
      tpu.wait_indirect_dma semaphore(%arg8 : memref<!tpu.dma_semaphore, #tpu.memory_space<semaphore_mem>>) src(%dma_wait3A_774 : memref<100000x8xf32, #tpu.memory_space<hbm>>) dst(%dma_wait3A_768 : memref<128x8xf32, #tpu.memory_space<vmem>>)
      %dma_wait3A_775 = arith.constant 0 : i32
      %dma_wait3A_776 = arith.constant 21 : i32
      %dma_wait3A_777 = arith.constant 0 : i32
      %dma_wait3A_778 = arith.constant 0 : i32
      %dma_wait3A_779 = tpu.memref_slice %arg6[%dma_wait3A_775, %dma_wait3A_776, %dma_wait3A_777, %dma_wait3A_778] : memref<2x28x128x8xf32, #tpu.memory_space<vmem>> -> memref<1x1x128x8xf32, #tpu.memory_space<vmem>>
      %dma_wait3A_780 = tpu.memref_squeeze %dma_wait3A_779 : memref<1x1x128x8xf32, #tpu.memory_space<vmem>> -> memref<128x8xf32, #tpu.memory_space<vmem>>
      %dma_wait3A_781 = arith.constant 0 : i32
      %dma_wait3A_782 = tpu.memref_slice %arg5[%add3A_414, %dma_wait3A_781] : memref<224x128xi32, #tpu.memory_space<vmem>> -> memref<1x128xi32, #tpu.memory_space<vmem>>
      %dma_wait3A_783 = tpu.memref_squeeze %dma_wait3A_782 : memref<1x128xi32, #tpu.memory_space<vmem>> -> memref<128xi32, #tpu.memory_space<vmem>>
      %dma_wait3A_784 = arith.constant 0 : i32
      %dma_wait3A_785 = arith.constant 0 : i32
      %dma_wait3A_786 = tpu.memref_slice %arg2[%dma_wait3A_784, %dma_wait3A_785] : memref<100000x8xf32, #tpu.memory_space<hbm>> -> memref<100000x8xf32, #tpu.memory_space<hbm>>
      tpu.wait_indirect_dma semaphore(%arg8 : memref<!tpu.dma_semaphore, #tpu.memory_space<semaphore_mem>>) src(%dma_wait3A_786 : memref<100000x8xf32, #tpu.memory_space<hbm>>) dst(%dma_wait3A_780 : memref<128x8xf32, #tpu.memory_space<vmem>>)
      %dma_wait3A_787 = arith.constant 0 : i32
      %dma_wait3A_788 = arith.constant 22 : i32
      %dma_wait3A_789 = arith.constant 0 : i32
      %dma_wait3A_790 = arith.constant 0 : i32
      %dma_wait3A_791 = tpu.memref_slice %arg6[%dma_wait3A_787, %dma_wait3A_788, %dma_wait3A_789, %dma_wait3A_790] : memref<2x28x128x8xf32, #tpu.memory_space<vmem>> -> memref<1x1x128x8xf32, #tpu.memory_space<vmem>>
      %dma_wait3A_792 = tpu.memref_squeeze %dma_wait3A_791 : memref<1x1x128x8xf32, #tpu.memory_space<vmem>> -> memref<128x8xf32, #tpu.memory_space<vmem>>
      %dma_wait3A_793 = arith.constant 0 : i32
      %dma_wait3A_794 = tpu.memref_slice %arg5[%add3A_430, %dma_wait3A_793] : memref<224x128xi32, #tpu.memory_space<vmem>> -> memref<1x128xi32, #tpu.memory_space<vmem>>
      %dma_wait3A_795 = tpu.memref_squeeze %dma_wait3A_794 : memref<1x128xi32, #tpu.memory_space<vmem>> -> memref<128xi32, #tpu.memory_space<vmem>>
      %dma_wait3A_796 = arith.constant 0 : i32
      %dma_wait3A_797 = arith.constant 0 : i32
      %dma_wait3A_798 = tpu.memref_slice %arg2[%dma_wait3A_796, %dma_wait3A_797] : memref<100000x8xf32, #tpu.memory_space<hbm>> -> memref<100000x8xf32, #tpu.memory_space<hbm>>
      tpu.wait_indirect_dma semaphore(%arg8 : memref<!tpu.dma_semaphore, #tpu.memory_space<semaphore_mem>>) src(%dma_wait3A_798 : memref<100000x8xf32, #tpu.memory_space<hbm>>) dst(%dma_wait3A_792 : memref<128x8xf32, #tpu.memory_space<vmem>>)
      %dma_wait3A_799 = arith.constant 0 : i32
      %dma_wait3A_800 = arith.constant 23 : i32
      %dma_wait3A_801 = arith.constant 0 : i32
      %dma_wait3A_802 = arith.constant 0 : i32
      %dma_wait3A_803 = tpu.memref_slice %arg6[%dma_wait3A_799, %dma_wait3A_800, %dma_wait3A_801, %dma_wait3A_802] : memref<2x28x128x8xf32, #tpu.memory_space<vmem>> -> memref<1x1x128x8xf32, #tpu.memory_space<vmem>>
      %dma_wait3A_804 = tpu.memref_squeeze %dma_wait3A_803 : memref<1x1x128x8xf32, #tpu.memory_space<vmem>> -> memref<128x8xf32, #tpu.memory_space<vmem>>
      %dma_wait3A_805 = arith.constant 0 : i32
      %dma_wait3A_806 = tpu.memref_slice %arg5[%add3A_446, %dma_wait3A_805] : memref<224x128xi32, #tpu.memory_space<vmem>> -> memref<1x128xi32, #tpu.memory_space<vmem>>
      %dma_wait3A_807 = tpu.memref_squeeze %dma_wait3A_806 : memref<1x128xi32, #tpu.memory_space<vmem>> -> memref<128xi32, #tpu.memory_space<vmem>>
      %dma_wait3A_808 = arith.constant 0 : i32
      %dma_wait3A_809 = arith.constant 0 : i32
      %dma_wait3A_810 = tpu.memref_slice %arg2[%dma_wait3A_808, %dma_wait3A_809] : memref<100000x8xf32, #tpu.memory_space<hbm>> -> memref<100000x8xf32, #tpu.memory_space<hbm>>
      tpu.wait_indirect_dma semaphore(%arg8 : memref<!tpu.dma_semaphore, #tpu.memory_space<semaphore_mem>>) src(%dma_wait3A_810 : memref<100000x8xf32, #tpu.memory_space<hbm>>) dst(%dma_wait3A_804 : memref<128x8xf32, #tpu.memory_space<vmem>>)
      %dma_wait3A_811 = arith.constant 0 : i32
      %dma_wait3A_812 = arith.constant 24 : i32
      %dma_wait3A_813 = arith.constant 0 : i32
      %dma_wait3A_814 = arith.constant 0 : i32
      %dma_wait3A_815 = tpu.memref_slice %arg6[%dma_wait3A_811, %dma_wait3A_812, %dma_wait3A_813, %dma_wait3A_814] : memref<2x28x128x8xf32, #tpu.memory_space<vmem>> -> memref<1x1x128x8xf32, #tpu.memory_space<vmem>>
      %dma_wait3A_816 = tpu.memref_squeeze %dma_wait3A_815 : memref<1x1x128x8xf32, #tpu.memory_space<vmem>> -> memref<128x8xf32, #tpu.memory_space<vmem>>
      %dma_wait3A_817 = arith.constant 0 : i32
      %dma_wait3A_818 = tpu.memref_slice %arg5[%add3A_462, %dma_wait3A_817] : memref<224x128xi32, #tpu.memory_space<vmem>> -> memref<1x128xi32, #tpu.memory_space<vmem>>
      %dma_wait3A_819 = tpu.memref_squeeze %dma_wait3A_818 : memref<1x128xi32, #tpu.memory_space<vmem>> -> memref<128xi32, #tpu.memory_space<vmem>>
      %dma_wait3A_820 = arith.constant 0 : i32
      %dma_wait3A_821 = arith.constant 0 : i32
      %dma_wait3A_822 = tpu.memref_slice %arg2[%dma_wait3A_820, %dma_wait3A_821] : memref<100000x8xf32, #tpu.memory_space<hbm>> -> memref<100000x8xf32, #tpu.memory_space<hbm>>
      tpu.wait_indirect_dma semaphore(%arg8 : memref<!tpu.dma_semaphore, #tpu.memory_space<semaphore_mem>>) src(%dma_wait3A_822 : memref<100000x8xf32, #tpu.memory_space<hbm>>) dst(%dma_wait3A_816 : memref<128x8xf32, #tpu.memory_space<vmem>>)
      %dma_wait3A_823 = arith.constant 0 : i32
      %dma_wait3A_824 = arith.constant 25 : i32
      %dma_wait3A_825 = arith.constant 0 : i32
      %dma_wait3A_826 = arith.constant 0 : i32
      %dma_wait3A_827 = tpu.memref_slice %arg6[%dma_wait3A_823, %dma_wait3A_824, %dma_wait3A_825, %dma_wait3A_826] : memref<2x28x128x8xf32, #tpu.memory_space<vmem>> -> memref<1x1x128x8xf32, #tpu.memory_space<vmem>>
      %dma_wait3A_828 = tpu.memref_squeeze %dma_wait3A_827 : memref<1x1x128x8xf32, #tpu.memory_space<vmem>> -> memref<128x8xf32, #tpu.memory_space<vmem>>
      %dma_wait3A_829 = arith.constant 0 : i32
      %dma_wait3A_830 = tpu.memref_slice %arg5[%add3A_478, %dma_wait3A_829] : memref<224x128xi32, #tpu.memory_space<vmem>> -> memref<1x128xi32, #tpu.memory_space<vmem>>
      %dma_wait3A_831 = tpu.memref_squeeze %dma_wait3A_830 : memref<1x128xi32, #tpu.memory_space<vmem>> -> memref<128xi32, #tpu.memory_space<vmem>>
      %dma_wait3A_832 = arith.constant 0 : i32
      %dma_wait3A_833 = arith.constant 0 : i32
      %dma_wait3A_834 = tpu.memref_slice %arg2[%dma_wait3A_832, %dma_wait3A_833] : memref<100000x8xf32, #tpu.memory_space<hbm>> -> memref<100000x8xf32, #tpu.memory_space<hbm>>
      tpu.wait_indirect_dma semaphore(%arg8 : memref<!tpu.dma_semaphore, #tpu.memory_space<semaphore_mem>>) src(%dma_wait3A_834 : memref<100000x8xf32, #tpu.memory_space<hbm>>) dst(%dma_wait3A_828 : memref<128x8xf32, #tpu.memory_space<vmem>>)
      %dma_wait3A_835 = arith.constant 0 : i32
      %dma_wait3A_836 = arith.constant 26 : i32
      %dma_wait3A_837 = arith.constant 0 : i32
      %dma_wait3A_838 = arith.constant 0 : i32
      %dma_wait3A_839 = tpu.memref_slice %arg6[%dma_wait3A_835, %dma_wait3A_836, %dma_wait3A_837, %dma_wait3A_838] : memref<2x28x128x8xf32, #tpu.memory_space<vmem>> -> memref<1x1x128x8xf32, #tpu.memory_space<vmem>>
      %dma_wait3A_840 = tpu.memref_squeeze %dma_wait3A_839 : memref<1x1x128x8xf32, #tpu.memory_space<vmem>> -> memref<128x8xf32, #tpu.memory_space<vmem>>
      %dma_wait3A_841 = arith.constant 0 : i32
      %dma_wait3A_842 = tpu.memref_slice %arg5[%add3A_494, %dma_wait3A_841] : memref<224x128xi32, #tpu.memory_space<vmem>> -> memref<1x128xi32, #tpu.memory_space<vmem>>
      %dma_wait3A_843 = tpu.memref_squeeze %dma_wait3A_842 : memref<1x128xi32, #tpu.memory_space<vmem>> -> memref<128xi32, #tpu.memory_space<vmem>>
      %dma_wait3A_844 = arith.constant 0 : i32
      %dma_wait3A_845 = arith.constant 0 : i32
      %dma_wait3A_846 = tpu.memref_slice %arg2[%dma_wait3A_844, %dma_wait3A_845] : memref<100000x8xf32, #tpu.memory_space<hbm>> -> memref<100000x8xf32, #tpu.memory_space<hbm>>
      tpu.wait_indirect_dma semaphore(%arg8 : memref<!tpu.dma_semaphore, #tpu.memory_space<semaphore_mem>>) src(%dma_wait3A_846 : memref<100000x8xf32, #tpu.memory_space<hbm>>) dst(%dma_wait3A_840 : memref<128x8xf32, #tpu.memory_space<vmem>>)
      %dma_wait3A_847 = arith.constant 0 : i32
      %dma_wait3A_848 = arith.constant 27 : i32
      %dma_wait3A_849 = arith.constant 0 : i32
      %dma_wait3A_850 = arith.constant 0 : i32
      %dma_wait3A_851 = tpu.memref_slice %arg6[%dma_wait3A_847, %dma_wait3A_848, %dma_wait3A_849, %dma_wait3A_850] : memref<2x28x128x8xf32, #tpu.memory_space<vmem>> -> memref<1x1x128x8xf32, #tpu.memory_space<vmem>>
      %dma_wait3A_852 = tpu.memref_squeeze %dma_wait3A_851 : memref<1x1x128x8xf32, #tpu.memory_space<vmem>> -> memref<128x8xf32, #tpu.memory_space<vmem>>
      %dma_wait3A_853 = arith.constant 0 : i32
      %dma_wait3A_854 = tpu.memref_slice %arg5[%add3A_510, %dma_wait3A_853] : memref<224x128xi32, #tpu.memory_space<vmem>> -> memref<1x128xi32, #tpu.memory_space<vmem>>
      %dma_wait3A_855 = tpu.memref_squeeze %dma_wait3A_854 : memref<1x128xi32, #tpu.memory_space<vmem>> -> memref<128xi32, #tpu.memory_space<vmem>>
      %dma_wait3A_856 = arith.constant 0 : i32
      %dma_wait3A_857 = arith.constant 0 : i32
      %dma_wait3A_858 = tpu.memref_slice %arg2[%dma_wait3A_856, %dma_wait3A_857] : memref<100000x8xf32, #tpu.memory_space<hbm>> -> memref<100000x8xf32, #tpu.memory_space<hbm>>
      tpu.wait_indirect_dma semaphore(%arg8 : memref<!tpu.dma_semaphore, #tpu.memory_space<semaphore_mem>>) src(%dma_wait3A_858 : memref<100000x8xf32, #tpu.memory_space<hbm>>) dst(%dma_wait3A_852 : memref<128x8xf32, #tpu.memory_space<vmem>>)
      %dma_start3A_859 = arith.constant 0 : i32
      %dma_start3A_860 = arith.constant 0 : i32
      %dma_start3A_861 = arith.constant 0 : i32
      %dma_start3A_862 = arith.constant 0 : i32
      %dma_start3A_863 = tpu.memref_slice %arg6[%dma_start3A_859, %dma_start3A_860, %dma_start3A_861, %dma_start3A_862] : memref<2x28x128x8xf32, #tpu.memory_space<vmem>> -> memref<1x28x128x8xf32, #tpu.memory_space<vmem>>
      %dma_start3A_864 = tpu.memref_squeeze %dma_start3A_863 : memref<1x28x128x8xf32, #tpu.memory_space<vmem>> -> memref<28x128x8xf32, #tpu.memory_space<vmem>>
      %dma_start3A_865 = arith.constant 0 : i32
      %dma_start3A_866 = arith.constant 0 : i32
      %dma_start3A_867 = tpu.memref_slice %arg4[%add3A_72, %dma_start3A_865, %dma_start3A_866] : memref<6250x128x8xf32, #tpu.memory_space<hbm>> -> memref<28x128x8xf32, #tpu.memory_space<hbm>>
      %dma_start3A_868 = arith.constant 0 : i32
      %dma_start3A_869 = arith.constant 0 : i32
      %dma_start3A_870 = tpu.memref_slice %arg4[%add3A_72, %dma_start3A_868, %dma_start3A_869] : memref<6250x128x8xf32, #tpu.memory_space<hbm>> -> memref<28x128x8xf32, #tpu.memory_space<hbm>>
      %dma_start3A_871 = arith.constant 0 : i32
      %dma_start3A_872 = arith.constant 0 : i32
      %dma_start3A_873 = arith.constant 0 : i32
      %dma_start3A_874 = tpu.memref_slice %arg6[%dma_start3A_859, %dma_start3A_871, %dma_start3A_872, %dma_start3A_873] : memref<2x28x128x8xf32, #tpu.memory_space<vmem>> -> memref<1x28x128x8xf32, #tpu.memory_space<vmem>>
      %dma_start3A_875 = tpu.memref_squeeze %dma_start3A_874 : memref<1x28x128x8xf32, #tpu.memory_space<vmem>> -> memref<28x128x8xf32, #tpu.memory_space<vmem>>
      tpu.enqueue_dma source(%dma_start3A_875 : memref<28x128x8xf32, #tpu.memory_space<vmem>>) target(%dma_start3A_870 : memref<28x128x8xf32, #tpu.memory_space<hbm>>) target_semaphore(%arg10 : memref<!tpu.dma_semaphore, #tpu.memory_space<semaphore_mem>>)
      %mul3A_876 = arith.constant 2 : i32
      %mul3A_877 = arith.muli %scan3A_65, %mul3A_876 : i32
      %add3A_878 = arith.constant 1 : i32
      %add3A_879 = arith.addi %mul3A_877, %add3A_878 : i32
      %mul3A_880 = arith.constant 28 : i32
      %mul3A_881 = arith.muli %add3A_879, %mul3A_880 : i32
      %add3A_882 = arith.addi %min3A_19, %mul3A_881 : i32
      %ge3A_883 = arith.constant 1 : i32
      %ge3A_884 = arith.cmpi sge, %scan3A_65, %ge3A_883 : i32
      %convert_element_type3A_885 = arith.extui %ge3A_884 : i1 to i32
      %cond3A_886 = arith.constant 0 : i32
      %cond3A_887 = arith.cmpi ne, %convert_element_type3A_885, %cond3A_886 : i32
      scf.if %cond3A_887 {
        %dma_wait3A_1689 = arith.constant 1 : i32
        %dma_wait3A_1690 = arith.constant 0 : i32
        %dma_wait3A_1691 = arith.constant 0 : i32
        %dma_wait3A_1692 = arith.constant 0 : i32
        %dma_wait3A_1693 = tpu.memref_slice %arg6[%dma_wait3A_1689, %dma_wait3A_1690, %dma_wait3A_1691, %dma_wait3A_1692] : memref<2x28x128x8xf32, #tpu.memory_space<vmem>> -> memref<1x28x128x8xf32, #tpu.memory_space<vmem>>
        %dma_wait3A_1694 = tpu.memref_squeeze %dma_wait3A_1693 : memref<1x28x128x8xf32, #tpu.memory_space<vmem>> -> memref<28x128x8xf32, #tpu.memory_space<vmem>>
        %dma_wait3A_1695 = arith.constant 0 : i32
        %dma_wait3A_1696 = arith.constant 0 : i32
        %dma_wait3A_1697 = tpu.memref_slice %arg4[%add3A_882, %dma_wait3A_1695, %dma_wait3A_1696] : memref<6250x128x8xf32, #tpu.memory_space<hbm>> -> memref<28x128x8xf32, #tpu.memory_space<hbm>>
        %dma_wait3A_1698 = arith.constant 0 : i32
        %dma_wait3A_1699 = arith.constant 0 : i32
        %dma_wait3A_1700 = tpu.memref_slice %arg4[%add3A_882, %dma_wait3A_1698, %dma_wait3A_1699] : memref<6250x128x8xf32, #tpu.memory_space<hbm>> -> memref<28x128x8xf32, #tpu.memory_space<hbm>>
        %dma_wait3A_1701 = arith.constant 0 : i32
        %dma_wait3A_1702 = arith.constant 0 : i32
        %dma_wait3A_1703 = arith.constant 0 : i32
        %dma_wait3A_1704 = tpu.memref_slice %arg6[%dma_wait3A_1689, %dma_wait3A_1701, %dma_wait3A_1702, %dma_wait3A_1703] : memref<2x28x128x8xf32, #tpu.memory_space<vmem>> -> memref<1x28x128x8xf32, #tpu.memory_space<vmem>>
        %dma_wait3A_1705 = tpu.memref_squeeze %dma_wait3A_1704 : memref<1x28x128x8xf32, #tpu.memory_space<vmem>> -> memref<28x128x8xf32, #tpu.memory_space<vmem>>
        tpu.wait_dma2 semaphore(%arg11 : memref<!tpu.dma_semaphore, #tpu.memory_space<semaphore_mem>>) src(%dma_wait3A_1705 : memref<28x128x8xf32, #tpu.memory_space<vmem>>) dst(%dma_wait3A_1700 : memref<28x128x8xf32, #tpu.memory_space<hbm>>)
      } else {
      }
      %mul3A_888 = arith.constant 28 : i32
      %mul3A_889 = arith.muli %add3A_879, %mul3A_888 : i32
      %add3A_890 = arith.constant 0 : i32
      %add3A_891 = arith.addi %mul3A_889, %add3A_890 : i32
      %dma_start3A_892 = arith.constant 1 : i32
      %dma_start3A_893 = arith.constant 0 : i32
      %dma_start3A_894 = arith.constant 0 : i32
      %dma_start3A_895 = arith.constant 0 : i32
      %dma_start3A_896 = tpu.memref_slice %arg6[%dma_start3A_892, %dma_start3A_893, %dma_start3A_894, %dma_start3A_895] : memref<2x28x128x8xf32, #tpu.memory_space<vmem>> -> memref<1x1x128x8xf32, #tpu.memory_space<vmem>>
      %dma_start3A_897 = tpu.memref_squeeze %dma_start3A_896 : memref<1x1x128x8xf32, #tpu.memory_space<vmem>> -> memref<128x8xf32, #tpu.memory_space<vmem>>
      %dma_start3A_898 = arith.constant 0 : i32
      %dma_start3A_899 = tpu.memref_slice %arg5[%add3A_891, %dma_start3A_898] : memref<224x128xi32, #tpu.memory_space<vmem>> -> memref<1x128xi32, #tpu.memory_space<vmem>>
      %dma_start3A_900 = tpu.memref_squeeze %dma_start3A_899 : memref<1x128xi32, #tpu.memory_space<vmem>> -> memref<128xi32, #tpu.memory_space<vmem>>
      %dma_start3A_901 = arith.constant 0 : i32
      %dma_start3A_902 = arith.constant 0 : i32
      %dma_start3A_903 = tpu.memref_slice %arg2[%dma_start3A_901, %dma_start3A_902] : memref<100000x8xf32, #tpu.memory_space<hbm>> -> memref<100000x8xf32, #tpu.memory_space<hbm>>
      tpu.enqueue_indirect_dma source(%dma_start3A_903 : memref<100000x8xf32, #tpu.memory_space<hbm>>) target(%dma_start3A_897 : memref<128x8xf32, #tpu.memory_space<vmem>>) offsets(%dma_start3A_900 : memref<128xi32, #tpu.memory_space<vmem>>) semaphore(%arg9 : memref<!tpu.dma_semaphore, #tpu.memory_space<semaphore_mem>>)
      %mul3A_904 = arith.constant 28 : i32
      %mul3A_905 = arith.muli %add3A_879, %mul3A_904 : i32
      %add3A_906 = arith.constant 1 : i32
      %add3A_907 = arith.addi %mul3A_905, %add3A_906 : i32
      %dma_start3A_908 = arith.constant 1 : i32
      %dma_start3A_909 = arith.constant 1 : i32
      %dma_start3A_910 = arith.constant 0 : i32
      %dma_start3A_911 = arith.constant 0 : i32
      %dma_start3A_912 = tpu.memref_slice %arg6[%dma_start3A_908, %dma_start3A_909, %dma_start3A_910, %dma_start3A_911] : memref<2x28x128x8xf32, #tpu.memory_space<vmem>> -> memref<1x1x128x8xf32, #tpu.memory_space<vmem>>
      %dma_start3A_913 = tpu.memref_squeeze %dma_start3A_912 : memref<1x1x128x8xf32, #tpu.memory_space<vmem>> -> memref<128x8xf32, #tpu.memory_space<vmem>>
      %dma_start3A_914 = arith.constant 0 : i32
      %dma_start3A_915 = tpu.memref_slice %arg5[%add3A_907, %dma_start3A_914] : memref<224x128xi32, #tpu.memory_space<vmem>> -> memref<1x128xi32, #tpu.memory_space<vmem>>
      %dma_start3A_916 = tpu.memref_squeeze %dma_start3A_915 : memref<1x128xi32, #tpu.memory_space<vmem>> -> memref<128xi32, #tpu.memory_space<vmem>>
      %dma_start3A_917 = arith.constant 0 : i32
      %dma_start3A_918 = arith.constant 0 : i32
      %dma_start3A_919 = tpu.memref_slice %arg2[%dma_start3A_917, %dma_start3A_918] : memref<100000x8xf32, #tpu.memory_space<hbm>> -> memref<100000x8xf32, #tpu.memory_space<hbm>>
      tpu.enqueue_indirect_dma source(%dma_start3A_919 : memref<100000x8xf32, #tpu.memory_space<hbm>>) target(%dma_start3A_913 : memref<128x8xf32, #tpu.memory_space<vmem>>) offsets(%dma_start3A_916 : memref<128xi32, #tpu.memory_space<vmem>>) semaphore(%arg9 : memref<!tpu.dma_semaphore, #tpu.memory_space<semaphore_mem>>)
      %mul3A_920 = arith.constant 28 : i32
      %mul3A_921 = arith.muli %add3A_879, %mul3A_920 : i32
      %add3A_922 = arith.constant 2 : i32
      %add3A_923 = arith.addi %mul3A_921, %add3A_922 : i32
      %dma_start3A_924 = arith.constant 1 : i32
      %dma_start3A_925 = arith.constant 2 : i32
      %dma_start3A_926 = arith.constant 0 : i32
      %dma_start3A_927 = arith.constant 0 : i32
      %dma_start3A_928 = tpu.memref_slice %arg6[%dma_start3A_924, %dma_start3A_925, %dma_start3A_926, %dma_start3A_927] : memref<2x28x128x8xf32, #tpu.memory_space<vmem>> -> memref<1x1x128x8xf32, #tpu.memory_space<vmem>>
      %dma_start3A_929 = tpu.memref_squeeze %dma_start3A_928 : memref<1x1x128x8xf32, #tpu.memory_space<vmem>> -> memref<128x8xf32, #tpu.memory_space<vmem>>
      %dma_start3A_930 = arith.constant 0 : i32
      %dma_start3A_931 = tpu.memref_slice %arg5[%add3A_923, %dma_start3A_930] : memref<224x128xi32, #tpu.memory_space<vmem>> -> memref<1x128xi32, #tpu.memory_space<vmem>>
      %dma_start3A_932 = tpu.memref_squeeze %dma_start3A_931 : memref<1x128xi32, #tpu.memory_space<vmem>> -> memref<128xi32, #tpu.memory_space<vmem>>
      %dma_start3A_933 = arith.constant 0 : i32
      %dma_start3A_934 = arith.constant 0 : i32
      %dma_start3A_935 = tpu.memref_slice %arg2[%dma_start3A_933, %dma_start3A_934] : memref<100000x8xf32, #tpu.memory_space<hbm>> -> memref<100000x8xf32, #tpu.memory_space<hbm>>
      tpu.enqueue_indirect_dma source(%dma_start3A_935 : memref<100000x8xf32, #tpu.memory_space<hbm>>) target(%dma_start3A_929 : memref<128x8xf32, #tpu.memory_space<vmem>>) offsets(%dma_start3A_932 : memref<128xi32, #tpu.memory_space<vmem>>) semaphore(%arg9 : memref<!tpu.dma_semaphore, #tpu.memory_space<semaphore_mem>>)
      %mul3A_936 = arith.constant 28 : i32
      %mul3A_937 = arith.muli %add3A_879, %mul3A_936 : i32
      %add3A_938 = arith.constant 3 : i32
      %add3A_939 = arith.addi %mul3A_937, %add3A_938 : i32
      %dma_start3A_940 = arith.constant 1 : i32
      %dma_start3A_941 = arith.constant 3 : i32
      %dma_start3A_942 = arith.constant 0 : i32
      %dma_start3A_943 = arith.constant 0 : i32
      %dma_start3A_944 = tpu.memref_slice %arg6[%dma_start3A_940, %dma_start3A_941, %dma_start3A_942, %dma_start3A_943] : memref<2x28x128x8xf32, #tpu.memory_space<vmem>> -> memref<1x1x128x8xf32, #tpu.memory_space<vmem>>
      %dma_start3A_945 = tpu.memref_squeeze %dma_start3A_944 : memref<1x1x128x8xf32, #tpu.memory_space<vmem>> -> memref<128x8xf32, #tpu.memory_space<vmem>>
      %dma_start3A_946 = arith.constant 0 : i32
      %dma_start3A_947 = tpu.memref_slice %arg5[%add3A_939, %dma_start3A_946] : memref<224x128xi32, #tpu.memory_space<vmem>> -> memref<1x128xi32, #tpu.memory_space<vmem>>
      %dma_start3A_948 = tpu.memref_squeeze %dma_start3A_947 : memref<1x128xi32, #tpu.memory_space<vmem>> -> memref<128xi32, #tpu.memory_space<vmem>>
      %dma_start3A_949 = arith.constant 0 : i32
      %dma_start3A_950 = arith.constant 0 : i32
      %dma_start3A_951 = tpu.memref_slice %arg2[%dma_start3A_949, %dma_start3A_950] : memref<100000x8xf32, #tpu.memory_space<hbm>> -> memref<100000x8xf32, #tpu.memory_space<hbm>>
      tpu.enqueue_indirect_dma source(%dma_start3A_951 : memref<100000x8xf32, #tpu.memory_space<hbm>>) target(%dma_start3A_945 : memref<128x8xf32, #tpu.memory_space<vmem>>) offsets(%dma_start3A_948 : memref<128xi32, #tpu.memory_space<vmem>>) semaphore(%arg9 : memref<!tpu.dma_semaphore, #tpu.memory_space<semaphore_mem>>)
      %mul3A_952 = arith.constant 28 : i32
      %mul3A_953 = arith.muli %add3A_879, %mul3A_952 : i32
      %add3A_954 = arith.constant 4 : i32
      %add3A_955 = arith.addi %mul3A_953, %add3A_954 : i32
      %dma_start3A_956 = arith.constant 1 : i32
      %dma_start3A_957 = arith.constant 4 : i32
      %dma_start3A_958 = arith.constant 0 : i32
      %dma_start3A_959 = arith.constant 0 : i32
      %dma_start3A_960 = tpu.memref_slice %arg6[%dma_start3A_956, %dma_start3A_957, %dma_start3A_958, %dma_start3A_959] : memref<2x28x128x8xf32, #tpu.memory_space<vmem>> -> memref<1x1x128x8xf32, #tpu.memory_space<vmem>>
      %dma_start3A_961 = tpu.memref_squeeze %dma_start3A_960 : memref<1x1x128x8xf32, #tpu.memory_space<vmem>> -> memref<128x8xf32, #tpu.memory_space<vmem>>
      %dma_start3A_962 = arith.constant 0 : i32
      %dma_start3A_963 = tpu.memref_slice %arg5[%add3A_955, %dma_start3A_962] : memref<224x128xi32, #tpu.memory_space<vmem>> -> memref<1x128xi32, #tpu.memory_space<vmem>>
      %dma_start3A_964 = tpu.memref_squeeze %dma_start3A_963 : memref<1x128xi32, #tpu.memory_space<vmem>> -> memref<128xi32, #tpu.memory_space<vmem>>
      %dma_start3A_965 = arith.constant 0 : i32
      %dma_start3A_966 = arith.constant 0 : i32
      %dma_start3A_967 = tpu.memref_slice %arg2[%dma_start3A_965, %dma_start3A_966] : memref<100000x8xf32, #tpu.memory_space<hbm>> -> memref<100000x8xf32, #tpu.memory_space<hbm>>
      tpu.enqueue_indirect_dma source(%dma_start3A_967 : memref<100000x8xf32, #tpu.memory_space<hbm>>) target(%dma_start3A_961 : memref<128x8xf32, #tpu.memory_space<vmem>>) offsets(%dma_start3A_964 : memref<128xi32, #tpu.memory_space<vmem>>) semaphore(%arg9 : memref<!tpu.dma_semaphore, #tpu.memory_space<semaphore_mem>>)
      %mul3A_968 = arith.constant 28 : i32
      %mul3A_969 = arith.muli %add3A_879, %mul3A_968 : i32
      %add3A_970 = arith.constant 5 : i32
      %add3A_971 = arith.addi %mul3A_969, %add3A_970 : i32
      %dma_start3A_972 = arith.constant 1 : i32
      %dma_start3A_973 = arith.constant 5 : i32
      %dma_start3A_974 = arith.constant 0 : i32
      %dma_start3A_975 = arith.constant 0 : i32
      %dma_start3A_976 = tpu.memref_slice %arg6[%dma_start3A_972, %dma_start3A_973, %dma_start3A_974, %dma_start3A_975] : memref<2x28x128x8xf32, #tpu.memory_space<vmem>> -> memref<1x1x128x8xf32, #tpu.memory_space<vmem>>
      %dma_start3A_977 = tpu.memref_squeeze %dma_start3A_976 : memref<1x1x128x8xf32, #tpu.memory_space<vmem>> -> memref<128x8xf32, #tpu.memory_space<vmem>>
      %dma_start3A_978 = arith.constant 0 : i32
      %dma_start3A_979 = tpu.memref_slice %arg5[%add3A_971, %dma_start3A_978] : memref<224x128xi32, #tpu.memory_space<vmem>> -> memref<1x128xi32, #tpu.memory_space<vmem>>
      %dma_start3A_980 = tpu.memref_squeeze %dma_start3A_979 : memref<1x128xi32, #tpu.memory_space<vmem>> -> memref<128xi32, #tpu.memory_space<vmem>>
      %dma_start3A_981 = arith.constant 0 : i32
      %dma_start3A_982 = arith.constant 0 : i32
      %dma_start3A_983 = tpu.memref_slice %arg2[%dma_start3A_981, %dma_start3A_982] : memref<100000x8xf32, #tpu.memory_space<hbm>> -> memref<100000x8xf32, #tpu.memory_space<hbm>>
      tpu.enqueue_indirect_dma source(%dma_start3A_983 : memref<100000x8xf32, #tpu.memory_space<hbm>>) target(%dma_start3A_977 : memref<128x8xf32, #tpu.memory_space<vmem>>) offsets(%dma_start3A_980 : memref<128xi32, #tpu.memory_space<vmem>>) semaphore(%arg9 : memref<!tpu.dma_semaphore, #tpu.memory_space<semaphore_mem>>)
      %mul3A_984 = arith.constant 28 : i32
      %mul3A_985 = arith.muli %add3A_879, %mul3A_984 : i32
      %add3A_986 = arith.constant 6 : i32
      %add3A_987 = arith.addi %mul3A_985, %add3A_986 : i32
      %dma_start3A_988 = arith.constant 1 : i32
      %dma_start3A_989 = arith.constant 6 : i32
      %dma_start3A_990 = arith.constant 0 : i32
      %dma_start3A_991 = arith.constant 0 : i32
      %dma_start3A_992 = tpu.memref_slice %arg6[%dma_start3A_988, %dma_start3A_989, %dma_start3A_990, %dma_start3A_991] : memref<2x28x128x8xf32, #tpu.memory_space<vmem>> -> memref<1x1x128x8xf32, #tpu.memory_space<vmem>>
      %dma_start3A_993 = tpu.memref_squeeze %dma_start3A_992 : memref<1x1x128x8xf32, #tpu.memory_space<vmem>> -> memref<128x8xf32, #tpu.memory_space<vmem>>
      %dma_start3A_994 = arith.constant 0 : i32
      %dma_start3A_995 = tpu.memref_slice %arg5[%add3A_987, %dma_start3A_994] : memref<224x128xi32, #tpu.memory_space<vmem>> -> memref<1x128xi32, #tpu.memory_space<vmem>>
      %dma_start3A_996 = tpu.memref_squeeze %dma_start3A_995 : memref<1x128xi32, #tpu.memory_space<vmem>> -> memref<128xi32, #tpu.memory_space<vmem>>
      %dma_start3A_997 = arith.constant 0 : i32
      %dma_start3A_998 = arith.constant 0 : i32
      %dma_start3A_999 = tpu.memref_slice %arg2[%dma_start3A_997, %dma_start3A_998] : memref<100000x8xf32, #tpu.memory_space<hbm>> -> memref<100000x8xf32, #tpu.memory_space<hbm>>
      tpu.enqueue_indirect_dma source(%dma_start3A_999 : memref<100000x8xf32, #tpu.memory_space<hbm>>) target(%dma_start3A_993 : memref<128x8xf32, #tpu.memory_space<vmem>>) offsets(%dma_start3A_996 : memref<128xi32, #tpu.memory_space<vmem>>) semaphore(%arg9 : memref<!tpu.dma_semaphore, #tpu.memory_space<semaphore_mem>>)
      %mul3A_1000 = arith.constant 28 : i32
      %mul3A_1001 = arith.muli %add3A_879, %mul3A_1000 : i32
      %add3A_1002 = arith.constant 7 : i32
      %add3A_1003 = arith.addi %mul3A_1001, %add3A_1002 : i32
      %dma_start3A_1004 = arith.constant 1 : i32
      %dma_start3A_1005 = arith.constant 7 : i32
      %dma_start3A_1006 = arith.constant 0 : i32
      %dma_start3A_1007 = arith.constant 0 : i32
      %dma_start3A_1008 = tpu.memref_slice %arg6[%dma_start3A_1004, %dma_start3A_1005, %dma_start3A_1006, %dma_start3A_1007] : memref<2x28x128x8xf32, #tpu.memory_space<vmem>> -> memref<1x1x128x8xf32, #tpu.memory_space<vmem>>
      %dma_start3A_1009 = tpu.memref_squeeze %dma_start3A_1008 : memref<1x1x128x8xf32, #tpu.memory_space<vmem>> -> memref<128x8xf32, #tpu.memory_space<vmem>>
      %dma_start3A_1010 = arith.constant 0 : i32
      %dma_start3A_1011 = tpu.memref_slice %arg5[%add3A_1003, %dma_start3A_1010] : memref<224x128xi32, #tpu.memory_space<vmem>> -> memref<1x128xi32, #tpu.memory_space<vmem>>
      %dma_start3A_1012 = tpu.memref_squeeze %dma_start3A_1011 : memref<1x128xi32, #tpu.memory_space<vmem>> -> memref<128xi32, #tpu.memory_space<vmem>>
      %dma_start3A_1013 = arith.constant 0 : i32
      %dma_start3A_1014 = arith.constant 0 : i32
      %dma_start3A_1015 = tpu.memref_slice %arg2[%dma_start3A_1013, %dma_start3A_1014] : memref<100000x8xf32, #tpu.memory_space<hbm>> -> memref<100000x8xf32, #tpu.memory_space<hbm>>
      tpu.enqueue_indirect_dma source(%dma_start3A_1015 : memref<100000x8xf32, #tpu.memory_space<hbm>>) target(%dma_start3A_1009 : memref<128x8xf32, #tpu.memory_space<vmem>>) offsets(%dma_start3A_1012 : memref<128xi32, #tpu.memory_space<vmem>>) semaphore(%arg9 : memref<!tpu.dma_semaphore, #tpu.memory_space<semaphore_mem>>)
      %mul3A_1016 = arith.constant 28 : i32
      %mul3A_1017 = arith.muli %add3A_879, %mul3A_1016 : i32
      %add3A_1018 = arith.constant 8 : i32
      %add3A_1019 = arith.addi %mul3A_1017, %add3A_1018 : i32
      %dma_start3A_1020 = arith.constant 1 : i32
      %dma_start3A_1021 = arith.constant 8 : i32
      %dma_start3A_1022 = arith.constant 0 : i32
      %dma_start3A_1023 = arith.constant 0 : i32
      %dma_start3A_1024 = tpu.memref_slice %arg6[%dma_start3A_1020, %dma_start3A_1021, %dma_start3A_1022, %dma_start3A_1023] : memref<2x28x128x8xf32, #tpu.memory_space<vmem>> -> memref<1x1x128x8xf32, #tpu.memory_space<vmem>>
      %dma_start3A_1025 = tpu.memref_squeeze %dma_start3A_1024 : memref<1x1x128x8xf32, #tpu.memory_space<vmem>> -> memref<128x8xf32, #tpu.memory_space<vmem>>
      %dma_start3A_1026 = arith.constant 0 : i32
      %dma_start3A_1027 = tpu.memref_slice %arg5[%add3A_1019, %dma_start3A_1026] : memref<224x128xi32, #tpu.memory_space<vmem>> -> memref<1x128xi32, #tpu.memory_space<vmem>>
      %dma_start3A_1028 = tpu.memref_squeeze %dma_start3A_1027 : memref<1x128xi32, #tpu.memory_space<vmem>> -> memref<128xi32, #tpu.memory_space<vmem>>
      %dma_start3A_1029 = arith.constant 0 : i32
      %dma_start3A_1030 = arith.constant 0 : i32
      %dma_start3A_1031 = tpu.memref_slice %arg2[%dma_start3A_1029, %dma_start3A_1030] : memref<100000x8xf32, #tpu.memory_space<hbm>> -> memref<100000x8xf32, #tpu.memory_space<hbm>>
      tpu.enqueue_indirect_dma source(%dma_start3A_1031 : memref<100000x8xf32, #tpu.memory_space<hbm>>) target(%dma_start3A_1025 : memref<128x8xf32, #tpu.memory_space<vmem>>) offsets(%dma_start3A_1028 : memref<128xi32, #tpu.memory_space<vmem>>) semaphore(%arg9 : memref<!tpu.dma_semaphore, #tpu.memory_space<semaphore_mem>>)
      %mul3A_1032 = arith.constant 28 : i32
      %mul3A_1033 = arith.muli %add3A_879, %mul3A_1032 : i32
      %add3A_1034 = arith.constant 9 : i32
      %add3A_1035 = arith.addi %mul3A_1033, %add3A_1034 : i32
      %dma_start3A_1036 = arith.constant 1 : i32
      %dma_start3A_1037 = arith.constant 9 : i32
      %dma_start3A_1038 = arith.constant 0 : i32
      %dma_start3A_1039 = arith.constant 0 : i32
      %dma_start3A_1040 = tpu.memref_slice %arg6[%dma_start3A_1036, %dma_start3A_1037, %dma_start3A_1038, %dma_start3A_1039] : memref<2x28x128x8xf32, #tpu.memory_space<vmem>> -> memref<1x1x128x8xf32, #tpu.memory_space<vmem>>
      %dma_start3A_1041 = tpu.memref_squeeze %dma_start3A_1040 : memref<1x1x128x8xf32, #tpu.memory_space<vmem>> -> memref<128x8xf32, #tpu.memory_space<vmem>>
      %dma_start3A_1042 = arith.constant 0 : i32
      %dma_start3A_1043 = tpu.memref_slice %arg5[%add3A_1035, %dma_start3A_1042] : memref<224x128xi32, #tpu.memory_space<vmem>> -> memref<1x128xi32, #tpu.memory_space<vmem>>
      %dma_start3A_1044 = tpu.memref_squeeze %dma_start3A_1043 : memref<1x128xi32, #tpu.memory_space<vmem>> -> memref<128xi32, #tpu.memory_space<vmem>>
      %dma_start3A_1045 = arith.constant 0 : i32
      %dma_start3A_1046 = arith.constant 0 : i32
      %dma_start3A_1047 = tpu.memref_slice %arg2[%dma_start3A_1045, %dma_start3A_1046] : memref<100000x8xf32, #tpu.memory_space<hbm>> -> memref<100000x8xf32, #tpu.memory_space<hbm>>
      tpu.enqueue_indirect_dma source(%dma_start3A_1047 : memref<100000x8xf32, #tpu.memory_space<hbm>>) target(%dma_start3A_1041 : memref<128x8xf32, #tpu.memory_space<vmem>>) offsets(%dma_start3A_1044 : memref<128xi32, #tpu.memory_space<vmem>>) semaphore(%arg9 : memref<!tpu.dma_semaphore, #tpu.memory_space<semaphore_mem>>)
      %mul3A_1048 = arith.constant 28 : i32
      %mul3A_1049 = arith.muli %add3A_879, %mul3A_1048 : i32
      %add3A_1050 = arith.constant 10 : i32
      %add3A_1051 = arith.addi %mul3A_1049, %add3A_1050 : i32
      %dma_start3A_1052 = arith.constant 1 : i32
      %dma_start3A_1053 = arith.constant 10 : i32
      %dma_start3A_1054 = arith.constant 0 : i32
      %dma_start3A_1055 = arith.constant 0 : i32
      %dma_start3A_1056 = tpu.memref_slice %arg6[%dma_start3A_1052, %dma_start3A_1053, %dma_start3A_1054, %dma_start3A_1055] : memref<2x28x128x8xf32, #tpu.memory_space<vmem>> -> memref<1x1x128x8xf32, #tpu.memory_space<vmem>>
      %dma_start3A_1057 = tpu.memref_squeeze %dma_start3A_1056 : memref<1x1x128x8xf32, #tpu.memory_space<vmem>> -> memref<128x8xf32, #tpu.memory_space<vmem>>
      %dma_start3A_1058 = arith.constant 0 : i32
      %dma_start3A_1059 = tpu.memref_slice %arg5[%add3A_1051, %dma_start3A_1058] : memref<224x128xi32, #tpu.memory_space<vmem>> -> memref<1x128xi32, #tpu.memory_space<vmem>>
      %dma_start3A_1060 = tpu.memref_squeeze %dma_start3A_1059 : memref<1x128xi32, #tpu.memory_space<vmem>> -> memref<128xi32, #tpu.memory_space<vmem>>
      %dma_start3A_1061 = arith.constant 0 : i32
      %dma_start3A_1062 = arith.constant 0 : i32
      %dma_start3A_1063 = tpu.memref_slice %arg2[%dma_start3A_1061, %dma_start3A_1062] : memref<100000x8xf32, #tpu.memory_space<hbm>> -> memref<100000x8xf32, #tpu.memory_space<hbm>>
      tpu.enqueue_indirect_dma source(%dma_start3A_1063 : memref<100000x8xf32, #tpu.memory_space<hbm>>) target(%dma_start3A_1057 : memref<128x8xf32, #tpu.memory_space<vmem>>) offsets(%dma_start3A_1060 : memref<128xi32, #tpu.memory_space<vmem>>) semaphore(%arg9 : memref<!tpu.dma_semaphore, #tpu.memory_space<semaphore_mem>>)
      %mul3A_1064 = arith.constant 28 : i32
      %mul3A_1065 = arith.muli %add3A_879, %mul3A_1064 : i32
      %add3A_1066 = arith.constant 11 : i32
      %add3A_1067 = arith.addi %mul3A_1065, %add3A_1066 : i32
      %dma_start3A_1068 = arith.constant 1 : i32
      %dma_start3A_1069 = arith.constant 11 : i32
      %dma_start3A_1070 = arith.constant 0 : i32
      %dma_start3A_1071 = arith.constant 0 : i32
      %dma_start3A_1072 = tpu.memref_slice %arg6[%dma_start3A_1068, %dma_start3A_1069, %dma_start3A_1070, %dma_start3A_1071] : memref<2x28x128x8xf32, #tpu.memory_space<vmem>> -> memref<1x1x128x8xf32, #tpu.memory_space<vmem>>
      %dma_start3A_1073 = tpu.memref_squeeze %dma_start3A_1072 : memref<1x1x128x8xf32, #tpu.memory_space<vmem>> -> memref<128x8xf32, #tpu.memory_space<vmem>>
      %dma_start3A_1074 = arith.constant 0 : i32
      %dma_start3A_1075 = tpu.memref_slice %arg5[%add3A_1067, %dma_start3A_1074] : memref<224x128xi32, #tpu.memory_space<vmem>> -> memref<1x128xi32, #tpu.memory_space<vmem>>
      %dma_start3A_1076 = tpu.memref_squeeze %dma_start3A_1075 : memref<1x128xi32, #tpu.memory_space<vmem>> -> memref<128xi32, #tpu.memory_space<vmem>>
      %dma_start3A_1077 = arith.constant 0 : i32
      %dma_start3A_1078 = arith.constant 0 : i32
      %dma_start3A_1079 = tpu.memref_slice %arg2[%dma_start3A_1077, %dma_start3A_1078] : memref<100000x8xf32, #tpu.memory_space<hbm>> -> memref<100000x8xf32, #tpu.memory_space<hbm>>
      tpu.enqueue_indirect_dma source(%dma_start3A_1079 : memref<100000x8xf32, #tpu.memory_space<hbm>>) target(%dma_start3A_1073 : memref<128x8xf32, #tpu.memory_space<vmem>>) offsets(%dma_start3A_1076 : memref<128xi32, #tpu.memory_space<vmem>>) semaphore(%arg9 : memref<!tpu.dma_semaphore, #tpu.memory_space<semaphore_mem>>)
      %mul3A_1080 = arith.constant 28 : i32
      %mul3A_1081 = arith.muli %add3A_879, %mul3A_1080 : i32
      %add3A_1082 = arith.constant 12 : i32
      %add3A_1083 = arith.addi %mul3A_1081, %add3A_1082 : i32
      %dma_start3A_1084 = arith.constant 1 : i32
      %dma_start3A_1085 = arith.constant 12 : i32
      %dma_start3A_1086 = arith.constant 0 : i32
      %dma_start3A_1087 = arith.constant 0 : i32
      %dma_start3A_1088 = tpu.memref_slice %arg6[%dma_start3A_1084, %dma_start3A_1085, %dma_start3A_1086, %dma_start3A_1087] : memref<2x28x128x8xf32, #tpu.memory_space<vmem>> -> memref<1x1x128x8xf32, #tpu.memory_space<vmem>>
      %dma_start3A_1089 = tpu.memref_squeeze %dma_start3A_1088 : memref<1x1x128x8xf32, #tpu.memory_space<vmem>> -> memref<128x8xf32, #tpu.memory_space<vmem>>
      %dma_start3A_1090 = arith.constant 0 : i32
      %dma_start3A_1091 = tpu.memref_slice %arg5[%add3A_1083, %dma_start3A_1090] : memref<224x128xi32, #tpu.memory_space<vmem>> -> memref<1x128xi32, #tpu.memory_space<vmem>>
      %dma_start3A_1092 = tpu.memref_squeeze %dma_start3A_1091 : memref<1x128xi32, #tpu.memory_space<vmem>> -> memref<128xi32, #tpu.memory_space<vmem>>
      %dma_start3A_1093 = arith.constant 0 : i32
      %dma_start3A_1094 = arith.constant 0 : i32
      %dma_start3A_1095 = tpu.memref_slice %arg2[%dma_start3A_1093, %dma_start3A_1094] : memref<100000x8xf32, #tpu.memory_space<hbm>> -> memref<100000x8xf32, #tpu.memory_space<hbm>>
      tpu.enqueue_indirect_dma source(%dma_start3A_1095 : memref<100000x8xf32, #tpu.memory_space<hbm>>) target(%dma_start3A_1089 : memref<128x8xf32, #tpu.memory_space<vmem>>) offsets(%dma_start3A_1092 : memref<128xi32, #tpu.memory_space<vmem>>) semaphore(%arg9 : memref<!tpu.dma_semaphore, #tpu.memory_space<semaphore_mem>>)
      %mul3A_1096 = arith.constant 28 : i32
      %mul3A_1097 = arith.muli %add3A_879, %mul3A_1096 : i32
      %add3A_1098 = arith.constant 13 : i32
      %add3A_1099 = arith.addi %mul3A_1097, %add3A_1098 : i32
      %dma_start3A_1100 = arith.constant 1 : i32
      %dma_start3A_1101 = arith.constant 13 : i32
      %dma_start3A_1102 = arith.constant 0 : i32
      %dma_start3A_1103 = arith.constant 0 : i32
      %dma_start3A_1104 = tpu.memref_slice %arg6[%dma_start3A_1100, %dma_start3A_1101, %dma_start3A_1102, %dma_start3A_1103] : memref<2x28x128x8xf32, #tpu.memory_space<vmem>> -> memref<1x1x128x8xf32, #tpu.memory_space<vmem>>
      %dma_start3A_1105 = tpu.memref_squeeze %dma_start3A_1104 : memref<1x1x128x8xf32, #tpu.memory_space<vmem>> -> memref<128x8xf32, #tpu.memory_space<vmem>>
      %dma_start3A_1106 = arith.constant 0 : i32
      %dma_start3A_1107 = tpu.memref_slice %arg5[%add3A_1099, %dma_start3A_1106] : memref<224x128xi32, #tpu.memory_space<vmem>> -> memref<1x128xi32, #tpu.memory_space<vmem>>
      %dma_start3A_1108 = tpu.memref_squeeze %dma_start3A_1107 : memref<1x128xi32, #tpu.memory_space<vmem>> -> memref<128xi32, #tpu.memory_space<vmem>>
      %dma_start3A_1109 = arith.constant 0 : i32
      %dma_start3A_1110 = arith.constant 0 : i32
      %dma_start3A_1111 = tpu.memref_slice %arg2[%dma_start3A_1109, %dma_start3A_1110] : memref<100000x8xf32, #tpu.memory_space<hbm>> -> memref<100000x8xf32, #tpu.memory_space<hbm>>
      tpu.enqueue_indirect_dma source(%dma_start3A_1111 : memref<100000x8xf32, #tpu.memory_space<hbm>>) target(%dma_start3A_1105 : memref<128x8xf32, #tpu.memory_space<vmem>>) offsets(%dma_start3A_1108 : memref<128xi32, #tpu.memory_space<vmem>>) semaphore(%arg9 : memref<!tpu.dma_semaphore, #tpu.memory_space<semaphore_mem>>)
      %mul3A_1112 = arith.constant 28 : i32
      %mul3A_1113 = arith.muli %add3A_879, %mul3A_1112 : i32
      %add3A_1114 = arith.constant 14 : i32
      %add3A_1115 = arith.addi %mul3A_1113, %add3A_1114 : i32
      %dma_start3A_1116 = arith.constant 1 : i32
      %dma_start3A_1117 = arith.constant 14 : i32
      %dma_start3A_1118 = arith.constant 0 : i32
      %dma_start3A_1119 = arith.constant 0 : i32
      %dma_start3A_1120 = tpu.memref_slice %arg6[%dma_start3A_1116, %dma_start3A_1117, %dma_start3A_1118, %dma_start3A_1119] : memref<2x28x128x8xf32, #tpu.memory_space<vmem>> -> memref<1x1x128x8xf32, #tpu.memory_space<vmem>>
      %dma_start3A_1121 = tpu.memref_squeeze %dma_start3A_1120 : memref<1x1x128x8xf32, #tpu.memory_space<vmem>> -> memref<128x8xf32, #tpu.memory_space<vmem>>
      %dma_start3A_1122 = arith.constant 0 : i32
      %dma_start3A_1123 = tpu.memref_slice %arg5[%add3A_1115, %dma_start3A_1122] : memref<224x128xi32, #tpu.memory_space<vmem>> -> memref<1x128xi32, #tpu.memory_space<vmem>>
      %dma_start3A_1124 = tpu.memref_squeeze %dma_start3A_1123 : memref<1x128xi32, #tpu.memory_space<vmem>> -> memref<128xi32, #tpu.memory_space<vmem>>
      %dma_start3A_1125 = arith.constant 0 : i32
      %dma_start3A_1126 = arith.constant 0 : i32
      %dma_start3A_1127 = tpu.memref_slice %arg2[%dma_start3A_1125, %dma_start3A_1126] : memref<100000x8xf32, #tpu.memory_space<hbm>> -> memref<100000x8xf32, #tpu.memory_space<hbm>>
      tpu.enqueue_indirect_dma source(%dma_start3A_1127 : memref<100000x8xf32, #tpu.memory_space<hbm>>) target(%dma_start3A_1121 : memref<128x8xf32, #tpu.memory_space<vmem>>) offsets(%dma_start3A_1124 : memref<128xi32, #tpu.memory_space<vmem>>) semaphore(%arg9 : memref<!tpu.dma_semaphore, #tpu.memory_space<semaphore_mem>>)
      %mul3A_1128 = arith.constant 28 : i32
      %mul3A_1129 = arith.muli %add3A_879, %mul3A_1128 : i32
      %add3A_1130 = arith.constant 15 : i32
      %add3A_1131 = arith.addi %mul3A_1129, %add3A_1130 : i32
      %dma_start3A_1132 = arith.constant 1 : i32
      %dma_start3A_1133 = arith.constant 15 : i32
      %dma_start3A_1134 = arith.constant 0 : i32
      %dma_start3A_1135 = arith.constant 0 : i32
      %dma_start3A_1136 = tpu.memref_slice %arg6[%dma_start3A_1132, %dma_start3A_1133, %dma_start3A_1134, %dma_start3A_1135] : memref<2x28x128x8xf32, #tpu.memory_space<vmem>> -> memref<1x1x128x8xf32, #tpu.memory_space<vmem>>
      %dma_start3A_1137 = tpu.memref_squeeze %dma_start3A_1136 : memref<1x1x128x8xf32, #tpu.memory_space<vmem>> -> memref<128x8xf32, #tpu.memory_space<vmem>>
      %dma_start3A_1138 = arith.constant 0 : i32
      %dma_start3A_1139 = tpu.memref_slice %arg5[%add3A_1131, %dma_start3A_1138] : memref<224x128xi32, #tpu.memory_space<vmem>> -> memref<1x128xi32, #tpu.memory_space<vmem>>
      %dma_start3A_1140 = tpu.memref_squeeze %dma_start3A_1139 : memref<1x128xi32, #tpu.memory_space<vmem>> -> memref<128xi32, #tpu.memory_space<vmem>>
      %dma_start3A_1141 = arith.constant 0 : i32
      %dma_start3A_1142 = arith.constant 0 : i32
      %dma_start3A_1143 = tpu.memref_slice %arg2[%dma_start3A_1141, %dma_start3A_1142] : memref<100000x8xf32, #tpu.memory_space<hbm>> -> memref<100000x8xf32, #tpu.memory_space<hbm>>
      tpu.enqueue_indirect_dma source(%dma_start3A_1143 : memref<100000x8xf32, #tpu.memory_space<hbm>>) target(%dma_start3A_1137 : memref<128x8xf32, #tpu.memory_space<vmem>>) offsets(%dma_start3A_1140 : memref<128xi32, #tpu.memory_space<vmem>>) semaphore(%arg9 : memref<!tpu.dma_semaphore, #tpu.memory_space<semaphore_mem>>)
      %mul3A_1144 = arith.constant 28 : i32
      %mul3A_1145 = arith.muli %add3A_879, %mul3A_1144 : i32
      %add3A_1146 = arith.constant 16 : i32
      %add3A_1147 = arith.addi %mul3A_1145, %add3A_1146 : i32
      %dma_start3A_1148 = arith.constant 1 : i32
      %dma_start3A_1149 = arith.constant 16 : i32
      %dma_start3A_1150 = arith.constant 0 : i32
      %dma_start3A_1151 = arith.constant 0 : i32
      %dma_start3A_1152 = tpu.memref_slice %arg6[%dma_start3A_1148, %dma_start3A_1149, %dma_start3A_1150, %dma_start3A_1151] : memref<2x28x128x8xf32, #tpu.memory_space<vmem>> -> memref<1x1x128x8xf32, #tpu.memory_space<vmem>>
      %dma_start3A_1153 = tpu.memref_squeeze %dma_start3A_1152 : memref<1x1x128x8xf32, #tpu.memory_space<vmem>> -> memref<128x8xf32, #tpu.memory_space<vmem>>
      %dma_start3A_1154 = arith.constant 0 : i32
      %dma_start3A_1155 = tpu.memref_slice %arg5[%add3A_1147, %dma_start3A_1154] : memref<224x128xi32, #tpu.memory_space<vmem>> -> memref<1x128xi32, #tpu.memory_space<vmem>>
      %dma_start3A_1156 = tpu.memref_squeeze %dma_start3A_1155 : memref<1x128xi32, #tpu.memory_space<vmem>> -> memref<128xi32, #tpu.memory_space<vmem>>
      %dma_start3A_1157 = arith.constant 0 : i32
      %dma_start3A_1158 = arith.constant 0 : i32
      %dma_start3A_1159 = tpu.memref_slice %arg2[%dma_start3A_1157, %dma_start3A_1158] : memref<100000x8xf32, #tpu.memory_space<hbm>> -> memref<100000x8xf32, #tpu.memory_space<hbm>>
      tpu.enqueue_indirect_dma source(%dma_start3A_1159 : memref<100000x8xf32, #tpu.memory_space<hbm>>) target(%dma_start3A_1153 : memref<128x8xf32, #tpu.memory_space<vmem>>) offsets(%dma_start3A_1156 : memref<128xi32, #tpu.memory_space<vmem>>) semaphore(%arg9 : memref<!tpu.dma_semaphore, #tpu.memory_space<semaphore_mem>>)
      %mul3A_1160 = arith.constant 28 : i32
      %mul3A_1161 = arith.muli %add3A_879, %mul3A_1160 : i32
      %add3A_1162 = arith.constant 17 : i32
      %add3A_1163 = arith.addi %mul3A_1161, %add3A_1162 : i32
      %dma_start3A_1164 = arith.constant 1 : i32
      %dma_start3A_1165 = arith.constant 17 : i32
      %dma_start3A_1166 = arith.constant 0 : i32
      %dma_start3A_1167 = arith.constant 0 : i32
      %dma_start3A_1168 = tpu.memref_slice %arg6[%dma_start3A_1164, %dma_start3A_1165, %dma_start3A_1166, %dma_start3A_1167] : memref<2x28x128x8xf32, #tpu.memory_space<vmem>> -> memref<1x1x128x8xf32, #tpu.memory_space<vmem>>
      %dma_start3A_1169 = tpu.memref_squeeze %dma_start3A_1168 : memref<1x1x128x8xf32, #tpu.memory_space<vmem>> -> memref<128x8xf32, #tpu.memory_space<vmem>>
      %dma_start3A_1170 = arith.constant 0 : i32
      %dma_start3A_1171 = tpu.memref_slice %arg5[%add3A_1163, %dma_start3A_1170] : memref<224x128xi32, #tpu.memory_space<vmem>> -> memref<1x128xi32, #tpu.memory_space<vmem>>
      %dma_start3A_1172 = tpu.memref_squeeze %dma_start3A_1171 : memref<1x128xi32, #tpu.memory_space<vmem>> -> memref<128xi32, #tpu.memory_space<vmem>>
      %dma_start3A_1173 = arith.constant 0 : i32
      %dma_start3A_1174 = arith.constant 0 : i32
      %dma_start3A_1175 = tpu.memref_slice %arg2[%dma_start3A_1173, %dma_start3A_1174] : memref<100000x8xf32, #tpu.memory_space<hbm>> -> memref<100000x8xf32, #tpu.memory_space<hbm>>
      tpu.enqueue_indirect_dma source(%dma_start3A_1175 : memref<100000x8xf32, #tpu.memory_space<hbm>>) target(%dma_start3A_1169 : memref<128x8xf32, #tpu.memory_space<vmem>>) offsets(%dma_start3A_1172 : memref<128xi32, #tpu.memory_space<vmem>>) semaphore(%arg9 : memref<!tpu.dma_semaphore, #tpu.memory_space<semaphore_mem>>)
      %mul3A_1176 = arith.constant 28 : i32
      %mul3A_1177 = arith.muli %add3A_879, %mul3A_1176 : i32
      %add3A_1178 = arith.constant 18 : i32
      %add3A_1179 = arith.addi %mul3A_1177, %add3A_1178 : i32
      %dma_start3A_1180 = arith.constant 1 : i32
      %dma_start3A_1181 = arith.constant 18 : i32
      %dma_start3A_1182 = arith.constant 0 : i32
      %dma_start3A_1183 = arith.constant 0 : i32
      %dma_start3A_1184 = tpu.memref_slice %arg6[%dma_start3A_1180, %dma_start3A_1181, %dma_start3A_1182, %dma_start3A_1183] : memref<2x28x128x8xf32, #tpu.memory_space<vmem>> -> memref<1x1x128x8xf32, #tpu.memory_space<vmem>>
      %dma_start3A_1185 = tpu.memref_squeeze %dma_start3A_1184 : memref<1x1x128x8xf32, #tpu.memory_space<vmem>> -> memref<128x8xf32, #tpu.memory_space<vmem>>
      %dma_start3A_1186 = arith.constant 0 : i32
      %dma_start3A_1187 = tpu.memref_slice %arg5[%add3A_1179, %dma_start3A_1186] : memref<224x128xi32, #tpu.memory_space<vmem>> -> memref<1x128xi32, #tpu.memory_space<vmem>>
      %dma_start3A_1188 = tpu.memref_squeeze %dma_start3A_1187 : memref<1x128xi32, #tpu.memory_space<vmem>> -> memref<128xi32, #tpu.memory_space<vmem>>
      %dma_start3A_1189 = arith.constant 0 : i32
      %dma_start3A_1190 = arith.constant 0 : i32
      %dma_start3A_1191 = tpu.memref_slice %arg2[%dma_start3A_1189, %dma_start3A_1190] : memref<100000x8xf32, #tpu.memory_space<hbm>> -> memref<100000x8xf32, #tpu.memory_space<hbm>>
      tpu.enqueue_indirect_dma source(%dma_start3A_1191 : memref<100000x8xf32, #tpu.memory_space<hbm>>) target(%dma_start3A_1185 : memref<128x8xf32, #tpu.memory_space<vmem>>) offsets(%dma_start3A_1188 : memref<128xi32, #tpu.memory_space<vmem>>) semaphore(%arg9 : memref<!tpu.dma_semaphore, #tpu.memory_space<semaphore_mem>>)
      %mul3A_1192 = arith.constant 28 : i32
      %mul3A_1193 = arith.muli %add3A_879, %mul3A_1192 : i32
      %add3A_1194 = arith.constant 19 : i32
      %add3A_1195 = arith.addi %mul3A_1193, %add3A_1194 : i32
      %dma_start3A_1196 = arith.constant 1 : i32
      %dma_start3A_1197 = arith.constant 19 : i32
      %dma_start3A_1198 = arith.constant 0 : i32
      %dma_start3A_1199 = arith.constant 0 : i32
      %dma_start3A_1200 = tpu.memref_slice %arg6[%dma_start3A_1196, %dma_start3A_1197, %dma_start3A_1198, %dma_start3A_1199] : memref<2x28x128x8xf32, #tpu.memory_space<vmem>> -> memref<1x1x128x8xf32, #tpu.memory_space<vmem>>
      %dma_start3A_1201 = tpu.memref_squeeze %dma_start3A_1200 : memref<1x1x128x8xf32, #tpu.memory_space<vmem>> -> memref<128x8xf32, #tpu.memory_space<vmem>>
      %dma_start3A_1202 = arith.constant 0 : i32
      %dma_start3A_1203 = tpu.memref_slice %arg5[%add3A_1195, %dma_start3A_1202] : memref<224x128xi32, #tpu.memory_space<vmem>> -> memref<1x128xi32, #tpu.memory_space<vmem>>
      %dma_start3A_1204 = tpu.memref_squeeze %dma_start3A_1203 : memref<1x128xi32, #tpu.memory_space<vmem>> -> memref<128xi32, #tpu.memory_space<vmem>>
      %dma_start3A_1205 = arith.constant 0 : i32
      %dma_start3A_1206 = arith.constant 0 : i32
      %dma_start3A_1207 = tpu.memref_slice %arg2[%dma_start3A_1205, %dma_start3A_1206] : memref<100000x8xf32, #tpu.memory_space<hbm>> -> memref<100000x8xf32, #tpu.memory_space<hbm>>
      tpu.enqueue_indirect_dma source(%dma_start3A_1207 : memref<100000x8xf32, #tpu.memory_space<hbm>>) target(%dma_start3A_1201 : memref<128x8xf32, #tpu.memory_space<vmem>>) offsets(%dma_start3A_1204 : memref<128xi32, #tpu.memory_space<vmem>>) semaphore(%arg9 : memref<!tpu.dma_semaphore, #tpu.memory_space<semaphore_mem>>)
      %mul3A_1208 = arith.constant 28 : i32
      %mul3A_1209 = arith.muli %add3A_879, %mul3A_1208 : i32
      %add3A_1210 = arith.constant 20 : i32
      %add3A_1211 = arith.addi %mul3A_1209, %add3A_1210 : i32
      %dma_start3A_1212 = arith.constant 1 : i32
      %dma_start3A_1213 = arith.constant 20 : i32
      %dma_start3A_1214 = arith.constant 0 : i32
      %dma_start3A_1215 = arith.constant 0 : i32
      %dma_start3A_1216 = tpu.memref_slice %arg6[%dma_start3A_1212, %dma_start3A_1213, %dma_start3A_1214, %dma_start3A_1215] : memref<2x28x128x8xf32, #tpu.memory_space<vmem>> -> memref<1x1x128x8xf32, #tpu.memory_space<vmem>>
      %dma_start3A_1217 = tpu.memref_squeeze %dma_start3A_1216 : memref<1x1x128x8xf32, #tpu.memory_space<vmem>> -> memref<128x8xf32, #tpu.memory_space<vmem>>
      %dma_start3A_1218 = arith.constant 0 : i32
      %dma_start3A_1219 = tpu.memref_slice %arg5[%add3A_1211, %dma_start3A_1218] : memref<224x128xi32, #tpu.memory_space<vmem>> -> memref<1x128xi32, #tpu.memory_space<vmem>>
      %dma_start3A_1220 = tpu.memref_squeeze %dma_start3A_1219 : memref<1x128xi32, #tpu.memory_space<vmem>> -> memref<128xi32, #tpu.memory_space<vmem>>
      %dma_start3A_1221 = arith.constant 0 : i32
      %dma_start3A_1222 = arith.constant 0 : i32
      %dma_start3A_1223 = tpu.memref_slice %arg2[%dma_start3A_1221, %dma_start3A_1222] : memref<100000x8xf32, #tpu.memory_space<hbm>> -> memref<100000x8xf32, #tpu.memory_space<hbm>>
      tpu.enqueue_indirect_dma source(%dma_start3A_1223 : memref<100000x8xf32, #tpu.memory_space<hbm>>) target(%dma_start3A_1217 : memref<128x8xf32, #tpu.memory_space<vmem>>) offsets(%dma_start3A_1220 : memref<128xi32, #tpu.memory_space<vmem>>) semaphore(%arg9 : memref<!tpu.dma_semaphore, #tpu.memory_space<semaphore_mem>>)
      %mul3A_1224 = arith.constant 28 : i32
      %mul3A_1225 = arith.muli %add3A_879, %mul3A_1224 : i32
      %add3A_1226 = arith.constant 21 : i32
      %add3A_1227 = arith.addi %mul3A_1225, %add3A_1226 : i32
      %dma_start3A_1228 = arith.constant 1 : i32
      %dma_start3A_1229 = arith.constant 21 : i32
      %dma_start3A_1230 = arith.constant 0 : i32
      %dma_start3A_1231 = arith.constant 0 : i32
      %dma_start3A_1232 = tpu.memref_slice %arg6[%dma_start3A_1228, %dma_start3A_1229, %dma_start3A_1230, %dma_start3A_1231] : memref<2x28x128x8xf32, #tpu.memory_space<vmem>> -> memref<1x1x128x8xf32, #tpu.memory_space<vmem>>
      %dma_start3A_1233 = tpu.memref_squeeze %dma_start3A_1232 : memref<1x1x128x8xf32, #tpu.memory_space<vmem>> -> memref<128x8xf32, #tpu.memory_space<vmem>>
      %dma_start3A_1234 = arith.constant 0 : i32
      %dma_start3A_1235 = tpu.memref_slice %arg5[%add3A_1227, %dma_start3A_1234] : memref<224x128xi32, #tpu.memory_space<vmem>> -> memref<1x128xi32, #tpu.memory_space<vmem>>
      %dma_start3A_1236 = tpu.memref_squeeze %dma_start3A_1235 : memref<1x128xi32, #tpu.memory_space<vmem>> -> memref<128xi32, #tpu.memory_space<vmem>>
      %dma_start3A_1237 = arith.constant 0 : i32
      %dma_start3A_1238 = arith.constant 0 : i32
      %dma_start3A_1239 = tpu.memref_slice %arg2[%dma_start3A_1237, %dma_start3A_1238] : memref<100000x8xf32, #tpu.memory_space<hbm>> -> memref<100000x8xf32, #tpu.memory_space<hbm>>
      tpu.enqueue_indirect_dma source(%dma_start3A_1239 : memref<100000x8xf32, #tpu.memory_space<hbm>>) target(%dma_start3A_1233 : memref<128x8xf32, #tpu.memory_space<vmem>>) offsets(%dma_start3A_1236 : memref<128xi32, #tpu.memory_space<vmem>>) semaphore(%arg9 : memref<!tpu.dma_semaphore, #tpu.memory_space<semaphore_mem>>)
      %mul3A_1240 = arith.constant 28 : i32
      %mul3A_1241 = arith.muli %add3A_879, %mul3A_1240 : i32
      %add3A_1242 = arith.constant 22 : i32
      %add3A_1243 = arith.addi %mul3A_1241, %add3A_1242 : i32
      %dma_start3A_1244 = arith.constant 1 : i32
      %dma_start3A_1245 = arith.constant 22 : i32
      %dma_start3A_1246 = arith.constant 0 : i32
      %dma_start3A_1247 = arith.constant 0 : i32
      %dma_start3A_1248 = tpu.memref_slice %arg6[%dma_start3A_1244, %dma_start3A_1245, %dma_start3A_1246, %dma_start3A_1247] : memref<2x28x128x8xf32, #tpu.memory_space<vmem>> -> memref<1x1x128x8xf32, #tpu.memory_space<vmem>>
      %dma_start3A_1249 = tpu.memref_squeeze %dma_start3A_1248 : memref<1x1x128x8xf32, #tpu.memory_space<vmem>> -> memref<128x8xf32, #tpu.memory_space<vmem>>
      %dma_start3A_1250 = arith.constant 0 : i32
      %dma_start3A_1251 = tpu.memref_slice %arg5[%add3A_1243, %dma_start3A_1250] : memref<224x128xi32, #tpu.memory_space<vmem>> -> memref<1x128xi32, #tpu.memory_space<vmem>>
      %dma_start3A_1252 = tpu.memref_squeeze %dma_start3A_1251 : memref<1x128xi32, #tpu.memory_space<vmem>> -> memref<128xi32, #tpu.memory_space<vmem>>
      %dma_start3A_1253 = arith.constant 0 : i32
      %dma_start3A_1254 = arith.constant 0 : i32
      %dma_start3A_1255 = tpu.memref_slice %arg2[%dma_start3A_1253, %dma_start3A_1254] : memref<100000x8xf32, #tpu.memory_space<hbm>> -> memref<100000x8xf32, #tpu.memory_space<hbm>>
      tpu.enqueue_indirect_dma source(%dma_start3A_1255 : memref<100000x8xf32, #tpu.memory_space<hbm>>) target(%dma_start3A_1249 : memref<128x8xf32, #tpu.memory_space<vmem>>) offsets(%dma_start3A_1252 : memref<128xi32, #tpu.memory_space<vmem>>) semaphore(%arg9 : memref<!tpu.dma_semaphore, #tpu.memory_space<semaphore_mem>>)
      %mul3A_1256 = arith.constant 28 : i32
      %mul3A_1257 = arith.muli %add3A_879, %mul3A_1256 : i32
      %add3A_1258 = arith.constant 23 : i32
      %add3A_1259 = arith.addi %mul3A_1257, %add3A_1258 : i32
      %dma_start3A_1260 = arith.constant 1 : i32
      %dma_start3A_1261 = arith.constant 23 : i32
      %dma_start3A_1262 = arith.constant 0 : i32
      %dma_start3A_1263 = arith.constant 0 : i32
      %dma_start3A_1264 = tpu.memref_slice %arg6[%dma_start3A_1260, %dma_start3A_1261, %dma_start3A_1262, %dma_start3A_1263] : memref<2x28x128x8xf32, #tpu.memory_space<vmem>> -> memref<1x1x128x8xf32, #tpu.memory_space<vmem>>
      %dma_start3A_1265 = tpu.memref_squeeze %dma_start3A_1264 : memref<1x1x128x8xf32, #tpu.memory_space<vmem>> -> memref<128x8xf32, #tpu.memory_space<vmem>>
      %dma_start3A_1266 = arith.constant 0 : i32
      %dma_start3A_1267 = tpu.memref_slice %arg5[%add3A_1259, %dma_start3A_1266] : memref<224x128xi32, #tpu.memory_space<vmem>> -> memref<1x128xi32, #tpu.memory_space<vmem>>
      %dma_start3A_1268 = tpu.memref_squeeze %dma_start3A_1267 : memref<1x128xi32, #tpu.memory_space<vmem>> -> memref<128xi32, #tpu.memory_space<vmem>>
      %dma_start3A_1269 = arith.constant 0 : i32
      %dma_start3A_1270 = arith.constant 0 : i32
      %dma_start3A_1271 = tpu.memref_slice %arg2[%dma_start3A_1269, %dma_start3A_1270] : memref<100000x8xf32, #tpu.memory_space<hbm>> -> memref<100000x8xf32, #tpu.memory_space<hbm>>
      tpu.enqueue_indirect_dma source(%dma_start3A_1271 : memref<100000x8xf32, #tpu.memory_space<hbm>>) target(%dma_start3A_1265 : memref<128x8xf32, #tpu.memory_space<vmem>>) offsets(%dma_start3A_1268 : memref<128xi32, #tpu.memory_space<vmem>>) semaphore(%arg9 : memref<!tpu.dma_semaphore, #tpu.memory_space<semaphore_mem>>)
      %mul3A_1272 = arith.constant 28 : i32
      %mul3A_1273 = arith.muli %add3A_879, %mul3A_1272 : i32
      %add3A_1274 = arith.constant 24 : i32
      %add3A_1275 = arith.addi %mul3A_1273, %add3A_1274 : i32
      %dma_start3A_1276 = arith.constant 1 : i32
      %dma_start3A_1277 = arith.constant 24 : i32
      %dma_start3A_1278 = arith.constant 0 : i32
      %dma_start3A_1279 = arith.constant 0 : i32
      %dma_start3A_1280 = tpu.memref_slice %arg6[%dma_start3A_1276, %dma_start3A_1277, %dma_start3A_1278, %dma_start3A_1279] : memref<2x28x128x8xf32, #tpu.memory_space<vmem>> -> memref<1x1x128x8xf32, #tpu.memory_space<vmem>>
      %dma_start3A_1281 = tpu.memref_squeeze %dma_start3A_1280 : memref<1x1x128x8xf32, #tpu.memory_space<vmem>> -> memref<128x8xf32, #tpu.memory_space<vmem>>
      %dma_start3A_1282 = arith.constant 0 : i32
      %dma_start3A_1283 = tpu.memref_slice %arg5[%add3A_1275, %dma_start3A_1282] : memref<224x128xi32, #tpu.memory_space<vmem>> -> memref<1x128xi32, #tpu.memory_space<vmem>>
      %dma_start3A_1284 = tpu.memref_squeeze %dma_start3A_1283 : memref<1x128xi32, #tpu.memory_space<vmem>> -> memref<128xi32, #tpu.memory_space<vmem>>
      %dma_start3A_1285 = arith.constant 0 : i32
      %dma_start3A_1286 = arith.constant 0 : i32
      %dma_start3A_1287 = tpu.memref_slice %arg2[%dma_start3A_1285, %dma_start3A_1286] : memref<100000x8xf32, #tpu.memory_space<hbm>> -> memref<100000x8xf32, #tpu.memory_space<hbm>>
      tpu.enqueue_indirect_dma source(%dma_start3A_1287 : memref<100000x8xf32, #tpu.memory_space<hbm>>) target(%dma_start3A_1281 : memref<128x8xf32, #tpu.memory_space<vmem>>) offsets(%dma_start3A_1284 : memref<128xi32, #tpu.memory_space<vmem>>) semaphore(%arg9 : memref<!tpu.dma_semaphore, #tpu.memory_space<semaphore_mem>>)
      %mul3A_1288 = arith.constant 28 : i32
      %mul3A_1289 = arith.muli %add3A_879, %mul3A_1288 : i32
      %add3A_1290 = arith.constant 25 : i32
      %add3A_1291 = arith.addi %mul3A_1289, %add3A_1290 : i32
      %dma_start3A_1292 = arith.constant 1 : i32
      %dma_start3A_1293 = arith.constant 25 : i32
      %dma_start3A_1294 = arith.constant 0 : i32
      %dma_start3A_1295 = arith.constant 0 : i32
      %dma_start3A_1296 = tpu.memref_slice %arg6[%dma_start3A_1292, %dma_start3A_1293, %dma_start3A_1294, %dma_start3A_1295] : memref<2x28x128x8xf32, #tpu.memory_space<vmem>> -> memref<1x1x128x8xf32, #tpu.memory_space<vmem>>
      %dma_start3A_1297 = tpu.memref_squeeze %dma_start3A_1296 : memref<1x1x128x8xf32, #tpu.memory_space<vmem>> -> memref<128x8xf32, #tpu.memory_space<vmem>>
      %dma_start3A_1298 = arith.constant 0 : i32
      %dma_start3A_1299 = tpu.memref_slice %arg5[%add3A_1291, %dma_start3A_1298] : memref<224x128xi32, #tpu.memory_space<vmem>> -> memref<1x128xi32, #tpu.memory_space<vmem>>
      %dma_start3A_1300 = tpu.memref_squeeze %dma_start3A_1299 : memref<1x128xi32, #tpu.memory_space<vmem>> -> memref<128xi32, #tpu.memory_space<vmem>>
      %dma_start3A_1301 = arith.constant 0 : i32
      %dma_start3A_1302 = arith.constant 0 : i32
      %dma_start3A_1303 = tpu.memref_slice %arg2[%dma_start3A_1301, %dma_start3A_1302] : memref<100000x8xf32, #tpu.memory_space<hbm>> -> memref<100000x8xf32, #tpu.memory_space<hbm>>
      tpu.enqueue_indirect_dma source(%dma_start3A_1303 : memref<100000x8xf32, #tpu.memory_space<hbm>>) target(%dma_start3A_1297 : memref<128x8xf32, #tpu.memory_space<vmem>>) offsets(%dma_start3A_1300 : memref<128xi32, #tpu.memory_space<vmem>>) semaphore(%arg9 : memref<!tpu.dma_semaphore, #tpu.memory_space<semaphore_mem>>)
      %mul3A_1304 = arith.constant 28 : i32
      %mul3A_1305 = arith.muli %add3A_879, %mul3A_1304 : i32
      %add3A_1306 = arith.constant 26 : i32
      %add3A_1307 = arith.addi %mul3A_1305, %add3A_1306 : i32
      %dma_start3A_1308 = arith.constant 1 : i32
      %dma_start3A_1309 = arith.constant 26 : i32
      %dma_start3A_1310 = arith.constant 0 : i32
      %dma_start3A_1311 = arith.constant 0 : i32
      %dma_start3A_1312 = tpu.memref_slice %arg6[%dma_start3A_1308, %dma_start3A_1309, %dma_start3A_1310, %dma_start3A_1311] : memref<2x28x128x8xf32, #tpu.memory_space<vmem>> -> memref<1x1x128x8xf32, #tpu.memory_space<vmem>>
      %dma_start3A_1313 = tpu.memref_squeeze %dma_start3A_1312 : memref<1x1x128x8xf32, #tpu.memory_space<vmem>> -> memref<128x8xf32, #tpu.memory_space<vmem>>
      %dma_start3A_1314 = arith.constant 0 : i32
      %dma_start3A_1315 = tpu.memref_slice %arg5[%add3A_1307, %dma_start3A_1314] : memref<224x128xi32, #tpu.memory_space<vmem>> -> memref<1x128xi32, #tpu.memory_space<vmem>>
      %dma_start3A_1316 = tpu.memref_squeeze %dma_start3A_1315 : memref<1x128xi32, #tpu.memory_space<vmem>> -> memref<128xi32, #tpu.memory_space<vmem>>
      %dma_start3A_1317 = arith.constant 0 : i32
      %dma_start3A_1318 = arith.constant 0 : i32
      %dma_start3A_1319 = tpu.memref_slice %arg2[%dma_start3A_1317, %dma_start3A_1318] : memref<100000x8xf32, #tpu.memory_space<hbm>> -> memref<100000x8xf32, #tpu.memory_space<hbm>>
      tpu.enqueue_indirect_dma source(%dma_start3A_1319 : memref<100000x8xf32, #tpu.memory_space<hbm>>) target(%dma_start3A_1313 : memref<128x8xf32, #tpu.memory_space<vmem>>) offsets(%dma_start3A_1316 : memref<128xi32, #tpu.memory_space<vmem>>) semaphore(%arg9 : memref<!tpu.dma_semaphore, #tpu.memory_space<semaphore_mem>>)
      %mul3A_1320 = arith.constant 28 : i32
      %mul3A_1321 = arith.muli %add3A_879, %mul3A_1320 : i32
      %add3A_1322 = arith.constant 27 : i32
      %add3A_1323 = arith.addi %mul3A_1321, %add3A_1322 : i32
      %dma_start3A_1324 = arith.constant 1 : i32
      %dma_start3A_1325 = arith.constant 27 : i32
      %dma_start3A_1326 = arith.constant 0 : i32
      %dma_start3A_1327 = arith.constant 0 : i32
      %dma_start3A_1328 = tpu.memref_slice %arg6[%dma_start3A_1324, %dma_start3A_1325, %dma_start3A_1326, %dma_start3A_1327] : memref<2x28x128x8xf32, #tpu.memory_space<vmem>> -> memref<1x1x128x8xf32, #tpu.memory_space<vmem>>
      %dma_start3A_1329 = tpu.memref_squeeze %dma_start3A_1328 : memref<1x1x128x8xf32, #tpu.memory_space<vmem>> -> memref<128x8xf32, #tpu.memory_space<vmem>>
      %dma_start3A_1330 = arith.constant 0 : i32
      %dma_start3A_1331 = tpu.memref_slice %arg5[%add3A_1323, %dma_start3A_1330] : memref<224x128xi32, #tpu.memory_space<vmem>> -> memref<1x128xi32, #tpu.memory_space<vmem>>
      %dma_start3A_1332 = tpu.memref_squeeze %dma_start3A_1331 : memref<1x128xi32, #tpu.memory_space<vmem>> -> memref<128xi32, #tpu.memory_space<vmem>>
      %dma_start3A_1333 = arith.constant 0 : i32
      %dma_start3A_1334 = arith.constant 0 : i32
      %dma_start3A_1335 = tpu.memref_slice %arg2[%dma_start3A_1333, %dma_start3A_1334] : memref<100000x8xf32, #tpu.memory_space<hbm>> -> memref<100000x8xf32, #tpu.memory_space<hbm>>
      tpu.enqueue_indirect_dma source(%dma_start3A_1335 : memref<100000x8xf32, #tpu.memory_space<hbm>>) target(%dma_start3A_1329 : memref<128x8xf32, #tpu.memory_space<vmem>>) offsets(%dma_start3A_1332 : memref<128xi32, #tpu.memory_space<vmem>>) semaphore(%arg9 : memref<!tpu.dma_semaphore, #tpu.memory_space<semaphore_mem>>)
      %dma_wait3A_1336 = arith.constant 1 : i32
      %dma_wait3A_1337 = arith.constant 0 : i32
      %dma_wait3A_1338 = arith.constant 0 : i32
      %dma_wait3A_1339 = arith.constant 0 : i32
      %dma_wait3A_1340 = tpu.memref_slice %arg6[%dma_wait3A_1336, %dma_wait3A_1337, %dma_wait3A_1338, %dma_wait3A_1339] : memref<2x28x128x8xf32, #tpu.memory_space<vmem>> -> memref<1x1x128x8xf32, #tpu.memory_space<vmem>>
      %dma_wait3A_1341 = tpu.memref_squeeze %dma_wait3A_1340 : memref<1x1x128x8xf32, #tpu.memory_space<vmem>> -> memref<128x8xf32, #tpu.memory_space<vmem>>
      %dma_wait3A_1342 = arith.constant 0 : i32
      %dma_wait3A_1343 = tpu.memref_slice %arg5[%add3A_891, %dma_wait3A_1342] : memref<224x128xi32, #tpu.memory_space<vmem>> -> memref<1x128xi32, #tpu.memory_space<vmem>>
      %dma_wait3A_1344 = tpu.memref_squeeze %dma_wait3A_1343 : memref<1x128xi32, #tpu.memory_space<vmem>> -> memref<128xi32, #tpu.memory_space<vmem>>
      %dma_wait3A_1345 = arith.constant 0 : i32
      %dma_wait3A_1346 = arith.constant 0 : i32
      %dma_wait3A_1347 = tpu.memref_slice %arg2[%dma_wait3A_1345, %dma_wait3A_1346] : memref<100000x8xf32, #tpu.memory_space<hbm>> -> memref<100000x8xf32, #tpu.memory_space<hbm>>
      tpu.wait_indirect_dma semaphore(%arg9 : memref<!tpu.dma_semaphore, #tpu.memory_space<semaphore_mem>>) src(%dma_wait3A_1347 : memref<100000x8xf32, #tpu.memory_space<hbm>>) dst(%dma_wait3A_1341 : memref<128x8xf32, #tpu.memory_space<vmem>>)
      %dma_wait3A_1348 = arith.constant 1 : i32
      %dma_wait3A_1349 = arith.constant 1 : i32
      %dma_wait3A_1350 = arith.constant 0 : i32
      %dma_wait3A_1351 = arith.constant 0 : i32
      %dma_wait3A_1352 = tpu.memref_slice %arg6[%dma_wait3A_1348, %dma_wait3A_1349, %dma_wait3A_1350, %dma_wait3A_1351] : memref<2x28x128x8xf32, #tpu.memory_space<vmem>> -> memref<1x1x128x8xf32, #tpu.memory_space<vmem>>
      %dma_wait3A_1353 = tpu.memref_squeeze %dma_wait3A_1352 : memref<1x1x128x8xf32, #tpu.memory_space<vmem>> -> memref<128x8xf32, #tpu.memory_space<vmem>>
      %dma_wait3A_1354 = arith.constant 0 : i32
      %dma_wait3A_1355 = tpu.memref_slice %arg5[%add3A_907, %dma_wait3A_1354] : memref<224x128xi32, #tpu.memory_space<vmem>> -> memref<1x128xi32, #tpu.memory_space<vmem>>
      %dma_wait3A_1356 = tpu.memref_squeeze %dma_wait3A_1355 : memref<1x128xi32, #tpu.memory_space<vmem>> -> memref<128xi32, #tpu.memory_space<vmem>>
      %dma_wait3A_1357 = arith.constant 0 : i32
      %dma_wait3A_1358 = arith.constant 0 : i32
      %dma_wait3A_1359 = tpu.memref_slice %arg2[%dma_wait3A_1357, %dma_wait3A_1358] : memref<100000x8xf32, #tpu.memory_space<hbm>> -> memref<100000x8xf32, #tpu.memory_space<hbm>>
      tpu.wait_indirect_dma semaphore(%arg9 : memref<!tpu.dma_semaphore, #tpu.memory_space<semaphore_mem>>) src(%dma_wait3A_1359 : memref<100000x8xf32, #tpu.memory_space<hbm>>) dst(%dma_wait3A_1353 : memref<128x8xf32, #tpu.memory_space<vmem>>)
      %dma_wait3A_1360 = arith.constant 1 : i32
      %dma_wait3A_1361 = arith.constant 2 : i32
      %dma_wait3A_1362 = arith.constant 0 : i32
      %dma_wait3A_1363 = arith.constant 0 : i32
      %dma_wait3A_1364 = tpu.memref_slice %arg6[%dma_wait3A_1360, %dma_wait3A_1361, %dma_wait3A_1362, %dma_wait3A_1363] : memref<2x28x128x8xf32, #tpu.memory_space<vmem>> -> memref<1x1x128x8xf32, #tpu.memory_space<vmem>>
      %dma_wait3A_1365 = tpu.memref_squeeze %dma_wait3A_1364 : memref<1x1x128x8xf32, #tpu.memory_space<vmem>> -> memref<128x8xf32, #tpu.memory_space<vmem>>
      %dma_wait3A_1366 = arith.constant 0 : i32
      %dma_wait3A_1367 = tpu.memref_slice %arg5[%add3A_923, %dma_wait3A_1366] : memref<224x128xi32, #tpu.memory_space<vmem>> -> memref<1x128xi32, #tpu.memory_space<vmem>>
      %dma_wait3A_1368 = tpu.memref_squeeze %dma_wait3A_1367 : memref<1x128xi32, #tpu.memory_space<vmem>> -> memref<128xi32, #tpu.memory_space<vmem>>
      %dma_wait3A_1369 = arith.constant 0 : i32
      %dma_wait3A_1370 = arith.constant 0 : i32
      %dma_wait3A_1371 = tpu.memref_slice %arg2[%dma_wait3A_1369, %dma_wait3A_1370] : memref<100000x8xf32, #tpu.memory_space<hbm>> -> memref<100000x8xf32, #tpu.memory_space<hbm>>
      tpu.wait_indirect_dma semaphore(%arg9 : memref<!tpu.dma_semaphore, #tpu.memory_space<semaphore_mem>>) src(%dma_wait3A_1371 : memref<100000x8xf32, #tpu.memory_space<hbm>>) dst(%dma_wait3A_1365 : memref<128x8xf32, #tpu.memory_space<vmem>>)
      %dma_wait3A_1372 = arith.constant 1 : i32
      %dma_wait3A_1373 = arith.constant 3 : i32
      %dma_wait3A_1374 = arith.constant 0 : i32
      %dma_wait3A_1375 = arith.constant 0 : i32
      %dma_wait3A_1376 = tpu.memref_slice %arg6[%dma_wait3A_1372, %dma_wait3A_1373, %dma_wait3A_1374, %dma_wait3A_1375] : memref<2x28x128x8xf32, #tpu.memory_space<vmem>> -> memref<1x1x128x8xf32, #tpu.memory_space<vmem>>
      %dma_wait3A_1377 = tpu.memref_squeeze %dma_wait3A_1376 : memref<1x1x128x8xf32, #tpu.memory_space<vmem>> -> memref<128x8xf32, #tpu.memory_space<vmem>>
      %dma_wait3A_1378 = arith.constant 0 : i32
      %dma_wait3A_1379 = tpu.memref_slice %arg5[%add3A_939, %dma_wait3A_1378] : memref<224x128xi32, #tpu.memory_space<vmem>> -> memref<1x128xi32, #tpu.memory_space<vmem>>
      %dma_wait3A_1380 = tpu.memref_squeeze %dma_wait3A_1379 : memref<1x128xi32, #tpu.memory_space<vmem>> -> memref<128xi32, #tpu.memory_space<vmem>>
      %dma_wait3A_1381 = arith.constant 0 : i32
      %dma_wait3A_1382 = arith.constant 0 : i32
      %dma_wait3A_1383 = tpu.memref_slice %arg2[%dma_wait3A_1381, %dma_wait3A_1382] : memref<100000x8xf32, #tpu.memory_space<hbm>> -> memref<100000x8xf32, #tpu.memory_space<hbm>>
      tpu.wait_indirect_dma semaphore(%arg9 : memref<!tpu.dma_semaphore, #tpu.memory_space<semaphore_mem>>) src(%dma_wait3A_1383 : memref<100000x8xf32, #tpu.memory_space<hbm>>) dst(%dma_wait3A_1377 : memref<128x8xf32, #tpu.memory_space<vmem>>)
      %dma_wait3A_1384 = arith.constant 1 : i32
      %dma_wait3A_1385 = arith.constant 4 : i32
      %dma_wait3A_1386 = arith.constant 0 : i32
      %dma_wait3A_1387 = arith.constant 0 : i32
      %dma_wait3A_1388 = tpu.memref_slice %arg6[%dma_wait3A_1384, %dma_wait3A_1385, %dma_wait3A_1386, %dma_wait3A_1387] : memref<2x28x128x8xf32, #tpu.memory_space<vmem>> -> memref<1x1x128x8xf32, #tpu.memory_space<vmem>>
      %dma_wait3A_1389 = tpu.memref_squeeze %dma_wait3A_1388 : memref<1x1x128x8xf32, #tpu.memory_space<vmem>> -> memref<128x8xf32, #tpu.memory_space<vmem>>
      %dma_wait3A_1390 = arith.constant 0 : i32
      %dma_wait3A_1391 = tpu.memref_slice %arg5[%add3A_955, %dma_wait3A_1390] : memref<224x128xi32, #tpu.memory_space<vmem>> -> memref<1x128xi32, #tpu.memory_space<vmem>>
      %dma_wait3A_1392 = tpu.memref_squeeze %dma_wait3A_1391 : memref<1x128xi32, #tpu.memory_space<vmem>> -> memref<128xi32, #tpu.memory_space<vmem>>
      %dma_wait3A_1393 = arith.constant 0 : i32
      %dma_wait3A_1394 = arith.constant 0 : i32
      %dma_wait3A_1395 = tpu.memref_slice %arg2[%dma_wait3A_1393, %dma_wait3A_1394] : memref<100000x8xf32, #tpu.memory_space<hbm>> -> memref<100000x8xf32, #tpu.memory_space<hbm>>
      tpu.wait_indirect_dma semaphore(%arg9 : memref<!tpu.dma_semaphore, #tpu.memory_space<semaphore_mem>>) src(%dma_wait3A_1395 : memref<100000x8xf32, #tpu.memory_space<hbm>>) dst(%dma_wait3A_1389 : memref<128x8xf32, #tpu.memory_space<vmem>>)
      %dma_wait3A_1396 = arith.constant 1 : i32
      %dma_wait3A_1397 = arith.constant 5 : i32
      %dma_wait3A_1398 = arith.constant 0 : i32
      %dma_wait3A_1399 = arith.constant 0 : i32
      %dma_wait3A_1400 = tpu.memref_slice %arg6[%dma_wait3A_1396, %dma_wait3A_1397, %dma_wait3A_1398, %dma_wait3A_1399] : memref<2x28x128x8xf32, #tpu.memory_space<vmem>> -> memref<1x1x128x8xf32, #tpu.memory_space<vmem>>
      %dma_wait3A_1401 = tpu.memref_squeeze %dma_wait3A_1400 : memref<1x1x128x8xf32, #tpu.memory_space<vmem>> -> memref<128x8xf32, #tpu.memory_space<vmem>>
      %dma_wait3A_1402 = arith.constant 0 : i32
      %dma_wait3A_1403 = tpu.memref_slice %arg5[%add3A_971, %dma_wait3A_1402] : memref<224x128xi32, #tpu.memory_space<vmem>> -> memref<1x128xi32, #tpu.memory_space<vmem>>
      %dma_wait3A_1404 = tpu.memref_squeeze %dma_wait3A_1403 : memref<1x128xi32, #tpu.memory_space<vmem>> -> memref<128xi32, #tpu.memory_space<vmem>>
      %dma_wait3A_1405 = arith.constant 0 : i32
      %dma_wait3A_1406 = arith.constant 0 : i32
      %dma_wait3A_1407 = tpu.memref_slice %arg2[%dma_wait3A_1405, %dma_wait3A_1406] : memref<100000x8xf32, #tpu.memory_space<hbm>> -> memref<100000x8xf32, #tpu.memory_space<hbm>>
      tpu.wait_indirect_dma semaphore(%arg9 : memref<!tpu.dma_semaphore, #tpu.memory_space<semaphore_mem>>) src(%dma_wait3A_1407 : memref<100000x8xf32, #tpu.memory_space<hbm>>) dst(%dma_wait3A_1401 : memref<128x8xf32, #tpu.memory_space<vmem>>)
      %dma_wait3A_1408 = arith.constant 1 : i32
      %dma_wait3A_1409 = arith.constant 6 : i32
      %dma_wait3A_1410 = arith.constant 0 : i32
      %dma_wait3A_1411 = arith.constant 0 : i32
      %dma_wait3A_1412 = tpu.memref_slice %arg6[%dma_wait3A_1408, %dma_wait3A_1409, %dma_wait3A_1410, %dma_wait3A_1411] : memref<2x28x128x8xf32, #tpu.memory_space<vmem>> -> memref<1x1x128x8xf32, #tpu.memory_space<vmem>>
      %dma_wait3A_1413 = tpu.memref_squeeze %dma_wait3A_1412 : memref<1x1x128x8xf32, #tpu.memory_space<vmem>> -> memref<128x8xf32, #tpu.memory_space<vmem>>
      %dma_wait3A_1414 = arith.constant 0 : i32
      %dma_wait3A_1415 = tpu.memref_slice %arg5[%add3A_987, %dma_wait3A_1414] : memref<224x128xi32, #tpu.memory_space<vmem>> -> memref<1x128xi32, #tpu.memory_space<vmem>>
      %dma_wait3A_1416 = tpu.memref_squeeze %dma_wait3A_1415 : memref<1x128xi32, #tpu.memory_space<vmem>> -> memref<128xi32, #tpu.memory_space<vmem>>
      %dma_wait3A_1417 = arith.constant 0 : i32
      %dma_wait3A_1418 = arith.constant 0 : i32
      %dma_wait3A_1419 = tpu.memref_slice %arg2[%dma_wait3A_1417, %dma_wait3A_1418] : memref<100000x8xf32, #tpu.memory_space<hbm>> -> memref<100000x8xf32, #tpu.memory_space<hbm>>
      tpu.wait_indirect_dma semaphore(%arg9 : memref<!tpu.dma_semaphore, #tpu.memory_space<semaphore_mem>>) src(%dma_wait3A_1419 : memref<100000x8xf32, #tpu.memory_space<hbm>>) dst(%dma_wait3A_1413 : memref<128x8xf32, #tpu.memory_space<vmem>>)
      %dma_wait3A_1420 = arith.constant 1 : i32
      %dma_wait3A_1421 = arith.constant 7 : i32
      %dma_wait3A_1422 = arith.constant 0 : i32
      %dma_wait3A_1423 = arith.constant 0 : i32
      %dma_wait3A_1424 = tpu.memref_slice %arg6[%dma_wait3A_1420, %dma_wait3A_1421, %dma_wait3A_1422, %dma_wait3A_1423] : memref<2x28x128x8xf32, #tpu.memory_space<vmem>> -> memref<1x1x128x8xf32, #tpu.memory_space<vmem>>
      %dma_wait3A_1425 = tpu.memref_squeeze %dma_wait3A_1424 : memref<1x1x128x8xf32, #tpu.memory_space<vmem>> -> memref<128x8xf32, #tpu.memory_space<vmem>>
      %dma_wait3A_1426 = arith.constant 0 : i32
      %dma_wait3A_1427 = tpu.memref_slice %arg5[%add3A_1003, %dma_wait3A_1426] : memref<224x128xi32, #tpu.memory_space<vmem>> -> memref<1x128xi32, #tpu.memory_space<vmem>>
      %dma_wait3A_1428 = tpu.memref_squeeze %dma_wait3A_1427 : memref<1x128xi32, #tpu.memory_space<vmem>> -> memref<128xi32, #tpu.memory_space<vmem>>
      %dma_wait3A_1429 = arith.constant 0 : i32
      %dma_wait3A_1430 = arith.constant 0 : i32
      %dma_wait3A_1431 = tpu.memref_slice %arg2[%dma_wait3A_1429, %dma_wait3A_1430] : memref<100000x8xf32, #tpu.memory_space<hbm>> -> memref<100000x8xf32, #tpu.memory_space<hbm>>
      tpu.wait_indirect_dma semaphore(%arg9 : memref<!tpu.dma_semaphore, #tpu.memory_space<semaphore_mem>>) src(%dma_wait3A_1431 : memref<100000x8xf32, #tpu.memory_space<hbm>>) dst(%dma_wait3A_1425 : memref<128x8xf32, #tpu.memory_space<vmem>>)
      %dma_wait3A_1432 = arith.constant 1 : i32
      %dma_wait3A_1433 = arith.constant 8 : i32
      %dma_wait3A_1434 = arith.constant 0 : i32
      %dma_wait3A_1435 = arith.constant 0 : i32
      %dma_wait3A_1436 = tpu.memref_slice %arg6[%dma_wait3A_1432, %dma_wait3A_1433, %dma_wait3A_1434, %dma_wait3A_1435] : memref<2x28x128x8xf32, #tpu.memory_space<vmem>> -> memref<1x1x128x8xf32, #tpu.memory_space<vmem>>
      %dma_wait3A_1437 = tpu.memref_squeeze %dma_wait3A_1436 : memref<1x1x128x8xf32, #tpu.memory_space<vmem>> -> memref<128x8xf32, #tpu.memory_space<vmem>>
      %dma_wait3A_1438 = arith.constant 0 : i32
      %dma_wait3A_1439 = tpu.memref_slice %arg5[%add3A_1019, %dma_wait3A_1438] : memref<224x128xi32, #tpu.memory_space<vmem>> -> memref<1x128xi32, #tpu.memory_space<vmem>>
      %dma_wait3A_1440 = tpu.memref_squeeze %dma_wait3A_1439 : memref<1x128xi32, #tpu.memory_space<vmem>> -> memref<128xi32, #tpu.memory_space<vmem>>
      %dma_wait3A_1441 = arith.constant 0 : i32
      %dma_wait3A_1442 = arith.constant 0 : i32
      %dma_wait3A_1443 = tpu.memref_slice %arg2[%dma_wait3A_1441, %dma_wait3A_1442] : memref<100000x8xf32, #tpu.memory_space<hbm>> -> memref<100000x8xf32, #tpu.memory_space<hbm>>
      tpu.wait_indirect_dma semaphore(%arg9 : memref<!tpu.dma_semaphore, #tpu.memory_space<semaphore_mem>>) src(%dma_wait3A_1443 : memref<100000x8xf32, #tpu.memory_space<hbm>>) dst(%dma_wait3A_1437 : memref<128x8xf32, #tpu.memory_space<vmem>>)
      %dma_wait3A_1444 = arith.constant 1 : i32
      %dma_wait3A_1445 = arith.constant 9 : i32
      %dma_wait3A_1446 = arith.constant 0 : i32
      %dma_wait3A_1447 = arith.constant 0 : i32
      %dma_wait3A_1448 = tpu.memref_slice %arg6[%dma_wait3A_1444, %dma_wait3A_1445, %dma_wait3A_1446, %dma_wait3A_1447] : memref<2x28x128x8xf32, #tpu.memory_space<vmem>> -> memref<1x1x128x8xf32, #tpu.memory_space<vmem>>
      %dma_wait3A_1449 = tpu.memref_squeeze %dma_wait3A_1448 : memref<1x1x128x8xf32, #tpu.memory_space<vmem>> -> memref<128x8xf32, #tpu.memory_space<vmem>>
      %dma_wait3A_1450 = arith.constant 0 : i32
      %dma_wait3A_1451 = tpu.memref_slice %arg5[%add3A_1035, %dma_wait3A_1450] : memref<224x128xi32, #tpu.memory_space<vmem>> -> memref<1x128xi32, #tpu.memory_space<vmem>>
      %dma_wait3A_1452 = tpu.memref_squeeze %dma_wait3A_1451 : memref<1x128xi32, #tpu.memory_space<vmem>> -> memref<128xi32, #tpu.memory_space<vmem>>
      %dma_wait3A_1453 = arith.constant 0 : i32
      %dma_wait3A_1454 = arith.constant 0 : i32
      %dma_wait3A_1455 = tpu.memref_slice %arg2[%dma_wait3A_1453, %dma_wait3A_1454] : memref<100000x8xf32, #tpu.memory_space<hbm>> -> memref<100000x8xf32, #tpu.memory_space<hbm>>
      tpu.wait_indirect_dma semaphore(%arg9 : memref<!tpu.dma_semaphore, #tpu.memory_space<semaphore_mem>>) src(%dma_wait3A_1455 : memref<100000x8xf32, #tpu.memory_space<hbm>>) dst(%dma_wait3A_1449 : memref<128x8xf32, #tpu.memory_space<vmem>>)
      %dma_wait3A_1456 = arith.constant 1 : i32
      %dma_wait3A_1457 = arith.constant 10 : i32
      %dma_wait3A_1458 = arith.constant 0 : i32
      %dma_wait3A_1459 = arith.constant 0 : i32
      %dma_wait3A_1460 = tpu.memref_slice %arg6[%dma_wait3A_1456, %dma_wait3A_1457, %dma_wait3A_1458, %dma_wait3A_1459] : memref<2x28x128x8xf32, #tpu.memory_space<vmem>> -> memref<1x1x128x8xf32, #tpu.memory_space<vmem>>
      %dma_wait3A_1461 = tpu.memref_squeeze %dma_wait3A_1460 : memref<1x1x128x8xf32, #tpu.memory_space<vmem>> -> memref<128x8xf32, #tpu.memory_space<vmem>>
      %dma_wait3A_1462 = arith.constant 0 : i32
      %dma_wait3A_1463 = tpu.memref_slice %arg5[%add3A_1051, %dma_wait3A_1462] : memref<224x128xi32, #tpu.memory_space<vmem>> -> memref<1x128xi32, #tpu.memory_space<vmem>>
      %dma_wait3A_1464 = tpu.memref_squeeze %dma_wait3A_1463 : memref<1x128xi32, #tpu.memory_space<vmem>> -> memref<128xi32, #tpu.memory_space<vmem>>
      %dma_wait3A_1465 = arith.constant 0 : i32
      %dma_wait3A_1466 = arith.constant 0 : i32
      %dma_wait3A_1467 = tpu.memref_slice %arg2[%dma_wait3A_1465, %dma_wait3A_1466] : memref<100000x8xf32, #tpu.memory_space<hbm>> -> memref<100000x8xf32, #tpu.memory_space<hbm>>
      tpu.wait_indirect_dma semaphore(%arg9 : memref<!tpu.dma_semaphore, #tpu.memory_space<semaphore_mem>>) src(%dma_wait3A_1467 : memref<100000x8xf32, #tpu.memory_space<hbm>>) dst(%dma_wait3A_1461 : memref<128x8xf32, #tpu.memory_space<vmem>>)
      %dma_wait3A_1468 = arith.constant 1 : i32
      %dma_wait3A_1469 = arith.constant 11 : i32
      %dma_wait3A_1470 = arith.constant 0 : i32
      %dma_wait3A_1471 = arith.constant 0 : i32
      %dma_wait3A_1472 = tpu.memref_slice %arg6[%dma_wait3A_1468, %dma_wait3A_1469, %dma_wait3A_1470, %dma_wait3A_1471] : memref<2x28x128x8xf32, #tpu.memory_space<vmem>> -> memref<1x1x128x8xf32, #tpu.memory_space<vmem>>
      %dma_wait3A_1473 = tpu.memref_squeeze %dma_wait3A_1472 : memref<1x1x128x8xf32, #tpu.memory_space<vmem>> -> memref<128x8xf32, #tpu.memory_space<vmem>>
      %dma_wait3A_1474 = arith.constant 0 : i32
      %dma_wait3A_1475 = tpu.memref_slice %arg5[%add3A_1067, %dma_wait3A_1474] : memref<224x128xi32, #tpu.memory_space<vmem>> -> memref<1x128xi32, #tpu.memory_space<vmem>>
      %dma_wait3A_1476 = tpu.memref_squeeze %dma_wait3A_1475 : memref<1x128xi32, #tpu.memory_space<vmem>> -> memref<128xi32, #tpu.memory_space<vmem>>
      %dma_wait3A_1477 = arith.constant 0 : i32
      %dma_wait3A_1478 = arith.constant 0 : i32
      %dma_wait3A_1479 = tpu.memref_slice %arg2[%dma_wait3A_1477, %dma_wait3A_1478] : memref<100000x8xf32, #tpu.memory_space<hbm>> -> memref<100000x8xf32, #tpu.memory_space<hbm>>
      tpu.wait_indirect_dma semaphore(%arg9 : memref<!tpu.dma_semaphore, #tpu.memory_space<semaphore_mem>>) src(%dma_wait3A_1479 : memref<100000x8xf32, #tpu.memory_space<hbm>>) dst(%dma_wait3A_1473 : memref<128x8xf32, #tpu.memory_space<vmem>>)
      %dma_wait3A_1480 = arith.constant 1 : i32
      %dma_wait3A_1481 = arith.constant 12 : i32
      %dma_wait3A_1482 = arith.constant 0 : i32
      %dma_wait3A_1483 = arith.constant 0 : i32
      %dma_wait3A_1484 = tpu.memref_slice %arg6[%dma_wait3A_1480, %dma_wait3A_1481, %dma_wait3A_1482, %dma_wait3A_1483] : memref<2x28x128x8xf32, #tpu.memory_space<vmem>> -> memref<1x1x128x8xf32, #tpu.memory_space<vmem>>
      %dma_wait3A_1485 = tpu.memref_squeeze %dma_wait3A_1484 : memref<1x1x128x8xf32, #tpu.memory_space<vmem>> -> memref<128x8xf32, #tpu.memory_space<vmem>>
      %dma_wait3A_1486 = arith.constant 0 : i32
      %dma_wait3A_1487 = tpu.memref_slice %arg5[%add3A_1083, %dma_wait3A_1486] : memref<224x128xi32, #tpu.memory_space<vmem>> -> memref<1x128xi32, #tpu.memory_space<vmem>>
      %dma_wait3A_1488 = tpu.memref_squeeze %dma_wait3A_1487 : memref<1x128xi32, #tpu.memory_space<vmem>> -> memref<128xi32, #tpu.memory_space<vmem>>
      %dma_wait3A_1489 = arith.constant 0 : i32
      %dma_wait3A_1490 = arith.constant 0 : i32
      %dma_wait3A_1491 = tpu.memref_slice %arg2[%dma_wait3A_1489, %dma_wait3A_1490] : memref<100000x8xf32, #tpu.memory_space<hbm>> -> memref<100000x8xf32, #tpu.memory_space<hbm>>
      tpu.wait_indirect_dma semaphore(%arg9 : memref<!tpu.dma_semaphore, #tpu.memory_space<semaphore_mem>>) src(%dma_wait3A_1491 : memref<100000x8xf32, #tpu.memory_space<hbm>>) dst(%dma_wait3A_1485 : memref<128x8xf32, #tpu.memory_space<vmem>>)
      %dma_wait3A_1492 = arith.constant 1 : i32
      %dma_wait3A_1493 = arith.constant 13 : i32
      %dma_wait3A_1494 = arith.constant 0 : i32
      %dma_wait3A_1495 = arith.constant 0 : i32
      %dma_wait3A_1496 = tpu.memref_slice %arg6[%dma_wait3A_1492, %dma_wait3A_1493, %dma_wait3A_1494, %dma_wait3A_1495] : memref<2x28x128x8xf32, #tpu.memory_space<vmem>> -> memref<1x1x128x8xf32, #tpu.memory_space<vmem>>
      %dma_wait3A_1497 = tpu.memref_squeeze %dma_wait3A_1496 : memref<1x1x128x8xf32, #tpu.memory_space<vmem>> -> memref<128x8xf32, #tpu.memory_space<vmem>>
      %dma_wait3A_1498 = arith.constant 0 : i32
      %dma_wait3A_1499 = tpu.memref_slice %arg5[%add3A_1099, %dma_wait3A_1498] : memref<224x128xi32, #tpu.memory_space<vmem>> -> memref<1x128xi32, #tpu.memory_space<vmem>>
      %dma_wait3A_1500 = tpu.memref_squeeze %dma_wait3A_1499 : memref<1x128xi32, #tpu.memory_space<vmem>> -> memref<128xi32, #tpu.memory_space<vmem>>
      %dma_wait3A_1501 = arith.constant 0 : i32
      %dma_wait3A_1502 = arith.constant 0 : i32
      %dma_wait3A_1503 = tpu.memref_slice %arg2[%dma_wait3A_1501, %dma_wait3A_1502] : memref<100000x8xf32, #tpu.memory_space<hbm>> -> memref<100000x8xf32, #tpu.memory_space<hbm>>
      tpu.wait_indirect_dma semaphore(%arg9 : memref<!tpu.dma_semaphore, #tpu.memory_space<semaphore_mem>>) src(%dma_wait3A_1503 : memref<100000x8xf32, #tpu.memory_space<hbm>>) dst(%dma_wait3A_1497 : memref<128x8xf32, #tpu.memory_space<vmem>>)
      %dma_wait3A_1504 = arith.constant 1 : i32
      %dma_wait3A_1505 = arith.constant 14 : i32
      %dma_wait3A_1506 = arith.constant 0 : i32
      %dma_wait3A_1507 = arith.constant 0 : i32
      %dma_wait3A_1508 = tpu.memref_slice %arg6[%dma_wait3A_1504, %dma_wait3A_1505, %dma_wait3A_1506, %dma_wait3A_1507] : memref<2x28x128x8xf32, #tpu.memory_space<vmem>> -> memref<1x1x128x8xf32, #tpu.memory_space<vmem>>
      %dma_wait3A_1509 = tpu.memref_squeeze %dma_wait3A_1508 : memref<1x1x128x8xf32, #tpu.memory_space<vmem>> -> memref<128x8xf32, #tpu.memory_space<vmem>>
      %dma_wait3A_1510 = arith.constant 0 : i32
      %dma_wait3A_1511 = tpu.memref_slice %arg5[%add3A_1115, %dma_wait3A_1510] : memref<224x128xi32, #tpu.memory_space<vmem>> -> memref<1x128xi32, #tpu.memory_space<vmem>>
      %dma_wait3A_1512 = tpu.memref_squeeze %dma_wait3A_1511 : memref<1x128xi32, #tpu.memory_space<vmem>> -> memref<128xi32, #tpu.memory_space<vmem>>
      %dma_wait3A_1513 = arith.constant 0 : i32
      %dma_wait3A_1514 = arith.constant 0 : i32
      %dma_wait3A_1515 = tpu.memref_slice %arg2[%dma_wait3A_1513, %dma_wait3A_1514] : memref<100000x8xf32, #tpu.memory_space<hbm>> -> memref<100000x8xf32, #tpu.memory_space<hbm>>
      tpu.wait_indirect_dma semaphore(%arg9 : memref<!tpu.dma_semaphore, #tpu.memory_space<semaphore_mem>>) src(%dma_wait3A_1515 : memref<100000x8xf32, #tpu.memory_space<hbm>>) dst(%dma_wait3A_1509 : memref<128x8xf32, #tpu.memory_space<vmem>>)
      %dma_wait3A_1516 = arith.constant 1 : i32
      %dma_wait3A_1517 = arith.constant 15 : i32
      %dma_wait3A_1518 = arith.constant 0 : i32
      %dma_wait3A_1519 = arith.constant 0 : i32
      %dma_wait3A_1520 = tpu.memref_slice %arg6[%dma_wait3A_1516, %dma_wait3A_1517, %dma_wait3A_1518, %dma_wait3A_1519] : memref<2x28x128x8xf32, #tpu.memory_space<vmem>> -> memref<1x1x128x8xf32, #tpu.memory_space<vmem>>
      %dma_wait3A_1521 = tpu.memref_squeeze %dma_wait3A_1520 : memref<1x1x128x8xf32, #tpu.memory_space<vmem>> -> memref<128x8xf32, #tpu.memory_space<vmem>>
      %dma_wait3A_1522 = arith.constant 0 : i32
      %dma_wait3A_1523 = tpu.memref_slice %arg5[%add3A_1131, %dma_wait3A_1522] : memref<224x128xi32, #tpu.memory_space<vmem>> -> memref<1x128xi32, #tpu.memory_space<vmem>>
      %dma_wait3A_1524 = tpu.memref_squeeze %dma_wait3A_1523 : memref<1x128xi32, #tpu.memory_space<vmem>> -> memref<128xi32, #tpu.memory_space<vmem>>
      %dma_wait3A_1525 = arith.constant 0 : i32
      %dma_wait3A_1526 = arith.constant 0 : i32
      %dma_wait3A_1527 = tpu.memref_slice %arg2[%dma_wait3A_1525, %dma_wait3A_1526] : memref<100000x8xf32, #tpu.memory_space<hbm>> -> memref<100000x8xf32, #tpu.memory_space<hbm>>
      tpu.wait_indirect_dma semaphore(%arg9 : memref<!tpu.dma_semaphore, #tpu.memory_space<semaphore_mem>>) src(%dma_wait3A_1527 : memref<100000x8xf32, #tpu.memory_space<hbm>>) dst(%dma_wait3A_1521 : memref<128x8xf32, #tpu.memory_space<vmem>>)
      %dma_wait3A_1528 = arith.constant 1 : i32
      %dma_wait3A_1529 = arith.constant 16 : i32
      %dma_wait3A_1530 = arith.constant 0 : i32
      %dma_wait3A_1531 = arith.constant 0 : i32
      %dma_wait3A_1532 = tpu.memref_slice %arg6[%dma_wait3A_1528, %dma_wait3A_1529, %dma_wait3A_1530, %dma_wait3A_1531] : memref<2x28x128x8xf32, #tpu.memory_space<vmem>> -> memref<1x1x128x8xf32, #tpu.memory_space<vmem>>
      %dma_wait3A_1533 = tpu.memref_squeeze %dma_wait3A_1532 : memref<1x1x128x8xf32, #tpu.memory_space<vmem>> -> memref<128x8xf32, #tpu.memory_space<vmem>>
      %dma_wait3A_1534 = arith.constant 0 : i32
      %dma_wait3A_1535 = tpu.memref_slice %arg5[%add3A_1147, %dma_wait3A_1534] : memref<224x128xi32, #tpu.memory_space<vmem>> -> memref<1x128xi32, #tpu.memory_space<vmem>>
      %dma_wait3A_1536 = tpu.memref_squeeze %dma_wait3A_1535 : memref<1x128xi32, #tpu.memory_space<vmem>> -> memref<128xi32, #tpu.memory_space<vmem>>
      %dma_wait3A_1537 = arith.constant 0 : i32
      %dma_wait3A_1538 = arith.constant 0 : i32
      %dma_wait3A_1539 = tpu.memref_slice %arg2[%dma_wait3A_1537, %dma_wait3A_1538] : memref<100000x8xf32, #tpu.memory_space<hbm>> -> memref<100000x8xf32, #tpu.memory_space<hbm>>
      tpu.wait_indirect_dma semaphore(%arg9 : memref<!tpu.dma_semaphore, #tpu.memory_space<semaphore_mem>>) src(%dma_wait3A_1539 : memref<100000x8xf32, #tpu.memory_space<hbm>>) dst(%dma_wait3A_1533 : memref<128x8xf32, #tpu.memory_space<vmem>>)
      %dma_wait3A_1540 = arith.constant 1 : i32
      %dma_wait3A_1541 = arith.constant 17 : i32
      %dma_wait3A_1542 = arith.constant 0 : i32
      %dma_wait3A_1543 = arith.constant 0 : i32
      %dma_wait3A_1544 = tpu.memref_slice %arg6[%dma_wait3A_1540, %dma_wait3A_1541, %dma_wait3A_1542, %dma_wait3A_1543] : memref<2x28x128x8xf32, #tpu.memory_space<vmem>> -> memref<1x1x128x8xf32, #tpu.memory_space<vmem>>
      %dma_wait3A_1545 = tpu.memref_squeeze %dma_wait3A_1544 : memref<1x1x128x8xf32, #tpu.memory_space<vmem>> -> memref<128x8xf32, #tpu.memory_space<vmem>>
      %dma_wait3A_1546 = arith.constant 0 : i32
      %dma_wait3A_1547 = tpu.memref_slice %arg5[%add3A_1163, %dma_wait3A_1546] : memref<224x128xi32, #tpu.memory_space<vmem>> -> memref<1x128xi32, #tpu.memory_space<vmem>>
      %dma_wait3A_1548 = tpu.memref_squeeze %dma_wait3A_1547 : memref<1x128xi32, #tpu.memory_space<vmem>> -> memref<128xi32, #tpu.memory_space<vmem>>
      %dma_wait3A_1549 = arith.constant 0 : i32
      %dma_wait3A_1550 = arith.constant 0 : i32
      %dma_wait3A_1551 = tpu.memref_slice %arg2[%dma_wait3A_1549, %dma_wait3A_1550] : memref<100000x8xf32, #tpu.memory_space<hbm>> -> memref<100000x8xf32, #tpu.memory_space<hbm>>
      tpu.wait_indirect_dma semaphore(%arg9 : memref<!tpu.dma_semaphore, #tpu.memory_space<semaphore_mem>>) src(%dma_wait3A_1551 : memref<100000x8xf32, #tpu.memory_space<hbm>>) dst(%dma_wait3A_1545 : memref<128x8xf32, #tpu.memory_space<vmem>>)
      %dma_wait3A_1552 = arith.constant 1 : i32
      %dma_wait3A_1553 = arith.constant 18 : i32
      %dma_wait3A_1554 = arith.constant 0 : i32
      %dma_wait3A_1555 = arith.constant 0 : i32
      %dma_wait3A_1556 = tpu.memref_slice %arg6[%dma_wait3A_1552, %dma_wait3A_1553, %dma_wait3A_1554, %dma_wait3A_1555] : memref<2x28x128x8xf32, #tpu.memory_space<vmem>> -> memref<1x1x128x8xf32, #tpu.memory_space<vmem>>
      %dma_wait3A_1557 = tpu.memref_squeeze %dma_wait3A_1556 : memref<1x1x128x8xf32, #tpu.memory_space<vmem>> -> memref<128x8xf32, #tpu.memory_space<vmem>>
      %dma_wait3A_1558 = arith.constant 0 : i32
      %dma_wait3A_1559 = tpu.memref_slice %arg5[%add3A_1179, %dma_wait3A_1558] : memref<224x128xi32, #tpu.memory_space<vmem>> -> memref<1x128xi32, #tpu.memory_space<vmem>>
      %dma_wait3A_1560 = tpu.memref_squeeze %dma_wait3A_1559 : memref<1x128xi32, #tpu.memory_space<vmem>> -> memref<128xi32, #tpu.memory_space<vmem>>
      %dma_wait3A_1561 = arith.constant 0 : i32
      %dma_wait3A_1562 = arith.constant 0 : i32
      %dma_wait3A_1563 = tpu.memref_slice %arg2[%dma_wait3A_1561, %dma_wait3A_1562] : memref<100000x8xf32, #tpu.memory_space<hbm>> -> memref<100000x8xf32, #tpu.memory_space<hbm>>
      tpu.wait_indirect_dma semaphore(%arg9 : memref<!tpu.dma_semaphore, #tpu.memory_space<semaphore_mem>>) src(%dma_wait3A_1563 : memref<100000x8xf32, #tpu.memory_space<hbm>>) dst(%dma_wait3A_1557 : memref<128x8xf32, #tpu.memory_space<vmem>>)
      %dma_wait3A_1564 = arith.constant 1 : i32
      %dma_wait3A_1565 = arith.constant 19 : i32
      %dma_wait3A_1566 = arith.constant 0 : i32
      %dma_wait3A_1567 = arith.constant 0 : i32
      %dma_wait3A_1568 = tpu.memref_slice %arg6[%dma_wait3A_1564, %dma_wait3A_1565, %dma_wait3A_1566, %dma_wait3A_1567] : memref<2x28x128x8xf32, #tpu.memory_space<vmem>> -> memref<1x1x128x8xf32, #tpu.memory_space<vmem>>
      %dma_wait3A_1569 = tpu.memref_squeeze %dma_wait3A_1568 : memref<1x1x128x8xf32, #tpu.memory_space<vmem>> -> memref<128x8xf32, #tpu.memory_space<vmem>>
      %dma_wait3A_1570 = arith.constant 0 : i32
      %dma_wait3A_1571 = tpu.memref_slice %arg5[%add3A_1195, %dma_wait3A_1570] : memref<224x128xi32, #tpu.memory_space<vmem>> -> memref<1x128xi32, #tpu.memory_space<vmem>>
      %dma_wait3A_1572 = tpu.memref_squeeze %dma_wait3A_1571 : memref<1x128xi32, #tpu.memory_space<vmem>> -> memref<128xi32, #tpu.memory_space<vmem>>
      %dma_wait3A_1573 = arith.constant 0 : i32
      %dma_wait3A_1574 = arith.constant 0 : i32
      %dma_wait3A_1575 = tpu.memref_slice %arg2[%dma_wait3A_1573, %dma_wait3A_1574] : memref<100000x8xf32, #tpu.memory_space<hbm>> -> memref<100000x8xf32, #tpu.memory_space<hbm>>
      tpu.wait_indirect_dma semaphore(%arg9 : memref<!tpu.dma_semaphore, #tpu.memory_space<semaphore_mem>>) src(%dma_wait3A_1575 : memref<100000x8xf32, #tpu.memory_space<hbm>>) dst(%dma_wait3A_1569 : memref<128x8xf32, #tpu.memory_space<vmem>>)
      %dma_wait3A_1576 = arith.constant 1 : i32
      %dma_wait3A_1577 = arith.constant 20 : i32
      %dma_wait3A_1578 = arith.constant 0 : i32
      %dma_wait3A_1579 = arith.constant 0 : i32
      %dma_wait3A_1580 = tpu.memref_slice %arg6[%dma_wait3A_1576, %dma_wait3A_1577, %dma_wait3A_1578, %dma_wait3A_1579] : memref<2x28x128x8xf32, #tpu.memory_space<vmem>> -> memref<1x1x128x8xf32, #tpu.memory_space<vmem>>
      %dma_wait3A_1581 = tpu.memref_squeeze %dma_wait3A_1580 : memref<1x1x128x8xf32, #tpu.memory_space<vmem>> -> memref<128x8xf32, #tpu.memory_space<vmem>>
      %dma_wait3A_1582 = arith.constant 0 : i32
      %dma_wait3A_1583 = tpu.memref_slice %arg5[%add3A_1211, %dma_wait3A_1582] : memref<224x128xi32, #tpu.memory_space<vmem>> -> memref<1x128xi32, #tpu.memory_space<vmem>>
      %dma_wait3A_1584 = tpu.memref_squeeze %dma_wait3A_1583 : memref<1x128xi32, #tpu.memory_space<vmem>> -> memref<128xi32, #tpu.memory_space<vmem>>
      %dma_wait3A_1585 = arith.constant 0 : i32
      %dma_wait3A_1586 = arith.constant 0 : i32
      %dma_wait3A_1587 = tpu.memref_slice %arg2[%dma_wait3A_1585, %dma_wait3A_1586] : memref<100000x8xf32, #tpu.memory_space<hbm>> -> memref<100000x8xf32, #tpu.memory_space<hbm>>
      tpu.wait_indirect_dma semaphore(%arg9 : memref<!tpu.dma_semaphore, #tpu.memory_space<semaphore_mem>>) src(%dma_wait3A_1587 : memref<100000x8xf32, #tpu.memory_space<hbm>>) dst(%dma_wait3A_1581 : memref<128x8xf32, #tpu.memory_space<vmem>>)
      %dma_wait3A_1588 = arith.constant 1 : i32
      %dma_wait3A_1589 = arith.constant 21 : i32
      %dma_wait3A_1590 = arith.constant 0 : i32
      %dma_wait3A_1591 = arith.constant 0 : i32
      %dma_wait3A_1592 = tpu.memref_slice %arg6[%dma_wait3A_1588, %dma_wait3A_1589, %dma_wait3A_1590, %dma_wait3A_1591] : memref<2x28x128x8xf32, #tpu.memory_space<vmem>> -> memref<1x1x128x8xf32, #tpu.memory_space<vmem>>
      %dma_wait3A_1593 = tpu.memref_squeeze %dma_wait3A_1592 : memref<1x1x128x8xf32, #tpu.memory_space<vmem>> -> memref<128x8xf32, #tpu.memory_space<vmem>>
      %dma_wait3A_1594 = arith.constant 0 : i32
      %dma_wait3A_1595 = tpu.memref_slice %arg5[%add3A_1227, %dma_wait3A_1594] : memref<224x128xi32, #tpu.memory_space<vmem>> -> memref<1x128xi32, #tpu.memory_space<vmem>>
      %dma_wait3A_1596 = tpu.memref_squeeze %dma_wait3A_1595 : memref<1x128xi32, #tpu.memory_space<vmem>> -> memref<128xi32, #tpu.memory_space<vmem>>
      %dma_wait3A_1597 = arith.constant 0 : i32
      %dma_wait3A_1598 = arith.constant 0 : i32
      %dma_wait3A_1599 = tpu.memref_slice %arg2[%dma_wait3A_1597, %dma_wait3A_1598] : memref<100000x8xf32, #tpu.memory_space<hbm>> -> memref<100000x8xf32, #tpu.memory_space<hbm>>
      tpu.wait_indirect_dma semaphore(%arg9 : memref<!tpu.dma_semaphore, #tpu.memory_space<semaphore_mem>>) src(%dma_wait3A_1599 : memref<100000x8xf32, #tpu.memory_space<hbm>>) dst(%dma_wait3A_1593 : memref<128x8xf32, #tpu.memory_space<vmem>>)
      %dma_wait3A_1600 = arith.constant 1 : i32
      %dma_wait3A_1601 = arith.constant 22 : i32
      %dma_wait3A_1602 = arith.constant 0 : i32
      %dma_wait3A_1603 = arith.constant 0 : i32
      %dma_wait3A_1604 = tpu.memref_slice %arg6[%dma_wait3A_1600, %dma_wait3A_1601, %dma_wait3A_1602, %dma_wait3A_1603] : memref<2x28x128x8xf32, #tpu.memory_space<vmem>> -> memref<1x1x128x8xf32, #tpu.memory_space<vmem>>
      %dma_wait3A_1605 = tpu.memref_squeeze %dma_wait3A_1604 : memref<1x1x128x8xf32, #tpu.memory_space<vmem>> -> memref<128x8xf32, #tpu.memory_space<vmem>>
      %dma_wait3A_1606 = arith.constant 0 : i32
      %dma_wait3A_1607 = tpu.memref_slice %arg5[%add3A_1243, %dma_wait3A_1606] : memref<224x128xi32, #tpu.memory_space<vmem>> -> memref<1x128xi32, #tpu.memory_space<vmem>>
      %dma_wait3A_1608 = tpu.memref_squeeze %dma_wait3A_1607 : memref<1x128xi32, #tpu.memory_space<vmem>> -> memref<128xi32, #tpu.memory_space<vmem>>
      %dma_wait3A_1609 = arith.constant 0 : i32
      %dma_wait3A_1610 = arith.constant 0 : i32
      %dma_wait3A_1611 = tpu.memref_slice %arg2[%dma_wait3A_1609, %dma_wait3A_1610] : memref<100000x8xf32, #tpu.memory_space<hbm>> -> memref<100000x8xf32, #tpu.memory_space<hbm>>
      tpu.wait_indirect_dma semaphore(%arg9 : memref<!tpu.dma_semaphore, #tpu.memory_space<semaphore_mem>>) src(%dma_wait3A_1611 : memref<100000x8xf32, #tpu.memory_space<hbm>>) dst(%dma_wait3A_1605 : memref<128x8xf32, #tpu.memory_space<vmem>>)
      %dma_wait3A_1612 = arith.constant 1 : i32
      %dma_wait3A_1613 = arith.constant 23 : i32
      %dma_wait3A_1614 = arith.constant 0 : i32
      %dma_wait3A_1615 = arith.constant 0 : i32
      %dma_wait3A_1616 = tpu.memref_slice %arg6[%dma_wait3A_1612, %dma_wait3A_1613, %dma_wait3A_1614, %dma_wait3A_1615] : memref<2x28x128x8xf32, #tpu.memory_space<vmem>> -> memref<1x1x128x8xf32, #tpu.memory_space<vmem>>
      %dma_wait3A_1617 = tpu.memref_squeeze %dma_wait3A_1616 : memref<1x1x128x8xf32, #tpu.memory_space<vmem>> -> memref<128x8xf32, #tpu.memory_space<vmem>>
      %dma_wait3A_1618 = arith.constant 0 : i32
      %dma_wait3A_1619 = tpu.memref_slice %arg5[%add3A_1259, %dma_wait3A_1618] : memref<224x128xi32, #tpu.memory_space<vmem>> -> memref<1x128xi32, #tpu.memory_space<vmem>>
      %dma_wait3A_1620 = tpu.memref_squeeze %dma_wait3A_1619 : memref<1x128xi32, #tpu.memory_space<vmem>> -> memref<128xi32, #tpu.memory_space<vmem>>
      %dma_wait3A_1621 = arith.constant 0 : i32
      %dma_wait3A_1622 = arith.constant 0 : i32
      %dma_wait3A_1623 = tpu.memref_slice %arg2[%dma_wait3A_1621, %dma_wait3A_1622] : memref<100000x8xf32, #tpu.memory_space<hbm>> -> memref<100000x8xf32, #tpu.memory_space<hbm>>
      tpu.wait_indirect_dma semaphore(%arg9 : memref<!tpu.dma_semaphore, #tpu.memory_space<semaphore_mem>>) src(%dma_wait3A_1623 : memref<100000x8xf32, #tpu.memory_space<hbm>>) dst(%dma_wait3A_1617 : memref<128x8xf32, #tpu.memory_space<vmem>>)
      %dma_wait3A_1624 = arith.constant 1 : i32
      %dma_wait3A_1625 = arith.constant 24 : i32
      %dma_wait3A_1626 = arith.constant 0 : i32
      %dma_wait3A_1627 = arith.constant 0 : i32
      %dma_wait3A_1628 = tpu.memref_slice %arg6[%dma_wait3A_1624, %dma_wait3A_1625, %dma_wait3A_1626, %dma_wait3A_1627] : memref<2x28x128x8xf32, #tpu.memory_space<vmem>> -> memref<1x1x128x8xf32, #tpu.memory_space<vmem>>
      %dma_wait3A_1629 = tpu.memref_squeeze %dma_wait3A_1628 : memref<1x1x128x8xf32, #tpu.memory_space<vmem>> -> memref<128x8xf32, #tpu.memory_space<vmem>>
      %dma_wait3A_1630 = arith.constant 0 : i32
      %dma_wait3A_1631 = tpu.memref_slice %arg5[%add3A_1275, %dma_wait3A_1630] : memref<224x128xi32, #tpu.memory_space<vmem>> -> memref<1x128xi32, #tpu.memory_space<vmem>>
      %dma_wait3A_1632 = tpu.memref_squeeze %dma_wait3A_1631 : memref<1x128xi32, #tpu.memory_space<vmem>> -> memref<128xi32, #tpu.memory_space<vmem>>
      %dma_wait3A_1633 = arith.constant 0 : i32
      %dma_wait3A_1634 = arith.constant 0 : i32
      %dma_wait3A_1635 = tpu.memref_slice %arg2[%dma_wait3A_1633, %dma_wait3A_1634] : memref<100000x8xf32, #tpu.memory_space<hbm>> -> memref<100000x8xf32, #tpu.memory_space<hbm>>
      tpu.wait_indirect_dma semaphore(%arg9 : memref<!tpu.dma_semaphore, #tpu.memory_space<semaphore_mem>>) src(%dma_wait3A_1635 : memref<100000x8xf32, #tpu.memory_space<hbm>>) dst(%dma_wait3A_1629 : memref<128x8xf32, #tpu.memory_space<vmem>>)
      %dma_wait3A_1636 = arith.constant 1 : i32
      %dma_wait3A_1637 = arith.constant 25 : i32
      %dma_wait3A_1638 = arith.constant 0 : i32
      %dma_wait3A_1639 = arith.constant 0 : i32
      %dma_wait3A_1640 = tpu.memref_slice %arg6[%dma_wait3A_1636, %dma_wait3A_1637, %dma_wait3A_1638, %dma_wait3A_1639] : memref<2x28x128x8xf32, #tpu.memory_space<vmem>> -> memref<1x1x128x8xf32, #tpu.memory_space<vmem>>
      %dma_wait3A_1641 = tpu.memref_squeeze %dma_wait3A_1640 : memref<1x1x128x8xf32, #tpu.memory_space<vmem>> -> memref<128x8xf32, #tpu.memory_space<vmem>>
      %dma_wait3A_1642 = arith.constant 0 : i32
      %dma_wait3A_1643 = tpu.memref_slice %arg5[%add3A_1291, %dma_wait3A_1642] : memref<224x128xi32, #tpu.memory_space<vmem>> -> memref<1x128xi32, #tpu.memory_space<vmem>>
      %dma_wait3A_1644 = tpu.memref_squeeze %dma_wait3A_1643 : memref<1x128xi32, #tpu.memory_space<vmem>> -> memref<128xi32, #tpu.memory_space<vmem>>
      %dma_wait3A_1645 = arith.constant 0 : i32
      %dma_wait3A_1646 = arith.constant 0 : i32
      %dma_wait3A_1647 = tpu.memref_slice %arg2[%dma_wait3A_1645, %dma_wait3A_1646] : memref<100000x8xf32, #tpu.memory_space<hbm>> -> memref<100000x8xf32, #tpu.memory_space<hbm>>
      tpu.wait_indirect_dma semaphore(%arg9 : memref<!tpu.dma_semaphore, #tpu.memory_space<semaphore_mem>>) src(%dma_wait3A_1647 : memref<100000x8xf32, #tpu.memory_space<hbm>>) dst(%dma_wait3A_1641 : memref<128x8xf32, #tpu.memory_space<vmem>>)
      %dma_wait3A_1648 = arith.constant 1 : i32
      %dma_wait3A_1649 = arith.constant 26 : i32
      %dma_wait3A_1650 = arith.constant 0 : i32
      %dma_wait3A_1651 = arith.constant 0 : i32
      %dma_wait3A_1652 = tpu.memref_slice %arg6[%dma_wait3A_1648, %dma_wait3A_1649, %dma_wait3A_1650, %dma_wait3A_1651] : memref<2x28x128x8xf32, #tpu.memory_space<vmem>> -> memref<1x1x128x8xf32, #tpu.memory_space<vmem>>
      %dma_wait3A_1653 = tpu.memref_squeeze %dma_wait3A_1652 : memref<1x1x128x8xf32, #tpu.memory_space<vmem>> -> memref<128x8xf32, #tpu.memory_space<vmem>>
      %dma_wait3A_1654 = arith.constant 0 : i32
      %dma_wait3A_1655 = tpu.memref_slice %arg5[%add3A_1307, %dma_wait3A_1654] : memref<224x128xi32, #tpu.memory_space<vmem>> -> memref<1x128xi32, #tpu.memory_space<vmem>>
      %dma_wait3A_1656 = tpu.memref_squeeze %dma_wait3A_1655 : memref<1x128xi32, #tpu.memory_space<vmem>> -> memref<128xi32, #tpu.memory_space<vmem>>
      %dma_wait3A_1657 = arith.constant 0 : i32
      %dma_wait3A_1658 = arith.constant 0 : i32
      %dma_wait3A_1659 = tpu.memref_slice %arg2[%dma_wait3A_1657, %dma_wait3A_1658] : memref<100000x8xf32, #tpu.memory_space<hbm>> -> memref<100000x8xf32, #tpu.memory_space<hbm>>
      tpu.wait_indirect_dma semaphore(%arg9 : memref<!tpu.dma_semaphore, #tpu.memory_space<semaphore_mem>>) src(%dma_wait3A_1659 : memref<100000x8xf32, #tpu.memory_space<hbm>>) dst(%dma_wait3A_1653 : memref<128x8xf32, #tpu.memory_space<vmem>>)
      %dma_wait3A_1660 = arith.constant 1 : i32
      %dma_wait3A_1661 = arith.constant 27 : i32
      %dma_wait3A_1662 = arith.constant 0 : i32
      %dma_wait3A_1663 = arith.constant 0 : i32
      %dma_wait3A_1664 = tpu.memref_slice %arg6[%dma_wait3A_1660, %dma_wait3A_1661, %dma_wait3A_1662, %dma_wait3A_1663] : memref<2x28x128x8xf32, #tpu.memory_space<vmem>> -> memref<1x1x128x8xf32, #tpu.memory_space<vmem>>
      %dma_wait3A_1665 = tpu.memref_squeeze %dma_wait3A_1664 : memref<1x1x128x8xf32, #tpu.memory_space<vmem>> -> memref<128x8xf32, #tpu.memory_space<vmem>>
      %dma_wait3A_1666 = arith.constant 0 : i32
      %dma_wait3A_1667 = tpu.memref_slice %arg5[%add3A_1323, %dma_wait3A_1666] : memref<224x128xi32, #tpu.memory_space<vmem>> -> memref<1x128xi32, #tpu.memory_space<vmem>>
      %dma_wait3A_1668 = tpu.memref_squeeze %dma_wait3A_1667 : memref<1x128xi32, #tpu.memory_space<vmem>> -> memref<128xi32, #tpu.memory_space<vmem>>
      %dma_wait3A_1669 = arith.constant 0 : i32
      %dma_wait3A_1670 = arith.constant 0 : i32
      %dma_wait3A_1671 = tpu.memref_slice %arg2[%dma_wait3A_1669, %dma_wait3A_1670] : memref<100000x8xf32, #tpu.memory_space<hbm>> -> memref<100000x8xf32, #tpu.memory_space<hbm>>
      tpu.wait_indirect_dma semaphore(%arg9 : memref<!tpu.dma_semaphore, #tpu.memory_space<semaphore_mem>>) src(%dma_wait3A_1671 : memref<100000x8xf32, #tpu.memory_space<hbm>>) dst(%dma_wait3A_1665 : memref<128x8xf32, #tpu.memory_space<vmem>>)
      %dma_start3A_1672 = arith.constant 1 : i32
      %dma_start3A_1673 = arith.constant 0 : i32
      %dma_start3A_1674 = arith.constant 0 : i32
      %dma_start3A_1675 = arith.constant 0 : i32
      %dma_start3A_1676 = tpu.memref_slice %arg6[%dma_start3A_1672, %dma_start3A_1673, %dma_start3A_1674, %dma_start3A_1675] : memref<2x28x128x8xf32, #tpu.memory_space<vmem>> -> memref<1x28x128x8xf32, #tpu.memory_space<vmem>>
      %dma_start3A_1677 = tpu.memref_squeeze %dma_start3A_1676 : memref<1x28x128x8xf32, #tpu.memory_space<vmem>> -> memref<28x128x8xf32, #tpu.memory_space<vmem>>
      %dma_start3A_1678 = arith.constant 0 : i32
      %dma_start3A_1679 = arith.constant 0 : i32
      %dma_start3A_1680 = tpu.memref_slice %arg4[%add3A_882, %dma_start3A_1678, %dma_start3A_1679] : memref<6250x128x8xf32, #tpu.memory_space<hbm>> -> memref<28x128x8xf32, #tpu.memory_space<hbm>>
      %dma_start3A_1681 = arith.constant 0 : i32
      %dma_start3A_1682 = arith.constant 0 : i32
      %dma_start3A_1683 = tpu.memref_slice %arg4[%add3A_882, %dma_start3A_1681, %dma_start3A_1682] : memref<6250x128x8xf32, #tpu.memory_space<hbm>> -> memref<28x128x8xf32, #tpu.memory_space<hbm>>
      %dma_start3A_1684 = arith.constant 0 : i32
      %dma_start3A_1685 = arith.constant 0 : i32
      %dma_start3A_1686 = arith.constant 0 : i32
      %dma_start3A_1687 = tpu.memref_slice %arg6[%dma_start3A_1672, %dma_start3A_1684, %dma_start3A_1685, %dma_start3A_1686] : memref<2x28x128x8xf32, #tpu.memory_space<vmem>> -> memref<1x28x128x8xf32, #tpu.memory_space<vmem>>
      %dma_start3A_1688 = tpu.memref_squeeze %dma_start3A_1687 : memref<1x28x128x8xf32, #tpu.memory_space<vmem>> -> memref<28x128x8xf32, #tpu.memory_space<vmem>>
      tpu.enqueue_dma source(%dma_start3A_1688 : memref<28x128x8xf32, #tpu.memory_space<vmem>>) target(%dma_start3A_1683 : memref<28x128x8xf32, #tpu.memory_space<hbm>>) target_semaphore(%arg11 : memref<!tpu.dma_semaphore, #tpu.memory_space<semaphore_mem>>)
    }
    %scan3A_30 = arith.constant 4 : i32
    %dma_wait3A_31 = arith.constant 0 : i32
    %dma_wait3A_32 = arith.constant 0 : i32
    %dma_wait3A_33 = arith.constant 0 : i32
    %dma_wait3A_34 = arith.constant 0 : i32
    %dma_wait3A_35 = tpu.memref_slice %arg6[%dma_wait3A_31, %dma_wait3A_32, %dma_wait3A_33, %dma_wait3A_34] : memref<2x28x128x8xf32, #tpu.memory_space<vmem>> -> memref<1x28x128x8xf32, #tpu.memory_space<vmem>>
    %dma_wait3A_36 = tpu.memref_squeeze %dma_wait3A_35 : memref<1x28x128x8xf32, #tpu.memory_space<vmem>> -> memref<28x128x8xf32, #tpu.memory_space<vmem>>
    %dma_wait3A_37 = arith.constant 0 : i32
    %dma_wait3A_38 = arith.constant 0 : i32
    %dma_wait3A_39 = tpu.memref_slice %arg4[%min3A_19, %dma_wait3A_37, %dma_wait3A_38] : memref<6250x128x8xf32, #tpu.memory_space<hbm>> -> memref<28x128x8xf32, #tpu.memory_space<hbm>>
    %dma_wait3A_40 = arith.constant 0 : i32
    %dma_wait3A_41 = arith.constant 0 : i32
    %dma_wait3A_42 = tpu.memref_slice %arg4[%min3A_19, %dma_wait3A_40, %dma_wait3A_41] : memref<6250x128x8xf32, #tpu.memory_space<hbm>> -> memref<28x128x8xf32, #tpu.memory_space<hbm>>
    %dma_wait3A_43 = arith.constant 0 : i32
    %dma_wait3A_44 = arith.constant 0 : i32
    %dma_wait3A_45 = arith.constant 0 : i32
    %dma_wait3A_46 = tpu.memref_slice %arg6[%dma_wait3A_31, %dma_wait3A_43, %dma_wait3A_44, %dma_wait3A_45] : memref<2x28x128x8xf32, #tpu.memory_space<vmem>> -> memref<1x28x128x8xf32, #tpu.memory_space<vmem>>
    %dma_wait3A_47 = tpu.memref_squeeze %dma_wait3A_46 : memref<1x28x128x8xf32, #tpu.memory_space<vmem>> -> memref<28x128x8xf32, #tpu.memory_space<vmem>>
    tpu.wait_dma2 semaphore(%arg10 : memref<!tpu.dma_semaphore, #tpu.memory_space<semaphore_mem>>) src(%dma_wait3A_47 : memref<28x128x8xf32, #tpu.memory_space<vmem>>) dst(%dma_wait3A_42 : memref<28x128x8xf32, #tpu.memory_space<hbm>>)
    %dma_wait3A_48 = arith.constant 1 : i32
    %dma_wait3A_49 = arith.constant 0 : i32
    %dma_wait3A_50 = arith.constant 0 : i32
    %dma_wait3A_51 = arith.constant 0 : i32
    %dma_wait3A_52 = tpu.memref_slice %arg6[%dma_wait3A_48, %dma_wait3A_49, %dma_wait3A_50, %dma_wait3A_51] : memref<2x28x128x8xf32, #tpu.memory_space<vmem>> -> memref<1x28x128x8xf32, #tpu.memory_space<vmem>>
    %dma_wait3A_53 = tpu.memref_squeeze %dma_wait3A_52 : memref<1x28x128x8xf32, #tpu.memory_space<vmem>> -> memref<28x128x8xf32, #tpu.memory_space<vmem>>
    %dma_wait3A_54 = arith.constant 0 : i32
    %dma_wait3A_55 = arith.constant 0 : i32
    %dma_wait3A_56 = tpu.memref_slice %arg4[%min3A_19, %dma_wait3A_54, %dma_wait3A_55] : memref<6250x128x8xf32, #tpu.memory_space<hbm>> -> memref<28x128x8xf32, #tpu.memory_space<hbm>>
    %dma_wait3A_57 = arith.constant 0 : i32
    %dma_wait3A_58 = arith.constant 0 : i32
    %dma_wait3A_59 = tpu.memref_slice %arg4[%min3A_19, %dma_wait3A_57, %dma_wait3A_58] : memref<6250x128x8xf32, #tpu.memory_space<hbm>> -> memref<28x128x8xf32, #tpu.memory_space<hbm>>
    %dma_wait3A_60 = arith.constant 0 : i32
    %dma_wait3A_61 = arith.constant 0 : i32
    %dma_wait3A_62 = arith.constant 0 : i32
    %dma_wait3A_63 = tpu.memref_slice %arg6[%dma_wait3A_48, %dma_wait3A_60, %dma_wait3A_61, %dma_wait3A_62] : memref<2x28x128x8xf32, #tpu.memory_space<vmem>> -> memref<1x28x128x8xf32, #tpu.memory_space<vmem>>
    %dma_wait3A_64 = tpu.memref_squeeze %dma_wait3A_63 : memref<1x28x128x8xf32, #tpu.memory_space<vmem>> -> memref<28x128x8xf32, #tpu.memory_space<vmem>>
    tpu.wait_dma2 semaphore(%arg11 : memref<!tpu.dma_semaphore, #tpu.memory_space<semaphore_mem>>) src(%dma_wait3A_64 : memref<28x128x8xf32, #tpu.memory_space<vmem>>) dst(%dma_wait3A_59 : memref<28x128x8xf32, #tpu.memory_space<hbm>>)
    return
  }
}

#map = affine_map<(d0, d1) -> (0, 0, 0)>
#map1 = affine_map<(d0, d1) -> (0, 0)>
module attributes {stable_mosaic.version = 14 : i64} {
  func.func @scatter_kernel(%arg0: i32, %arg1: i32, %arg2: memref<6272x128x8xf32, #tpu.memory_space<hbm>>, %arg3: memref<6272x128xi32, #tpu.memory_space<hbm>>, %arg4: memref<100096x8xf32, #tpu.memory_space<hbm>>, %arg5: memref<2x100096x8xf32, #tpu.memory_space<hbm>>, %arg6: memref<196x128xi32, #tpu.memory_space<vmem>>, %arg7: memref<2x14x128x8xf32, #tpu.memory_space<vmem>>, %arg8: memref<100096x8xf32, #tpu.memory_space<vmem_shared>>, %arg9: memref<!tpu.dma_semaphore, #tpu.memory_space<semaphore_mem>>, %arg10: memref<!tpu.dma_semaphore, #tpu.memory_space<semaphore_mem>>, %arg11: memref<!tpu.dma_semaphore, #tpu.memory_space<semaphore_mem>>, %arg12: memref<!tpu.dma_semaphore, #tpu.memory_space<semaphore_mem>>, %arg13: memref<!tpu.dma_semaphore, #tpu.memory_space<semaphore_mem>>) attributes {dimension_semantics = [#tpu.dimension_semantics<core_parallel>, #tpu.dimension_semantics<subcore_parallel>], iteration_bounds = array<i64: 2, 16>, scalar_prefetch = 0 : i64, scratch_operands = 8 : i64, tpu.core_type = #tpu.core_type<sc_vector_subcore>, window_params = [{transform_indices = #map}, {transform_indices = #map1}, {transform_indices = #map1}, {transform_indices = #map}]} {
    %mul3A = arith.constant 2 : i32
    %mul3A_0 = arith.muli %arg1, %mul3A : i32
    %add3A = arith.addi %mul3A_0, %arg0 : i32
    %mul3A_1 = arith.constant 196 : i32
    %mul3A_2 = arith.muli %add3A, %mul3A_1 : i32
    %dma_start3A = arith.constant 0 : i32
    %dma_start3A_3 = tpu.memref_slice %arg3[%mul3A_2, %dma_start3A] : memref<6272x128xi32, #tpu.memory_space<hbm>> -> memref<196x128xi32, #tpu.memory_space<hbm>>
    %dma_start3A_4 = arith.constant 0 : i32
    %dma_start3A_5 = tpu.memref_slice %arg3[%mul3A_2, %dma_start3A_4] : memref<6272x128xi32, #tpu.memory_space<hbm>> -> memref<196x128xi32, #tpu.memory_space<hbm>>
    tpu.enqueue_dma source(%dma_start3A_5 : memref<196x128xi32, #tpu.memory_space<hbm>>) target(%arg6 : memref<196x128xi32, #tpu.memory_space<vmem>>) target_semaphore(%arg9 : memref<!tpu.dma_semaphore, #tpu.memory_space<semaphore_mem>>)
    %mul3A_6 = arith.constant 6256 : i32
    %mul3A_7 = arith.muli %arg1, %mul3A_6 : i32
    %mul3A_8 = arith.constant 6256 : i32
    %mul3A_9 = arith.muli %arg1, %mul3A_8 : i32
    "tpu.region"() ({
      %run_scoped3A = tpu.sem_alloc : memref<!tpu.dma_semaphore, #tpu.memory_space<semaphore_mem>>
      %dma_start3A_40 = arith.constant 0 : i32
      %dma_start3A_41 = tpu.memref_slice %arg8[%mul3A_9, %dma_start3A_40] : memref<100096x8xf32, #tpu.memory_space<vmem_shared>> -> memref<6256x8xf32, #tpu.memory_space<vmem_shared>>
      %dma_start3A_42 = arith.constant 0 : i32
      %dma_start3A_43 = tpu.memref_slice %arg4[%mul3A_7, %dma_start3A_42] : memref<100096x8xf32, #tpu.memory_space<hbm>> -> memref<6256x8xf32, #tpu.memory_space<hbm>>
      tpu.enqueue_dma source(%dma_start3A_43 : memref<6256x8xf32, #tpu.memory_space<hbm>>) target(%dma_start3A_41 : memref<6256x8xf32, #tpu.memory_space<vmem_shared>>) target_semaphore(%run_scoped3A : memref<!tpu.dma_semaphore, #tpu.memory_space<semaphore_mem>>)
      %dma_wait3A_44 = arith.constant 0 : i32
      %dma_wait3A_45 = tpu.memref_slice %arg8[%mul3A_9, %dma_wait3A_44] : memref<100096x8xf32, #tpu.memory_space<vmem_shared>> -> memref<6256x8xf32, #tpu.memory_space<vmem_shared>>
      %dma_wait3A_46 = arith.constant 0 : i32
      %dma_wait3A_47 = tpu.memref_slice %arg4[%mul3A_7, %dma_wait3A_46] : memref<100096x8xf32, #tpu.memory_space<hbm>> -> memref<6256x8xf32, #tpu.memory_space<hbm>>
      tpu.wait_dma2 semaphore(%run_scoped3A : memref<!tpu.dma_semaphore, #tpu.memory_space<semaphore_mem>>) src(%dma_wait3A_47 : memref<6256x8xf32, #tpu.memory_space<hbm>>) dst(%dma_wait3A_45 : memref<6256x8xf32, #tpu.memory_space<vmem_shared>>)
      tpu.yield
    }) : () -> ()
    %barrier3A = arith.constant 0 : index
    tpu.barrier barrier_id(%barrier3A)
    %dma_start3A_10 = arith.constant 0 : i32
    %dma_start3A_11 = arith.constant 0 : i32
    %dma_start3A_12 = arith.constant 0 : i32
    %dma_start3A_13 = arith.constant 0 : i32
    %dma_start3A_14 = tpu.memref_slice %arg7[%dma_start3A_10, %dma_start3A_11, %dma_start3A_12, %dma_start3A_13] : memref<2x14x128x8xf32, #tpu.memory_space<vmem>> -> memref<1x14x128x8xf32, #tpu.memory_space<vmem>>
    %dma_start3A_15 = tpu.memref_squeeze %dma_start3A_14 : memref<1x14x128x8xf32, #tpu.memory_space<vmem>> -> memref<14x128x8xf32, #tpu.memory_space<vmem>>
    %dma_start3A_16 = arith.constant 0 : i32
    %dma_start3A_17 = arith.constant 0 : i32
    %dma_start3A_18 = tpu.memref_slice %arg2[%mul3A_2, %dma_start3A_16, %dma_start3A_17] : memref<6272x128x8xf32, #tpu.memory_space<hbm>> -> memref<14x128x8xf32, #tpu.memory_space<hbm>>
    %dma_start3A_19 = arith.constant 0 : i32
    %dma_start3A_20 = arith.constant 0 : i32
    %dma_start3A_21 = arith.constant 0 : i32
    %dma_start3A_22 = tpu.memref_slice %arg7[%dma_start3A_10, %dma_start3A_19, %dma_start3A_20, %dma_start3A_21] : memref<2x14x128x8xf32, #tpu.memory_space<vmem>> -> memref<1x14x128x8xf32, #tpu.memory_space<vmem>>
    %dma_start3A_23 = tpu.memref_squeeze %dma_start3A_22 : memref<1x14x128x8xf32, #tpu.memory_space<vmem>> -> memref<14x128x8xf32, #tpu.memory_space<vmem>>
    %dma_start3A_24 = arith.constant 0 : i32
    %dma_start3A_25 = arith.constant 0 : i32
    %dma_start3A_26 = tpu.memref_slice %arg2[%mul3A_2, %dma_start3A_24, %dma_start3A_25] : memref<6272x128x8xf32, #tpu.memory_space<hbm>> -> memref<14x128x8xf32, #tpu.memory_space<hbm>>
    tpu.enqueue_dma source(%dma_start3A_26 : memref<14x128x8xf32, #tpu.memory_space<hbm>>) target(%dma_start3A_23 : memref<14x128x8xf32, #tpu.memory_space<vmem>>) target_semaphore(%arg10 : memref<!tpu.dma_semaphore, #tpu.memory_space<semaphore_mem>>)
    %dma_wait3A = arith.constant 0 : i32
    %dma_wait3A_27 = tpu.memref_slice %arg3[%mul3A_2, %dma_wait3A] : memref<6272x128xi32, #tpu.memory_space<hbm>> -> memref<196x128xi32, #tpu.memory_space<hbm>>
    %dma_wait3A_28 = arith.constant 0 : i32
    %dma_wait3A_29 = tpu.memref_slice %arg3[%mul3A_2, %dma_wait3A_28] : memref<6272x128xi32, #tpu.memory_space<hbm>> -> memref<196x128xi32, #tpu.memory_space<hbm>>
    tpu.wait_dma2 semaphore(%arg9 : memref<!tpu.dma_semaphore, #tpu.memory_space<semaphore_mem>>) src(%dma_wait3A_29 : memref<196x128xi32, #tpu.memory_space<hbm>>) dst(%arg6 : memref<196x128xi32, #tpu.memory_space<vmem>>)
    %scan3A = arith.constant 0 : i32
    %scan3A_30 = arith.constant 0 : i32
    %scan3A_31 = arith.constant 7 : i32
    %scan3A_32 = arith.addi %scan3A_30, %scan3A_31 : i32
    %scan3A_33 = arith.constant 1 : i32
    scf.for %scan3A_40 = %scan3A_30 to %scan3A_32 step %scan3A_33  : i32 {
      %mul3A_41 = arith.constant 2 : i32
      %mul3A_42 = arith.muli %scan3A_40, %mul3A_41 : i32
      %add3A_43 = arith.constant 0 : i32
      %add3A_44 = arith.addi %mul3A_42, %add3A_43 : i32
      %mul3A_45 = arith.constant 14 : i32
      %mul3A_46 = arith.muli %add3A_44, %mul3A_45 : i32
      %add3A_47 = arith.addi %mul3A_2, %mul3A_46 : i32
      %dma_wait3A_48 = arith.constant 0 : i32
      %dma_wait3A_49 = arith.constant 0 : i32
      %dma_wait3A_50 = arith.constant 0 : i32
      %dma_wait3A_51 = arith.constant 0 : i32
      %dma_wait3A_52 = tpu.memref_slice %arg7[%dma_wait3A_48, %dma_wait3A_49, %dma_wait3A_50, %dma_wait3A_51] : memref<2x14x128x8xf32, #tpu.memory_space<vmem>> -> memref<1x14x128x8xf32, #tpu.memory_space<vmem>>
      %dma_wait3A_53 = tpu.memref_squeeze %dma_wait3A_52 : memref<1x14x128x8xf32, #tpu.memory_space<vmem>> -> memref<14x128x8xf32, #tpu.memory_space<vmem>>
      %dma_wait3A_54 = arith.constant 0 : i32
      %dma_wait3A_55 = arith.constant 0 : i32
      %dma_wait3A_56 = tpu.memref_slice %arg2[%add3A_47, %dma_wait3A_54, %dma_wait3A_55] : memref<6272x128x8xf32, #tpu.memory_space<hbm>> -> memref<14x128x8xf32, #tpu.memory_space<hbm>>
      %dma_wait3A_57 = arith.constant 0 : i32
      %dma_wait3A_58 = arith.constant 0 : i32
      %dma_wait3A_59 = arith.constant 0 : i32
      %dma_wait3A_60 = tpu.memref_slice %arg7[%dma_wait3A_48, %dma_wait3A_57, %dma_wait3A_58, %dma_wait3A_59] : memref<2x14x128x8xf32, #tpu.memory_space<vmem>> -> memref<1x14x128x8xf32, #tpu.memory_space<vmem>>
      %dma_wait3A_61 = tpu.memref_squeeze %dma_wait3A_60 : memref<1x14x128x8xf32, #tpu.memory_space<vmem>> -> memref<14x128x8xf32, #tpu.memory_space<vmem>>
      %dma_wait3A_62 = arith.constant 0 : i32
      %dma_wait3A_63 = arith.constant 0 : i32
      %dma_wait3A_64 = tpu.memref_slice %arg2[%add3A_47, %dma_wait3A_62, %dma_wait3A_63] : memref<6272x128x8xf32, #tpu.memory_space<hbm>> -> memref<14x128x8xf32, #tpu.memory_space<hbm>>
      tpu.wait_dma2 semaphore(%arg10 : memref<!tpu.dma_semaphore, #tpu.memory_space<semaphore_mem>>) src(%dma_wait3A_64 : memref<14x128x8xf32, #tpu.memory_space<hbm>>) dst(%dma_wait3A_61 : memref<14x128x8xf32, #tpu.memory_space<vmem>>)
      %add3A_65 = arith.constant 1 : i32
      %add3A_66 = arith.addi %add3A_44, %add3A_65 : i32
      %lt3A = arith.constant 14 : i32
      %lt3A_67 = arith.cmpi slt, %add3A_66, %lt3A : i32
      %convert_element_type3A = arith.extui %lt3A_67 : i1 to i32
      %cond3A = arith.constant 0 : i32
      %cond3A_68 = arith.cmpi ne, %convert_element_type3A, %cond3A : i32
      scf.if %cond3A_68 {
        %add3A_884 = arith.constant 14 : i32
        %add3A_885 = arith.addi %add3A_47, %add3A_884 : i32
        %dma_start3A_886 = arith.constant 1 : i32
        %dma_start3A_887 = arith.constant 0 : i32
        %dma_start3A_888 = arith.constant 0 : i32
        %dma_start3A_889 = arith.constant 0 : i32
        %dma_start3A_890 = tpu.memref_slice %arg7[%dma_start3A_886, %dma_start3A_887, %dma_start3A_888, %dma_start3A_889] : memref<2x14x128x8xf32, #tpu.memory_space<vmem>> -> memref<1x14x128x8xf32, #tpu.memory_space<vmem>>
        %dma_start3A_891 = tpu.memref_squeeze %dma_start3A_890 : memref<1x14x128x8xf32, #tpu.memory_space<vmem>> -> memref<14x128x8xf32, #tpu.memory_space<vmem>>
        %dma_start3A_892 = arith.constant 0 : i32
        %dma_start3A_893 = arith.constant 0 : i32
        %dma_start3A_894 = tpu.memref_slice %arg2[%add3A_885, %dma_start3A_892, %dma_start3A_893] : memref<6272x128x8xf32, #tpu.memory_space<hbm>> -> memref<14x128x8xf32, #tpu.memory_space<hbm>>
        %dma_start3A_895 = arith.constant 0 : i32
        %dma_start3A_896 = arith.constant 0 : i32
        %dma_start3A_897 = arith.constant 0 : i32
        %dma_start3A_898 = tpu.memref_slice %arg7[%dma_start3A_886, %dma_start3A_895, %dma_start3A_896, %dma_start3A_897] : memref<2x14x128x8xf32, #tpu.memory_space<vmem>> -> memref<1x14x128x8xf32, #tpu.memory_space<vmem>>
        %dma_start3A_899 = tpu.memref_squeeze %dma_start3A_898 : memref<1x14x128x8xf32, #tpu.memory_space<vmem>> -> memref<14x128x8xf32, #tpu.memory_space<vmem>>
        %dma_start3A_900 = arith.constant 0 : i32
        %dma_start3A_901 = arith.constant 0 : i32
        %dma_start3A_902 = tpu.memref_slice %arg2[%add3A_885, %dma_start3A_900, %dma_start3A_901] : memref<6272x128x8xf32, #tpu.memory_space<hbm>> -> memref<14x128x8xf32, #tpu.memory_space<hbm>>
        tpu.enqueue_dma source(%dma_start3A_902 : memref<14x128x8xf32, #tpu.memory_space<hbm>>) target(%dma_start3A_899 : memref<14x128x8xf32, #tpu.memory_space<vmem>>) target_semaphore(%arg11 : memref<!tpu.dma_semaphore, #tpu.memory_space<semaphore_mem>>)
      } else {
      }
      %mul3A_69 = arith.constant 14 : i32
      %mul3A_70 = arith.muli %add3A_44, %mul3A_69 : i32
      %add3A_71 = arith.constant 0 : i32
      %add3A_72 = arith.addi %mul3A_70, %add3A_71 : i32
      %dma_start3A_73 = arith.constant 0 : i32
      %dma_start3A_74 = arith.constant 0 : i32
      %dma_start3A_75 = arith.constant 0 : i32
      %dma_start3A_76 = arith.constant 0 : i32
      %dma_start3A_77 = tpu.memref_slice %arg7[%dma_start3A_73, %dma_start3A_74, %dma_start3A_75, %dma_start3A_76] : memref<2x14x128x8xf32, #tpu.memory_space<vmem>> -> memref<1x1x128x8xf32, #tpu.memory_space<vmem>>
      %dma_start3A_78 = tpu.memref_squeeze %dma_start3A_77 : memref<1x1x128x8xf32, #tpu.memory_space<vmem>> -> memref<128x8xf32, #tpu.memory_space<vmem>>
      %dma_start3A_79 = arith.constant 0 : i32
      %dma_start3A_80 = tpu.memref_slice %arg6[%add3A_72, %dma_start3A_79] : memref<196x128xi32, #tpu.memory_space<vmem>> -> memref<1x128xi32, #tpu.memory_space<vmem>>
      %dma_start3A_81 = tpu.memref_squeeze %dma_start3A_80 : memref<1x128xi32, #tpu.memory_space<vmem>> -> memref<128xi32, #tpu.memory_space<vmem>>
      %dma_start3A_82 = arith.constant 0 : i32
      %dma_start3A_83 = arith.constant 0 : i32
      %dma_start3A_84 = tpu.memref_slice %arg8[%dma_start3A_82, %dma_start3A_83] : memref<100096x8xf32, #tpu.memory_space<vmem_shared>> -> memref<100096x8xf32, #tpu.memory_space<vmem_shared>>
      tpu.enqueue_indirect_dma source(%dma_start3A_78 : memref<128x8xf32, #tpu.memory_space<vmem>>) target(%dma_start3A_84 : memref<100096x8xf32, #tpu.memory_space<vmem_shared>>) offsets(%dma_start3A_81 : memref<128xi32, #tpu.memory_space<vmem>>) semaphore(%arg12 : memref<!tpu.dma_semaphore, #tpu.memory_space<semaphore_mem>>) {add = true}
      %mul3A_85 = arith.constant 14 : i32
      %mul3A_86 = arith.muli %add3A_44, %mul3A_85 : i32
      %add3A_87 = arith.constant 1 : i32
      %add3A_88 = arith.addi %mul3A_86, %add3A_87 : i32
      %dma_start3A_89 = arith.constant 0 : i32
      %dma_start3A_90 = arith.constant 1 : i32
      %dma_start3A_91 = arith.constant 0 : i32
      %dma_start3A_92 = arith.constant 0 : i32
      %dma_start3A_93 = tpu.memref_slice %arg7[%dma_start3A_89, %dma_start3A_90, %dma_start3A_91, %dma_start3A_92] : memref<2x14x128x8xf32, #tpu.memory_space<vmem>> -> memref<1x1x128x8xf32, #tpu.memory_space<vmem>>
      %dma_start3A_94 = tpu.memref_squeeze %dma_start3A_93 : memref<1x1x128x8xf32, #tpu.memory_space<vmem>> -> memref<128x8xf32, #tpu.memory_space<vmem>>
      %dma_start3A_95 = arith.constant 0 : i32
      %dma_start3A_96 = tpu.memref_slice %arg6[%add3A_88, %dma_start3A_95] : memref<196x128xi32, #tpu.memory_space<vmem>> -> memref<1x128xi32, #tpu.memory_space<vmem>>
      %dma_start3A_97 = tpu.memref_squeeze %dma_start3A_96 : memref<1x128xi32, #tpu.memory_space<vmem>> -> memref<128xi32, #tpu.memory_space<vmem>>
      %dma_start3A_98 = arith.constant 0 : i32
      %dma_start3A_99 = arith.constant 0 : i32
      %dma_start3A_100 = tpu.memref_slice %arg8[%dma_start3A_98, %dma_start3A_99] : memref<100096x8xf32, #tpu.memory_space<vmem_shared>> -> memref<100096x8xf32, #tpu.memory_space<vmem_shared>>
      tpu.enqueue_indirect_dma source(%dma_start3A_94 : memref<128x8xf32, #tpu.memory_space<vmem>>) target(%dma_start3A_100 : memref<100096x8xf32, #tpu.memory_space<vmem_shared>>) offsets(%dma_start3A_97 : memref<128xi32, #tpu.memory_space<vmem>>) semaphore(%arg12 : memref<!tpu.dma_semaphore, #tpu.memory_space<semaphore_mem>>) {add = true}
      %mul3A_101 = arith.constant 14 : i32
      %mul3A_102 = arith.muli %add3A_44, %mul3A_101 : i32
      %add3A_103 = arith.constant 2 : i32
      %add3A_104 = arith.addi %mul3A_102, %add3A_103 : i32
      %dma_start3A_105 = arith.constant 0 : i32
      %dma_start3A_106 = arith.constant 2 : i32
      %dma_start3A_107 = arith.constant 0 : i32
      %dma_start3A_108 = arith.constant 0 : i32
      %dma_start3A_109 = tpu.memref_slice %arg7[%dma_start3A_105, %dma_start3A_106, %dma_start3A_107, %dma_start3A_108] : memref<2x14x128x8xf32, #tpu.memory_space<vmem>> -> memref<1x1x128x8xf32, #tpu.memory_space<vmem>>
      %dma_start3A_110 = tpu.memref_squeeze %dma_start3A_109 : memref<1x1x128x8xf32, #tpu.memory_space<vmem>> -> memref<128x8xf32, #tpu.memory_space<vmem>>
      %dma_start3A_111 = arith.constant 0 : i32
      %dma_start3A_112 = tpu.memref_slice %arg6[%add3A_104, %dma_start3A_111] : memref<196x128xi32, #tpu.memory_space<vmem>> -> memref<1x128xi32, #tpu.memory_space<vmem>>
      %dma_start3A_113 = tpu.memref_squeeze %dma_start3A_112 : memref<1x128xi32, #tpu.memory_space<vmem>> -> memref<128xi32, #tpu.memory_space<vmem>>
      %dma_start3A_114 = arith.constant 0 : i32
      %dma_start3A_115 = arith.constant 0 : i32
      %dma_start3A_116 = tpu.memref_slice %arg8[%dma_start3A_114, %dma_start3A_115] : memref<100096x8xf32, #tpu.memory_space<vmem_shared>> -> memref<100096x8xf32, #tpu.memory_space<vmem_shared>>
      tpu.enqueue_indirect_dma source(%dma_start3A_110 : memref<128x8xf32, #tpu.memory_space<vmem>>) target(%dma_start3A_116 : memref<100096x8xf32, #tpu.memory_space<vmem_shared>>) offsets(%dma_start3A_113 : memref<128xi32, #tpu.memory_space<vmem>>) semaphore(%arg12 : memref<!tpu.dma_semaphore, #tpu.memory_space<semaphore_mem>>) {add = true}
      %mul3A_117 = arith.constant 14 : i32
      %mul3A_118 = arith.muli %add3A_44, %mul3A_117 : i32
      %add3A_119 = arith.constant 3 : i32
      %add3A_120 = arith.addi %mul3A_118, %add3A_119 : i32
      %dma_start3A_121 = arith.constant 0 : i32
      %dma_start3A_122 = arith.constant 3 : i32
      %dma_start3A_123 = arith.constant 0 : i32
      %dma_start3A_124 = arith.constant 0 : i32
      %dma_start3A_125 = tpu.memref_slice %arg7[%dma_start3A_121, %dma_start3A_122, %dma_start3A_123, %dma_start3A_124] : memref<2x14x128x8xf32, #tpu.memory_space<vmem>> -> memref<1x1x128x8xf32, #tpu.memory_space<vmem>>
      %dma_start3A_126 = tpu.memref_squeeze %dma_start3A_125 : memref<1x1x128x8xf32, #tpu.memory_space<vmem>> -> memref<128x8xf32, #tpu.memory_space<vmem>>
      %dma_start3A_127 = arith.constant 0 : i32
      %dma_start3A_128 = tpu.memref_slice %arg6[%add3A_120, %dma_start3A_127] : memref<196x128xi32, #tpu.memory_space<vmem>> -> memref<1x128xi32, #tpu.memory_space<vmem>>
      %dma_start3A_129 = tpu.memref_squeeze %dma_start3A_128 : memref<1x128xi32, #tpu.memory_space<vmem>> -> memref<128xi32, #tpu.memory_space<vmem>>
      %dma_start3A_130 = arith.constant 0 : i32
      %dma_start3A_131 = arith.constant 0 : i32
      %dma_start3A_132 = tpu.memref_slice %arg8[%dma_start3A_130, %dma_start3A_131] : memref<100096x8xf32, #tpu.memory_space<vmem_shared>> -> memref<100096x8xf32, #tpu.memory_space<vmem_shared>>
      tpu.enqueue_indirect_dma source(%dma_start3A_126 : memref<128x8xf32, #tpu.memory_space<vmem>>) target(%dma_start3A_132 : memref<100096x8xf32, #tpu.memory_space<vmem_shared>>) offsets(%dma_start3A_129 : memref<128xi32, #tpu.memory_space<vmem>>) semaphore(%arg12 : memref<!tpu.dma_semaphore, #tpu.memory_space<semaphore_mem>>) {add = true}
      %mul3A_133 = arith.constant 14 : i32
      %mul3A_134 = arith.muli %add3A_44, %mul3A_133 : i32
      %add3A_135 = arith.constant 4 : i32
      %add3A_136 = arith.addi %mul3A_134, %add3A_135 : i32
      %dma_start3A_137 = arith.constant 0 : i32
      %dma_start3A_138 = arith.constant 4 : i32
      %dma_start3A_139 = arith.constant 0 : i32
      %dma_start3A_140 = arith.constant 0 : i32
      %dma_start3A_141 = tpu.memref_slice %arg7[%dma_start3A_137, %dma_start3A_138, %dma_start3A_139, %dma_start3A_140] : memref<2x14x128x8xf32, #tpu.memory_space<vmem>> -> memref<1x1x128x8xf32, #tpu.memory_space<vmem>>
      %dma_start3A_142 = tpu.memref_squeeze %dma_start3A_141 : memref<1x1x128x8xf32, #tpu.memory_space<vmem>> -> memref<128x8xf32, #tpu.memory_space<vmem>>
      %dma_start3A_143 = arith.constant 0 : i32
      %dma_start3A_144 = tpu.memref_slice %arg6[%add3A_136, %dma_start3A_143] : memref<196x128xi32, #tpu.memory_space<vmem>> -> memref<1x128xi32, #tpu.memory_space<vmem>>
      %dma_start3A_145 = tpu.memref_squeeze %dma_start3A_144 : memref<1x128xi32, #tpu.memory_space<vmem>> -> memref<128xi32, #tpu.memory_space<vmem>>
      %dma_start3A_146 = arith.constant 0 : i32
      %dma_start3A_147 = arith.constant 0 : i32
      %dma_start3A_148 = tpu.memref_slice %arg8[%dma_start3A_146, %dma_start3A_147] : memref<100096x8xf32, #tpu.memory_space<vmem_shared>> -> memref<100096x8xf32, #tpu.memory_space<vmem_shared>>
      tpu.enqueue_indirect_dma source(%dma_start3A_142 : memref<128x8xf32, #tpu.memory_space<vmem>>) target(%dma_start3A_148 : memref<100096x8xf32, #tpu.memory_space<vmem_shared>>) offsets(%dma_start3A_145 : memref<128xi32, #tpu.memory_space<vmem>>) semaphore(%arg12 : memref<!tpu.dma_semaphore, #tpu.memory_space<semaphore_mem>>) {add = true}
      %mul3A_149 = arith.constant 14 : i32
      %mul3A_150 = arith.muli %add3A_44, %mul3A_149 : i32
      %add3A_151 = arith.constant 5 : i32
      %add3A_152 = arith.addi %mul3A_150, %add3A_151 : i32
      %dma_start3A_153 = arith.constant 0 : i32
      %dma_start3A_154 = arith.constant 5 : i32
      %dma_start3A_155 = arith.constant 0 : i32
      %dma_start3A_156 = arith.constant 0 : i32
      %dma_start3A_157 = tpu.memref_slice %arg7[%dma_start3A_153, %dma_start3A_154, %dma_start3A_155, %dma_start3A_156] : memref<2x14x128x8xf32, #tpu.memory_space<vmem>> -> memref<1x1x128x8xf32, #tpu.memory_space<vmem>>
      %dma_start3A_158 = tpu.memref_squeeze %dma_start3A_157 : memref<1x1x128x8xf32, #tpu.memory_space<vmem>> -> memref<128x8xf32, #tpu.memory_space<vmem>>
      %dma_start3A_159 = arith.constant 0 : i32
      %dma_start3A_160 = tpu.memref_slice %arg6[%add3A_152, %dma_start3A_159] : memref<196x128xi32, #tpu.memory_space<vmem>> -> memref<1x128xi32, #tpu.memory_space<vmem>>
      %dma_start3A_161 = tpu.memref_squeeze %dma_start3A_160 : memref<1x128xi32, #tpu.memory_space<vmem>> -> memref<128xi32, #tpu.memory_space<vmem>>
      %dma_start3A_162 = arith.constant 0 : i32
      %dma_start3A_163 = arith.constant 0 : i32
      %dma_start3A_164 = tpu.memref_slice %arg8[%dma_start3A_162, %dma_start3A_163] : memref<100096x8xf32, #tpu.memory_space<vmem_shared>> -> memref<100096x8xf32, #tpu.memory_space<vmem_shared>>
      tpu.enqueue_indirect_dma source(%dma_start3A_158 : memref<128x8xf32, #tpu.memory_space<vmem>>) target(%dma_start3A_164 : memref<100096x8xf32, #tpu.memory_space<vmem_shared>>) offsets(%dma_start3A_161 : memref<128xi32, #tpu.memory_space<vmem>>) semaphore(%arg12 : memref<!tpu.dma_semaphore, #tpu.memory_space<semaphore_mem>>) {add = true}
      %mul3A_165 = arith.constant 14 : i32
      %mul3A_166 = arith.muli %add3A_44, %mul3A_165 : i32
      %add3A_167 = arith.constant 6 : i32
      %add3A_168 = arith.addi %mul3A_166, %add3A_167 : i32
      %dma_start3A_169 = arith.constant 0 : i32
      %dma_start3A_170 = arith.constant 6 : i32
      %dma_start3A_171 = arith.constant 0 : i32
      %dma_start3A_172 = arith.constant 0 : i32
      %dma_start3A_173 = tpu.memref_slice %arg7[%dma_start3A_169, %dma_start3A_170, %dma_start3A_171, %dma_start3A_172] : memref<2x14x128x8xf32, #tpu.memory_space<vmem>> -> memref<1x1x128x8xf32, #tpu.memory_space<vmem>>
      %dma_start3A_174 = tpu.memref_squeeze %dma_start3A_173 : memref<1x1x128x8xf32, #tpu.memory_space<vmem>> -> memref<128x8xf32, #tpu.memory_space<vmem>>
      %dma_start3A_175 = arith.constant 0 : i32
      %dma_start3A_176 = tpu.memref_slice %arg6[%add3A_168, %dma_start3A_175] : memref<196x128xi32, #tpu.memory_space<vmem>> -> memref<1x128xi32, #tpu.memory_space<vmem>>
      %dma_start3A_177 = tpu.memref_squeeze %dma_start3A_176 : memref<1x128xi32, #tpu.memory_space<vmem>> -> memref<128xi32, #tpu.memory_space<vmem>>
      %dma_start3A_178 = arith.constant 0 : i32
      %dma_start3A_179 = arith.constant 0 : i32
      %dma_start3A_180 = tpu.memref_slice %arg8[%dma_start3A_178, %dma_start3A_179] : memref<100096x8xf32, #tpu.memory_space<vmem_shared>> -> memref<100096x8xf32, #tpu.memory_space<vmem_shared>>
      tpu.enqueue_indirect_dma source(%dma_start3A_174 : memref<128x8xf32, #tpu.memory_space<vmem>>) target(%dma_start3A_180 : memref<100096x8xf32, #tpu.memory_space<vmem_shared>>) offsets(%dma_start3A_177 : memref<128xi32, #tpu.memory_space<vmem>>) semaphore(%arg12 : memref<!tpu.dma_semaphore, #tpu.memory_space<semaphore_mem>>) {add = true}
      %mul3A_181 = arith.constant 14 : i32
      %mul3A_182 = arith.muli %add3A_44, %mul3A_181 : i32
      %add3A_183 = arith.constant 7 : i32
      %add3A_184 = arith.addi %mul3A_182, %add3A_183 : i32
      %dma_start3A_185 = arith.constant 0 : i32
      %dma_start3A_186 = arith.constant 7 : i32
      %dma_start3A_187 = arith.constant 0 : i32
      %dma_start3A_188 = arith.constant 0 : i32
      %dma_start3A_189 = tpu.memref_slice %arg7[%dma_start3A_185, %dma_start3A_186, %dma_start3A_187, %dma_start3A_188] : memref<2x14x128x8xf32, #tpu.memory_space<vmem>> -> memref<1x1x128x8xf32, #tpu.memory_space<vmem>>
      %dma_start3A_190 = tpu.memref_squeeze %dma_start3A_189 : memref<1x1x128x8xf32, #tpu.memory_space<vmem>> -> memref<128x8xf32, #tpu.memory_space<vmem>>
      %dma_start3A_191 = arith.constant 0 : i32
      %dma_start3A_192 = tpu.memref_slice %arg6[%add3A_184, %dma_start3A_191] : memref<196x128xi32, #tpu.memory_space<vmem>> -> memref<1x128xi32, #tpu.memory_space<vmem>>
      %dma_start3A_193 = tpu.memref_squeeze %dma_start3A_192 : memref<1x128xi32, #tpu.memory_space<vmem>> -> memref<128xi32, #tpu.memory_space<vmem>>
      %dma_start3A_194 = arith.constant 0 : i32
      %dma_start3A_195 = arith.constant 0 : i32
      %dma_start3A_196 = tpu.memref_slice %arg8[%dma_start3A_194, %dma_start3A_195] : memref<100096x8xf32, #tpu.memory_space<vmem_shared>> -> memref<100096x8xf32, #tpu.memory_space<vmem_shared>>
      tpu.enqueue_indirect_dma source(%dma_start3A_190 : memref<128x8xf32, #tpu.memory_space<vmem>>) target(%dma_start3A_196 : memref<100096x8xf32, #tpu.memory_space<vmem_shared>>) offsets(%dma_start3A_193 : memref<128xi32, #tpu.memory_space<vmem>>) semaphore(%arg12 : memref<!tpu.dma_semaphore, #tpu.memory_space<semaphore_mem>>) {add = true}
      %mul3A_197 = arith.constant 14 : i32
      %mul3A_198 = arith.muli %add3A_44, %mul3A_197 : i32
      %add3A_199 = arith.constant 8 : i32
      %add3A_200 = arith.addi %mul3A_198, %add3A_199 : i32
      %dma_start3A_201 = arith.constant 0 : i32
      %dma_start3A_202 = arith.constant 8 : i32
      %dma_start3A_203 = arith.constant 0 : i32
      %dma_start3A_204 = arith.constant 0 : i32
      %dma_start3A_205 = tpu.memref_slice %arg7[%dma_start3A_201, %dma_start3A_202, %dma_start3A_203, %dma_start3A_204] : memref<2x14x128x8xf32, #tpu.memory_space<vmem>> -> memref<1x1x128x8xf32, #tpu.memory_space<vmem>>
      %dma_start3A_206 = tpu.memref_squeeze %dma_start3A_205 : memref<1x1x128x8xf32, #tpu.memory_space<vmem>> -> memref<128x8xf32, #tpu.memory_space<vmem>>
      %dma_start3A_207 = arith.constant 0 : i32
      %dma_start3A_208 = tpu.memref_slice %arg6[%add3A_200, %dma_start3A_207] : memref<196x128xi32, #tpu.memory_space<vmem>> -> memref<1x128xi32, #tpu.memory_space<vmem>>
      %dma_start3A_209 = tpu.memref_squeeze %dma_start3A_208 : memref<1x128xi32, #tpu.memory_space<vmem>> -> memref<128xi32, #tpu.memory_space<vmem>>
      %dma_start3A_210 = arith.constant 0 : i32
      %dma_start3A_211 = arith.constant 0 : i32
      %dma_start3A_212 = tpu.memref_slice %arg8[%dma_start3A_210, %dma_start3A_211] : memref<100096x8xf32, #tpu.memory_space<vmem_shared>> -> memref<100096x8xf32, #tpu.memory_space<vmem_shared>>
      tpu.enqueue_indirect_dma source(%dma_start3A_206 : memref<128x8xf32, #tpu.memory_space<vmem>>) target(%dma_start3A_212 : memref<100096x8xf32, #tpu.memory_space<vmem_shared>>) offsets(%dma_start3A_209 : memref<128xi32, #tpu.memory_space<vmem>>) semaphore(%arg12 : memref<!tpu.dma_semaphore, #tpu.memory_space<semaphore_mem>>) {add = true}
      %mul3A_213 = arith.constant 14 : i32
      %mul3A_214 = arith.muli %add3A_44, %mul3A_213 : i32
      %add3A_215 = arith.constant 9 : i32
      %add3A_216 = arith.addi %mul3A_214, %add3A_215 : i32
      %dma_start3A_217 = arith.constant 0 : i32
      %dma_start3A_218 = arith.constant 9 : i32
      %dma_start3A_219 = arith.constant 0 : i32
      %dma_start3A_220 = arith.constant 0 : i32
      %dma_start3A_221 = tpu.memref_slice %arg7[%dma_start3A_217, %dma_start3A_218, %dma_start3A_219, %dma_start3A_220] : memref<2x14x128x8xf32, #tpu.memory_space<vmem>> -> memref<1x1x128x8xf32, #tpu.memory_space<vmem>>
      %dma_start3A_222 = tpu.memref_squeeze %dma_start3A_221 : memref<1x1x128x8xf32, #tpu.memory_space<vmem>> -> memref<128x8xf32, #tpu.memory_space<vmem>>
      %dma_start3A_223 = arith.constant 0 : i32
      %dma_start3A_224 = tpu.memref_slice %arg6[%add3A_216, %dma_start3A_223] : memref<196x128xi32, #tpu.memory_space<vmem>> -> memref<1x128xi32, #tpu.memory_space<vmem>>
      %dma_start3A_225 = tpu.memref_squeeze %dma_start3A_224 : memref<1x128xi32, #tpu.memory_space<vmem>> -> memref<128xi32, #tpu.memory_space<vmem>>
      %dma_start3A_226 = arith.constant 0 : i32
      %dma_start3A_227 = arith.constant 0 : i32
      %dma_start3A_228 = tpu.memref_slice %arg8[%dma_start3A_226, %dma_start3A_227] : memref<100096x8xf32, #tpu.memory_space<vmem_shared>> -> memref<100096x8xf32, #tpu.memory_space<vmem_shared>>
      tpu.enqueue_indirect_dma source(%dma_start3A_222 : memref<128x8xf32, #tpu.memory_space<vmem>>) target(%dma_start3A_228 : memref<100096x8xf32, #tpu.memory_space<vmem_shared>>) offsets(%dma_start3A_225 : memref<128xi32, #tpu.memory_space<vmem>>) semaphore(%arg12 : memref<!tpu.dma_semaphore, #tpu.memory_space<semaphore_mem>>) {add = true}
      %mul3A_229 = arith.constant 14 : i32
      %mul3A_230 = arith.muli %add3A_44, %mul3A_229 : i32
      %add3A_231 = arith.constant 10 : i32
      %add3A_232 = arith.addi %mul3A_230, %add3A_231 : i32
      %dma_start3A_233 = arith.constant 0 : i32
      %dma_start3A_234 = arith.constant 10 : i32
      %dma_start3A_235 = arith.constant 0 : i32
      %dma_start3A_236 = arith.constant 0 : i32
      %dma_start3A_237 = tpu.memref_slice %arg7[%dma_start3A_233, %dma_start3A_234, %dma_start3A_235, %dma_start3A_236] : memref<2x14x128x8xf32, #tpu.memory_space<vmem>> -> memref<1x1x128x8xf32, #tpu.memory_space<vmem>>
      %dma_start3A_238 = tpu.memref_squeeze %dma_start3A_237 : memref<1x1x128x8xf32, #tpu.memory_space<vmem>> -> memref<128x8xf32, #tpu.memory_space<vmem>>
      %dma_start3A_239 = arith.constant 0 : i32
      %dma_start3A_240 = tpu.memref_slice %arg6[%add3A_232, %dma_start3A_239] : memref<196x128xi32, #tpu.memory_space<vmem>> -> memref<1x128xi32, #tpu.memory_space<vmem>>
      %dma_start3A_241 = tpu.memref_squeeze %dma_start3A_240 : memref<1x128xi32, #tpu.memory_space<vmem>> -> memref<128xi32, #tpu.memory_space<vmem>>
      %dma_start3A_242 = arith.constant 0 : i32
      %dma_start3A_243 = arith.constant 0 : i32
      %dma_start3A_244 = tpu.memref_slice %arg8[%dma_start3A_242, %dma_start3A_243] : memref<100096x8xf32, #tpu.memory_space<vmem_shared>> -> memref<100096x8xf32, #tpu.memory_space<vmem_shared>>
      tpu.enqueue_indirect_dma source(%dma_start3A_238 : memref<128x8xf32, #tpu.memory_space<vmem>>) target(%dma_start3A_244 : memref<100096x8xf32, #tpu.memory_space<vmem_shared>>) offsets(%dma_start3A_241 : memref<128xi32, #tpu.memory_space<vmem>>) semaphore(%arg12 : memref<!tpu.dma_semaphore, #tpu.memory_space<semaphore_mem>>) {add = true}
      %mul3A_245 = arith.constant 14 : i32
      %mul3A_246 = arith.muli %add3A_44, %mul3A_245 : i32
      %add3A_247 = arith.constant 11 : i32
      %add3A_248 = arith.addi %mul3A_246, %add3A_247 : i32
      %dma_start3A_249 = arith.constant 0 : i32
      %dma_start3A_250 = arith.constant 11 : i32
      %dma_start3A_251 = arith.constant 0 : i32
      %dma_start3A_252 = arith.constant 0 : i32
      %dma_start3A_253 = tpu.memref_slice %arg7[%dma_start3A_249, %dma_start3A_250, %dma_start3A_251, %dma_start3A_252] : memref<2x14x128x8xf32, #tpu.memory_space<vmem>> -> memref<1x1x128x8xf32, #tpu.memory_space<vmem>>
      %dma_start3A_254 = tpu.memref_squeeze %dma_start3A_253 : memref<1x1x128x8xf32, #tpu.memory_space<vmem>> -> memref<128x8xf32, #tpu.memory_space<vmem>>
      %dma_start3A_255 = arith.constant 0 : i32
      %dma_start3A_256 = tpu.memref_slice %arg6[%add3A_248, %dma_start3A_255] : memref<196x128xi32, #tpu.memory_space<vmem>> -> memref<1x128xi32, #tpu.memory_space<vmem>>
      %dma_start3A_257 = tpu.memref_squeeze %dma_start3A_256 : memref<1x128xi32, #tpu.memory_space<vmem>> -> memref<128xi32, #tpu.memory_space<vmem>>
      %dma_start3A_258 = arith.constant 0 : i32
      %dma_start3A_259 = arith.constant 0 : i32
      %dma_start3A_260 = tpu.memref_slice %arg8[%dma_start3A_258, %dma_start3A_259] : memref<100096x8xf32, #tpu.memory_space<vmem_shared>> -> memref<100096x8xf32, #tpu.memory_space<vmem_shared>>
      tpu.enqueue_indirect_dma source(%dma_start3A_254 : memref<128x8xf32, #tpu.memory_space<vmem>>) target(%dma_start3A_260 : memref<100096x8xf32, #tpu.memory_space<vmem_shared>>) offsets(%dma_start3A_257 : memref<128xi32, #tpu.memory_space<vmem>>) semaphore(%arg12 : memref<!tpu.dma_semaphore, #tpu.memory_space<semaphore_mem>>) {add = true}
      %mul3A_261 = arith.constant 14 : i32
      %mul3A_262 = arith.muli %add3A_44, %mul3A_261 : i32
      %add3A_263 = arith.constant 12 : i32
      %add3A_264 = arith.addi %mul3A_262, %add3A_263 : i32
      %dma_start3A_265 = arith.constant 0 : i32
      %dma_start3A_266 = arith.constant 12 : i32
      %dma_start3A_267 = arith.constant 0 : i32
      %dma_start3A_268 = arith.constant 0 : i32
      %dma_start3A_269 = tpu.memref_slice %arg7[%dma_start3A_265, %dma_start3A_266, %dma_start3A_267, %dma_start3A_268] : memref<2x14x128x8xf32, #tpu.memory_space<vmem>> -> memref<1x1x128x8xf32, #tpu.memory_space<vmem>>
      %dma_start3A_270 = tpu.memref_squeeze %dma_start3A_269 : memref<1x1x128x8xf32, #tpu.memory_space<vmem>> -> memref<128x8xf32, #tpu.memory_space<vmem>>
      %dma_start3A_271 = arith.constant 0 : i32
      %dma_start3A_272 = tpu.memref_slice %arg6[%add3A_264, %dma_start3A_271] : memref<196x128xi32, #tpu.memory_space<vmem>> -> memref<1x128xi32, #tpu.memory_space<vmem>>
      %dma_start3A_273 = tpu.memref_squeeze %dma_start3A_272 : memref<1x128xi32, #tpu.memory_space<vmem>> -> memref<128xi32, #tpu.memory_space<vmem>>
      %dma_start3A_274 = arith.constant 0 : i32
      %dma_start3A_275 = arith.constant 0 : i32
      %dma_start3A_276 = tpu.memref_slice %arg8[%dma_start3A_274, %dma_start3A_275] : memref<100096x8xf32, #tpu.memory_space<vmem_shared>> -> memref<100096x8xf32, #tpu.memory_space<vmem_shared>>
      tpu.enqueue_indirect_dma source(%dma_start3A_270 : memref<128x8xf32, #tpu.memory_space<vmem>>) target(%dma_start3A_276 : memref<100096x8xf32, #tpu.memory_space<vmem_shared>>) offsets(%dma_start3A_273 : memref<128xi32, #tpu.memory_space<vmem>>) semaphore(%arg12 : memref<!tpu.dma_semaphore, #tpu.memory_space<semaphore_mem>>) {add = true}
      %mul3A_277 = arith.constant 14 : i32
      %mul3A_278 = arith.muli %add3A_44, %mul3A_277 : i32
      %add3A_279 = arith.constant 13 : i32
      %add3A_280 = arith.addi %mul3A_278, %add3A_279 : i32
      %dma_start3A_281 = arith.constant 0 : i32
      %dma_start3A_282 = arith.constant 13 : i32
      %dma_start3A_283 = arith.constant 0 : i32
      %dma_start3A_284 = arith.constant 0 : i32
      %dma_start3A_285 = tpu.memref_slice %arg7[%dma_start3A_281, %dma_start3A_282, %dma_start3A_283, %dma_start3A_284] : memref<2x14x128x8xf32, #tpu.memory_space<vmem>> -> memref<1x1x128x8xf32, #tpu.memory_space<vmem>>
      %dma_start3A_286 = tpu.memref_squeeze %dma_start3A_285 : memref<1x1x128x8xf32, #tpu.memory_space<vmem>> -> memref<128x8xf32, #tpu.memory_space<vmem>>
      %dma_start3A_287 = arith.constant 0 : i32
      %dma_start3A_288 = tpu.memref_slice %arg6[%add3A_280, %dma_start3A_287] : memref<196x128xi32, #tpu.memory_space<vmem>> -> memref<1x128xi32, #tpu.memory_space<vmem>>
      %dma_start3A_289 = tpu.memref_squeeze %dma_start3A_288 : memref<1x128xi32, #tpu.memory_space<vmem>> -> memref<128xi32, #tpu.memory_space<vmem>>
      %dma_start3A_290 = arith.constant 0 : i32
      %dma_start3A_291 = arith.constant 0 : i32
      %dma_start3A_292 = tpu.memref_slice %arg8[%dma_start3A_290, %dma_start3A_291] : memref<100096x8xf32, #tpu.memory_space<vmem_shared>> -> memref<100096x8xf32, #tpu.memory_space<vmem_shared>>
      tpu.enqueue_indirect_dma source(%dma_start3A_286 : memref<128x8xf32, #tpu.memory_space<vmem>>) target(%dma_start3A_292 : memref<100096x8xf32, #tpu.memory_space<vmem_shared>>) offsets(%dma_start3A_289 : memref<128xi32, #tpu.memory_space<vmem>>) semaphore(%arg12 : memref<!tpu.dma_semaphore, #tpu.memory_space<semaphore_mem>>) {add = true}
      %dma_wait3A_293 = arith.constant 0 : i32
      %dma_wait3A_294 = arith.constant 0 : i32
      %dma_wait3A_295 = arith.constant 0 : i32
      %dma_wait3A_296 = arith.constant 0 : i32
      %dma_wait3A_297 = tpu.memref_slice %arg7[%dma_wait3A_293, %dma_wait3A_294, %dma_wait3A_295, %dma_wait3A_296] : memref<2x14x128x8xf32, #tpu.memory_space<vmem>> -> memref<1x1x128x8xf32, #tpu.memory_space<vmem>>
      %dma_wait3A_298 = tpu.memref_squeeze %dma_wait3A_297 : memref<1x1x128x8xf32, #tpu.memory_space<vmem>> -> memref<128x8xf32, #tpu.memory_space<vmem>>
      %dma_wait3A_299 = arith.constant 0 : i32
      %dma_wait3A_300 = tpu.memref_slice %arg6[%add3A_72, %dma_wait3A_299] : memref<196x128xi32, #tpu.memory_space<vmem>> -> memref<1x128xi32, #tpu.memory_space<vmem>>
      %dma_wait3A_301 = tpu.memref_squeeze %dma_wait3A_300 : memref<1x128xi32, #tpu.memory_space<vmem>> -> memref<128xi32, #tpu.memory_space<vmem>>
      %dma_wait3A_302 = arith.constant 0 : i32
      %dma_wait3A_303 = arith.constant 0 : i32
      %dma_wait3A_304 = tpu.memref_slice %arg8[%dma_wait3A_302, %dma_wait3A_303] : memref<100096x8xf32, #tpu.memory_space<vmem_shared>> -> memref<100096x8xf32, #tpu.memory_space<vmem_shared>>
      tpu.wait_indirect_dma semaphore(%arg12 : memref<!tpu.dma_semaphore, #tpu.memory_space<semaphore_mem>>) src(%dma_wait3A_298 : memref<128x8xf32, #tpu.memory_space<vmem>>) dst(%dma_wait3A_304 : memref<100096x8xf32, #tpu.memory_space<vmem_shared>>)
      %dma_wait3A_305 = arith.constant 0 : i32
      %dma_wait3A_306 = arith.constant 1 : i32
      %dma_wait3A_307 = arith.constant 0 : i32
      %dma_wait3A_308 = arith.constant 0 : i32
      %dma_wait3A_309 = tpu.memref_slice %arg7[%dma_wait3A_305, %dma_wait3A_306, %dma_wait3A_307, %dma_wait3A_308] : memref<2x14x128x8xf32, #tpu.memory_space<vmem>> -> memref<1x1x128x8xf32, #tpu.memory_space<vmem>>
      %dma_wait3A_310 = tpu.memref_squeeze %dma_wait3A_309 : memref<1x1x128x8xf32, #tpu.memory_space<vmem>> -> memref<128x8xf32, #tpu.memory_space<vmem>>
      %dma_wait3A_311 = arith.constant 0 : i32
      %dma_wait3A_312 = tpu.memref_slice %arg6[%add3A_88, %dma_wait3A_311] : memref<196x128xi32, #tpu.memory_space<vmem>> -> memref<1x128xi32, #tpu.memory_space<vmem>>
      %dma_wait3A_313 = tpu.memref_squeeze %dma_wait3A_312 : memref<1x128xi32, #tpu.memory_space<vmem>> -> memref<128xi32, #tpu.memory_space<vmem>>
      %dma_wait3A_314 = arith.constant 0 : i32
      %dma_wait3A_315 = arith.constant 0 : i32
      %dma_wait3A_316 = tpu.memref_slice %arg8[%dma_wait3A_314, %dma_wait3A_315] : memref<100096x8xf32, #tpu.memory_space<vmem_shared>> -> memref<100096x8xf32, #tpu.memory_space<vmem_shared>>
      tpu.wait_indirect_dma semaphore(%arg12 : memref<!tpu.dma_semaphore, #tpu.memory_space<semaphore_mem>>) src(%dma_wait3A_310 : memref<128x8xf32, #tpu.memory_space<vmem>>) dst(%dma_wait3A_316 : memref<100096x8xf32, #tpu.memory_space<vmem_shared>>)
      %dma_wait3A_317 = arith.constant 0 : i32
      %dma_wait3A_318 = arith.constant 2 : i32
      %dma_wait3A_319 = arith.constant 0 : i32
      %dma_wait3A_320 = arith.constant 0 : i32
      %dma_wait3A_321 = tpu.memref_slice %arg7[%dma_wait3A_317, %dma_wait3A_318, %dma_wait3A_319, %dma_wait3A_320] : memref<2x14x128x8xf32, #tpu.memory_space<vmem>> -> memref<1x1x128x8xf32, #tpu.memory_space<vmem>>
      %dma_wait3A_322 = tpu.memref_squeeze %dma_wait3A_321 : memref<1x1x128x8xf32, #tpu.memory_space<vmem>> -> memref<128x8xf32, #tpu.memory_space<vmem>>
      %dma_wait3A_323 = arith.constant 0 : i32
      %dma_wait3A_324 = tpu.memref_slice %arg6[%add3A_104, %dma_wait3A_323] : memref<196x128xi32, #tpu.memory_space<vmem>> -> memref<1x128xi32, #tpu.memory_space<vmem>>
      %dma_wait3A_325 = tpu.memref_squeeze %dma_wait3A_324 : memref<1x128xi32, #tpu.memory_space<vmem>> -> memref<128xi32, #tpu.memory_space<vmem>>
      %dma_wait3A_326 = arith.constant 0 : i32
      %dma_wait3A_327 = arith.constant 0 : i32
      %dma_wait3A_328 = tpu.memref_slice %arg8[%dma_wait3A_326, %dma_wait3A_327] : memref<100096x8xf32, #tpu.memory_space<vmem_shared>> -> memref<100096x8xf32, #tpu.memory_space<vmem_shared>>
      tpu.wait_indirect_dma semaphore(%arg12 : memref<!tpu.dma_semaphore, #tpu.memory_space<semaphore_mem>>) src(%dma_wait3A_322 : memref<128x8xf32, #tpu.memory_space<vmem>>) dst(%dma_wait3A_328 : memref<100096x8xf32, #tpu.memory_space<vmem_shared>>)
      %dma_wait3A_329 = arith.constant 0 : i32
      %dma_wait3A_330 = arith.constant 3 : i32
      %dma_wait3A_331 = arith.constant 0 : i32
      %dma_wait3A_332 = arith.constant 0 : i32
      %dma_wait3A_333 = tpu.memref_slice %arg7[%dma_wait3A_329, %dma_wait3A_330, %dma_wait3A_331, %dma_wait3A_332] : memref<2x14x128x8xf32, #tpu.memory_space<vmem>> -> memref<1x1x128x8xf32, #tpu.memory_space<vmem>>
      %dma_wait3A_334 = tpu.memref_squeeze %dma_wait3A_333 : memref<1x1x128x8xf32, #tpu.memory_space<vmem>> -> memref<128x8xf32, #tpu.memory_space<vmem>>
      %dma_wait3A_335 = arith.constant 0 : i32
      %dma_wait3A_336 = tpu.memref_slice %arg6[%add3A_120, %dma_wait3A_335] : memref<196x128xi32, #tpu.memory_space<vmem>> -> memref<1x128xi32, #tpu.memory_space<vmem>>
      %dma_wait3A_337 = tpu.memref_squeeze %dma_wait3A_336 : memref<1x128xi32, #tpu.memory_space<vmem>> -> memref<128xi32, #tpu.memory_space<vmem>>
      %dma_wait3A_338 = arith.constant 0 : i32
      %dma_wait3A_339 = arith.constant 0 : i32
      %dma_wait3A_340 = tpu.memref_slice %arg8[%dma_wait3A_338, %dma_wait3A_339] : memref<100096x8xf32, #tpu.memory_space<vmem_shared>> -> memref<100096x8xf32, #tpu.memory_space<vmem_shared>>
      tpu.wait_indirect_dma semaphore(%arg12 : memref<!tpu.dma_semaphore, #tpu.memory_space<semaphore_mem>>) src(%dma_wait3A_334 : memref<128x8xf32, #tpu.memory_space<vmem>>) dst(%dma_wait3A_340 : memref<100096x8xf32, #tpu.memory_space<vmem_shared>>)
      %dma_wait3A_341 = arith.constant 0 : i32
      %dma_wait3A_342 = arith.constant 4 : i32
      %dma_wait3A_343 = arith.constant 0 : i32
      %dma_wait3A_344 = arith.constant 0 : i32
      %dma_wait3A_345 = tpu.memref_slice %arg7[%dma_wait3A_341, %dma_wait3A_342, %dma_wait3A_343, %dma_wait3A_344] : memref<2x14x128x8xf32, #tpu.memory_space<vmem>> -> memref<1x1x128x8xf32, #tpu.memory_space<vmem>>
      %dma_wait3A_346 = tpu.memref_squeeze %dma_wait3A_345 : memref<1x1x128x8xf32, #tpu.memory_space<vmem>> -> memref<128x8xf32, #tpu.memory_space<vmem>>
      %dma_wait3A_347 = arith.constant 0 : i32
      %dma_wait3A_348 = tpu.memref_slice %arg6[%add3A_136, %dma_wait3A_347] : memref<196x128xi32, #tpu.memory_space<vmem>> -> memref<1x128xi32, #tpu.memory_space<vmem>>
      %dma_wait3A_349 = tpu.memref_squeeze %dma_wait3A_348 : memref<1x128xi32, #tpu.memory_space<vmem>> -> memref<128xi32, #tpu.memory_space<vmem>>
      %dma_wait3A_350 = arith.constant 0 : i32
      %dma_wait3A_351 = arith.constant 0 : i32
      %dma_wait3A_352 = tpu.memref_slice %arg8[%dma_wait3A_350, %dma_wait3A_351] : memref<100096x8xf32, #tpu.memory_space<vmem_shared>> -> memref<100096x8xf32, #tpu.memory_space<vmem_shared>>
      tpu.wait_indirect_dma semaphore(%arg12 : memref<!tpu.dma_semaphore, #tpu.memory_space<semaphore_mem>>) src(%dma_wait3A_346 : memref<128x8xf32, #tpu.memory_space<vmem>>) dst(%dma_wait3A_352 : memref<100096x8xf32, #tpu.memory_space<vmem_shared>>)
      %dma_wait3A_353 = arith.constant 0 : i32
      %dma_wait3A_354 = arith.constant 5 : i32
      %dma_wait3A_355 = arith.constant 0 : i32
      %dma_wait3A_356 = arith.constant 0 : i32
      %dma_wait3A_357 = tpu.memref_slice %arg7[%dma_wait3A_353, %dma_wait3A_354, %dma_wait3A_355, %dma_wait3A_356] : memref<2x14x128x8xf32, #tpu.memory_space<vmem>> -> memref<1x1x128x8xf32, #tpu.memory_space<vmem>>
      %dma_wait3A_358 = tpu.memref_squeeze %dma_wait3A_357 : memref<1x1x128x8xf32, #tpu.memory_space<vmem>> -> memref<128x8xf32, #tpu.memory_space<vmem>>
      %dma_wait3A_359 = arith.constant 0 : i32
      %dma_wait3A_360 = tpu.memref_slice %arg6[%add3A_152, %dma_wait3A_359] : memref<196x128xi32, #tpu.memory_space<vmem>> -> memref<1x128xi32, #tpu.memory_space<vmem>>
      %dma_wait3A_361 = tpu.memref_squeeze %dma_wait3A_360 : memref<1x128xi32, #tpu.memory_space<vmem>> -> memref<128xi32, #tpu.memory_space<vmem>>
      %dma_wait3A_362 = arith.constant 0 : i32
      %dma_wait3A_363 = arith.constant 0 : i32
      %dma_wait3A_364 = tpu.memref_slice %arg8[%dma_wait3A_362, %dma_wait3A_363] : memref<100096x8xf32, #tpu.memory_space<vmem_shared>> -> memref<100096x8xf32, #tpu.memory_space<vmem_shared>>
      tpu.wait_indirect_dma semaphore(%arg12 : memref<!tpu.dma_semaphore, #tpu.memory_space<semaphore_mem>>) src(%dma_wait3A_358 : memref<128x8xf32, #tpu.memory_space<vmem>>) dst(%dma_wait3A_364 : memref<100096x8xf32, #tpu.memory_space<vmem_shared>>)
      %dma_wait3A_365 = arith.constant 0 : i32
      %dma_wait3A_366 = arith.constant 6 : i32
      %dma_wait3A_367 = arith.constant 0 : i32
      %dma_wait3A_368 = arith.constant 0 : i32
      %dma_wait3A_369 = tpu.memref_slice %arg7[%dma_wait3A_365, %dma_wait3A_366, %dma_wait3A_367, %dma_wait3A_368] : memref<2x14x128x8xf32, #tpu.memory_space<vmem>> -> memref<1x1x128x8xf32, #tpu.memory_space<vmem>>
      %dma_wait3A_370 = tpu.memref_squeeze %dma_wait3A_369 : memref<1x1x128x8xf32, #tpu.memory_space<vmem>> -> memref<128x8xf32, #tpu.memory_space<vmem>>
      %dma_wait3A_371 = arith.constant 0 : i32
      %dma_wait3A_372 = tpu.memref_slice %arg6[%add3A_168, %dma_wait3A_371] : memref<196x128xi32, #tpu.memory_space<vmem>> -> memref<1x128xi32, #tpu.memory_space<vmem>>
      %dma_wait3A_373 = tpu.memref_squeeze %dma_wait3A_372 : memref<1x128xi32, #tpu.memory_space<vmem>> -> memref<128xi32, #tpu.memory_space<vmem>>
      %dma_wait3A_374 = arith.constant 0 : i32
      %dma_wait3A_375 = arith.constant 0 : i32
      %dma_wait3A_376 = tpu.memref_slice %arg8[%dma_wait3A_374, %dma_wait3A_375] : memref<100096x8xf32, #tpu.memory_space<vmem_shared>> -> memref<100096x8xf32, #tpu.memory_space<vmem_shared>>
      tpu.wait_indirect_dma semaphore(%arg12 : memref<!tpu.dma_semaphore, #tpu.memory_space<semaphore_mem>>) src(%dma_wait3A_370 : memref<128x8xf32, #tpu.memory_space<vmem>>) dst(%dma_wait3A_376 : memref<100096x8xf32, #tpu.memory_space<vmem_shared>>)
      %dma_wait3A_377 = arith.constant 0 : i32
      %dma_wait3A_378 = arith.constant 7 : i32
      %dma_wait3A_379 = arith.constant 0 : i32
      %dma_wait3A_380 = arith.constant 0 : i32
      %dma_wait3A_381 = tpu.memref_slice %arg7[%dma_wait3A_377, %dma_wait3A_378, %dma_wait3A_379, %dma_wait3A_380] : memref<2x14x128x8xf32, #tpu.memory_space<vmem>> -> memref<1x1x128x8xf32, #tpu.memory_space<vmem>>
      %dma_wait3A_382 = tpu.memref_squeeze %dma_wait3A_381 : memref<1x1x128x8xf32, #tpu.memory_space<vmem>> -> memref<128x8xf32, #tpu.memory_space<vmem>>
      %dma_wait3A_383 = arith.constant 0 : i32
      %dma_wait3A_384 = tpu.memref_slice %arg6[%add3A_184, %dma_wait3A_383] : memref<196x128xi32, #tpu.memory_space<vmem>> -> memref<1x128xi32, #tpu.memory_space<vmem>>
      %dma_wait3A_385 = tpu.memref_squeeze %dma_wait3A_384 : memref<1x128xi32, #tpu.memory_space<vmem>> -> memref<128xi32, #tpu.memory_space<vmem>>
      %dma_wait3A_386 = arith.constant 0 : i32
      %dma_wait3A_387 = arith.constant 0 : i32
      %dma_wait3A_388 = tpu.memref_slice %arg8[%dma_wait3A_386, %dma_wait3A_387] : memref<100096x8xf32, #tpu.memory_space<vmem_shared>> -> memref<100096x8xf32, #tpu.memory_space<vmem_shared>>
      tpu.wait_indirect_dma semaphore(%arg12 : memref<!tpu.dma_semaphore, #tpu.memory_space<semaphore_mem>>) src(%dma_wait3A_382 : memref<128x8xf32, #tpu.memory_space<vmem>>) dst(%dma_wait3A_388 : memref<100096x8xf32, #tpu.memory_space<vmem_shared>>)
      %dma_wait3A_389 = arith.constant 0 : i32
      %dma_wait3A_390 = arith.constant 8 : i32
      %dma_wait3A_391 = arith.constant 0 : i32
      %dma_wait3A_392 = arith.constant 0 : i32
      %dma_wait3A_393 = tpu.memref_slice %arg7[%dma_wait3A_389, %dma_wait3A_390, %dma_wait3A_391, %dma_wait3A_392] : memref<2x14x128x8xf32, #tpu.memory_space<vmem>> -> memref<1x1x128x8xf32, #tpu.memory_space<vmem>>
      %dma_wait3A_394 = tpu.memref_squeeze %dma_wait3A_393 : memref<1x1x128x8xf32, #tpu.memory_space<vmem>> -> memref<128x8xf32, #tpu.memory_space<vmem>>
      %dma_wait3A_395 = arith.constant 0 : i32
      %dma_wait3A_396 = tpu.memref_slice %arg6[%add3A_200, %dma_wait3A_395] : memref<196x128xi32, #tpu.memory_space<vmem>> -> memref<1x128xi32, #tpu.memory_space<vmem>>
      %dma_wait3A_397 = tpu.memref_squeeze %dma_wait3A_396 : memref<1x128xi32, #tpu.memory_space<vmem>> -> memref<128xi32, #tpu.memory_space<vmem>>
      %dma_wait3A_398 = arith.constant 0 : i32
      %dma_wait3A_399 = arith.constant 0 : i32
      %dma_wait3A_400 = tpu.memref_slice %arg8[%dma_wait3A_398, %dma_wait3A_399] : memref<100096x8xf32, #tpu.memory_space<vmem_shared>> -> memref<100096x8xf32, #tpu.memory_space<vmem_shared>>
      tpu.wait_indirect_dma semaphore(%arg12 : memref<!tpu.dma_semaphore, #tpu.memory_space<semaphore_mem>>) src(%dma_wait3A_394 : memref<128x8xf32, #tpu.memory_space<vmem>>) dst(%dma_wait3A_400 : memref<100096x8xf32, #tpu.memory_space<vmem_shared>>)
      %dma_wait3A_401 = arith.constant 0 : i32
      %dma_wait3A_402 = arith.constant 9 : i32
      %dma_wait3A_403 = arith.constant 0 : i32
      %dma_wait3A_404 = arith.constant 0 : i32
      %dma_wait3A_405 = tpu.memref_slice %arg7[%dma_wait3A_401, %dma_wait3A_402, %dma_wait3A_403, %dma_wait3A_404] : memref<2x14x128x8xf32, #tpu.memory_space<vmem>> -> memref<1x1x128x8xf32, #tpu.memory_space<vmem>>
      %dma_wait3A_406 = tpu.memref_squeeze %dma_wait3A_405 : memref<1x1x128x8xf32, #tpu.memory_space<vmem>> -> memref<128x8xf32, #tpu.memory_space<vmem>>
      %dma_wait3A_407 = arith.constant 0 : i32
      %dma_wait3A_408 = tpu.memref_slice %arg6[%add3A_216, %dma_wait3A_407] : memref<196x128xi32, #tpu.memory_space<vmem>> -> memref<1x128xi32, #tpu.memory_space<vmem>>
      %dma_wait3A_409 = tpu.memref_squeeze %dma_wait3A_408 : memref<1x128xi32, #tpu.memory_space<vmem>> -> memref<128xi32, #tpu.memory_space<vmem>>
      %dma_wait3A_410 = arith.constant 0 : i32
      %dma_wait3A_411 = arith.constant 0 : i32
      %dma_wait3A_412 = tpu.memref_slice %arg8[%dma_wait3A_410, %dma_wait3A_411] : memref<100096x8xf32, #tpu.memory_space<vmem_shared>> -> memref<100096x8xf32, #tpu.memory_space<vmem_shared>>
      tpu.wait_indirect_dma semaphore(%arg12 : memref<!tpu.dma_semaphore, #tpu.memory_space<semaphore_mem>>) src(%dma_wait3A_406 : memref<128x8xf32, #tpu.memory_space<vmem>>) dst(%dma_wait3A_412 : memref<100096x8xf32, #tpu.memory_space<vmem_shared>>)
      %dma_wait3A_413 = arith.constant 0 : i32
      %dma_wait3A_414 = arith.constant 10 : i32
      %dma_wait3A_415 = arith.constant 0 : i32
      %dma_wait3A_416 = arith.constant 0 : i32
      %dma_wait3A_417 = tpu.memref_slice %arg7[%dma_wait3A_413, %dma_wait3A_414, %dma_wait3A_415, %dma_wait3A_416] : memref<2x14x128x8xf32, #tpu.memory_space<vmem>> -> memref<1x1x128x8xf32, #tpu.memory_space<vmem>>
      %dma_wait3A_418 = tpu.memref_squeeze %dma_wait3A_417 : memref<1x1x128x8xf32, #tpu.memory_space<vmem>> -> memref<128x8xf32, #tpu.memory_space<vmem>>
      %dma_wait3A_419 = arith.constant 0 : i32
      %dma_wait3A_420 = tpu.memref_slice %arg6[%add3A_232, %dma_wait3A_419] : memref<196x128xi32, #tpu.memory_space<vmem>> -> memref<1x128xi32, #tpu.memory_space<vmem>>
      %dma_wait3A_421 = tpu.memref_squeeze %dma_wait3A_420 : memref<1x128xi32, #tpu.memory_space<vmem>> -> memref<128xi32, #tpu.memory_space<vmem>>
      %dma_wait3A_422 = arith.constant 0 : i32
      %dma_wait3A_423 = arith.constant 0 : i32
      %dma_wait3A_424 = tpu.memref_slice %arg8[%dma_wait3A_422, %dma_wait3A_423] : memref<100096x8xf32, #tpu.memory_space<vmem_shared>> -> memref<100096x8xf32, #tpu.memory_space<vmem_shared>>
      tpu.wait_indirect_dma semaphore(%arg12 : memref<!tpu.dma_semaphore, #tpu.memory_space<semaphore_mem>>) src(%dma_wait3A_418 : memref<128x8xf32, #tpu.memory_space<vmem>>) dst(%dma_wait3A_424 : memref<100096x8xf32, #tpu.memory_space<vmem_shared>>)
      %dma_wait3A_425 = arith.constant 0 : i32
      %dma_wait3A_426 = arith.constant 11 : i32
      %dma_wait3A_427 = arith.constant 0 : i32
      %dma_wait3A_428 = arith.constant 0 : i32
      %dma_wait3A_429 = tpu.memref_slice %arg7[%dma_wait3A_425, %dma_wait3A_426, %dma_wait3A_427, %dma_wait3A_428] : memref<2x14x128x8xf32, #tpu.memory_space<vmem>> -> memref<1x1x128x8xf32, #tpu.memory_space<vmem>>
      %dma_wait3A_430 = tpu.memref_squeeze %dma_wait3A_429 : memref<1x1x128x8xf32, #tpu.memory_space<vmem>> -> memref<128x8xf32, #tpu.memory_space<vmem>>
      %dma_wait3A_431 = arith.constant 0 : i32
      %dma_wait3A_432 = tpu.memref_slice %arg6[%add3A_248, %dma_wait3A_431] : memref<196x128xi32, #tpu.memory_space<vmem>> -> memref<1x128xi32, #tpu.memory_space<vmem>>
      %dma_wait3A_433 = tpu.memref_squeeze %dma_wait3A_432 : memref<1x128xi32, #tpu.memory_space<vmem>> -> memref<128xi32, #tpu.memory_space<vmem>>
      %dma_wait3A_434 = arith.constant 0 : i32
      %dma_wait3A_435 = arith.constant 0 : i32
      %dma_wait3A_436 = tpu.memref_slice %arg8[%dma_wait3A_434, %dma_wait3A_435] : memref<100096x8xf32, #tpu.memory_space<vmem_shared>> -> memref<100096x8xf32, #tpu.memory_space<vmem_shared>>
      tpu.wait_indirect_dma semaphore(%arg12 : memref<!tpu.dma_semaphore, #tpu.memory_space<semaphore_mem>>) src(%dma_wait3A_430 : memref<128x8xf32, #tpu.memory_space<vmem>>) dst(%dma_wait3A_436 : memref<100096x8xf32, #tpu.memory_space<vmem_shared>>)
      %dma_wait3A_437 = arith.constant 0 : i32
      %dma_wait3A_438 = arith.constant 12 : i32
      %dma_wait3A_439 = arith.constant 0 : i32
      %dma_wait3A_440 = arith.constant 0 : i32
      %dma_wait3A_441 = tpu.memref_slice %arg7[%dma_wait3A_437, %dma_wait3A_438, %dma_wait3A_439, %dma_wait3A_440] : memref<2x14x128x8xf32, #tpu.memory_space<vmem>> -> memref<1x1x128x8xf32, #tpu.memory_space<vmem>>
      %dma_wait3A_442 = tpu.memref_squeeze %dma_wait3A_441 : memref<1x1x128x8xf32, #tpu.memory_space<vmem>> -> memref<128x8xf32, #tpu.memory_space<vmem>>
      %dma_wait3A_443 = arith.constant 0 : i32
      %dma_wait3A_444 = tpu.memref_slice %arg6[%add3A_264, %dma_wait3A_443] : memref<196x128xi32, #tpu.memory_space<vmem>> -> memref<1x128xi32, #tpu.memory_space<vmem>>
      %dma_wait3A_445 = tpu.memref_squeeze %dma_wait3A_444 : memref<1x128xi32, #tpu.memory_space<vmem>> -> memref<128xi32, #tpu.memory_space<vmem>>
      %dma_wait3A_446 = arith.constant 0 : i32
      %dma_wait3A_447 = arith.constant 0 : i32
      %dma_wait3A_448 = tpu.memref_slice %arg8[%dma_wait3A_446, %dma_wait3A_447] : memref<100096x8xf32, #tpu.memory_space<vmem_shared>> -> memref<100096x8xf32, #tpu.memory_space<vmem_shared>>
      tpu.wait_indirect_dma semaphore(%arg12 : memref<!tpu.dma_semaphore, #tpu.memory_space<semaphore_mem>>) src(%dma_wait3A_442 : memref<128x8xf32, #tpu.memory_space<vmem>>) dst(%dma_wait3A_448 : memref<100096x8xf32, #tpu.memory_space<vmem_shared>>)
      %dma_wait3A_449 = arith.constant 0 : i32
      %dma_wait3A_450 = arith.constant 13 : i32
      %dma_wait3A_451 = arith.constant 0 : i32
      %dma_wait3A_452 = arith.constant 0 : i32
      %dma_wait3A_453 = tpu.memref_slice %arg7[%dma_wait3A_449, %dma_wait3A_450, %dma_wait3A_451, %dma_wait3A_452] : memref<2x14x128x8xf32, #tpu.memory_space<vmem>> -> memref<1x1x128x8xf32, #tpu.memory_space<vmem>>
      %dma_wait3A_454 = tpu.memref_squeeze %dma_wait3A_453 : memref<1x1x128x8xf32, #tpu.memory_space<vmem>> -> memref<128x8xf32, #tpu.memory_space<vmem>>
      %dma_wait3A_455 = arith.constant 0 : i32
      %dma_wait3A_456 = tpu.memref_slice %arg6[%add3A_280, %dma_wait3A_455] : memref<196x128xi32, #tpu.memory_space<vmem>> -> memref<1x128xi32, #tpu.memory_space<vmem>>
      %dma_wait3A_457 = tpu.memref_squeeze %dma_wait3A_456 : memref<1x128xi32, #tpu.memory_space<vmem>> -> memref<128xi32, #tpu.memory_space<vmem>>
      %dma_wait3A_458 = arith.constant 0 : i32
      %dma_wait3A_459 = arith.constant 0 : i32
      %dma_wait3A_460 = tpu.memref_slice %arg8[%dma_wait3A_458, %dma_wait3A_459] : memref<100096x8xf32, #tpu.memory_space<vmem_shared>> -> memref<100096x8xf32, #tpu.memory_space<vmem_shared>>
      tpu.wait_indirect_dma semaphore(%arg12 : memref<!tpu.dma_semaphore, #tpu.memory_space<semaphore_mem>>) src(%dma_wait3A_454 : memref<128x8xf32, #tpu.memory_space<vmem>>) dst(%dma_wait3A_460 : memref<100096x8xf32, #tpu.memory_space<vmem_shared>>)
      %mul3A_461 = arith.constant 2 : i32
      %mul3A_462 = arith.muli %scan3A_40, %mul3A_461 : i32
      %add3A_463 = arith.constant 1 : i32
      %add3A_464 = arith.addi %mul3A_462, %add3A_463 : i32
      %mul3A_465 = arith.constant 14 : i32
      %mul3A_466 = arith.muli %add3A_464, %mul3A_465 : i32
      %add3A_467 = arith.addi %mul3A_2, %mul3A_466 : i32
      %dma_wait3A_468 = arith.constant 1 : i32
      %dma_wait3A_469 = arith.constant 0 : i32
      %dma_wait3A_470 = arith.constant 0 : i32
      %dma_wait3A_471 = arith.constant 0 : i32
      %dma_wait3A_472 = tpu.memref_slice %arg7[%dma_wait3A_468, %dma_wait3A_469, %dma_wait3A_470, %dma_wait3A_471] : memref<2x14x128x8xf32, #tpu.memory_space<vmem>> -> memref<1x14x128x8xf32, #tpu.memory_space<vmem>>
      %dma_wait3A_473 = tpu.memref_squeeze %dma_wait3A_472 : memref<1x14x128x8xf32, #tpu.memory_space<vmem>> -> memref<14x128x8xf32, #tpu.memory_space<vmem>>
      %dma_wait3A_474 = arith.constant 0 : i32
      %dma_wait3A_475 = arith.constant 0 : i32
      %dma_wait3A_476 = tpu.memref_slice %arg2[%add3A_467, %dma_wait3A_474, %dma_wait3A_475] : memref<6272x128x8xf32, #tpu.memory_space<hbm>> -> memref<14x128x8xf32, #tpu.memory_space<hbm>>
      %dma_wait3A_477 = arith.constant 0 : i32
      %dma_wait3A_478 = arith.constant 0 : i32
      %dma_wait3A_479 = arith.constant 0 : i32
      %dma_wait3A_480 = tpu.memref_slice %arg7[%dma_wait3A_468, %dma_wait3A_477, %dma_wait3A_478, %dma_wait3A_479] : memref<2x14x128x8xf32, #tpu.memory_space<vmem>> -> memref<1x14x128x8xf32, #tpu.memory_space<vmem>>
      %dma_wait3A_481 = tpu.memref_squeeze %dma_wait3A_480 : memref<1x14x128x8xf32, #tpu.memory_space<vmem>> -> memref<14x128x8xf32, #tpu.memory_space<vmem>>
      %dma_wait3A_482 = arith.constant 0 : i32
      %dma_wait3A_483 = arith.constant 0 : i32
      %dma_wait3A_484 = tpu.memref_slice %arg2[%add3A_467, %dma_wait3A_482, %dma_wait3A_483] : memref<6272x128x8xf32, #tpu.memory_space<hbm>> -> memref<14x128x8xf32, #tpu.memory_space<hbm>>
      tpu.wait_dma2 semaphore(%arg11 : memref<!tpu.dma_semaphore, #tpu.memory_space<semaphore_mem>>) src(%dma_wait3A_484 : memref<14x128x8xf32, #tpu.memory_space<hbm>>) dst(%dma_wait3A_481 : memref<14x128x8xf32, #tpu.memory_space<vmem>>)
      %add3A_485 = arith.constant 1 : i32
      %add3A_486 = arith.addi %add3A_464, %add3A_485 : i32
      %lt3A_487 = arith.constant 14 : i32
      %lt3A_488 = arith.cmpi slt, %add3A_486, %lt3A_487 : i32
      %convert_element_type3A_489 = arith.extui %lt3A_488 : i1 to i32
      %cond3A_490 = arith.constant 0 : i32
      %cond3A_491 = arith.cmpi ne, %convert_element_type3A_489, %cond3A_490 : i32
      scf.if %cond3A_491 {
        %add3A_884 = arith.constant 14 : i32
        %add3A_885 = arith.addi %add3A_467, %add3A_884 : i32
        %dma_start3A_886 = arith.constant 0 : i32
        %dma_start3A_887 = arith.constant 0 : i32
        %dma_start3A_888 = arith.constant 0 : i32
        %dma_start3A_889 = arith.constant 0 : i32
        %dma_start3A_890 = tpu.memref_slice %arg7[%dma_start3A_886, %dma_start3A_887, %dma_start3A_888, %dma_start3A_889] : memref<2x14x128x8xf32, #tpu.memory_space<vmem>> -> memref<1x14x128x8xf32, #tpu.memory_space<vmem>>
        %dma_start3A_891 = tpu.memref_squeeze %dma_start3A_890 : memref<1x14x128x8xf32, #tpu.memory_space<vmem>> -> memref<14x128x8xf32, #tpu.memory_space<vmem>>
        %dma_start3A_892 = arith.constant 0 : i32
        %dma_start3A_893 = arith.constant 0 : i32
        %dma_start3A_894 = tpu.memref_slice %arg2[%add3A_885, %dma_start3A_892, %dma_start3A_893] : memref<6272x128x8xf32, #tpu.memory_space<hbm>> -> memref<14x128x8xf32, #tpu.memory_space<hbm>>
        %dma_start3A_895 = arith.constant 0 : i32
        %dma_start3A_896 = arith.constant 0 : i32
        %dma_start3A_897 = arith.constant 0 : i32
        %dma_start3A_898 = tpu.memref_slice %arg7[%dma_start3A_886, %dma_start3A_895, %dma_start3A_896, %dma_start3A_897] : memref<2x14x128x8xf32, #tpu.memory_space<vmem>> -> memref<1x14x128x8xf32, #tpu.memory_space<vmem>>
        %dma_start3A_899 = tpu.memref_squeeze %dma_start3A_898 : memref<1x14x128x8xf32, #tpu.memory_space<vmem>> -> memref<14x128x8xf32, #tpu.memory_space<vmem>>
        %dma_start3A_900 = arith.constant 0 : i32
        %dma_start3A_901 = arith.constant 0 : i32
        %dma_start3A_902 = tpu.memref_slice %arg2[%add3A_885, %dma_start3A_900, %dma_start3A_901] : memref<6272x128x8xf32, #tpu.memory_space<hbm>> -> memref<14x128x8xf32, #tpu.memory_space<hbm>>
        tpu.enqueue_dma source(%dma_start3A_902 : memref<14x128x8xf32, #tpu.memory_space<hbm>>) target(%dma_start3A_899 : memref<14x128x8xf32, #tpu.memory_space<vmem>>) target_semaphore(%arg10 : memref<!tpu.dma_semaphore, #tpu.memory_space<semaphore_mem>>)
      } else {
      }
      %mul3A_492 = arith.constant 14 : i32
      %mul3A_493 = arith.muli %add3A_464, %mul3A_492 : i32
      %add3A_494 = arith.constant 0 : i32
      %add3A_495 = arith.addi %mul3A_493, %add3A_494 : i32
      %dma_start3A_496 = arith.constant 1 : i32
      %dma_start3A_497 = arith.constant 0 : i32
      %dma_start3A_498 = arith.constant 0 : i32
      %dma_start3A_499 = arith.constant 0 : i32
      %dma_start3A_500 = tpu.memref_slice %arg7[%dma_start3A_496, %dma_start3A_497, %dma_start3A_498, %dma_start3A_499] : memref<2x14x128x8xf32, #tpu.memory_space<vmem>> -> memref<1x1x128x8xf32, #tpu.memory_space<vmem>>
      %dma_start3A_501 = tpu.memref_squeeze %dma_start3A_500 : memref<1x1x128x8xf32, #tpu.memory_space<vmem>> -> memref<128x8xf32, #tpu.memory_space<vmem>>
      %dma_start3A_502 = arith.constant 0 : i32
      %dma_start3A_503 = tpu.memref_slice %arg6[%add3A_495, %dma_start3A_502] : memref<196x128xi32, #tpu.memory_space<vmem>> -> memref<1x128xi32, #tpu.memory_space<vmem>>
      %dma_start3A_504 = tpu.memref_squeeze %dma_start3A_503 : memref<1x128xi32, #tpu.memory_space<vmem>> -> memref<128xi32, #tpu.memory_space<vmem>>
      %dma_start3A_505 = arith.constant 0 : i32
      %dma_start3A_506 = arith.constant 0 : i32
      %dma_start3A_507 = tpu.memref_slice %arg8[%dma_start3A_505, %dma_start3A_506] : memref<100096x8xf32, #tpu.memory_space<vmem_shared>> -> memref<100096x8xf32, #tpu.memory_space<vmem_shared>>
      tpu.enqueue_indirect_dma source(%dma_start3A_501 : memref<128x8xf32, #tpu.memory_space<vmem>>) target(%dma_start3A_507 : memref<100096x8xf32, #tpu.memory_space<vmem_shared>>) offsets(%dma_start3A_504 : memref<128xi32, #tpu.memory_space<vmem>>) semaphore(%arg13 : memref<!tpu.dma_semaphore, #tpu.memory_space<semaphore_mem>>) {add = true}
      %mul3A_508 = arith.constant 14 : i32
      %mul3A_509 = arith.muli %add3A_464, %mul3A_508 : i32
      %add3A_510 = arith.constant 1 : i32
      %add3A_511 = arith.addi %mul3A_509, %add3A_510 : i32
      %dma_start3A_512 = arith.constant 1 : i32
      %dma_start3A_513 = arith.constant 1 : i32
      %dma_start3A_514 = arith.constant 0 : i32
      %dma_start3A_515 = arith.constant 0 : i32
      %dma_start3A_516 = tpu.memref_slice %arg7[%dma_start3A_512, %dma_start3A_513, %dma_start3A_514, %dma_start3A_515] : memref<2x14x128x8xf32, #tpu.memory_space<vmem>> -> memref<1x1x128x8xf32, #tpu.memory_space<vmem>>
      %dma_start3A_517 = tpu.memref_squeeze %dma_start3A_516 : memref<1x1x128x8xf32, #tpu.memory_space<vmem>> -> memref<128x8xf32, #tpu.memory_space<vmem>>
      %dma_start3A_518 = arith.constant 0 : i32
      %dma_start3A_519 = tpu.memref_slice %arg6[%add3A_511, %dma_start3A_518] : memref<196x128xi32, #tpu.memory_space<vmem>> -> memref<1x128xi32, #tpu.memory_space<vmem>>
      %dma_start3A_520 = tpu.memref_squeeze %dma_start3A_519 : memref<1x128xi32, #tpu.memory_space<vmem>> -> memref<128xi32, #tpu.memory_space<vmem>>
      %dma_start3A_521 = arith.constant 0 : i32
      %dma_start3A_522 = arith.constant 0 : i32
      %dma_start3A_523 = tpu.memref_slice %arg8[%dma_start3A_521, %dma_start3A_522] : memref<100096x8xf32, #tpu.memory_space<vmem_shared>> -> memref<100096x8xf32, #tpu.memory_space<vmem_shared>>
      tpu.enqueue_indirect_dma source(%dma_start3A_517 : memref<128x8xf32, #tpu.memory_space<vmem>>) target(%dma_start3A_523 : memref<100096x8xf32, #tpu.memory_space<vmem_shared>>) offsets(%dma_start3A_520 : memref<128xi32, #tpu.memory_space<vmem>>) semaphore(%arg13 : memref<!tpu.dma_semaphore, #tpu.memory_space<semaphore_mem>>) {add = true}
      %mul3A_524 = arith.constant 14 : i32
      %mul3A_525 = arith.muli %add3A_464, %mul3A_524 : i32
      %add3A_526 = arith.constant 2 : i32
      %add3A_527 = arith.addi %mul3A_525, %add3A_526 : i32
      %dma_start3A_528 = arith.constant 1 : i32
      %dma_start3A_529 = arith.constant 2 : i32
      %dma_start3A_530 = arith.constant 0 : i32
      %dma_start3A_531 = arith.constant 0 : i32
      %dma_start3A_532 = tpu.memref_slice %arg7[%dma_start3A_528, %dma_start3A_529, %dma_start3A_530, %dma_start3A_531] : memref<2x14x128x8xf32, #tpu.memory_space<vmem>> -> memref<1x1x128x8xf32, #tpu.memory_space<vmem>>
      %dma_start3A_533 = tpu.memref_squeeze %dma_start3A_532 : memref<1x1x128x8xf32, #tpu.memory_space<vmem>> -> memref<128x8xf32, #tpu.memory_space<vmem>>
      %dma_start3A_534 = arith.constant 0 : i32
      %dma_start3A_535 = tpu.memref_slice %arg6[%add3A_527, %dma_start3A_534] : memref<196x128xi32, #tpu.memory_space<vmem>> -> memref<1x128xi32, #tpu.memory_space<vmem>>
      %dma_start3A_536 = tpu.memref_squeeze %dma_start3A_535 : memref<1x128xi32, #tpu.memory_space<vmem>> -> memref<128xi32, #tpu.memory_space<vmem>>
      %dma_start3A_537 = arith.constant 0 : i32
      %dma_start3A_538 = arith.constant 0 : i32
      %dma_start3A_539 = tpu.memref_slice %arg8[%dma_start3A_537, %dma_start3A_538] : memref<100096x8xf32, #tpu.memory_space<vmem_shared>> -> memref<100096x8xf32, #tpu.memory_space<vmem_shared>>
      tpu.enqueue_indirect_dma source(%dma_start3A_533 : memref<128x8xf32, #tpu.memory_space<vmem>>) target(%dma_start3A_539 : memref<100096x8xf32, #tpu.memory_space<vmem_shared>>) offsets(%dma_start3A_536 : memref<128xi32, #tpu.memory_space<vmem>>) semaphore(%arg13 : memref<!tpu.dma_semaphore, #tpu.memory_space<semaphore_mem>>) {add = true}
      %mul3A_540 = arith.constant 14 : i32
      %mul3A_541 = arith.muli %add3A_464, %mul3A_540 : i32
      %add3A_542 = arith.constant 3 : i32
      %add3A_543 = arith.addi %mul3A_541, %add3A_542 : i32
      %dma_start3A_544 = arith.constant 1 : i32
      %dma_start3A_545 = arith.constant 3 : i32
      %dma_start3A_546 = arith.constant 0 : i32
      %dma_start3A_547 = arith.constant 0 : i32
      %dma_start3A_548 = tpu.memref_slice %arg7[%dma_start3A_544, %dma_start3A_545, %dma_start3A_546, %dma_start3A_547] : memref<2x14x128x8xf32, #tpu.memory_space<vmem>> -> memref<1x1x128x8xf32, #tpu.memory_space<vmem>>
      %dma_start3A_549 = tpu.memref_squeeze %dma_start3A_548 : memref<1x1x128x8xf32, #tpu.memory_space<vmem>> -> memref<128x8xf32, #tpu.memory_space<vmem>>
      %dma_start3A_550 = arith.constant 0 : i32
      %dma_start3A_551 = tpu.memref_slice %arg6[%add3A_543, %dma_start3A_550] : memref<196x128xi32, #tpu.memory_space<vmem>> -> memref<1x128xi32, #tpu.memory_space<vmem>>
      %dma_start3A_552 = tpu.memref_squeeze %dma_start3A_551 : memref<1x128xi32, #tpu.memory_space<vmem>> -> memref<128xi32, #tpu.memory_space<vmem>>
      %dma_start3A_553 = arith.constant 0 : i32
      %dma_start3A_554 = arith.constant 0 : i32
      %dma_start3A_555 = tpu.memref_slice %arg8[%dma_start3A_553, %dma_start3A_554] : memref<100096x8xf32, #tpu.memory_space<vmem_shared>> -> memref<100096x8xf32, #tpu.memory_space<vmem_shared>>
      tpu.enqueue_indirect_dma source(%dma_start3A_549 : memref<128x8xf32, #tpu.memory_space<vmem>>) target(%dma_start3A_555 : memref<100096x8xf32, #tpu.memory_space<vmem_shared>>) offsets(%dma_start3A_552 : memref<128xi32, #tpu.memory_space<vmem>>) semaphore(%arg13 : memref<!tpu.dma_semaphore, #tpu.memory_space<semaphore_mem>>) {add = true}
      %mul3A_556 = arith.constant 14 : i32
      %mul3A_557 = arith.muli %add3A_464, %mul3A_556 : i32
      %add3A_558 = arith.constant 4 : i32
      %add3A_559 = arith.addi %mul3A_557, %add3A_558 : i32
      %dma_start3A_560 = arith.constant 1 : i32
      %dma_start3A_561 = arith.constant 4 : i32
      %dma_start3A_562 = arith.constant 0 : i32
      %dma_start3A_563 = arith.constant 0 : i32
      %dma_start3A_564 = tpu.memref_slice %arg7[%dma_start3A_560, %dma_start3A_561, %dma_start3A_562, %dma_start3A_563] : memref<2x14x128x8xf32, #tpu.memory_space<vmem>> -> memref<1x1x128x8xf32, #tpu.memory_space<vmem>>
      %dma_start3A_565 = tpu.memref_squeeze %dma_start3A_564 : memref<1x1x128x8xf32, #tpu.memory_space<vmem>> -> memref<128x8xf32, #tpu.memory_space<vmem>>
      %dma_start3A_566 = arith.constant 0 : i32
      %dma_start3A_567 = tpu.memref_slice %arg6[%add3A_559, %dma_start3A_566] : memref<196x128xi32, #tpu.memory_space<vmem>> -> memref<1x128xi32, #tpu.memory_space<vmem>>
      %dma_start3A_568 = tpu.memref_squeeze %dma_start3A_567 : memref<1x128xi32, #tpu.memory_space<vmem>> -> memref<128xi32, #tpu.memory_space<vmem>>
      %dma_start3A_569 = arith.constant 0 : i32
      %dma_start3A_570 = arith.constant 0 : i32
      %dma_start3A_571 = tpu.memref_slice %arg8[%dma_start3A_569, %dma_start3A_570] : memref<100096x8xf32, #tpu.memory_space<vmem_shared>> -> memref<100096x8xf32, #tpu.memory_space<vmem_shared>>
      tpu.enqueue_indirect_dma source(%dma_start3A_565 : memref<128x8xf32, #tpu.memory_space<vmem>>) target(%dma_start3A_571 : memref<100096x8xf32, #tpu.memory_space<vmem_shared>>) offsets(%dma_start3A_568 : memref<128xi32, #tpu.memory_space<vmem>>) semaphore(%arg13 : memref<!tpu.dma_semaphore, #tpu.memory_space<semaphore_mem>>) {add = true}
      %mul3A_572 = arith.constant 14 : i32
      %mul3A_573 = arith.muli %add3A_464, %mul3A_572 : i32
      %add3A_574 = arith.constant 5 : i32
      %add3A_575 = arith.addi %mul3A_573, %add3A_574 : i32
      %dma_start3A_576 = arith.constant 1 : i32
      %dma_start3A_577 = arith.constant 5 : i32
      %dma_start3A_578 = arith.constant 0 : i32
      %dma_start3A_579 = arith.constant 0 : i32
      %dma_start3A_580 = tpu.memref_slice %arg7[%dma_start3A_576, %dma_start3A_577, %dma_start3A_578, %dma_start3A_579] : memref<2x14x128x8xf32, #tpu.memory_space<vmem>> -> memref<1x1x128x8xf32, #tpu.memory_space<vmem>>
      %dma_start3A_581 = tpu.memref_squeeze %dma_start3A_580 : memref<1x1x128x8xf32, #tpu.memory_space<vmem>> -> memref<128x8xf32, #tpu.memory_space<vmem>>
      %dma_start3A_582 = arith.constant 0 : i32
      %dma_start3A_583 = tpu.memref_slice %arg6[%add3A_575, %dma_start3A_582] : memref<196x128xi32, #tpu.memory_space<vmem>> -> memref<1x128xi32, #tpu.memory_space<vmem>>
      %dma_start3A_584 = tpu.memref_squeeze %dma_start3A_583 : memref<1x128xi32, #tpu.memory_space<vmem>> -> memref<128xi32, #tpu.memory_space<vmem>>
      %dma_start3A_585 = arith.constant 0 : i32
      %dma_start3A_586 = arith.constant 0 : i32
      %dma_start3A_587 = tpu.memref_slice %arg8[%dma_start3A_585, %dma_start3A_586] : memref<100096x8xf32, #tpu.memory_space<vmem_shared>> -> memref<100096x8xf32, #tpu.memory_space<vmem_shared>>
      tpu.enqueue_indirect_dma source(%dma_start3A_581 : memref<128x8xf32, #tpu.memory_space<vmem>>) target(%dma_start3A_587 : memref<100096x8xf32, #tpu.memory_space<vmem_shared>>) offsets(%dma_start3A_584 : memref<128xi32, #tpu.memory_space<vmem>>) semaphore(%arg13 : memref<!tpu.dma_semaphore, #tpu.memory_space<semaphore_mem>>) {add = true}
      %mul3A_588 = arith.constant 14 : i32
      %mul3A_589 = arith.muli %add3A_464, %mul3A_588 : i32
      %add3A_590 = arith.constant 6 : i32
      %add3A_591 = arith.addi %mul3A_589, %add3A_590 : i32
      %dma_start3A_592 = arith.constant 1 : i32
      %dma_start3A_593 = arith.constant 6 : i32
      %dma_start3A_594 = arith.constant 0 : i32
      %dma_start3A_595 = arith.constant 0 : i32
      %dma_start3A_596 = tpu.memref_slice %arg7[%dma_start3A_592, %dma_start3A_593, %dma_start3A_594, %dma_start3A_595] : memref<2x14x128x8xf32, #tpu.memory_space<vmem>> -> memref<1x1x128x8xf32, #tpu.memory_space<vmem>>
      %dma_start3A_597 = tpu.memref_squeeze %dma_start3A_596 : memref<1x1x128x8xf32, #tpu.memory_space<vmem>> -> memref<128x8xf32, #tpu.memory_space<vmem>>
      %dma_start3A_598 = arith.constant 0 : i32
      %dma_start3A_599 = tpu.memref_slice %arg6[%add3A_591, %dma_start3A_598] : memref<196x128xi32, #tpu.memory_space<vmem>> -> memref<1x128xi32, #tpu.memory_space<vmem>>
      %dma_start3A_600 = tpu.memref_squeeze %dma_start3A_599 : memref<1x128xi32, #tpu.memory_space<vmem>> -> memref<128xi32, #tpu.memory_space<vmem>>
      %dma_start3A_601 = arith.constant 0 : i32
      %dma_start3A_602 = arith.constant 0 : i32
      %dma_start3A_603 = tpu.memref_slice %arg8[%dma_start3A_601, %dma_start3A_602] : memref<100096x8xf32, #tpu.memory_space<vmem_shared>> -> memref<100096x8xf32, #tpu.memory_space<vmem_shared>>
      tpu.enqueue_indirect_dma source(%dma_start3A_597 : memref<128x8xf32, #tpu.memory_space<vmem>>) target(%dma_start3A_603 : memref<100096x8xf32, #tpu.memory_space<vmem_shared>>) offsets(%dma_start3A_600 : memref<128xi32, #tpu.memory_space<vmem>>) semaphore(%arg13 : memref<!tpu.dma_semaphore, #tpu.memory_space<semaphore_mem>>) {add = true}
      %mul3A_604 = arith.constant 14 : i32
      %mul3A_605 = arith.muli %add3A_464, %mul3A_604 : i32
      %add3A_606 = arith.constant 7 : i32
      %add3A_607 = arith.addi %mul3A_605, %add3A_606 : i32
      %dma_start3A_608 = arith.constant 1 : i32
      %dma_start3A_609 = arith.constant 7 : i32
      %dma_start3A_610 = arith.constant 0 : i32
      %dma_start3A_611 = arith.constant 0 : i32
      %dma_start3A_612 = tpu.memref_slice %arg7[%dma_start3A_608, %dma_start3A_609, %dma_start3A_610, %dma_start3A_611] : memref<2x14x128x8xf32, #tpu.memory_space<vmem>> -> memref<1x1x128x8xf32, #tpu.memory_space<vmem>>
      %dma_start3A_613 = tpu.memref_squeeze %dma_start3A_612 : memref<1x1x128x8xf32, #tpu.memory_space<vmem>> -> memref<128x8xf32, #tpu.memory_space<vmem>>
      %dma_start3A_614 = arith.constant 0 : i32
      %dma_start3A_615 = tpu.memref_slice %arg6[%add3A_607, %dma_start3A_614] : memref<196x128xi32, #tpu.memory_space<vmem>> -> memref<1x128xi32, #tpu.memory_space<vmem>>
      %dma_start3A_616 = tpu.memref_squeeze %dma_start3A_615 : memref<1x128xi32, #tpu.memory_space<vmem>> -> memref<128xi32, #tpu.memory_space<vmem>>
      %dma_start3A_617 = arith.constant 0 : i32
      %dma_start3A_618 = arith.constant 0 : i32
      %dma_start3A_619 = tpu.memref_slice %arg8[%dma_start3A_617, %dma_start3A_618] : memref<100096x8xf32, #tpu.memory_space<vmem_shared>> -> memref<100096x8xf32, #tpu.memory_space<vmem_shared>>
      tpu.enqueue_indirect_dma source(%dma_start3A_613 : memref<128x8xf32, #tpu.memory_space<vmem>>) target(%dma_start3A_619 : memref<100096x8xf32, #tpu.memory_space<vmem_shared>>) offsets(%dma_start3A_616 : memref<128xi32, #tpu.memory_space<vmem>>) semaphore(%arg13 : memref<!tpu.dma_semaphore, #tpu.memory_space<semaphore_mem>>) {add = true}
      %mul3A_620 = arith.constant 14 : i32
      %mul3A_621 = arith.muli %add3A_464, %mul3A_620 : i32
      %add3A_622 = arith.constant 8 : i32
      %add3A_623 = arith.addi %mul3A_621, %add3A_622 : i32
      %dma_start3A_624 = arith.constant 1 : i32
      %dma_start3A_625 = arith.constant 8 : i32
      %dma_start3A_626 = arith.constant 0 : i32
      %dma_start3A_627 = arith.constant 0 : i32
      %dma_start3A_628 = tpu.memref_slice %arg7[%dma_start3A_624, %dma_start3A_625, %dma_start3A_626, %dma_start3A_627] : memref<2x14x128x8xf32, #tpu.memory_space<vmem>> -> memref<1x1x128x8xf32, #tpu.memory_space<vmem>>
      %dma_start3A_629 = tpu.memref_squeeze %dma_start3A_628 : memref<1x1x128x8xf32, #tpu.memory_space<vmem>> -> memref<128x8xf32, #tpu.memory_space<vmem>>
      %dma_start3A_630 = arith.constant 0 : i32
      %dma_start3A_631 = tpu.memref_slice %arg6[%add3A_623, %dma_start3A_630] : memref<196x128xi32, #tpu.memory_space<vmem>> -> memref<1x128xi32, #tpu.memory_space<vmem>>
      %dma_start3A_632 = tpu.memref_squeeze %dma_start3A_631 : memref<1x128xi32, #tpu.memory_space<vmem>> -> memref<128xi32, #tpu.memory_space<vmem>>
      %dma_start3A_633 = arith.constant 0 : i32
      %dma_start3A_634 = arith.constant 0 : i32
      %dma_start3A_635 = tpu.memref_slice %arg8[%dma_start3A_633, %dma_start3A_634] : memref<100096x8xf32, #tpu.memory_space<vmem_shared>> -> memref<100096x8xf32, #tpu.memory_space<vmem_shared>>
      tpu.enqueue_indirect_dma source(%dma_start3A_629 : memref<128x8xf32, #tpu.memory_space<vmem>>) target(%dma_start3A_635 : memref<100096x8xf32, #tpu.memory_space<vmem_shared>>) offsets(%dma_start3A_632 : memref<128xi32, #tpu.memory_space<vmem>>) semaphore(%arg13 : memref<!tpu.dma_semaphore, #tpu.memory_space<semaphore_mem>>) {add = true}
      %mul3A_636 = arith.constant 14 : i32
      %mul3A_637 = arith.muli %add3A_464, %mul3A_636 : i32
      %add3A_638 = arith.constant 9 : i32
      %add3A_639 = arith.addi %mul3A_637, %add3A_638 : i32
      %dma_start3A_640 = arith.constant 1 : i32
      %dma_start3A_641 = arith.constant 9 : i32
      %dma_start3A_642 = arith.constant 0 : i32
      %dma_start3A_643 = arith.constant 0 : i32
      %dma_start3A_644 = tpu.memref_slice %arg7[%dma_start3A_640, %dma_start3A_641, %dma_start3A_642, %dma_start3A_643] : memref<2x14x128x8xf32, #tpu.memory_space<vmem>> -> memref<1x1x128x8xf32, #tpu.memory_space<vmem>>
      %dma_start3A_645 = tpu.memref_squeeze %dma_start3A_644 : memref<1x1x128x8xf32, #tpu.memory_space<vmem>> -> memref<128x8xf32, #tpu.memory_space<vmem>>
      %dma_start3A_646 = arith.constant 0 : i32
      %dma_start3A_647 = tpu.memref_slice %arg6[%add3A_639, %dma_start3A_646] : memref<196x128xi32, #tpu.memory_space<vmem>> -> memref<1x128xi32, #tpu.memory_space<vmem>>
      %dma_start3A_648 = tpu.memref_squeeze %dma_start3A_647 : memref<1x128xi32, #tpu.memory_space<vmem>> -> memref<128xi32, #tpu.memory_space<vmem>>
      %dma_start3A_649 = arith.constant 0 : i32
      %dma_start3A_650 = arith.constant 0 : i32
      %dma_start3A_651 = tpu.memref_slice %arg8[%dma_start3A_649, %dma_start3A_650] : memref<100096x8xf32, #tpu.memory_space<vmem_shared>> -> memref<100096x8xf32, #tpu.memory_space<vmem_shared>>
      tpu.enqueue_indirect_dma source(%dma_start3A_645 : memref<128x8xf32, #tpu.memory_space<vmem>>) target(%dma_start3A_651 : memref<100096x8xf32, #tpu.memory_space<vmem_shared>>) offsets(%dma_start3A_648 : memref<128xi32, #tpu.memory_space<vmem>>) semaphore(%arg13 : memref<!tpu.dma_semaphore, #tpu.memory_space<semaphore_mem>>) {add = true}
      %mul3A_652 = arith.constant 14 : i32
      %mul3A_653 = arith.muli %add3A_464, %mul3A_652 : i32
      %add3A_654 = arith.constant 10 : i32
      %add3A_655 = arith.addi %mul3A_653, %add3A_654 : i32
      %dma_start3A_656 = arith.constant 1 : i32
      %dma_start3A_657 = arith.constant 10 : i32
      %dma_start3A_658 = arith.constant 0 : i32
      %dma_start3A_659 = arith.constant 0 : i32
      %dma_start3A_660 = tpu.memref_slice %arg7[%dma_start3A_656, %dma_start3A_657, %dma_start3A_658, %dma_start3A_659] : memref<2x14x128x8xf32, #tpu.memory_space<vmem>> -> memref<1x1x128x8xf32, #tpu.memory_space<vmem>>
      %dma_start3A_661 = tpu.memref_squeeze %dma_start3A_660 : memref<1x1x128x8xf32, #tpu.memory_space<vmem>> -> memref<128x8xf32, #tpu.memory_space<vmem>>
      %dma_start3A_662 = arith.constant 0 : i32
      %dma_start3A_663 = tpu.memref_slice %arg6[%add3A_655, %dma_start3A_662] : memref<196x128xi32, #tpu.memory_space<vmem>> -> memref<1x128xi32, #tpu.memory_space<vmem>>
      %dma_start3A_664 = tpu.memref_squeeze %dma_start3A_663 : memref<1x128xi32, #tpu.memory_space<vmem>> -> memref<128xi32, #tpu.memory_space<vmem>>
      %dma_start3A_665 = arith.constant 0 : i32
      %dma_start3A_666 = arith.constant 0 : i32
      %dma_start3A_667 = tpu.memref_slice %arg8[%dma_start3A_665, %dma_start3A_666] : memref<100096x8xf32, #tpu.memory_space<vmem_shared>> -> memref<100096x8xf32, #tpu.memory_space<vmem_shared>>
      tpu.enqueue_indirect_dma source(%dma_start3A_661 : memref<128x8xf32, #tpu.memory_space<vmem>>) target(%dma_start3A_667 : memref<100096x8xf32, #tpu.memory_space<vmem_shared>>) offsets(%dma_start3A_664 : memref<128xi32, #tpu.memory_space<vmem>>) semaphore(%arg13 : memref<!tpu.dma_semaphore, #tpu.memory_space<semaphore_mem>>) {add = true}
      %mul3A_668 = arith.constant 14 : i32
      %mul3A_669 = arith.muli %add3A_464, %mul3A_668 : i32
      %add3A_670 = arith.constant 11 : i32
      %add3A_671 = arith.addi %mul3A_669, %add3A_670 : i32
      %dma_start3A_672 = arith.constant 1 : i32
      %dma_start3A_673 = arith.constant 11 : i32
      %dma_start3A_674 = arith.constant 0 : i32
      %dma_start3A_675 = arith.constant 0 : i32
      %dma_start3A_676 = tpu.memref_slice %arg7[%dma_start3A_672, %dma_start3A_673, %dma_start3A_674, %dma_start3A_675] : memref<2x14x128x8xf32, #tpu.memory_space<vmem>> -> memref<1x1x128x8xf32, #tpu.memory_space<vmem>>
      %dma_start3A_677 = tpu.memref_squeeze %dma_start3A_676 : memref<1x1x128x8xf32, #tpu.memory_space<vmem>> -> memref<128x8xf32, #tpu.memory_space<vmem>>
      %dma_start3A_678 = arith.constant 0 : i32
      %dma_start3A_679 = tpu.memref_slice %arg6[%add3A_671, %dma_start3A_678] : memref<196x128xi32, #tpu.memory_space<vmem>> -> memref<1x128xi32, #tpu.memory_space<vmem>>
      %dma_start3A_680 = tpu.memref_squeeze %dma_start3A_679 : memref<1x128xi32, #tpu.memory_space<vmem>> -> memref<128xi32, #tpu.memory_space<vmem>>
      %dma_start3A_681 = arith.constant 0 : i32
      %dma_start3A_682 = arith.constant 0 : i32
      %dma_start3A_683 = tpu.memref_slice %arg8[%dma_start3A_681, %dma_start3A_682] : memref<100096x8xf32, #tpu.memory_space<vmem_shared>> -> memref<100096x8xf32, #tpu.memory_space<vmem_shared>>
      tpu.enqueue_indirect_dma source(%dma_start3A_677 : memref<128x8xf32, #tpu.memory_space<vmem>>) target(%dma_start3A_683 : memref<100096x8xf32, #tpu.memory_space<vmem_shared>>) offsets(%dma_start3A_680 : memref<128xi32, #tpu.memory_space<vmem>>) semaphore(%arg13 : memref<!tpu.dma_semaphore, #tpu.memory_space<semaphore_mem>>) {add = true}
      %mul3A_684 = arith.constant 14 : i32
      %mul3A_685 = arith.muli %add3A_464, %mul3A_684 : i32
      %add3A_686 = arith.constant 12 : i32
      %add3A_687 = arith.addi %mul3A_685, %add3A_686 : i32
      %dma_start3A_688 = arith.constant 1 : i32
      %dma_start3A_689 = arith.constant 12 : i32
      %dma_start3A_690 = arith.constant 0 : i32
      %dma_start3A_691 = arith.constant 0 : i32
      %dma_start3A_692 = tpu.memref_slice %arg7[%dma_start3A_688, %dma_start3A_689, %dma_start3A_690, %dma_start3A_691] : memref<2x14x128x8xf32, #tpu.memory_space<vmem>> -> memref<1x1x128x8xf32, #tpu.memory_space<vmem>>
      %dma_start3A_693 = tpu.memref_squeeze %dma_start3A_692 : memref<1x1x128x8xf32, #tpu.memory_space<vmem>> -> memref<128x8xf32, #tpu.memory_space<vmem>>
      %dma_start3A_694 = arith.constant 0 : i32
      %dma_start3A_695 = tpu.memref_slice %arg6[%add3A_687, %dma_start3A_694] : memref<196x128xi32, #tpu.memory_space<vmem>> -> memref<1x128xi32, #tpu.memory_space<vmem>>
      %dma_start3A_696 = tpu.memref_squeeze %dma_start3A_695 : memref<1x128xi32, #tpu.memory_space<vmem>> -> memref<128xi32, #tpu.memory_space<vmem>>
      %dma_start3A_697 = arith.constant 0 : i32
      %dma_start3A_698 = arith.constant 0 : i32
      %dma_start3A_699 = tpu.memref_slice %arg8[%dma_start3A_697, %dma_start3A_698] : memref<100096x8xf32, #tpu.memory_space<vmem_shared>> -> memref<100096x8xf32, #tpu.memory_space<vmem_shared>>
      tpu.enqueue_indirect_dma source(%dma_start3A_693 : memref<128x8xf32, #tpu.memory_space<vmem>>) target(%dma_start3A_699 : memref<100096x8xf32, #tpu.memory_space<vmem_shared>>) offsets(%dma_start3A_696 : memref<128xi32, #tpu.memory_space<vmem>>) semaphore(%arg13 : memref<!tpu.dma_semaphore, #tpu.memory_space<semaphore_mem>>) {add = true}
      %mul3A_700 = arith.constant 14 : i32
      %mul3A_701 = arith.muli %add3A_464, %mul3A_700 : i32
      %add3A_702 = arith.constant 13 : i32
      %add3A_703 = arith.addi %mul3A_701, %add3A_702 : i32
      %dma_start3A_704 = arith.constant 1 : i32
      %dma_start3A_705 = arith.constant 13 : i32
      %dma_start3A_706 = arith.constant 0 : i32
      %dma_start3A_707 = arith.constant 0 : i32
      %dma_start3A_708 = tpu.memref_slice %arg7[%dma_start3A_704, %dma_start3A_705, %dma_start3A_706, %dma_start3A_707] : memref<2x14x128x8xf32, #tpu.memory_space<vmem>> -> memref<1x1x128x8xf32, #tpu.memory_space<vmem>>
      %dma_start3A_709 = tpu.memref_squeeze %dma_start3A_708 : memref<1x1x128x8xf32, #tpu.memory_space<vmem>> -> memref<128x8xf32, #tpu.memory_space<vmem>>
      %dma_start3A_710 = arith.constant 0 : i32
      %dma_start3A_711 = tpu.memref_slice %arg6[%add3A_703, %dma_start3A_710] : memref<196x128xi32, #tpu.memory_space<vmem>> -> memref<1x128xi32, #tpu.memory_space<vmem>>
      %dma_start3A_712 = tpu.memref_squeeze %dma_start3A_711 : memref<1x128xi32, #tpu.memory_space<vmem>> -> memref<128xi32, #tpu.memory_space<vmem>>
      %dma_start3A_713 = arith.constant 0 : i32
      %dma_start3A_714 = arith.constant 0 : i32
      %dma_start3A_715 = tpu.memref_slice %arg8[%dma_start3A_713, %dma_start3A_714] : memref<100096x8xf32, #tpu.memory_space<vmem_shared>> -> memref<100096x8xf32, #tpu.memory_space<vmem_shared>>
      tpu.enqueue_indirect_dma source(%dma_start3A_709 : memref<128x8xf32, #tpu.memory_space<vmem>>) target(%dma_start3A_715 : memref<100096x8xf32, #tpu.memory_space<vmem_shared>>) offsets(%dma_start3A_712 : memref<128xi32, #tpu.memory_space<vmem>>) semaphore(%arg13 : memref<!tpu.dma_semaphore, #tpu.memory_space<semaphore_mem>>) {add = true}
      %dma_wait3A_716 = arith.constant 1 : i32
      %dma_wait3A_717 = arith.constant 0 : i32
      %dma_wait3A_718 = arith.constant 0 : i32
      %dma_wait3A_719 = arith.constant 0 : i32
      %dma_wait3A_720 = tpu.memref_slice %arg7[%dma_wait3A_716, %dma_wait3A_717, %dma_wait3A_718, %dma_wait3A_719] : memref<2x14x128x8xf32, #tpu.memory_space<vmem>> -> memref<1x1x128x8xf32, #tpu.memory_space<vmem>>
      %dma_wait3A_721 = tpu.memref_squeeze %dma_wait3A_720 : memref<1x1x128x8xf32, #tpu.memory_space<vmem>> -> memref<128x8xf32, #tpu.memory_space<vmem>>
      %dma_wait3A_722 = arith.constant 0 : i32
      %dma_wait3A_723 = tpu.memref_slice %arg6[%add3A_495, %dma_wait3A_722] : memref<196x128xi32, #tpu.memory_space<vmem>> -> memref<1x128xi32, #tpu.memory_space<vmem>>
      %dma_wait3A_724 = tpu.memref_squeeze %dma_wait3A_723 : memref<1x128xi32, #tpu.memory_space<vmem>> -> memref<128xi32, #tpu.memory_space<vmem>>
      %dma_wait3A_725 = arith.constant 0 : i32
      %dma_wait3A_726 = arith.constant 0 : i32
      %dma_wait3A_727 = tpu.memref_slice %arg8[%dma_wait3A_725, %dma_wait3A_726] : memref<100096x8xf32, #tpu.memory_space<vmem_shared>> -> memref<100096x8xf32, #tpu.memory_space<vmem_shared>>
      tpu.wait_indirect_dma semaphore(%arg13 : memref<!tpu.dma_semaphore, #tpu.memory_space<semaphore_mem>>) src(%dma_wait3A_721 : memref<128x8xf32, #tpu.memory_space<vmem>>) dst(%dma_wait3A_727 : memref<100096x8xf32, #tpu.memory_space<vmem_shared>>)
      %dma_wait3A_728 = arith.constant 1 : i32
      %dma_wait3A_729 = arith.constant 1 : i32
      %dma_wait3A_730 = arith.constant 0 : i32
      %dma_wait3A_731 = arith.constant 0 : i32
      %dma_wait3A_732 = tpu.memref_slice %arg7[%dma_wait3A_728, %dma_wait3A_729, %dma_wait3A_730, %dma_wait3A_731] : memref<2x14x128x8xf32, #tpu.memory_space<vmem>> -> memref<1x1x128x8xf32, #tpu.memory_space<vmem>>
      %dma_wait3A_733 = tpu.memref_squeeze %dma_wait3A_732 : memref<1x1x128x8xf32, #tpu.memory_space<vmem>> -> memref<128x8xf32, #tpu.memory_space<vmem>>
      %dma_wait3A_734 = arith.constant 0 : i32
      %dma_wait3A_735 = tpu.memref_slice %arg6[%add3A_511, %dma_wait3A_734] : memref<196x128xi32, #tpu.memory_space<vmem>> -> memref<1x128xi32, #tpu.memory_space<vmem>>
      %dma_wait3A_736 = tpu.memref_squeeze %dma_wait3A_735 : memref<1x128xi32, #tpu.memory_space<vmem>> -> memref<128xi32, #tpu.memory_space<vmem>>
      %dma_wait3A_737 = arith.constant 0 : i32
      %dma_wait3A_738 = arith.constant 0 : i32
      %dma_wait3A_739 = tpu.memref_slice %arg8[%dma_wait3A_737, %dma_wait3A_738] : memref<100096x8xf32, #tpu.memory_space<vmem_shared>> -> memref<100096x8xf32, #tpu.memory_space<vmem_shared>>
      tpu.wait_indirect_dma semaphore(%arg13 : memref<!tpu.dma_semaphore, #tpu.memory_space<semaphore_mem>>) src(%dma_wait3A_733 : memref<128x8xf32, #tpu.memory_space<vmem>>) dst(%dma_wait3A_739 : memref<100096x8xf32, #tpu.memory_space<vmem_shared>>)
      %dma_wait3A_740 = arith.constant 1 : i32
      %dma_wait3A_741 = arith.constant 2 : i32
      %dma_wait3A_742 = arith.constant 0 : i32
      %dma_wait3A_743 = arith.constant 0 : i32
      %dma_wait3A_744 = tpu.memref_slice %arg7[%dma_wait3A_740, %dma_wait3A_741, %dma_wait3A_742, %dma_wait3A_743] : memref<2x14x128x8xf32, #tpu.memory_space<vmem>> -> memref<1x1x128x8xf32, #tpu.memory_space<vmem>>
      %dma_wait3A_745 = tpu.memref_squeeze %dma_wait3A_744 : memref<1x1x128x8xf32, #tpu.memory_space<vmem>> -> memref<128x8xf32, #tpu.memory_space<vmem>>
      %dma_wait3A_746 = arith.constant 0 : i32
      %dma_wait3A_747 = tpu.memref_slice %arg6[%add3A_527, %dma_wait3A_746] : memref<196x128xi32, #tpu.memory_space<vmem>> -> memref<1x128xi32, #tpu.memory_space<vmem>>
      %dma_wait3A_748 = tpu.memref_squeeze %dma_wait3A_747 : memref<1x128xi32, #tpu.memory_space<vmem>> -> memref<128xi32, #tpu.memory_space<vmem>>
      %dma_wait3A_749 = arith.constant 0 : i32
      %dma_wait3A_750 = arith.constant 0 : i32
      %dma_wait3A_751 = tpu.memref_slice %arg8[%dma_wait3A_749, %dma_wait3A_750] : memref<100096x8xf32, #tpu.memory_space<vmem_shared>> -> memref<100096x8xf32, #tpu.memory_space<vmem_shared>>
      tpu.wait_indirect_dma semaphore(%arg13 : memref<!tpu.dma_semaphore, #tpu.memory_space<semaphore_mem>>) src(%dma_wait3A_745 : memref<128x8xf32, #tpu.memory_space<vmem>>) dst(%dma_wait3A_751 : memref<100096x8xf32, #tpu.memory_space<vmem_shared>>)
      %dma_wait3A_752 = arith.constant 1 : i32
      %dma_wait3A_753 = arith.constant 3 : i32
      %dma_wait3A_754 = arith.constant 0 : i32
      %dma_wait3A_755 = arith.constant 0 : i32
      %dma_wait3A_756 = tpu.memref_slice %arg7[%dma_wait3A_752, %dma_wait3A_753, %dma_wait3A_754, %dma_wait3A_755] : memref<2x14x128x8xf32, #tpu.memory_space<vmem>> -> memref<1x1x128x8xf32, #tpu.memory_space<vmem>>
      %dma_wait3A_757 = tpu.memref_squeeze %dma_wait3A_756 : memref<1x1x128x8xf32, #tpu.memory_space<vmem>> -> memref<128x8xf32, #tpu.memory_space<vmem>>
      %dma_wait3A_758 = arith.constant 0 : i32
      %dma_wait3A_759 = tpu.memref_slice %arg6[%add3A_543, %dma_wait3A_758] : memref<196x128xi32, #tpu.memory_space<vmem>> -> memref<1x128xi32, #tpu.memory_space<vmem>>
      %dma_wait3A_760 = tpu.memref_squeeze %dma_wait3A_759 : memref<1x128xi32, #tpu.memory_space<vmem>> -> memref<128xi32, #tpu.memory_space<vmem>>
      %dma_wait3A_761 = arith.constant 0 : i32
      %dma_wait3A_762 = arith.constant 0 : i32
      %dma_wait3A_763 = tpu.memref_slice %arg8[%dma_wait3A_761, %dma_wait3A_762] : memref<100096x8xf32, #tpu.memory_space<vmem_shared>> -> memref<100096x8xf32, #tpu.memory_space<vmem_shared>>
      tpu.wait_indirect_dma semaphore(%arg13 : memref<!tpu.dma_semaphore, #tpu.memory_space<semaphore_mem>>) src(%dma_wait3A_757 : memref<128x8xf32, #tpu.memory_space<vmem>>) dst(%dma_wait3A_763 : memref<100096x8xf32, #tpu.memory_space<vmem_shared>>)
      %dma_wait3A_764 = arith.constant 1 : i32
      %dma_wait3A_765 = arith.constant 4 : i32
      %dma_wait3A_766 = arith.constant 0 : i32
      %dma_wait3A_767 = arith.constant 0 : i32
      %dma_wait3A_768 = tpu.memref_slice %arg7[%dma_wait3A_764, %dma_wait3A_765, %dma_wait3A_766, %dma_wait3A_767] : memref<2x14x128x8xf32, #tpu.memory_space<vmem>> -> memref<1x1x128x8xf32, #tpu.memory_space<vmem>>
      %dma_wait3A_769 = tpu.memref_squeeze %dma_wait3A_768 : memref<1x1x128x8xf32, #tpu.memory_space<vmem>> -> memref<128x8xf32, #tpu.memory_space<vmem>>
      %dma_wait3A_770 = arith.constant 0 : i32
      %dma_wait3A_771 = tpu.memref_slice %arg6[%add3A_559, %dma_wait3A_770] : memref<196x128xi32, #tpu.memory_space<vmem>> -> memref<1x128xi32, #tpu.memory_space<vmem>>
      %dma_wait3A_772 = tpu.memref_squeeze %dma_wait3A_771 : memref<1x128xi32, #tpu.memory_space<vmem>> -> memref<128xi32, #tpu.memory_space<vmem>>
      %dma_wait3A_773 = arith.constant 0 : i32
      %dma_wait3A_774 = arith.constant 0 : i32
      %dma_wait3A_775 = tpu.memref_slice %arg8[%dma_wait3A_773, %dma_wait3A_774] : memref<100096x8xf32, #tpu.memory_space<vmem_shared>> -> memref<100096x8xf32, #tpu.memory_space<vmem_shared>>
      tpu.wait_indirect_dma semaphore(%arg13 : memref<!tpu.dma_semaphore, #tpu.memory_space<semaphore_mem>>) src(%dma_wait3A_769 : memref<128x8xf32, #tpu.memory_space<vmem>>) dst(%dma_wait3A_775 : memref<100096x8xf32, #tpu.memory_space<vmem_shared>>)
      %dma_wait3A_776 = arith.constant 1 : i32
      %dma_wait3A_777 = arith.constant 5 : i32
      %dma_wait3A_778 = arith.constant 0 : i32
      %dma_wait3A_779 = arith.constant 0 : i32
      %dma_wait3A_780 = tpu.memref_slice %arg7[%dma_wait3A_776, %dma_wait3A_777, %dma_wait3A_778, %dma_wait3A_779] : memref<2x14x128x8xf32, #tpu.memory_space<vmem>> -> memref<1x1x128x8xf32, #tpu.memory_space<vmem>>
      %dma_wait3A_781 = tpu.memref_squeeze %dma_wait3A_780 : memref<1x1x128x8xf32, #tpu.memory_space<vmem>> -> memref<128x8xf32, #tpu.memory_space<vmem>>
      %dma_wait3A_782 = arith.constant 0 : i32
      %dma_wait3A_783 = tpu.memref_slice %arg6[%add3A_575, %dma_wait3A_782] : memref<196x128xi32, #tpu.memory_space<vmem>> -> memref<1x128xi32, #tpu.memory_space<vmem>>
      %dma_wait3A_784 = tpu.memref_squeeze %dma_wait3A_783 : memref<1x128xi32, #tpu.memory_space<vmem>> -> memref<128xi32, #tpu.memory_space<vmem>>
      %dma_wait3A_785 = arith.constant 0 : i32
      %dma_wait3A_786 = arith.constant 0 : i32
      %dma_wait3A_787 = tpu.memref_slice %arg8[%dma_wait3A_785, %dma_wait3A_786] : memref<100096x8xf32, #tpu.memory_space<vmem_shared>> -> memref<100096x8xf32, #tpu.memory_space<vmem_shared>>
      tpu.wait_indirect_dma semaphore(%arg13 : memref<!tpu.dma_semaphore, #tpu.memory_space<semaphore_mem>>) src(%dma_wait3A_781 : memref<128x8xf32, #tpu.memory_space<vmem>>) dst(%dma_wait3A_787 : memref<100096x8xf32, #tpu.memory_space<vmem_shared>>)
      %dma_wait3A_788 = arith.constant 1 : i32
      %dma_wait3A_789 = arith.constant 6 : i32
      %dma_wait3A_790 = arith.constant 0 : i32
      %dma_wait3A_791 = arith.constant 0 : i32
      %dma_wait3A_792 = tpu.memref_slice %arg7[%dma_wait3A_788, %dma_wait3A_789, %dma_wait3A_790, %dma_wait3A_791] : memref<2x14x128x8xf32, #tpu.memory_space<vmem>> -> memref<1x1x128x8xf32, #tpu.memory_space<vmem>>
      %dma_wait3A_793 = tpu.memref_squeeze %dma_wait3A_792 : memref<1x1x128x8xf32, #tpu.memory_space<vmem>> -> memref<128x8xf32, #tpu.memory_space<vmem>>
      %dma_wait3A_794 = arith.constant 0 : i32
      %dma_wait3A_795 = tpu.memref_slice %arg6[%add3A_591, %dma_wait3A_794] : memref<196x128xi32, #tpu.memory_space<vmem>> -> memref<1x128xi32, #tpu.memory_space<vmem>>
      %dma_wait3A_796 = tpu.memref_squeeze %dma_wait3A_795 : memref<1x128xi32, #tpu.memory_space<vmem>> -> memref<128xi32, #tpu.memory_space<vmem>>
      %dma_wait3A_797 = arith.constant 0 : i32
      %dma_wait3A_798 = arith.constant 0 : i32
      %dma_wait3A_799 = tpu.memref_slice %arg8[%dma_wait3A_797, %dma_wait3A_798] : memref<100096x8xf32, #tpu.memory_space<vmem_shared>> -> memref<100096x8xf32, #tpu.memory_space<vmem_shared>>
      tpu.wait_indirect_dma semaphore(%arg13 : memref<!tpu.dma_semaphore, #tpu.memory_space<semaphore_mem>>) src(%dma_wait3A_793 : memref<128x8xf32, #tpu.memory_space<vmem>>) dst(%dma_wait3A_799 : memref<100096x8xf32, #tpu.memory_space<vmem_shared>>)
      %dma_wait3A_800 = arith.constant 1 : i32
      %dma_wait3A_801 = arith.constant 7 : i32
      %dma_wait3A_802 = arith.constant 0 : i32
      %dma_wait3A_803 = arith.constant 0 : i32
      %dma_wait3A_804 = tpu.memref_slice %arg7[%dma_wait3A_800, %dma_wait3A_801, %dma_wait3A_802, %dma_wait3A_803] : memref<2x14x128x8xf32, #tpu.memory_space<vmem>> -> memref<1x1x128x8xf32, #tpu.memory_space<vmem>>
      %dma_wait3A_805 = tpu.memref_squeeze %dma_wait3A_804 : memref<1x1x128x8xf32, #tpu.memory_space<vmem>> -> memref<128x8xf32, #tpu.memory_space<vmem>>
      %dma_wait3A_806 = arith.constant 0 : i32
      %dma_wait3A_807 = tpu.memref_slice %arg6[%add3A_607, %dma_wait3A_806] : memref<196x128xi32, #tpu.memory_space<vmem>> -> memref<1x128xi32, #tpu.memory_space<vmem>>
      %dma_wait3A_808 = tpu.memref_squeeze %dma_wait3A_807 : memref<1x128xi32, #tpu.memory_space<vmem>> -> memref<128xi32, #tpu.memory_space<vmem>>
      %dma_wait3A_809 = arith.constant 0 : i32
      %dma_wait3A_810 = arith.constant 0 : i32
      %dma_wait3A_811 = tpu.memref_slice %arg8[%dma_wait3A_809, %dma_wait3A_810] : memref<100096x8xf32, #tpu.memory_space<vmem_shared>> -> memref<100096x8xf32, #tpu.memory_space<vmem_shared>>
      tpu.wait_indirect_dma semaphore(%arg13 : memref<!tpu.dma_semaphore, #tpu.memory_space<semaphore_mem>>) src(%dma_wait3A_805 : memref<128x8xf32, #tpu.memory_space<vmem>>) dst(%dma_wait3A_811 : memref<100096x8xf32, #tpu.memory_space<vmem_shared>>)
      %dma_wait3A_812 = arith.constant 1 : i32
      %dma_wait3A_813 = arith.constant 8 : i32
      %dma_wait3A_814 = arith.constant 0 : i32
      %dma_wait3A_815 = arith.constant 0 : i32
      %dma_wait3A_816 = tpu.memref_slice %arg7[%dma_wait3A_812, %dma_wait3A_813, %dma_wait3A_814, %dma_wait3A_815] : memref<2x14x128x8xf32, #tpu.memory_space<vmem>> -> memref<1x1x128x8xf32, #tpu.memory_space<vmem>>
      %dma_wait3A_817 = tpu.memref_squeeze %dma_wait3A_816 : memref<1x1x128x8xf32, #tpu.memory_space<vmem>> -> memref<128x8xf32, #tpu.memory_space<vmem>>
      %dma_wait3A_818 = arith.constant 0 : i32
      %dma_wait3A_819 = tpu.memref_slice %arg6[%add3A_623, %dma_wait3A_818] : memref<196x128xi32, #tpu.memory_space<vmem>> -> memref<1x128xi32, #tpu.memory_space<vmem>>
      %dma_wait3A_820 = tpu.memref_squeeze %dma_wait3A_819 : memref<1x128xi32, #tpu.memory_space<vmem>> -> memref<128xi32, #tpu.memory_space<vmem>>
      %dma_wait3A_821 = arith.constant 0 : i32
      %dma_wait3A_822 = arith.constant 0 : i32
      %dma_wait3A_823 = tpu.memref_slice %arg8[%dma_wait3A_821, %dma_wait3A_822] : memref<100096x8xf32, #tpu.memory_space<vmem_shared>> -> memref<100096x8xf32, #tpu.memory_space<vmem_shared>>
      tpu.wait_indirect_dma semaphore(%arg13 : memref<!tpu.dma_semaphore, #tpu.memory_space<semaphore_mem>>) src(%dma_wait3A_817 : memref<128x8xf32, #tpu.memory_space<vmem>>) dst(%dma_wait3A_823 : memref<100096x8xf32, #tpu.memory_space<vmem_shared>>)
      %dma_wait3A_824 = arith.constant 1 : i32
      %dma_wait3A_825 = arith.constant 9 : i32
      %dma_wait3A_826 = arith.constant 0 : i32
      %dma_wait3A_827 = arith.constant 0 : i32
      %dma_wait3A_828 = tpu.memref_slice %arg7[%dma_wait3A_824, %dma_wait3A_825, %dma_wait3A_826, %dma_wait3A_827] : memref<2x14x128x8xf32, #tpu.memory_space<vmem>> -> memref<1x1x128x8xf32, #tpu.memory_space<vmem>>
      %dma_wait3A_829 = tpu.memref_squeeze %dma_wait3A_828 : memref<1x1x128x8xf32, #tpu.memory_space<vmem>> -> memref<128x8xf32, #tpu.memory_space<vmem>>
      %dma_wait3A_830 = arith.constant 0 : i32
      %dma_wait3A_831 = tpu.memref_slice %arg6[%add3A_639, %dma_wait3A_830] : memref<196x128xi32, #tpu.memory_space<vmem>> -> memref<1x128xi32, #tpu.memory_space<vmem>>
      %dma_wait3A_832 = tpu.memref_squeeze %dma_wait3A_831 : memref<1x128xi32, #tpu.memory_space<vmem>> -> memref<128xi32, #tpu.memory_space<vmem>>
      %dma_wait3A_833 = arith.constant 0 : i32
      %dma_wait3A_834 = arith.constant 0 : i32
      %dma_wait3A_835 = tpu.memref_slice %arg8[%dma_wait3A_833, %dma_wait3A_834] : memref<100096x8xf32, #tpu.memory_space<vmem_shared>> -> memref<100096x8xf32, #tpu.memory_space<vmem_shared>>
      tpu.wait_indirect_dma semaphore(%arg13 : memref<!tpu.dma_semaphore, #tpu.memory_space<semaphore_mem>>) src(%dma_wait3A_829 : memref<128x8xf32, #tpu.memory_space<vmem>>) dst(%dma_wait3A_835 : memref<100096x8xf32, #tpu.memory_space<vmem_shared>>)
      %dma_wait3A_836 = arith.constant 1 : i32
      %dma_wait3A_837 = arith.constant 10 : i32
      %dma_wait3A_838 = arith.constant 0 : i32
      %dma_wait3A_839 = arith.constant 0 : i32
      %dma_wait3A_840 = tpu.memref_slice %arg7[%dma_wait3A_836, %dma_wait3A_837, %dma_wait3A_838, %dma_wait3A_839] : memref<2x14x128x8xf32, #tpu.memory_space<vmem>> -> memref<1x1x128x8xf32, #tpu.memory_space<vmem>>
      %dma_wait3A_841 = tpu.memref_squeeze %dma_wait3A_840 : memref<1x1x128x8xf32, #tpu.memory_space<vmem>> -> memref<128x8xf32, #tpu.memory_space<vmem>>
      %dma_wait3A_842 = arith.constant 0 : i32
      %dma_wait3A_843 = tpu.memref_slice %arg6[%add3A_655, %dma_wait3A_842] : memref<196x128xi32, #tpu.memory_space<vmem>> -> memref<1x128xi32, #tpu.memory_space<vmem>>
      %dma_wait3A_844 = tpu.memref_squeeze %dma_wait3A_843 : memref<1x128xi32, #tpu.memory_space<vmem>> -> memref<128xi32, #tpu.memory_space<vmem>>
      %dma_wait3A_845 = arith.constant 0 : i32
      %dma_wait3A_846 = arith.constant 0 : i32
      %dma_wait3A_847 = tpu.memref_slice %arg8[%dma_wait3A_845, %dma_wait3A_846] : memref<100096x8xf32, #tpu.memory_space<vmem_shared>> -> memref<100096x8xf32, #tpu.memory_space<vmem_shared>>
      tpu.wait_indirect_dma semaphore(%arg13 : memref<!tpu.dma_semaphore, #tpu.memory_space<semaphore_mem>>) src(%dma_wait3A_841 : memref<128x8xf32, #tpu.memory_space<vmem>>) dst(%dma_wait3A_847 : memref<100096x8xf32, #tpu.memory_space<vmem_shared>>)
      %dma_wait3A_848 = arith.constant 1 : i32
      %dma_wait3A_849 = arith.constant 11 : i32
      %dma_wait3A_850 = arith.constant 0 : i32
      %dma_wait3A_851 = arith.constant 0 : i32
      %dma_wait3A_852 = tpu.memref_slice %arg7[%dma_wait3A_848, %dma_wait3A_849, %dma_wait3A_850, %dma_wait3A_851] : memref<2x14x128x8xf32, #tpu.memory_space<vmem>> -> memref<1x1x128x8xf32, #tpu.memory_space<vmem>>
      %dma_wait3A_853 = tpu.memref_squeeze %dma_wait3A_852 : memref<1x1x128x8xf32, #tpu.memory_space<vmem>> -> memref<128x8xf32, #tpu.memory_space<vmem>>
      %dma_wait3A_854 = arith.constant 0 : i32
      %dma_wait3A_855 = tpu.memref_slice %arg6[%add3A_671, %dma_wait3A_854] : memref<196x128xi32, #tpu.memory_space<vmem>> -> memref<1x128xi32, #tpu.memory_space<vmem>>
      %dma_wait3A_856 = tpu.memref_squeeze %dma_wait3A_855 : memref<1x128xi32, #tpu.memory_space<vmem>> -> memref<128xi32, #tpu.memory_space<vmem>>
      %dma_wait3A_857 = arith.constant 0 : i32
      %dma_wait3A_858 = arith.constant 0 : i32
      %dma_wait3A_859 = tpu.memref_slice %arg8[%dma_wait3A_857, %dma_wait3A_858] : memref<100096x8xf32, #tpu.memory_space<vmem_shared>> -> memref<100096x8xf32, #tpu.memory_space<vmem_shared>>
      tpu.wait_indirect_dma semaphore(%arg13 : memref<!tpu.dma_semaphore, #tpu.memory_space<semaphore_mem>>) src(%dma_wait3A_853 : memref<128x8xf32, #tpu.memory_space<vmem>>) dst(%dma_wait3A_859 : memref<100096x8xf32, #tpu.memory_space<vmem_shared>>)
      %dma_wait3A_860 = arith.constant 1 : i32
      %dma_wait3A_861 = arith.constant 12 : i32
      %dma_wait3A_862 = arith.constant 0 : i32
      %dma_wait3A_863 = arith.constant 0 : i32
      %dma_wait3A_864 = tpu.memref_slice %arg7[%dma_wait3A_860, %dma_wait3A_861, %dma_wait3A_862, %dma_wait3A_863] : memref<2x14x128x8xf32, #tpu.memory_space<vmem>> -> memref<1x1x128x8xf32, #tpu.memory_space<vmem>>
      %dma_wait3A_865 = tpu.memref_squeeze %dma_wait3A_864 : memref<1x1x128x8xf32, #tpu.memory_space<vmem>> -> memref<128x8xf32, #tpu.memory_space<vmem>>
      %dma_wait3A_866 = arith.constant 0 : i32
      %dma_wait3A_867 = tpu.memref_slice %arg6[%add3A_687, %dma_wait3A_866] : memref<196x128xi32, #tpu.memory_space<vmem>> -> memref<1x128xi32, #tpu.memory_space<vmem>>
      %dma_wait3A_868 = tpu.memref_squeeze %dma_wait3A_867 : memref<1x128xi32, #tpu.memory_space<vmem>> -> memref<128xi32, #tpu.memory_space<vmem>>
      %dma_wait3A_869 = arith.constant 0 : i32
      %dma_wait3A_870 = arith.constant 0 : i32
      %dma_wait3A_871 = tpu.memref_slice %arg8[%dma_wait3A_869, %dma_wait3A_870] : memref<100096x8xf32, #tpu.memory_space<vmem_shared>> -> memref<100096x8xf32, #tpu.memory_space<vmem_shared>>
      tpu.wait_indirect_dma semaphore(%arg13 : memref<!tpu.dma_semaphore, #tpu.memory_space<semaphore_mem>>) src(%dma_wait3A_865 : memref<128x8xf32, #tpu.memory_space<vmem>>) dst(%dma_wait3A_871 : memref<100096x8xf32, #tpu.memory_space<vmem_shared>>)
      %dma_wait3A_872 = arith.constant 1 : i32
      %dma_wait3A_873 = arith.constant 13 : i32
      %dma_wait3A_874 = arith.constant 0 : i32
      %dma_wait3A_875 = arith.constant 0 : i32
      %dma_wait3A_876 = tpu.memref_slice %arg7[%dma_wait3A_872, %dma_wait3A_873, %dma_wait3A_874, %dma_wait3A_875] : memref<2x14x128x8xf32, #tpu.memory_space<vmem>> -> memref<1x1x128x8xf32, #tpu.memory_space<vmem>>
      %dma_wait3A_877 = tpu.memref_squeeze %dma_wait3A_876 : memref<1x1x128x8xf32, #tpu.memory_space<vmem>> -> memref<128x8xf32, #tpu.memory_space<vmem>>
      %dma_wait3A_878 = arith.constant 0 : i32
      %dma_wait3A_879 = tpu.memref_slice %arg6[%add3A_703, %dma_wait3A_878] : memref<196x128xi32, #tpu.memory_space<vmem>> -> memref<1x128xi32, #tpu.memory_space<vmem>>
      %dma_wait3A_880 = tpu.memref_squeeze %dma_wait3A_879 : memref<1x128xi32, #tpu.memory_space<vmem>> -> memref<128xi32, #tpu.memory_space<vmem>>
      %dma_wait3A_881 = arith.constant 0 : i32
      %dma_wait3A_882 = arith.constant 0 : i32
      %dma_wait3A_883 = tpu.memref_slice %arg8[%dma_wait3A_881, %dma_wait3A_882] : memref<100096x8xf32, #tpu.memory_space<vmem_shared>> -> memref<100096x8xf32, #tpu.memory_space<vmem_shared>>
      tpu.wait_indirect_dma semaphore(%arg13 : memref<!tpu.dma_semaphore, #tpu.memory_space<semaphore_mem>>) src(%dma_wait3A_877 : memref<128x8xf32, #tpu.memory_space<vmem>>) dst(%dma_wait3A_883 : memref<100096x8xf32, #tpu.memory_space<vmem_shared>>)
    }
    %scan3A_34 = arith.constant 7 : i32
    %barrier3A_35 = arith.constant 0 : index
    tpu.barrier barrier_id(%barrier3A_35)
    %mul3A_36 = arith.constant 6256 : i32
    %mul3A_37 = arith.muli %arg1, %mul3A_36 : i32
    %mul3A_38 = arith.constant 6256 : i32
    %mul3A_39 = arith.muli %arg1, %mul3A_38 : i32
    "tpu.region"() ({
      %run_scoped3A = tpu.sem_alloc : memref<!tpu.dma_semaphore, #tpu.memory_space<semaphore_mem>>
      %dma_start3A_40 = arith.constant 0 : i32
      %dma_start3A_41 = tpu.memref_slice %arg5[%arg0, %mul3A_39, %dma_start3A_40] : memref<2x100096x8xf32, #tpu.memory_space<hbm>> -> memref<1x6256x8xf32, #tpu.memory_space<hbm>>
      %dma_start3A_42 = tpu.memref_squeeze %dma_start3A_41 : memref<1x6256x8xf32, #tpu.memory_space<hbm>> -> memref<6256x8xf32, #tpu.memory_space<hbm>>
      %dma_start3A_43 = arith.constant 0 : i32
      %dma_start3A_44 = tpu.memref_slice %arg8[%mul3A_37, %dma_start3A_43] : memref<100096x8xf32, #tpu.memory_space<vmem_shared>> -> memref<6256x8xf32, #tpu.memory_space<vmem_shared>>
      tpu.enqueue_dma source(%dma_start3A_44 : memref<6256x8xf32, #tpu.memory_space<vmem_shared>>) target(%dma_start3A_42 : memref<6256x8xf32, #tpu.memory_space<hbm>>) target_semaphore(%run_scoped3A : memref<!tpu.dma_semaphore, #tpu.memory_space<semaphore_mem>>)
      %dma_wait3A_45 = arith.constant 0 : i32
      %dma_wait3A_46 = tpu.memref_slice %arg5[%arg0, %mul3A_39, %dma_wait3A_45] : memref<2x100096x8xf32, #tpu.memory_space<hbm>> -> memref<1x6256x8xf32, #tpu.memory_space<hbm>>
      %dma_wait3A_47 = tpu.memref_squeeze %dma_wait3A_46 : memref<1x6256x8xf32, #tpu.memory_space<hbm>> -> memref<6256x8xf32, #tpu.memory_space<hbm>>
      %dma_wait3A_48 = arith.constant 0 : i32
      %dma_wait3A_49 = tpu.memref_slice %arg8[%mul3A_37, %dma_wait3A_48] : memref<100096x8xf32, #tpu.memory_space<vmem_shared>> -> memref<6256x8xf32, #tpu.memory_space<vmem_shared>>
      tpu.wait_dma2 semaphore(%run_scoped3A : memref<!tpu.dma_semaphore, #tpu.memory_space<semaphore_mem>>) src(%dma_wait3A_49 : memref<6256x8xf32, #tpu.memory_space<vmem_shared>>) dst(%dma_wait3A_47 : memref<6256x8xf32, #tpu.memory_space<hbm>>)
      tpu.yield
    }) : () -> ()
    return
  }
}

module attributes {stable_mosaic.version = 14 : i64} {
  func.func @body(%arg0: i32, %arg1: memref<3584x1xi32, #tpu.memory_space<vmem>>, %arg2: memref<3584x64xf32, #tpu.memory_space<vmem>>, %arg3: memref<64x512xf32, #tpu.memory_space<vmem>>, %arg4: memref<3584x64xf32, #tpu.memory_space<vmem>>) attributes {dimension_semantics = [#tpu.dimension_semantics<arbitrary>], iteration_bounds = array<i64: 28>, scalar_prefetch = 0 : i64, scratch_operands = 0 : i64, tpu.core_type = #tpu.core_type<tc>, window_params = [{transform_indices = @transform_0, window_bounds = array<i64: 3584, 1>}, {transform_indices = @transform_1, window_bounds = array<i64: 3584, 64>}, {pipeline_mode = #tpu.pipeline_mode<synchronous>, transform_indices = @transform_2, window_bounds = array<i64: 64, 512>}, {transform_indices = @transform_3, window_bounds = array<i64: 3584, 64>}]} {
    %get3A = arith.constant 0 : index
    %get3A_0 = arith.constant 0 : index
    %get3A_1 = vector.load %arg2[%get3A, %get3A_0] : memref<3584x64xf32, #tpu.memory_space<vmem>>, vector<3584x64xf32>
    %get3A_2 = arith.constant 0 : index
    %get3A_3 = arith.constant 0 : index
    %get3A_4 = vector.load %arg1[%get3A_2, %get3A_3] : memref<3584x1xi32, #tpu.memory_space<vmem>>, vector<3584x1xi32>
    %get3A_5 = arith.constant 0 : index
    %get3A_6 = arith.constant 0 : index
    %get3A_7 = vector.load %arg3[%get3A_5, %get3A_6] : memref<64x512xf32, #tpu.memory_space<vmem>>, vector<64x512xf32>
    %dot_general3A = arith.constant dense<0.000000e+00> : vector<3584x512xf32>
    %dot_general3A_8 = tpu.matmul %get3A_1, %get3A_7, %dot_general3A {dimension_numbers = #tpu.dot_dimension_numbers<[1], [0], [0], [1], [0, 0, 1, 1], [], []>, transpose_lhs_hint = false} : vector<3584x64xf32>, vector<64x512xf32>, vector<3584x512xf32> -> vector<3584x512xf32>
    %broadcast_in_dim3A = vector.shape_cast %get3A_4 : vector<3584x1xi32> to vector<3584x1xi32>
    %broadcast_in_dim3A_9 = vector.broadcast %broadcast_in_dim3A : vector<3584x1xi32> to vector<3584x64xi32>
    %eq3A = arith.constant 0 : i32
    %eq3A_10 = vector.broadcast %eq3A : i32 to vector<3584x64xi32>
    %eq3A_11 = arith.cmpi eq, %broadcast_in_dim3A_9, %eq3A_10 : vector<3584x64xi32>
    %slice3A = vector.extract_strided_slice %dot_general3A_8 {offsets = [0, 0], sizes = [3584, 64], strides = [1, 1]} : vector<3584x512xf32> to vector<3584x64xf32>
    %jit3A = arith.constant 0.000000e+00 : f32
    %broadcast_in_dim3A_12 = vector.broadcast %jit3A : f32 to vector<3584x64xf32>
    %select_n3A = arith.select %eq3A_11, %slice3A, %broadcast_in_dim3A_12 : vector<3584x64xi1>, vector<3584x64xf32>
    %eq3A_13 = arith.constant 1 : i32
    %eq3A_14 = vector.broadcast %eq3A_13 : i32 to vector<3584x64xi32>
    %eq3A_15 = arith.cmpi eq, %broadcast_in_dim3A_9, %eq3A_14 : vector<3584x64xi32>
    %slice3A_16 = vector.extract_strided_slice %dot_general3A_8 {offsets = [0, 64], sizes = [3584, 64], strides = [1, 1]} : vector<3584x512xf32> to vector<3584x64xf32>
    %jit3A_17 = arith.constant 0.000000e+00 : f32
    %broadcast_in_dim3A_18 = vector.broadcast %jit3A_17 : f32 to vector<3584x64xf32>
    %select_n3A_19 = arith.select %eq3A_15, %slice3A_16, %broadcast_in_dim3A_18 : vector<3584x64xi1>, vector<3584x64xf32>
    %add3A = arith.addf %select_n3A, %select_n3A_19 : vector<3584x64xf32>
    %eq3A_20 = arith.constant 2 : i32
    %eq3A_21 = vector.broadcast %eq3A_20 : i32 to vector<3584x64xi32>
    %eq3A_22 = arith.cmpi eq, %broadcast_in_dim3A_9, %eq3A_21 : vector<3584x64xi32>
    %slice3A_23 = vector.extract_strided_slice %dot_general3A_8 {offsets = [0, 128], sizes = [3584, 64], strides = [1, 1]} : vector<3584x512xf32> to vector<3584x64xf32>
    %jit3A_24 = arith.constant 0.000000e+00 : f32
    %broadcast_in_dim3A_25 = vector.broadcast %jit3A_24 : f32 to vector<3584x64xf32>
    %select_n3A_26 = arith.select %eq3A_22, %slice3A_23, %broadcast_in_dim3A_25 : vector<3584x64xi1>, vector<3584x64xf32>
    %add3A_27 = arith.addf %add3A, %select_n3A_26 : vector<3584x64xf32>
    %eq3A_28 = arith.constant 3 : i32
    %eq3A_29 = vector.broadcast %eq3A_28 : i32 to vector<3584x64xi32>
    %eq3A_30 = arith.cmpi eq, %broadcast_in_dim3A_9, %eq3A_29 : vector<3584x64xi32>
    %slice3A_31 = vector.extract_strided_slice %dot_general3A_8 {offsets = [0, 192], sizes = [3584, 64], strides = [1, 1]} : vector<3584x512xf32> to vector<3584x64xf32>
    %jit3A_32 = arith.constant 0.000000e+00 : f32
    %broadcast_in_dim3A_33 = vector.broadcast %jit3A_32 : f32 to vector<3584x64xf32>
    %select_n3A_34 = arith.select %eq3A_30, %slice3A_31, %broadcast_in_dim3A_33 : vector<3584x64xi1>, vector<3584x64xf32>
    %add3A_35 = arith.addf %add3A_27, %select_n3A_34 : vector<3584x64xf32>
    %eq3A_36 = arith.constant 4 : i32
    %eq3A_37 = vector.broadcast %eq3A_36 : i32 to vector<3584x64xi32>
    %eq3A_38 = arith.cmpi eq, %broadcast_in_dim3A_9, %eq3A_37 : vector<3584x64xi32>
    %slice3A_39 = vector.extract_strided_slice %dot_general3A_8 {offsets = [0, 256], sizes = [3584, 64], strides = [1, 1]} : vector<3584x512xf32> to vector<3584x64xf32>
    %jit3A_40 = arith.constant 0.000000e+00 : f32
    %broadcast_in_dim3A_41 = vector.broadcast %jit3A_40 : f32 to vector<3584x64xf32>
    %select_n3A_42 = arith.select %eq3A_38, %slice3A_39, %broadcast_in_dim3A_41 : vector<3584x64xi1>, vector<3584x64xf32>
    %add3A_43 = arith.addf %add3A_35, %select_n3A_42 : vector<3584x64xf32>
    %eq3A_44 = arith.constant 5 : i32
    %eq3A_45 = vector.broadcast %eq3A_44 : i32 to vector<3584x64xi32>
    %eq3A_46 = arith.cmpi eq, %broadcast_in_dim3A_9, %eq3A_45 : vector<3584x64xi32>
    %slice3A_47 = vector.extract_strided_slice %dot_general3A_8 {offsets = [0, 320], sizes = [3584, 64], strides = [1, 1]} : vector<3584x512xf32> to vector<3584x64xf32>
    %jit3A_48 = arith.constant 0.000000e+00 : f32
    %broadcast_in_dim3A_49 = vector.broadcast %jit3A_48 : f32 to vector<3584x64xf32>
    %select_n3A_50 = arith.select %eq3A_46, %slice3A_47, %broadcast_in_dim3A_49 : vector<3584x64xi1>, vector<3584x64xf32>
    %add3A_51 = arith.addf %add3A_43, %select_n3A_50 : vector<3584x64xf32>
    %eq3A_52 = arith.constant 6 : i32
    %eq3A_53 = vector.broadcast %eq3A_52 : i32 to vector<3584x64xi32>
    %eq3A_54 = arith.cmpi eq, %broadcast_in_dim3A_9, %eq3A_53 : vector<3584x64xi32>
    %slice3A_55 = vector.extract_strided_slice %dot_general3A_8 {offsets = [0, 384], sizes = [3584, 64], strides = [1, 1]} : vector<3584x512xf32> to vector<3584x64xf32>
    %jit3A_56 = arith.constant 0.000000e+00 : f32
    %broadcast_in_dim3A_57 = vector.broadcast %jit3A_56 : f32 to vector<3584x64xf32>
    %select_n3A_58 = arith.select %eq3A_54, %slice3A_55, %broadcast_in_dim3A_57 : vector<3584x64xi1>, vector<3584x64xf32>
    %add3A_59 = arith.addf %add3A_51, %select_n3A_58 : vector<3584x64xf32>
    %eq3A_60 = arith.constant 7 : i32
    %eq3A_61 = vector.broadcast %eq3A_60 : i32 to vector<3584x64xi32>
    %eq3A_62 = arith.cmpi eq, %broadcast_in_dim3A_9, %eq3A_61 : vector<3584x64xi32>
    %slice3A_63 = vector.extract_strided_slice %dot_general3A_8 {offsets = [0, 448], sizes = [3584, 64], strides = [1, 1]} : vector<3584x512xf32> to vector<3584x64xf32>
    %jit3A_64 = arith.constant 0.000000e+00 : f32
    %broadcast_in_dim3A_65 = vector.broadcast %jit3A_64 : f32 to vector<3584x64xf32>
    %select_n3A_66 = arith.select %eq3A_62, %slice3A_63, %broadcast_in_dim3A_65 : vector<3584x64xi1>, vector<3584x64xf32>
    %add3A_67 = arith.addf %add3A_59, %select_n3A_66 : vector<3584x64xf32>
    %mul3A = arith.constant 3584 : i32
    %mul3A_68 = arith.muli %arg0, %mul3A : i32
    %iota3A = tpu.iota {dimensions = array<i32: 0>} : vector<3584x1xi32>
    %add3A_69 = vector.broadcast %mul3A_68 : i32 to vector<3584x1xi32>
    %add3A_70 = arith.addi %add3A_69, %iota3A : vector<3584x1xi32>
    %lt3A = arith.constant 100000 : i32
    %lt3A_71 = vector.broadcast %lt3A : i32 to vector<3584x1xi32>
    %lt3A_72 = arith.cmpi slt, %add3A_70, %lt3A_71 : vector<3584x1xi32>
    %jit3A_73 = arith.constant 0.000000e+00 : f32
    %broadcast_in_dim3A_74 = vector.shape_cast %lt3A_72 : vector<3584x1xi1> to vector<3584x1xi1>
    %broadcast_in_dim3A_75 = vector.broadcast %broadcast_in_dim3A_74 : vector<3584x1xi1> to vector<3584x64xi1>
    %broadcast_in_dim3A_76 = vector.broadcast %jit3A_73 : f32 to vector<3584x64xf32>
    %select_n3A_77 = arith.select %broadcast_in_dim3A_75, %add3A_67, %broadcast_in_dim3A_76 : vector<3584x64xi1>, vector<3584x64xf32>
    %swap3A = arith.constant 0 : index
    %swap3A_78 = arith.constant 0 : index
    %swap3A_79 = vector.load %arg4[%swap3A, %swap3A_78] : memref<3584x64xf32, #tpu.memory_space<vmem>>, vector<3584x64xf32>
    tpu.vector_store %arg4[%swap3A, %swap3A_78], %select_n3A_77 {strides = array<i32>} : memref<3584x64xf32, #tpu.memory_space<vmem>>, vector<3584x64xf32>,
    return
  }
  func.func @transform_0(%arg0: i32) -> (i32, i32) {
    %c0_i32 = arith.constant 0 : i32
    %c0_i32_0 = arith.constant 0 : i32
    return %arg0, %c0_i32 : i32, i32
  }
  func.func @transform_1(%arg0: i32) -> (i32, i32) {
    %c0_i32 = arith.constant 0 : i32
    %c0_i32_0 = arith.constant 0 : i32
    return %arg0, %c0_i32 : i32, i32
  }
  func.func @transform_2(%arg0: i32) -> (i32, i32) {
    %c0_i32 = arith.constant 0 : i32
    %c0_i32_0 = arith.constant 0 : i32
    %c0_i32_1 = arith.constant 0 : i32
    return %c0_i32, %c0_i32_0 : i32, i32
  }
  func.func @transform_3(%arg0: i32) -> (i32, i32) {
    %c0_i32 = arith.constant 0 : i32
    %c0_i32_0 = arith.constant 0 : i32
    return %arg0, %c0_i32 : i32, i32
  }
}

module attributes {stable_mosaic.version = 14 : i64} {
  func.func @body(%arg0: memref<2x6256x128xf32, #tpu.memory_space<vmem>>, %arg1: memref<6256x128xf32, #tpu.memory_space<vmem>>) attributes {dimension_semantics = [], scalar_prefetch = 0 : i64, scratch_operands = 0 : i64, tpu.core_type = #tpu.core_type<tc>} {
    %get3A = arith.constant 0 : index
    %get3A_0 = arith.constant 0 : index
    %get3A_1 = arith.constant 0 : index
    %get3A_2 = vector.load %arg0[%get3A, %get3A_0, %get3A_1] : memref<2x6256x128xf32, #tpu.memory_space<vmem>>, vector<1x6256x128xf32>
    %get3A_3 = vector.shape_cast %get3A_2 : vector<1x6256x128xf32> to vector<6256x128xf32>
    %get3A_4 = arith.constant 1 : index
    %get3A_5 = arith.constant 0 : index
    %get3A_6 = arith.constant 0 : index
    %get3A_7 = vector.load %arg0[%get3A_4, %get3A_5, %get3A_6] : memref<2x6256x128xf32, #tpu.memory_space<vmem>>, vector<1x6256x128xf32>
    %get3A_8 = vector.shape_cast %get3A_7 : vector<1x6256x128xf32> to vector<6256x128xf32>
    %add3A = arith.addf %get3A_3, %get3A_8 : vector<6256x128xf32>
    %swap3A = arith.constant 0 : index
    %swap3A_9 = arith.constant 0 : index
    %swap3A_10 = vector.load %arg1[%swap3A, %swap3A_9] : memref<6256x128xf32, #tpu.memory_space<vmem>>, vector<6256x128xf32>
    tpu.vector_store %arg1[%swap3A, %swap3A_9], %add3A {strides = array<i32>} : memref<6256x128xf32, #tpu.memory_space<vmem>>, vector<6256x128xf32>,
    return
  }
}

</mosaic_0001>

<sc_bundles>
// kernel: kernel.6.cloned.1.call-start
scs
__scs_entry_jumppad:
0x0: {  	(pc) =	sbr.rel $0x88, $3  }
0x1: {  	(tag) =	ssettag $0x0;
	lr =	simm.s32 $0x1  }
0x2: {  	[smem:$0x3F9D] =	sst lr;
	_ =	strace $0xD0000000  }
0x3: {  	_ = 	snop  }
0x4: {  	_ = 	snop  }
0x5: {  	_ = 	snop  }
0x6: {  	_ = 	snop  }
0x7: {  	_ = 	snop  }
__scs_overlays_trampoline_lowered:
0x8: {  	[smem:$0x3FAC] =	sst s0  }
0x9: {  	[smem:$0x3FAD] =	sst s1  }
0xa: {  	[smem:$0x3FAE] =	sst s2  }
0xb: {  	[smem:$0x3FAF] =	sst s3  }
0xc: {  	[smem:$0x3FB0] =	sst s4  }
0xd: {  	[smem:$0x3FB1] =	sst s5  }
0xe: {  	[smem:$0x3FB2] =	sst s6  }
0xf: {  	[smem:$0x3FB3] =	sst s7  }
0x10: {  	[smem:$0x3FB4] =	sst s8  }
0x11: {  	[smem:$0x3FB5] =	sst s9;
	s0 =	simm.s32 @!p0 $0x0  }
0x12: {  	s1 =	sld [smem:$0x3F9B];
	s0 =	simm.s32 @p0 $0x1  }
0x13: {  	[smem:$0x3FB6] =	sst s0;
	s0 =	simm.s32 @!p1 $0x0  }
0x14: {  	s2 =	sld [smem:$0x3F9A];
	s0 =	simm.s32 @p1 $0x1  }
0x15: {  	[smem:$0x3FB7] =	sst s0;
	s0 =	simm.s32 @!p2 $0x0  }
0x16: {  	s3 =	sld [smem:$0x3FDB];
	s0 =	simm.s32 @p2 $0x1  }
0x17: {  	s4 =	simm.s32 $0x1BF5;
	[smem:$0x3FB9] =	sst s0  }
0x18: {  	s0 =	sld [smem:$0x3F9C];
	_ =	swait.ge [sflag:s4], $0x0  }
0x19: {  	s7 =	sld [smem:$0x3F9D]  }
0x1a: {  	s8 =	sadd.s32 $0xFFFFE003, lr  }
0x1b: {  	s9 =	sadd.s32 $0xFFFFFEF7, lr;
	s5 =	simm.s32 $0xFFFFFFFF;
	p2 =	slt.u32 s8, $0xFFFFF086  }
0x1c: {  	p1 =	slt.u32 s9, $0xF7A;
	s5 =	simm.s32 @!p2 $0x0  }
0x1d: {  	s5 =	simm.s32 @p1 $0x1;
	p0 =	seq.s32 s7, s2  }
0x1e: {  	s7 =	smul.u32 @!p0 $0xF7A, s2;
	p2 =	seq.s32 @!p0 s5, $0x0  }
0x1f: {  	s9 =	smul.u32 $0xF7A, s1;
	s8 =	simm.s32 @!p0 $0x1BF5;
	p2 =	por !p2, p0  }
0x20: {  	[sflag:s8] =	ssyncset.s32 @!p0 $0xFFFFF086;
	s6 =	sadd.s32 @!p0 s3, s7;
	s7 =	simm.s32 @!p0 $0x108  }
0x21: {  	s3 =	sadd.s32 s3, s9;
	s6 =	sadd.s32 @!p0 $0x88, s6;
	s7 =	simm.s32 @p2 $0x1082  }
0x22: {  	[simem:s7], [sflag:s8] =	dma.local @!p0 [hbm:s6], $0xF7A  }
0x23: {  	s9 =	sor.u32 $0xD0000000, s2;
	s6 =	simm.s32 $0x108;
	_ =	swait.ge @!p0 [sflag:s8], $0x0  }
0x24: {  	s3 =	sadd.s32 $0x88, s3;
	s6 =	simm.s32 @!p1 $0x1082;
	[sflag:s4] =	ssyncset.s32 $0xFFFFF086  }
0x25: {  	[simem:s6], [sflag:s4] =	dma.local [hbm:s3], $0xF7A  }
0x26: {  	[smem:$0x3F9D] =	sst s1;
	(tag) =	ssettag s2;
	_ =	strace s9  }
0x27: {  	s1 =	sld [smem:$0x3FAD]  }
0x28: {  	s2 =	sld [smem:$0x3FAE]  }
0x29: {  	s4 =	sld [smem:$0x3FB0]  }
0x2a: {  	p0 =	seq.s32 s5, $0x0;
	s5 =	sld [smem:$0x3FB1]  }
0x2b: {  	s6 =	sld [smem:$0x3FB2]  }
0x2c: {  	s7 =	sld [smem:$0x3FB3]  }
0x2d: {  	s3 =	simm.s32 $0x108;
	s8 =	sld [smem:$0x3FB4]  }
0x2e: {  	s3 =	simm.s32 @!p0 $0x1082;
	s9 =	sld [smem:$0x3FB5]  }
0x2f: {  	lr =	sadd.s32 s0, s3;
	s0 =	sld [smem:$0x3FAC]  }
0x30: {  	s3 =	sld [smem:$0x3FAF]  }
0x31: {  	[smem:$0x3FB8] =	sst s10  }
0x32: {  	s10 =	sld [smem:$0x3FB6];
	_ =	sdelay $0x3  }
0x33: {  	p0 =	seq.s32 s10, $0x1;
	s10 =	sld [smem:$0x3FB8];
	_ =	sdelay $0x3  }
0x34: {  	[smem:$0x3FB8] =	sst s10  }
0x35: {  	s10 =	sld [smem:$0x3FB7];
	_ =	sdelay $0x3  }
0x36: {  	p1 =	seq.s32 s10, $0x1;
	s10 =	sld [smem:$0x3FB8];
	_ =	sdelay $0x3  }
0x37: {  	[smem:$0x3FB8] =	sst s10  }
0x38: {  	s10 =	sld [smem:$0x3FB9]  }
0x39: {  	_ = 	snop;
	(pc) =	sbr.ind lr, $3  }
0x3a: {  	_ = 	snop  }
0x3b: {  	_ = 	snop  }
0x3c: {  	p2 =	seq.s32 s10, $0x1;
	s10 =	sld [smem:$0x3FB8]  }
0x3d: {  	_ =	shalt  }
0x3e: {  	_ =	shalt  }
0x3f: {  	_ =	shalt  }
0x40: {  	_ =	shalt  }
0x41: {  	_ =	shalt  }
0x42: {  	_ =	shalt  }
0x43: {  	_ =	shalt  }
0x44: {  	_ =	shalt  }
0x45: {  	_ =	shalt  }
0x46: {  	_ =	shalt  }
0x47: {  	_ =	shalt  }
0x48: {  	_ =	shalt  }
0x49: {  	_ =	shalt  }
0x4a: {  	_ =	shalt  }
0x4b: {  	_ =	shalt  }
0x4c: {  	_ =	shalt  }
0x4d: {  	_ =	shalt  }
0x4e: {  	_ =	shalt  }
0x4f: {  	_ =	shalt  }
0x50: {  	_ =	shalt  }
0x51: {  	_ =	shalt  }
0x52: {  	_ =	shalt  }
0x53: {  	_ =	shalt  }
0x54: {  	_ =	shalt  }
0x55: {  	_ =	shalt  }
0x56: {  	_ =	shalt  }
0x57: {  	_ =	shalt  }
0x58: {  	_ =	shalt  }
0x59: {  	_ =	shalt  }
0x5a: {  	_ =	shalt  }
0x5b: {  	_ =	shalt  }
0x5c: {  	_ =	shalt  }
0x5d: {  	_ =	shalt  }
0x5e: {  	_ =	shalt  }
0x5f: {  	_ =	shalt  }
0x60: {  	_ =	shalt  }
0x61: {  	_ =	shalt  }
0x62: {  	_ =	shalt  }
0x63: {  	_ =	shalt  }
0x64: {  	_ =	shalt  }
0x65: {  	_ =	shalt  }
0x66: {  	_ =	shalt  }
0x67: {  	_ =	shalt  }
0x68: {  	_ =	shalt  }
0x69: {  	_ =	shalt  }
0x6a: {  	_ =	shalt  }
0x6b: {  	_ =	shalt  }
0x6c: {  	_ =	shalt  }
0x6d: {  	_ =	shalt  }
0x6e: {  	_ =	shalt  }
0x6f: {  	_ =	shalt  }
0x70: {  	_ =	shalt  }
0x71: {  	_ =	shalt  }
0x72: {  	_ =	shalt  }
0x73: {  	_ =	shalt  }
0x74: {  	_ =	shalt  }
0x75: {  	_ =	shalt  }
0x76: {  	_ =	shalt  }
0x77: {  	_ =	shalt  }
0x78: {  	_ =	shalt  }
0x79: {  	_ =	shalt  }
0x7a: {  	_ =	shalt  }
0x7b: {  	_ =	shalt  }
0x7c: {  	_ =	shalt  }
0x7d: {  	_ =	shalt  }
0x7e: {  	_ =	shalt  }
0x7f: {  	_ =	shalt  }
0x80: {  	_ =	shalt  }
0x81: {  	_ =	shalt  }
0x82: {  	_ =	shalt  }
0x83: {  	_ =	shalt  }
0x84: {  	_ =	shalt  }
0x85: {  	_ =	shalt  }
0x86: {  	_ =	shalt  }
0x87: {  	_ =	shalt  }
.Lfunc_end0:
.L_simem_size_0:
called_computation_lowered:
.L_overlay_start_0:
0x88: {  	s2 =	sld [smem:$0x3FD9]  }
0x89: {  	s3 =	sld [smem:$0x3FFE];
	_ =	sdelay $0x1  }
0x8a: {  	s1 =	srdreg.scid  }
0x8b: {  	s0 =	sand.u32 $0x1, s1  }
0x8c: {  	s16 =	sshll.u32 s0, $0xA;
	s2 =	sadd.s32 s3, s2  }
0x8d: {  	s2 =	sadd.s32 s2, s16  }
0x8e: {  	[smem:$0x3FC4] =	sst s2  }
0x8f: {  	_ = 	snop  }
0x90: {  	(tm) =	ssettm $0x1  }
0x91: {  	s17 =	sld [smem:$0x3FFB];
	_ =	sdelay $0x3  }
0x92: {  	_ =	strace s17  }
0x93: {  	s2 =	sld [smem:$0x3FFC];
	_ =	sdelay $0x3  }
0x94: {  	_ =	strace s2  }
0x95: {  	s2 =	sld [smem:$0x3FFD];
	_ =	sdelay $0x3  }
0x96: {  	_ =	strace s2  }
0x97: {  	_ =	strace $0x8FFFFFFF  }
0x98: {  	s18 =	sld [smem:$0x3FDB];
	_ =	sdelay $0x1  }
0x99: {  	s19 =	simm.s32 $_scs_section_size  }
0x9a: {  	s4 =	simm.s32 $_size__tile_overlayer_lowered;
	s5 =	simm.s32 $_tile_overlayer_lowered  }
0x9b: {  	s22 =	simm.s32 $0x1BFF;
	s21 =	sshll.u32 s5, $0x1;
	s2 =	sadd.s32 s19, s18  }
0x9c: {  	s6 =	simm.s32 $0x0;
	s20 =	sshll.u32 s4, $0x1;
	s4 =	sadd.s32 s21, s2  }
0x9d: {  	[timem:s6], [sflag:s22] =	dma.local [hbm:s4], s20  }
0x9e: {  	_ =	swait.ge [sflag:s22], s20  }
0x9f: {  	s3 =	ssub.s32 $0x0, s20;
	[sflag:s22] =	ssyncset.done $0x0  }
0xa0: {  	[sflag:s22] =	ssyncadd.s32 s3;
	_ =	sdelay $0x1  }
0xa1: {  	s23 =	simm.s32 $0x1B8B  }
0xa2: {  	_ =	swait.ge [sflag:s23], $0x1  }
0xa3: {  	[sflag:s23] =	ssyncset.done $0x0  }
0xa4: {  	s25 =	simm.s32 $0x1B8E;
	s24 =	sld [smem:$0x3FFE];
	[sflag:s23] =	ssyncadd.s32 $0xFFFFFFFF  }
0xa5: {  	s26 =	simm.s32 $execute0_lowered;
	[smem:$0x3FD2] =	sst s25  }
0xa6: {  	s4 =	sshll.u32 s26, $0x1;
	_ =	strace $0x80000046;
	[dreg:$0x1] =	wrdreg $0xFFFFFFFF  }
0xa7: {  	s28 =	simm.s32 $_size_execute0_lowered;
	s2 =	sadd.s32 s2, s4;
	[dreg:$0x0] =	wrdreg $0x0  }
0xa8: {  	s4 =	sshll.u32 s28, $0x1;
	[dreg:$0x2] =	wrdreg s2  }
0xa9: {  	[dreg:$0x3] =	wrdreg s4  }
0xaa: {  	[dreg:$0x4] =	wrdreg $0xC0  }
0xab: {  	_ =	task [dreg:s6], $0x5FFFF  }
0xac: {  	[dreg:$0x1] =	wrdreg $0xFFFFFFFF  }
0xad: {  	[dreg:$0x0] =	wrdreg $0x60  }
0xae: {  	[dreg:$0x2] =	wrdreg s24  }
0xaf: {  	[dreg:$0x3] =	wrdreg $0x9  }
0xb0: {  	_ =	task.clear_ibuf [dreg:s6], $0x4FFFF;
	_ =	strace $0x90000046  }
0xb1: {  	s29 =	simm.s32 $0x9;
	_ =	strace $0x80000048  }
0xb2: {  	_ =	swait.ge [sflag:s29], $0x1  }
0xb3: {  	[sflag:s29] =	ssyncadd.s32 $0xFFFFFFFF  }
0xb4: {  	_ =	strace $0x90000048  }
0xb5: {  	_ =	sfence  }
0xb6: {  	s30 =	sld [smem:$0x0];
	_ =	sdelay $0x2  }
0xb7: {  	s31 =	sshll.u32 s1, $0xD;
	s1 =	sshrl.u32 s1, $0x2  }
0xb8: {  	s3 =	sand.u32 $0x4000, s31;
	s1 =	sadd.s32 s1, s30  }
0xb9: {  	s0 =	sor.u32 s3, s0;
	s1 =	sshll.u32 s1, $0x11  }
0xba: {  	s0 =	sor.u32 s1, s0  }
0xbb: {  	s0 =	sadd.s32 $0x8F2B, s0  }
0xbc: {  	[sflag:s0] =	ssyncadd.remote.s32 $0x1  }
0xbd: {  	_ =	sfence.sel $0xFFFF  }
0xbe: {  	[dreg:$0x0] =	wrdreg $0xFFFFFFFF;
	(pc) =	sbr.abs _section_cstart, $3  }
0xbf: {  	[dreg:$0x1] =	wrdreg $0xFFFFFFFF  }
0xc0: {  	_ =	task.clear_ibuf [dreg:s6], $0x2FFFF;
	_ =	strace $0x9FFFFFFF  }
0xc1: {  	(tm) =	ssettm $0x7FFFFFFF  }
tec
execute0_lowered:
.L_overlay_start_1:
0x0: {  	(tag) =	ssettag $0x1  }
0x1: {  	s4 =	rddreg [dreg:$0x0]  }
0x2: {  	s0 =	rddreg [dreg:$0x1];
	s1 =	simm.s32 $0x0  }
0x3: {  	s2 =	simm.s32 $0x7400;
	[smem:$0x7FF] =	sst s1  }
0x4: {  	s5 =	simm.s32 $0x7800;
	_ =	strace $0x80000047;
	[dreg:$0x2] =	wrdreg s2  }
0x5: {  	s6 =	simm.s32 $0x7C00;
	[dreg:$0x3] =	wrdreg s5  }
0x6: {  	s7 =	simm.s32 $0x8000;
	[dreg:$0x4] =	wrdreg s6  }
0x7: {  	s8 =	simm.s32 $0x8400;
	[dreg:$0x5] =	wrdreg s7  }
0x8: {  	s9 =	simm.s32 $0x8800;
	[dreg:$0x6] =	wrdreg s8  }
0x9: {  	s10 =	simm.s32 $0x8C00;
	[dreg:$0x7] =	wrdreg s9  }
0xa: {  	s11 =	simm.s32 $0x9000;
	[dreg:$0x8] =	wrdreg s10  }
0xb: {  	s12 =	simm.s32 $0x9400;
	[dreg:$0x9] =	wrdreg s11  }
0xc: {  	s13 =	simm.s32 $0x9800;
	[dreg:$0xa] =	wrdreg s12  }
0xd: {  	s14 =	simm.s32 $0x9C00;
	[dreg:$0xb] =	wrdreg s13  }
0xe: {  	s15 =	simm.s32 $0xA000;
	[dreg:$0xc] =	wrdreg s14  }
0xf: {  	s16 =	simm.s32 $0xA400;
	[dreg:$0xd] =	wrdreg s15  }
0x10: {  	s17 =	simm.s32 $0xA800;
	[dreg:$0xe] =	wrdreg s16  }
0x11: {  	s18 =	simm.s32 $0xAC00;
	[dreg:$0xf] =	wrdreg s17  }
0x12: {  	s19 =	simm.s32 $0xB000;
	[dreg:$0x10] =	wrdreg s18  }
0x13: {  	s20 =	simm.s32 $0xB400;
	[dreg:$0x11] =	wrdreg s19  }
0x14: {  	s21 =	simm.s32 $0xB800;
	[dreg:$0x12] =	wrdreg s20  }
0x15: {  	s22 =	simm.s32 $0xBC00;
	[dreg:$0x13] =	wrdreg s21  }
0x16: {  	s23 =	simm.s32 $0xC000;
	[dreg:$0x14] =	wrdreg s22  }
0x17: {  	s24 =	simm.s32 $0xC400;
	[dreg:$0x15] =	wrdreg s23  }
0x18: {  	s25 =	simm.s32 $0xC800;
	[dreg:$0x16] =	wrdreg s24  }
0x19: {  	s26 =	simm.s32 $0xCC00;
	[dreg:$0x17] =	wrdreg s25  }
0x1a: {  	s28 =	simm.s32 $0xD000;
	[dreg:$0x18] =	wrdreg s26  }
0x1b: {  	s29 =	simm.s32 $0xD400;
	[dreg:$0x19] =	wrdreg s28  }
0x1c: {  	s30 =	simm.s32 $0xD800;
	[dreg:$0x1a] =	wrdreg s29  }
0x1d: {  	s31 =	simm.s32 $0xE400;
	[dreg:$0x1b] =	wrdreg s30  }
0x1e: {  	s5 =	simm.s32 $0xDC00;
	[dreg:$0x1d] =	wrdreg s31  }
0x1f: {  	s7 =	simm.s32 $0xE800;
	[dreg:$0x1c] =	wrdreg s5  }
0x20: {  	s9 =	simm.s32 $0xEC00;
	[dreg:$0x1e] =	wrdreg s7  }
0x21: {  	s10 =	simm.s32 $0xF000;
	[dreg:$0x1f] =	wrdreg s9  }
0x22: {  	s11 =	simm.s32 $0xF800;
	[smem:$0x7E6] =	sst s10  }
0x23: {  	s12 =	simm.s32 $0xFC00;
	[smem:$0x7E8] =	sst s11  }
0x24: {  	s13 =	simm.s32 $0x10000;
	[smem:$0x7E9] =	sst s12  }
0x25: {  	s14 =	simm.s32 $0x10400;
	[smem:$0x7EA] =	sst s13  }
0x26: {  	s15 =	simm.s32 $0x10800;
	[smem:$0x7EB] =	sst s14  }
0x27: {  	s16 =	simm.s32 $0x10C00;
	[smem:$0x7EC] =	sst s15  }
0x28: {  	s17 =	simm.s32 $0x11000;
	[smem:$0x7ED] =	sst s16  }
0x29: {  	s18 =	simm.s32 $0x11400;
	[smem:$0x7EE] =	sst s17  }
0x2a: {  	s19 =	simm.s32 $0x11800;
	[smem:$0x7EF] =	sst s18  }
0x2b: {  	s20 =	simm.s32 $0x11C00;
	[smem:$0x7F0] =	sst s19  }
0x2c: {  	s21 =	simm.s32 $0x12000;
	[smem:$0x7F1] =	sst s20  }
0x2d: {  	s22 =	simm.s32 $0x12400;
	[smem:$0x7F2] =	sst s21  }
0x2e: {  	s23 =	simm.s32 $0x12800;
	[smem:$0x7F3] =	sst s22  }
0x2f: {  	s3 =	srdreg.scid;
	s25 =	simm.s32 $0x12C00;
	[smem:$0x7F4] =	sst s23  }
0x30: {  	s2 =	stileid.u32;
	s26 =	simm.s32 $0x13000;
	[smem:$0x7F5] =	sst s25  }
0x31: {  	s6 =	sand.u32 $0x1, s3;
	s28 =	simm.s32 $0x13400;
	[smem:$0x7F6] =	sst s26  }
0x32: {  	s3 =	sadd.s32 $0x1A0200, s4;
	s29 =	simm.s32 $0x13800;
	[smem:$0x7F7] =	sst s28  }
0x33: {  	s30 =	simm.s32 $0x13C00;
	s31 =	simm.s32 $0x14000;
	[smem:$0x7F8] =	sst s29  }
0x34: {  	s8 =	sshll.u32 s2, $0x1;
	s7 =	simm.s32 $0xF400;
	[smem:$0x7F9] =	sst s30  }
0x35: {  	s9 =	smul.u32 $0x186A, s6;
	[smem:$0x7FA] =	sst s31;
	s10 =	simm.s32 $0x14400  }
0x36: {  	s11 =	simm.s32 $0x14800;
	s12 =	simm.s32 $0x14C00;
	s13 =	simm.s32 $0x4  }
0x37: {  	s14 =	simm.s32 $0x5;
	s15 =	simm.s32 $0x0;
	s5 =	sor.u32 s6, s8  }
0x38: {  	[smem:$0x7E7] =	sst s7;
	s8 =	smul.u32 $0x30D4, s2;
	s6 =	ssub.s32 $0x2, s6  }
0x39: {  	s7 =	simm.s32 $0x1;
	[smem:$0x7FB] =	sst s10;
	s5 =	smul.u32 $0x186A, s5  }
0x3a: {  	s10 =	simm.s32 $0x2;
	[smem:$0x7FC] =	sst s11;
	s11 =	simm.s32 $0xE000  }
0x3b: {  	[smem:$0x7FD] =	sst s12;
	s8 =	sadd.s32 s9, s8;
	s5 =	sshrl.u32 s5, $0x5  }
0x3c: {  	s12 =	simm.s32 $0x3;
	s8 =	sshrl.u32 s8, $0x5;
	s5 =	smin.u32 s5, $0x178A  }
0x3d: {  	s24 =	sshrl.u32 s6, $0x1;
	s8 =	smin.u32 s8, $0x178A;
	s5 =	sshll.u32 s5, $0x4  }
0x3e: {  	s6 =	ssub.s32 s6, s24;
	s8 =	sshll.u32 s8, $0x7;
	s5 =	sadd.s32 s5, s4  }
0x3f: {  	s9 =	simm.s32 $0x7000;
	s8 =	sadd.s32 s8, s4;
	s4 =	sadd.s32 $0x187A00, s5  }
0x40: {  	s5 =	smax.u32 s6, $0x1;
	s6 =	sadd.s32 $0x1B9800, s8;
	s8 =	simm.s32 $0x80  }
.LBB2_1:
0x41: {  	[tilespmem:s1], [sflag:$0x1] =	stream.linear.gather [hbm4b:s4+s1], $0x7000, $0x38;
	[tilespmem:$0x15000] =	vst v63  }
0x42: {  	_ =	swait.ge [sflag:s7], $0x7000  }
0x43: {  	p0 =	por $0x1, $0x1;
	[sflag:s7] =	ssyncset.done $0x0  }
0x44: {  	s16 =	simm.s32 @!p0 $0x4;
	[sflag:s7] =	ssyncadd.s32 $0xFFFF9000  }
0x45: {  	_ =	swait.ge @!p0 [sflag:s16], $0x7000  }
0x46: {  	[sflag:s16] =	ssyncset.done @!p0 $0x0  }
0x47: {  	s19 =	simm.s32 $0x0;
	[sflag:s16] =	ssyncadd.s32 @!p0 $0xFFFF9000  }
0x48: {  	[tilespmem:s9], [sflag:$0x2] =	stream.indirect.gather [hbm4b:s3+s8], $0x8, s19, s8, $0xb8;
	[tilespmem:$0x15000] =	vst v63  }
0x49: {  	s20 =	simm.s32 $0x80;
	s17 =	rddreg [dreg:$0x2]  }
0x4a: {  	[tilespmem:s17], [sflag:$0x2] =	stream.indirect.gather [hbm4b:s3+s8], $0x8, s20, s8, $0xb8;
	[tilespmem:$0x15000] =	vst v63  }
0x4b: {  	s21 =	simm.s32 $0x100;
	s18 =	rddreg [dreg:$0x3]  }
0x4c: {  	[tilespmem:s18], [sflag:$0x2] =	stream.indirect.gather [hbm4b:s3+s8], $0x8, s21, s8, $0xb8;
	[tilespmem:$0x15000] =	vst v63  }
0x4d: {  	s23 =	simm.s32 $0x180;
	s22 =	rddreg [dreg:$0x4]  }
0x4e: {  	[tilespmem:s22], [sflag:$0x2] =	stream.indirect.gather [hbm4b:s3+s8], $0x8, s23, s8, $0xb8;
	[tilespmem:$0x15000] =	vst v63  }
0x4f: {  	s25 =	simm.s32 $0x200;
	s24 =	rddreg [dreg:$0x5]  }
0x50: {  	[tilespmem:s24], [sflag:$0x2] =	stream.indirect.gather [hbm4b:s3+s8], $0x8, s25, s8, $0xb8;
	[tilespmem:$0x15000] =	vst v63  }
0x51: {  	s28 =	simm.s32 $0x280;
	s26 =	rddreg [dreg:$0x6]  }
0x52: {  	[tilespmem:s26], [sflag:$0x2] =	stream.indirect.gather [hbm4b:s3+s8], $0x8, s28, s8, $0xb8;
	[tilespmem:$0x15000] =	vst v63  }
0x53: {  	s30 =	simm.s32 $0x300;
	s29 =	rddreg [dreg:$0x7]  }
0x54: {  	[tilespmem:s29], [sflag:$0x2] =	stream.indirect.gather [hbm4b:s3+s8], $0x8, s30, s8, $0xb8;
	[tilespmem:$0x15000] =	vst v63  }
0x55: {  	s31 =	rddreg [dreg:$0x8];
	s19 =	simm.s32 $0x380  }
0x56: {  	[tilespmem:s31], [sflag:$0x2] =	stream.indirect.gather [hbm4b:s3+s8], $0x8, s19, s8, $0xb8;
	[tilespmem:$0x15000] =	vst v63  }
0x57: {  	s20 =	rddreg [dreg:$0x9];
	s21 =	simm.s32 $0x400  }
0x58: {  	[tilespmem:s20], [sflag:$0x2] =	stream.indirect.gather [hbm4b:s3+s8], $0x8, s21, s8, $0xb8;
	[tilespmem:$0x15000] =	vst v63  }
0x59: {  	s22 =	rddreg [dreg:$0xa];
	s23 =	simm.s32 $0x480  }
0x5a: {  	[tilespmem:s22], [sflag:$0x2] =	stream.indirect.gather [hbm4b:s3+s8], $0x8, s23, s8, $0xb8;
	[tilespmem:$0x15000] =	vst v63  }
0x5b: {  	s24 =	rddreg [dreg:$0xb];
	s25 =	simm.s32 $0x500  }
0x5c: {  	[tilespmem:s24], [sflag:$0x2] =	stream.indirect.gather [hbm4b:s3+s8], $0x8, s25, s8, $0xb8;
	[tilespmem:$0x15000] =	vst v63  }
0x5d: {  	s26 =	rddreg [dreg:$0xc];
	s28 =	simm.s32 $0x580  }
0x5e: {  	[tilespmem:s26], [sflag:$0x2] =	stream.indirect.gather [hbm4b:s3+s8], $0x8, s28, s8, $0xb8;
	[tilespmem:$0x15000] =	vst v63  }
0x5f: {  	s29 =	rddreg [dreg:$0xd];
	s30 =	simm.s32 $0x600  }
0x60: {  	[tilespmem:s29], [sflag:$0x2] =	stream.indirect.gather [hbm4b:s3+s8], $0x8, s30, s8, $0xb8;
	[tilespmem:$0x15000] =	vst v63  }
0x61: {  	s31 =	rddreg [dreg:$0xe];
	s19 =	simm.s32 $0x680  }
0x62: {  	[tilespmem:s31], [sflag:$0x2] =	stream.indirect.gather [hbm4b:s3+s8], $0x8, s19, s8, $0xb8;
	[tilespmem:$0x15000] =	vst v63  }
0x63: {  	s20 =	rddreg [dreg:$0xf];
	s21 =	simm.s32 $0x700  }
0x64: {  	[tilespmem:s20], [sflag:$0x2] =	stream.indirect.gather [hbm4b:s3+s8], $0x8, s21, s8, $0xb8;
	[tilespmem:$0x15000] =	vst v63  }
0x65: {  	s22 =	rddreg [dreg:$0x10];
	s23 =	simm.s32 $0x780  }
0x66: {  	[tilespmem:s22], [sflag:$0x2] =	stream.indirect.gather [hbm4b:s3+s8], $0x8, s23, s8, $0xb8;
	[tilespmem:$0x15000] =	vst v63  }
0x67: {  	s24 =	rddreg [dreg:$0x11];
	s25 =	simm.s32 $0x800  }
0x68: {  	[tilespmem:s24], [sflag:$0x2] =	stream.indirect.gather [hbm4b:s3+s8], $0x8, s25, s8, $0xb8;
	[tilespmem:$0x15000] =	vst v63  }
0x69: {  	s26 =	rddreg [dreg:$0x12];
	s28 =	simm.s32 $0x880  }
0x6a: {  	[tilespmem:s26], [sflag:$0x2] =	stream.indirect.gather [hbm4b:s3+s8], $0x8, s28, s8, $0xb8;
	[tilespmem:$0x15000] =	vst v63  }
0x6b: {  	s29 =	rddreg [dreg:$0x13];
	s30 =	simm.s32 $0x900  }
0x6c: {  	[tilespmem:s29], [sflag:$0x2] =	stream.indirect.gather [hbm4b:s3+s8], $0x8, s30, s8, $0xb8;
	[tilespmem:$0x15000] =	vst v63  }
0x6d: {  	s31 =	rddreg [dreg:$0x14];
	s19 =	simm.s32 $0x980  }
0x6e: {  	[tilespmem:s31], [sflag:$0x2] =	stream.indirect.gather [hbm4b:s3+s8], $0x8, s19, s8, $0xb8;
	[tilespmem:$0x15000] =	vst v63  }
0x6f: {  	s20 =	rddreg [dreg:$0x15];
	s21 =	simm.s32 $0xA00  }
0x70: {  	[tilespmem:s20], [sflag:$0x2] =	stream.indirect.gather [hbm4b:s3+s8], $0x8, s21, s8, $0xb8;
	[tilespmem:$0x15000] =	vst v63  }
0x71: {  	s22 =	rddreg [dreg:$0x16];
	s23 =	simm.s32 $0xA80  }
0x72: {  	[tilespmem:s22], [sflag:$0x2] =	stream.indirect.gather [hbm4b:s3+s8], $0x8, s23, s8, $0xb8;
	[tilespmem:$0x15000] =	vst v63  }
0x73: {  	s24 =	rddreg [dreg:$0x17];
	s25 =	simm.s32 $0xB00  }
0x74: {  	[tilespmem:s24], [sflag:$0x2] =	stream.indirect.gather [hbm4b:s3+s8], $0x8, s25, s8, $0xb8;
	[tilespmem:$0x15000] =	vst v63  }
0x75: {  	s26 =	rddreg [dreg:$0x18];
	s28 =	simm.s32 $0xB80  }
0x76: {  	[tilespmem:s26], [sflag:$0x2] =	stream.indirect.gather [hbm4b:s3+s8], $0x8, s28, s8, $0xb8;
	[tilespmem:$0x15000] =	vst v63  }
0x77: {  	s29 =	rddreg [dreg:$0x19];
	s30 =	simm.s32 $0xC00  }
0x78: {  	[tilespmem:s29], [sflag:$0x2] =	stream.indirect.gather [hbm4b:s3+s8], $0x8, s30, s8, $0xb8;
	[tilespmem:$0x15000] =	vst v63  }
0x79: {  	s31 =	rddreg [dreg:$0x1a];
	s19 =	simm.s32 $0xC80  }
0x7a: {  	[tilespmem:s31], [sflag:$0x2] =	stream.indirect.gather [hbm4b:s3+s8], $0x8, s19, s8, $0xb8;
	[tilespmem:$0x15000] =	vst v63  }
0x7b: {  	s20 =	rddreg [dreg:$0x1b];
	s21 =	simm.s32 $0xD00  }
0x7c: {  	[tilespmem:s20], [sflag:$0x2] =	stream.indirect.gather [hbm4b:s3+s8], $0x8, s21, s8, $0xb8;
	[tilespmem:$0x15000] =	vst v63  }
0x7d: {  	s22 =	rddreg [dreg:$0x1c];
	s23 =	simm.s32 $0xD80  }
0x7e: {  	[tilespmem:s22], [sflag:$0x2] =	stream.indirect.gather [hbm4b:s3+s8], $0x8, s23, s8, $0xb8;
	[tilespmem:$0x15000] =	vst v63  }
0x7f: {  	_ =	swait.ge [sflag:s10], $0x400  }
0x80: {  	[sflag:s10] =	ssyncset.done $0x0  }
0x81: {  	[sflag:s10] =	ssyncadd.s32 $0xFFFFFC00  }
0x82: {  	_ =	swait.ge [sflag:s10], $0x400  }
0x83: {  	[sflag:s10] =	ssyncset.done $0x0  }
0x84: {  	[sflag:s10] =	ssyncadd.s32 $0xFFFFFC00  }
0x85: {  	_ =	swait.ge [sflag:s10], $0x400  }
0x86: {  	[sflag:s10] =	ssyncset.done $0x0  }
0x87: {  	[sflag:s10] =	ssyncadd.s32 $0xFFFFFC00  }
0x88: {  	_ =	swait.ge [sflag:s10], $0x400  }
0x89: {  	[sflag:s10] =	ssyncset.done $0x0  }
0x8a: {  	[sflag:s10] =	ssyncadd.s32 $0xFFFFFC00  }
0x8b: {  	_ =	swait.ge [sflag:s10], $0x400  }
0x8c: {  	[sflag:s10] =	ssyncset.done $0x0  }
0x8d: {  	[sflag:s10] =	ssyncadd.s32 $0xFFFFFC00  }
0x8e: {  	_ =	swait.ge [sflag:s10], $0x400  }
0x8f: {  	[sflag:s10] =	ssyncset.done $0x0  }
0x90: {  	[sflag:s10] =	ssyncadd.s32 $0xFFFFFC00  }
0x91: {  	_ =	swait.ge [sflag:s10], $0x400  }
0x92: {  	[sflag:s10] =	ssyncset.done $0x0  }
0x93: {  	[sflag:s10] =	ssyncadd.s32 $0xFFFFFC00  }
0x94: {  	_ =	swait.ge [sflag:s10], $0x400  }
0x95: {  	[sflag:s10] =	ssyncset.done $0x0  }
0x96: {  	[sflag:s10] =	ssyncadd.s32 $0xFFFFFC00  }
0x97: {  	_ =	swait.ge [sflag:s10], $0x400  }
0x98: {  	[sflag:s10] =	ssyncset.done $0x0  }
0x99: {  	[sflag:s10] =	ssyncadd.s32 $0xFFFFFC00  }
0x9a: {  	_ =	swait.ge [sflag:s10], $0x400  }
0x9b: {  	[sflag:s10] =	ssyncset.done $0x0  }
0x9c: {  	[sflag:s10] =	ssyncadd.s32 $0xFFFFFC00  }
0x9d: {  	_ =	swait.ge [sflag:s10], $0x400  }
0x9e: {  	[sflag:s10] =	ssyncset.done $0x0  }
0x9f: {  	[sflag:s10] =	ssyncadd.s32 $0xFFFFFC00  }
0xa0: {  	_ =	swait.ge [sflag:s10], $0x400  }
0xa1: {  	[sflag:s10] =	ssyncset.done $0x0  }
0xa2: {  	[sflag:s10] =	ssyncadd.s32 $0xFFFFFC00  }
0xa3: {  	_ =	swait.ge [sflag:s10], $0x400  }
0xa4: {  	[sflag:s10] =	ssyncset.done $0x0  }
0xa5: {  	[sflag:s10] =	ssyncadd.s32 $0xFFFFFC00  }
0xa6: {  	_ =	swait.ge [sflag:s10], $0x400  }
0xa7: {  	[sflag:s10] =	ssyncset.done $0x0  }
0xa8: {  	[sflag:s10] =	ssyncadd.s32 $0xFFFFFC00  }
0xa9: {  	_ =	swait.ge [sflag:s10], $0x400  }
0xaa: {  	[sflag:s10] =	ssyncset.done $0x0  }
0xab: {  	[sflag:s10] =	ssyncadd.s32 $0xFFFFFC00  }
0xac: {  	_ =	swait.ge [sflag:s10], $0x400  }
0xad: {  	[sflag:s10] =	ssyncset.done $0x0  }
0xae: {  	[sflag:s10] =	ssyncadd.s32 $0xFFFFFC00  }
0xaf: {  	_ =	swait.ge [sflag:s10], $0x400  }
0xb0: {  	[sflag:s10] =	ssyncset.done $0x0  }
0xb1: {  	[sflag:s10] =	ssyncadd.s32 $0xFFFFFC00  }
0xb2: {  	_ =	swait.ge [sflag:s10], $0x400  }
0xb3: {  	[sflag:s10] =	ssyncset.done $0x0  }
0xb4: {  	[sflag:s10] =	ssyncadd.s32 $0xFFFFFC00  }
0xb5: {  	_ =	swait.ge [sflag:s10], $0x400  }
0xb6: {  	[sflag:s10] =	ssyncset.done $0x0  }
0xb7: {  	[sflag:s10] =	ssyncadd.s32 $0xFFFFFC00  }
0xb8: {  	_ =	swait.ge [sflag:s10], $0x400  }
0xb9: {  	[sflag:s10] =	ssyncset.done $0x0  }
0xba: {  	[sflag:s10] =	ssyncadd.s32 $0xFFFFFC00  }
0xbb: {  	_ =	swait.ge [sflag:s10], $0x400  }
0xbc: {  	[sflag:s10] =	ssyncset.done $0x0  }
0xbd: {  	[sflag:s10] =	ssyncadd.s32 $0xFFFFFC00  }
0xbe: {  	_ =	swait.ge [sflag:s10], $0x400  }
0xbf: {  	[sflag:s10] =	ssyncset.done $0x0  }
0xc0: {  	[sflag:s10] =	ssyncadd.s32 $0xFFFFFC00  }
0xc1: {  	_ =	swait.ge [sflag:s10], $0x400  }
0xc2: {  	[sflag:s10] =	ssyncset.done $0x0  }
0xc3: {  	[sflag:s10] =	ssyncadd.s32 $0xFFFFFC00  }
0xc4: {  	_ =	swait.ge [sflag:s10], $0x400  }
0xc5: {  	[sflag:s10] =	ssyncset.done $0x0  }
0xc6: {  	[sflag:s10] =	ssyncadd.s32 $0xFFFFFC00  }
0xc7: {  	_ =	swait.ge [sflag:s10], $0x400  }
0xc8: {  	[sflag:s10] =	ssyncset.done $0x0  }
0xc9: {  	[sflag:s10] =	ssyncadd.s32 $0xFFFFFC00  }
0xca: {  	_ =	swait.ge [sflag:s10], $0x400  }
0xcb: {  	[sflag:s10] =	ssyncset.done $0x0  }
0xcc: {  	[sflag:s10] =	ssyncadd.s32 $0xFFFFFC00  }
0xcd: {  	_ =	swait.ge [sflag:s10], $0x400  }
0xce: {  	[sflag:s10] =	ssyncset.done $0x0  }
0xcf: {  	[sflag:s10] =	ssyncadd.s32 $0xFFFFFC00  }
0xd0: {  	_ =	swait.ge [sflag:s10], $0x400  }
0xd1: {  	[sflag:s10] =	ssyncset.done $0x0  }
0xd2: {  	s17 =	simm.s32 @!p0 $0x5;
	s24 =	sadd.s32 $0xFFFFF200, s6;
	[sflag:s10] =	ssyncadd.s32 $0xFFFFFC00  }
0xd3: {  	[hbm4b:s24+s1] =	stream.linear.scatter [tilespmem:s9], [sflag:$0x4], $0x7000, $0x38;
	[tilespmem:$0x15000] =	vst v63  }
0xd4: {  	_ =	swait.ge @!p0 [sflag:s17], $0x7000  }
0xd5: {  	[sflag:s17] =	ssyncset.done @!p0 $0x0  }
0xd6: {  	s25 =	simm.s32 $0xE00;
	s26 =	rddreg [dreg:$0x1d];
	[sflag:s17] =	ssyncadd.s32 @!p0 $0xFFFF9000  }
0xd7: {  	[tilespmem:s11], [sflag:$0x3] =	stream.indirect.gather [hbm4b:s3+s8], $0x8, s25, s8, $0xb8;
	[tilespmem:$0x15000] =	vst v63  }
0xd8: {  	s28 =	simm.s32 $0xE80;
	s29 =	rddreg [dreg:$0x1e]  }
0xd9: {  	[tilespmem:s26], [sflag:$0x3] =	stream.indirect.gather [hbm4b:s3+s8], $0x8, s28, s8, $0xb8;
	[tilespmem:$0x15000] =	vst v63  }
0xda: {  	s30 =	simm.s32 $0xF00;
	s31 =	rddreg [dreg:$0x1f]  }
0xdb: {  	[tilespmem:s29], [sflag:$0x3] =	stream.indirect.gather [hbm4b:s3+s8], $0x8, s30, s8, $0xb8;
	[tilespmem:$0x15000] =	vst v63  }
0xdc: {  	s19 =	simm.s32 $0xF80;
	s20 =	sld [smem:$0x7E6]  }
0xdd: {  	[tilespmem:s31], [sflag:$0x3] =	stream.indirect.gather [hbm4b:s3+s8], $0x8, s19, s8, $0xb8;
	[tilespmem:$0x15000] =	vst v63  }
0xde: {  	s21 =	simm.s32 $0x1000;
	s22 =	sld [smem:$0x7E7]  }
0xdf: {  	[tilespmem:s20], [sflag:$0x3] =	stream.indirect.gather [hbm4b:s3+s8], $0x8, s21, s8, $0xb8;
	[tilespmem:$0x15000] =	vst v63  }
0xe0: {  	s23 =	simm.s32 $0x1080;
	s24 =	sld [smem:$0x7E8]  }
0xe1: {  	[tilespmem:s22], [sflag:$0x3] =	stream.indirect.gather [hbm4b:s3+s8], $0x8, s23, s8, $0xb8;
	[tilespmem:$0x15000] =	vst v63  }
0xe2: {  	s25 =	simm.s32 $0x1100;
	s26 =	sld [smem:$0x7E9]  }
0xe3: {  	[tilespmem:s24], [sflag:$0x3] =	stream.indirect.gather [hbm4b:s3+s8], $0x8, s25, s8, $0xb8;
	[tilespmem:$0x15000] =	vst v63  }
0xe4: {  	s28 =	simm.s32 $0x1180;
	s29 =	sld [smem:$0x7EA]  }
0xe5: {  	[tilespmem:s26], [sflag:$0x3] =	stream.indirect.gather [hbm4b:s3+s8], $0x8, s28, s8, $0xb8;
	[tilespmem:$0x15000] =	vst v63  }
0xe6: {  	s30 =	simm.s32 $0x1200;
	s31 =	sld [smem:$0x7EB]  }
0xe7: {  	[tilespmem:s29], [sflag:$0x3] =	stream.indirect.gather [hbm4b:s3+s8], $0x8, s30, s8, $0xb8;
	[tilespmem:$0x15000] =	vst v63  }
0xe8: {  	s19 =	simm.s32 $0x1280;
	s20 =	sld [smem:$0x7EC]  }
0xe9: {  	[tilespmem:s31], [sflag:$0x3] =	stream.indirect.gather [hbm4b:s3+s8], $0x8, s19, s8, $0xb8;
	[tilespmem:$0x15000] =	vst v63  }
0xea: {  	s21 =	simm.s32 $0x1300;
	s22 =	sld [smem:$0x7ED]  }
0xeb: {  	[tilespmem:s20], [sflag:$0x3] =	stream.indirect.gather [hbm4b:s3+s8], $0x8, s21, s8, $0xb8;
	[tilespmem:$0x15000] =	vst v63  }
0xec: {  	s23 =	simm.s32 $0x1380;
	s24 =	sld [smem:$0x7EE]  }
0xed: {  	[tilespmem:s22], [sflag:$0x3] =	stream.indirect.gather [hbm4b:s3+s8], $0x8, s23, s8, $0xb8;
	[tilespmem:$0x15000] =	vst v63  }
0xee: {  	s25 =	simm.s32 $0x1400;
	s26 =	sld [smem:$0x7EF]  }
0xef: {  	[tilespmem:s24], [sflag:$0x3] =	stream.indirect.gather [hbm4b:s3+s8], $0x8, s25, s8, $0xb8;
	[tilespmem:$0x15000] =	vst v63  }
0xf0: {  	s28 =	simm.s32 $0x1480;
	s29 =	sld [smem:$0x7F0]  }
0xf1: {  	[tilespmem:s26], [sflag:$0x3] =	stream.indirect.gather [hbm4b:s3+s8], $0x8, s28, s8, $0xb8;
	[tilespmem:$0x15000] =	vst v63  }
0xf2: {  	s30 =	simm.s32 $0x1500;
	s31 =	sld [smem:$0x7F1]  }
0xf3: {  	[tilespmem:s29], [sflag:$0x3] =	stream.indirect.gather [hbm4b:s3+s8], $0x8, s30, s8, $0xb8;
	[tilespmem:$0x15000] =	vst v63  }
0xf4: {  	s19 =	simm.s32 $0x1580;
	s20 =	sld [smem:$0x7F2]  }
0xf5: {  	[tilespmem:s31], [sflag:$0x3] =	stream.indirect.gather [hbm4b:s3+s8], $0x8, s19, s8, $0xb8;
	[tilespmem:$0x15000] =	vst v63  }
0xf6: {  	s21 =	simm.s32 $0x1600;
	s22 =	sld [smem:$0x7F3]  }
0xf7: {  	[tilespmem:s20], [sflag:$0x3] =	stream.indirect.gather [hbm4b:s3+s8], $0x8, s21, s8, $0xb8;
	[tilespmem:$0x15000] =	vst v63  }
0xf8: {  	s23 =	simm.s32 $0x1680;
	s24 =	sld [smem:$0x7F4]  }
0xf9: {  	[tilespmem:s22], [sflag:$0x3] =	stream.indirect.gather [hbm4b:s3+s8], $0x8, s23, s8, $0xb8;
	[tilespmem:$0x15000] =	vst v63  }
0xfa: {  	s25 =	simm.s32 $0x1700;
	s26 =	sld [smem:$0x7F5]  }
0xfb: {  	[tilespmem:s24], [sflag:$0x3] =	stream.indirect.gather [hbm4b:s3+s8], $0x8, s25, s8, $0xb8;
	[tilespmem:$0x15000] =	vst v63  }
0xfc: {  	s28 =	simm.s32 $0x1780;
	s29 =	sld [smem:$0x7F6]  }
0xfd: {  	[tilespmem:s26], [sflag:$0x3] =	stream.indirect.gather [hbm4b:s3+s8], $0x8, s28, s8, $0xb8;
	[tilespmem:$0x15000] =	vst v63  }
0xfe: {  	s30 =	simm.s32 $0x1800;
	s31 =	sld [smem:$0x7F7]  }
0xff: {  	[tilespmem:s29], [sflag:$0x3] =	stream.indirect.gather [hbm4b:s3+s8], $0x8, s30, s8, $0xb8;
	[tilespmem:$0x15000] =	vst v63  }
0x100: {  	s18 =	simm.s32 $0x1880;
	s19 =	sld [smem:$0x7F8]  }
0x101: {  	[tilespmem:s31], [sflag:$0x3] =	stream.indirect.gather [hbm4b:s3+s8], $0x8, s18, s8, $0xb8;
	[tilespmem:$0x15000] =	vst v63  }
0x102: {  	s20 =	simm.s32 $0x1900;
	s21 =	sld [smem:$0x7F9]  }
0x103: {  	[tilespmem:s19], [sflag:$0x3] =	stream.indirect.gather [hbm4b:s3+s8], $0x8, s20, s8, $0xb8;
	[tilespmem:$0x15000] =	vst v63  }
0x104: {  	s22 =	simm.s32 $0x1980;
	s23 =	sld [smem:$0x7FA]  }
0x105: {  	[tilespmem:s21], [sflag:$0x3] =	stream.indirect.gather [hbm4b:s3+s8], $0x8, s22, s8, $0xb8;
	[tilespmem:$0x15000] =	vst v63  }
0x106: {  	s24 =	simm.s32 $0x1A00;
	s25 =	sld [smem:$0x7FB]  }
0x107: {  	[tilespmem:s23], [sflag:$0x3] =	stream.indirect.gather [hbm4b:s3+s8], $0x8, s24, s8, $0xb8;
	[tilespmem:$0x15000] =	vst v63  }
0x108: {  	s26 =	simm.s32 $0x1A80;
	s28 =	sld [smem:$0x7FC]  }
0x109: {  	[tilespmem:s25], [sflag:$0x3] =	stream.indirect.gather [hbm4b:s3+s8], $0x8, s26, s8, $0xb8;
	[tilespmem:$0x15000] =	vst v63  }
0x10a: {  	s29 =	simm.s32 $0x1B00;
	s30 =	sld [smem:$0x7FD]  }
0x10b: {  	[tilespmem:s28], [sflag:$0x3] =	stream.indirect.gather [hbm4b:s3+s8], $0x8, s29, s8, $0xb8;
	[tilespmem:$0x15000] =	vst v63  }
0x10c: {  	s31 =	simm.s32 $0x1B80  }
0x10d: {  	[tilespmem:s30], [sflag:$0x3] =	stream.indirect.gather [hbm4b:s3+s8], $0x8, s31, s8, $0xb8;
	[tilespmem:$0x15000] =	vst v63  }
0x10e: {  	_ =	swait.ge [sflag:s12], $0x400  }
0x10f: {  	[sflag:s12] =	ssyncset.done $0x0  }
0x110: {  	[sflag:s12] =	ssyncadd.s32 $0xFFFFFC00  }
0x111: {  	_ =	swait.ge [sflag:s12], $0x400  }
0x112: {  	[sflag:s12] =	ssyncset.done $0x0  }
0x113: {  	[sflag:s12] =	ssyncadd.s32 $0xFFFFFC00  }
0x114: {  	_ =	swait.ge [sflag:s12], $0x400  }
0x115: {  	[sflag:s12] =	ssyncset.done $0x0  }
0x116: {  	[sflag:s12] =	ssyncadd.s32 $0xFFFFFC00  }
0x117: {  	_ =	swait.ge [sflag:s12], $0x400  }
0x118: {  	[sflag:s12] =	ssyncset.done $0x0  }
0x119: {  	[sflag:s12] =	ssyncadd.s32 $0xFFFFFC00  }
0x11a: {  	_ =	swait.ge [sflag:s12], $0x400  }
0x11b: {  	[sflag:s12] =	ssyncset.done $0x0  }
0x11c: {  	[sflag:s12] =	ssyncadd.s32 $0xFFFFFC00  }
0x11d: {  	_ =	swait.ge [sflag:s12], $0x400  }
0x11e: {  	[sflag:s12] =	ssyncset.done $0x0  }
0x11f: {  	[sflag:s12] =	ssyncadd.s32 $0xFFFFFC00  }
0x120: {  	_ =	swait.ge [sflag:s12], $0x400  }
0x121: {  	[sflag:s12] =	ssyncset.done $0x0  }
0x122: {  	[sflag:s12] =	ssyncadd.s32 $0xFFFFFC00  }
0x123: {  	_ =	swait.ge [sflag:s12], $0x400  }
0x124: {  	[sflag:s12] =	ssyncset.done $0x0  }
0x125: {  	[sflag:s12] =	ssyncadd.s32 $0xFFFFFC00  }
0x126: {  	_ =	swait.ge [sflag:s12], $0x400  }
0x127: {  	[sflag:s12] =	ssyncset.done $0x0  }
0x128: {  	[sflag:s12] =	ssyncadd.s32 $0xFFFFFC00  }
0x129: {  	_ =	swait.ge [sflag:s12], $0x400  }
0x12a: {  	[sflag:s12] =	ssyncset.done $0x0  }
0x12b: {  	[sflag:s12] =	ssyncadd.s32 $0xFFFFFC00  }
0x12c: {  	_ =	swait.ge [sflag:s12], $0x400  }
0x12d: {  	[sflag:s12] =	ssyncset.done $0x0  }
0x12e: {  	[sflag:s12] =	ssyncadd.s32 $0xFFFFFC00  }
0x12f: {  	_ =	swait.ge [sflag:s12], $0x400  }
0x130: {  	[sflag:s12] =	ssyncset.done $0x0  }
0x131: {  	[sflag:s12] =	ssyncadd.s32 $0xFFFFFC00  }
0x132: {  	_ =	swait.ge [sflag:s12], $0x400  }
0x133: {  	[sflag:s12] =	ssyncset.done $0x0  }
0x134: {  	[sflag:s12] =	ssyncadd.s32 $0xFFFFFC00  }
0x135: {  	_ =	swait.ge [sflag:s12], $0x400  }
0x136: {  	[sflag:s12] =	ssyncset.done $0x0  }
0x137: {  	[sflag:s12] =	ssyncadd.s32 $0xFFFFFC00  }
0x138: {  	_ =	swait.ge [sflag:s12], $0x400  }
0x139: {  	[sflag:s12] =	ssyncset.done $0x0  }
0x13a: {  	[sflag:s12] =	ssyncadd.s32 $0xFFFFFC00  }
0x13b: {  	_ =	swait.ge [sflag:s12], $0x400  }
0x13c: {  	[sflag:s12] =	ssyncset.done $0x0  }
0x13d: {  	[sflag:s12] =	ssyncadd.s32 $0xFFFFFC00  }
0x13e: {  	_ =	swait.ge [sflag:s12], $0x400  }
0x13f: {  	[sflag:s12] =	ssyncset.done $0x0  }
0x140: {  	[sflag:s12] =	ssyncadd.s32 $0xFFFFFC00  }
0x141: {  	_ =	swait.ge [sflag:s12], $0x400  }
0x142: {  	[sflag:s12] =	ssyncset.done $0x0  }
0x143: {  	[sflag:s12] =	ssyncadd.s32 $0xFFFFFC00  }
0x144: {  	_ =	swait.ge [sflag:s12], $0x400  }
0x145: {  	[sflag:s12] =	ssyncset.done $0x0  }
0x146: {  	[sflag:s12] =	ssyncadd.s32 $0xFFFFFC00  }
0x147: {  	_ =	swait.ge [sflag:s12], $0x400  }
0x148: {  	[sflag:s12] =	ssyncset.done $0x0  }
0x149: {  	[sflag:s12] =	ssyncadd.s32 $0xFFFFFC00  }
0x14a: {  	_ =	swait.ge [sflag:s12], $0x400  }
0x14b: {  	[sflag:s12] =	ssyncset.done $0x0  }
0x14c: {  	[sflag:s12] =	ssyncadd.s32 $0xFFFFFC00  }
0x14d: {  	_ =	swait.ge [sflag:s12], $0x400  }
0x14e: {  	[sflag:s12] =	ssyncset.done $0x0  }
0x14f: {  	[sflag:s12] =	ssyncadd.s32 $0xFFFFFC00  }
0x150: {  	_ =	swait.ge [sflag:s12], $0x400  }
0x151: {  	[sflag:s12] =	ssyncset.done $0x0  }
0x152: {  	[sflag:s12] =	ssyncadd.s32 $0xFFFFFC00  }
0x153: {  	_ =	swait.ge [sflag:s12], $0x400  }
0x154: {  	[sflag:s12] =	ssyncset.done $0x0  }
0x155: {  	[sflag:s12] =	ssyncadd.s32 $0xFFFFFC00  }
0x156: {  	_ =	swait.ge [sflag:s12], $0x400  }
0x157: {  	[sflag:s12] =	ssyncset.done $0x0  }
0x158: {  	[sflag:s12] =	ssyncadd.s32 $0xFFFFFC00  }
0x159: {  	_ =	swait.ge [sflag:s12], $0x400  }
0x15a: {  	[sflag:s12] =	ssyncset.done $0x0  }
0x15b: {  	[sflag:s12] =	ssyncadd.s32 $0xFFFFFC00  }
0x15c: {  	_ =	swait.ge [sflag:s12], $0x400  }
0x15d: {  	[sflag:s12] =	ssyncset.done $0x0  }
0x15e: {  	p1 =	por $0x0, $0x0;
	[sflag:s12] =	ssyncadd.s32 $0xFFFFFC00  }
0x15f: {  	s16 =	sadd.s32 $0x1C00, s6;
	s17 =	simm.s32 $0x7000;
	_ =	swait.ge [sflag:s12], $0x400  }
0x160: {  	s18 =	simm.s32 $0xE000;
	s19 =	smov.u32 s6;
	[sflag:s12] =	ssyncset.done $0x0  }
.LBB2_2:
0x161: {  	s20 =	simm.s32 @!p1 $0x4;
	[sflag:s12] =	ssyncadd.s32 $0xFFFFFC00  }
0x162: {  	[hbm4b:s19+s1] =	stream.linear.scatter [tilespmem:s11], [sflag:$0x5], $0x7000, $0x38;
	[tilespmem:$0x15000] =	vst v63  }
0x163: {  	_ =	swait.ge @!p1 [sflag:s20], $0x7000  }
0x164: {  	[sflag:s20] =	ssyncset.done @!p1 $0x0  }
0x165: {  	[sflag:s20] =	ssyncadd.s32 @!p1 $0xFFFF9000;
	s20 =	sshra.s32 s17, $0x2  }
0x166: {  	[tilespmem:s9], [sflag:$0x2] =	stream.indirect.gather [hbm4b:s3+s8], $0x8, s20, s8, $0xb8;
	[tilespmem:$0x15000] =	vst v63  }
0x167: {  	s22 =	rddreg [dreg:$0x2];
	s23 =	sadd.s32 $0x80, s20  }
0x168: {  	[tilespmem:s22], [sflag:$0x2] =	stream.indirect.gather [hbm4b:s3+s8], $0x8, s23, s8, $0xb8;
	[tilespmem:$0x15000] =	vst v63  }
0x169: {  	s24 =	rddreg [dreg:$0x3];
	s30 =	sadd.s32 $0x100, s20  }
0x16a: {  	[tilespmem:s24], [sflag:$0x2] =	stream.indirect.gather [hbm4b:s3+s8], $0x8, s30, s8, $0xb8;
	[tilespmem:$0x15000] =	vst v63  }
0x16b: {  	s31 =	rddreg [dreg:$0x4];
	s23 =	sadd.s32 $0x180, s20  }
0x16c: {  	[tilespmem:s31], [sflag:$0x2] =	stream.indirect.gather [hbm4b:s3+s8], $0x8, s23, s8, $0xb8;
	[tilespmem:$0x15000] =	vst v63  }
0x16d: {  	s25 =	sadd.s32 $0x200, s20;
	s24 =	rddreg [dreg:$0x5]  }
0x16e: {  	[tilespmem:s24], [sflag:$0x2] =	stream.indirect.gather [hbm4b:s3+s8], $0x8, s25, s8, $0xb8;
	[tilespmem:$0x15000] =	vst v63  }
0x16f: {  	s26 =	rddreg [dreg:$0x6];
	s28 =	sadd.s32 $0x280, s20  }
0x170: {  	[tilespmem:s26], [sflag:$0x2] =	stream.indirect.gather [hbm4b:s3+s8], $0x8, s28, s8, $0xb8;
	[tilespmem:$0x15000] =	vst v63  }
0x171: {  	s29 =	rddreg [dreg:$0x7];
	s30 =	sadd.s32 $0x300, s20  }
0x172: {  	[tilespmem:s29], [sflag:$0x2] =	stream.indirect.gather [hbm4b:s3+s8], $0x8, s30, s8, $0xb8;
	[tilespmem:$0x15000] =	vst v63  }
0x173: {  	s31 =	rddreg [dreg:$0x8];
	s23 =	sadd.s32 $0x380, s20  }
0x174: {  	[tilespmem:s31], [sflag:$0x2] =	stream.indirect.gather [hbm4b:s3+s8], $0x8, s23, s8, $0xb8;
	[tilespmem:$0x15000] =	vst v63  }
0x175: {  	s24 =	rddreg [dreg:$0x9];
	s25 =	sadd.s32 $0x400, s20  }
0x176: {  	[tilespmem:s24], [sflag:$0x2] =	stream.indirect.gather [hbm4b:s3+s8], $0x8, s25, s8, $0xb8;
	[tilespmem:$0x15000] =	vst v63  }
0x177: {  	s26 =	rddreg [dreg:$0xa];
	s28 =	sadd.s32 $0x480, s20  }
0x178: {  	[tilespmem:s26], [sflag:$0x2] =	stream.indirect.gather [hbm4b:s3+s8], $0x8, s28, s8, $0xb8;
	[tilespmem:$0x15000] =	vst v63  }
0x179: {  	s29 =	rddreg [dreg:$0xb];
	s30 =	sadd.s32 $0x500, s20  }
0x17a: {  	[tilespmem:s29], [sflag:$0x2] =	stream.indirect.gather [hbm4b:s3+s8], $0x8, s30, s8, $0xb8;
	[tilespmem:$0x15000] =	vst v63  }
0x17b: {  	s31 =	rddreg [dreg:$0xc];
	s23 =	sadd.s32 $0x580, s20  }
0x17c: {  	[tilespmem:s31], [sflag:$0x2] =	stream.indirect.gather [hbm4b:s3+s8], $0x8, s23, s8, $0xb8;
	[tilespmem:$0x15000] =	vst v63  }
0x17d: {  	s24 =	rddreg [dreg:$0xd];
	s25 =	sadd.s32 $0x600, s20  }
0x17e: {  	[tilespmem:s24], [sflag:$0x2] =	stream.indirect.gather [hbm4b:s3+s8], $0x8, s25, s8, $0xb8;
	[tilespmem:$0x15000] =	vst v63  }
0x17f: {  	s26 =	rddreg [dreg:$0xe];
	s28 =	sadd.s32 $0x680, s20  }
0x180: {  	[tilespmem:s26], [sflag:$0x2] =	stream.indirect.gather [hbm4b:s3+s8], $0x8, s28, s8, $0xb8;
	[tilespmem:$0x15000] =	vst v63  }
0x181: {  	s29 =	rddreg [dreg:$0xf];
	s30 =	sadd.s32 $0x700, s20  }
0x182: {  	[tilespmem:s29], [sflag:$0x2] =	stream.indirect.gather [hbm4b:s3+s8], $0x8, s30, s8, $0xb8;
	[tilespmem:$0x15000] =	vst v63  }
0x183: {  	s31 =	rddreg [dreg:$0x10];
	s23 =	sadd.s32 $0x780, s20  }
0x184: {  	[tilespmem:s31], [sflag:$0x2] =	stream.indirect.gather [hbm4b:s3+s8], $0x8, s23, s8, $0xb8;
	[tilespmem:$0x15000] =	vst v63  }
0x185: {  	s24 =	rddreg [dreg:$0x11];
	s25 =	sadd.s32 $0x800, s20  }
0x186: {  	[tilespmem:s24], [sflag:$0x2] =	stream.indirect.gather [hbm4b:s3+s8], $0x8, s25, s8, $0xb8;
	[tilespmem:$0x15000] =	vst v63  }
0x187: {  	s26 =	rddreg [dreg:$0x12];
	s28 =	sadd.s32 $0x880, s20  }
0x188: {  	[tilespmem:s26], [sflag:$0x2] =	stream.indirect.gather [hbm4b:s3+s8], $0x8, s28, s8, $0xb8;
	[tilespmem:$0x15000] =	vst v63  }
0x189: {  	s29 =	rddreg [dreg:$0x13];
	s30 =	sadd.s32 $0x900, s20  }
0x18a: {  	[tilespmem:s29], [sflag:$0x2] =	stream.indirect.gather [hbm4b:s3+s8], $0x8, s30, s8, $0xb8;
	[tilespmem:$0x15000] =	vst v63  }
0x18b: {  	s31 =	rddreg [dreg:$0x14];
	s23 =	sadd.s32 $0x980, s20  }
0x18c: {  	[tilespmem:s31], [sflag:$0x2] =	stream.indirect.gather [hbm4b:s3+s8], $0x8, s23, s8, $0xb8;
	[tilespmem:$0x15000] =	vst v63  }
0x18d: {  	s24 =	rddreg [dreg:$0x15];
	s25 =	sadd.s32 $0xA00, s20  }
0x18e: {  	[tilespmem:s24], [sflag:$0x2] =	stream.indirect.gather [hbm4b:s3+s8], $0x8, s25, s8, $0xb8;
	[tilespmem:$0x15000] =	vst v63  }
0x18f: {  	s26 =	rddreg [dreg:$0x16];
	s28 =	sadd.s32 $0xA80, s20  }
0x190: {  	[tilespmem:s26], [sflag:$0x2] =	stream.indirect.gather [hbm4b:s3+s8], $0x8, s28, s8, $0xb8;
	[tilespmem:$0x15000] =	vst v63  }
0x191: {  	s29 =	rddreg [dreg:$0x17];
	s30 =	sadd.s32 $0xB00, s20  }
0x192: {  	[tilespmem:s29], [sflag:$0x2] =	stream.indirect.gather [hbm4b:s3+s8], $0x8, s30, s8, $0xb8;
	[tilespmem:$0x15000] =	vst v63  }
0x193: {  	s31 =	rddreg [dreg:$0x18];
	s23 =	sadd.s32 $0xB80, s20  }
0x194: {  	[tilespmem:s31], [sflag:$0x2] =	stream.indirect.gather [hbm4b:s3+s8], $0x8, s23, s8, $0xb8;
	[tilespmem:$0x15000] =	vst v63  }
0x195: {  	s24 =	rddreg [dreg:$0x19];
	s25 =	sadd.s32 $0xC00, s20  }
0x196: {  	[tilespmem:s24], [sflag:$0x2] =	stream.indirect.gather [hbm4b:s3+s8], $0x8, s25, s8, $0xb8;
	[tilespmem:$0x15000] =	vst v63  }
0x197: {  	s26 =	rddreg [dreg:$0x1a];
	s28 =	sadd.s32 $0xC80, s20  }
0x198: {  	[tilespmem:s26], [sflag:$0x2] =	stream.indirect.gather [hbm4b:s3+s8], $0x8, s28, s8, $0xb8;
	[tilespmem:$0x15000] =	vst v63  }
0x199: {  	s29 =	rddreg [dreg:$0x1b];
	s30 =	sadd.s32 $0xD00, s20  }
0x19a: {  	[tilespmem:s29], [sflag:$0x2] =	stream.indirect.gather [hbm4b:s3+s8], $0x8, s30, s8, $0xb8;
	[tilespmem:$0x15000] =	vst v63  }
0x19b: {  	s31 =	rddreg [dreg:$0x1c];
	s23 =	sadd.s32 $0xD80, s20  }
0x19c: {  	[tilespmem:s31], [sflag:$0x2] =	stream.indirect.gather [hbm4b:s3+s8], $0x8, s23, s8, $0xb8;
	[tilespmem:$0x15000] =	vst v63  }
0x19d: {  	_ =	swait.ge [sflag:s10], $0x400  }
0x19e: {  	[sflag:s10] =	ssyncset.done $0x0  }
0x19f: {  	[sflag:s10] =	ssyncadd.s32 $0xFFFFFC00  }
0x1a0: {  	_ =	swait.ge [sflag:s10], $0x400  }
0x1a1: {  	[sflag:s10] =	ssyncset.done $0x0  }
0x1a2: {  	[sflag:s10] =	ssyncadd.s32 $0xFFFFFC00  }
0x1a3: {  	_ =	swait.ge [sflag:s10], $0x400  }
0x1a4: {  	[sflag:s10] =	ssyncset.done $0x0  }
0x1a5: {  	[sflag:s10] =	ssyncadd.s32 $0xFFFFFC00  }
0x1a6: {  	_ =	swait.ge [sflag:s10], $0x400  }
0x1a7: {  	[sflag:s10] =	ssyncset.done $0x0  }
0x1a8: {  	[sflag:s10] =	ssyncadd.s32 $0xFFFFFC00  }
0x1a9: {  	_ =	swait.ge [sflag:s10], $0x400  }
0x1aa: {  	[sflag:s10] =	ssyncset.done $0x0  }
0x1ab: {  	[sflag:s10] =	ssyncadd.s32 $0xFFFFFC00  }
0x1ac: {  	_ =	swait.ge [sflag:s10], $0x400  }
0x1ad: {  	[sflag:s10] =	ssyncset.done $0x0  }
0x1ae: {  	[sflag:s10] =	ssyncadd.s32 $0xFFFFFC00  }
0x1af: {  	_ =	swait.ge [sflag:s10], $0x400  }
0x1b0: {  	[sflag:s10] =	ssyncset.done $0x0  }
0x1b1: {  	[sflag:s10] =	ssyncadd.s32 $0xFFFFFC00  }
0x1b2: {  	_ =	swait.ge [sflag:s10], $0x400  }
0x1b3: {  	[sflag:s10] =	ssyncset.done $0x0  }
0x1b4: {  	[sflag:s10] =	ssyncadd.s32 $0xFFFFFC00  }
0x1b5: {  	_ =	swait.ge [sflag:s10], $0x400  }
0x1b6: {  	[sflag:s10] =	ssyncset.done $0x0  }
0x1b7: {  	[sflag:s10] =	ssyncadd.s32 $0xFFFFFC00  }
0x1b8: {  	_ =	swait.ge [sflag:s10], $0x400  }
0x1b9: {  	[sflag:s10] =	ssyncset.done $0x0  }
0x1ba: {  	[sflag:s10] =	ssyncadd.s32 $0xFFFFFC00  }
0x1bb: {  	_ =	swait.ge [sflag:s10], $0x400  }
0x1bc: {  	[sflag:s10] =	ssyncset.done $0x0  }
0x1bd: {  	[sflag:s10] =	ssyncadd.s32 $0xFFFFFC00  }
0x1be: {  	_ =	swait.ge [sflag:s10], $0x400  }
0x1bf: {  	[sflag:s10] =	ssyncset.done $0x0  }
0x1c0: {  	[sflag:s10] =	ssyncadd.s32 $0xFFFFFC00  }
0x1c1: {  	_ =	swait.ge [sflag:s10], $0x400  }
0x1c2: {  	[sflag:s10] =	ssyncset.done $0x0  }
0x1c3: {  	[sflag:s10] =	ssyncadd.s32 $0xFFFFFC00  }
0x1c4: {  	_ =	swait.ge [sflag:s10], $0x400  }
0x1c5: {  	[sflag:s10] =	ssyncset.done $0x0  }
0x1c6: {  	[sflag:s10] =	ssyncadd.s32 $0xFFFFFC00  }
0x1c7: {  	_ =	swait.ge [sflag:s10], $0x400  }
0x1c8: {  	[sflag:s10] =	ssyncset.done $0x0  }
0x1c9: {  	[sflag:s10] =	ssyncadd.s32 $0xFFFFFC00  }
0x1ca: {  	_ =	swait.ge [sflag:s10], $0x400  }
0x1cb: {  	[sflag:s10] =	ssyncset.done $0x0  }
0x1cc: {  	[sflag:s10] =	ssyncadd.s32 $0xFFFFFC00  }
0x1cd: {  	_ =	swait.ge [sflag:s10], $0x400  }
0x1ce: {  	[sflag:s10] =	ssyncset.done $0x0  }
0x1cf: {  	[sflag:s10] =	ssyncadd.s32 $0xFFFFFC00  }
0x1d0: {  	_ =	swait.ge [sflag:s10], $0x400  }
0x1d1: {  	[sflag:s10] =	ssyncset.done $0x0  }
0x1d2: {  	[sflag:s10] =	ssyncadd.s32 $0xFFFFFC00  }
0x1d3: {  	_ =	swait.ge [sflag:s10], $0x400  }
0x1d4: {  	[sflag:s10] =	ssyncset.done $0x0  }
0x1d5: {  	[sflag:s10] =	ssyncadd.s32 $0xFFFFFC00  }
0x1d6: {  	_ =	swait.ge [sflag:s10], $0x400  }
0x1d7: {  	[sflag:s10] =	ssyncset.done $0x0  }
0x1d8: {  	[sflag:s10] =	ssyncadd.s32 $0xFFFFFC00  }
0x1d9: {  	_ =	swait.ge [sflag:s10], $0x400  }
0x1da: {  	[sflag:s10] =	ssyncset.done $0x0  }
0x1db: {  	[sflag:s10] =	ssyncadd.s32 $0xFFFFFC00  }
0x1dc: {  	_ =	swait.ge [sflag:s10], $0x400  }
0x1dd: {  	[sflag:s10] =	ssyncset.done $0x0  }
0x1de: {  	[sflag:s10] =	ssyncadd.s32 $0xFFFFFC00  }
0x1df: {  	_ =	swait.ge [sflag:s10], $0x400  }
0x1e0: {  	[sflag:s10] =	ssyncset.done $0x0  }
0x1e1: {  	[sflag:s10] =	ssyncadd.s32 $0xFFFFFC00  }
0x1e2: {  	_ =	swait.ge [sflag:s10], $0x400  }
0x1e3: {  	[sflag:s10] =	ssyncset.done $0x0  }
0x1e4: {  	[sflag:s10] =	ssyncadd.s32 $0xFFFFFC00  }
0x1e5: {  	_ =	swait.ge [sflag:s10], $0x400  }
0x1e6: {  	[sflag:s10] =	ssyncset.done $0x0  }
0x1e7: {  	[sflag:s10] =	ssyncadd.s32 $0xFFFFFC00  }
0x1e8: {  	_ =	swait.ge [sflag:s10], $0x400  }
0x1e9: {  	[sflag:s10] =	ssyncset.done $0x0  }
0x1ea: {  	[sflag:s10] =	ssyncadd.s32 $0xFFFFFC00  }
0x1eb: {  	_ =	swait.ge [sflag:s10], $0x400  }
0x1ec: {  	[sflag:s10] =	ssyncset.done $0x0  }
0x1ed: {  	[sflag:s10] =	ssyncadd.s32 $0xFFFFFC00  }
0x1ee: {  	_ =	swait.ge [sflag:s10], $0x400  }
0x1ef: {  	[sflag:s10] =	ssyncset.done $0x0  }
0x1f0: {  	s22 =	simm.s32 @!p1 $0x5;
	s24 =	sadd.s32 $0xFFFFF200, s16;
	[sflag:s10] =	ssyncadd.s32 $0xFFFFFC00  }
0x1f1: {  	[hbm4b:s24+s1] =	stream.linear.scatter [tilespmem:s9], [sflag:$0x4], $0x7000, $0x38;
	[tilespmem:$0x15000] =	vst v63  }
0x1f2: {  	_ =	swait.ge @!p1 [sflag:s22], $0x7000  }
0x1f3: {  	[sflag:s22] =	ssyncset.done @!p1 $0x0  }
0x1f4: {  	s25 =	sadd.s32 $0xE00, s20;
	s26 =	rddreg [dreg:$0x1d];
	[sflag:s22] =	ssyncadd.s32 @!p1 $0xFFFF9000  }
0x1f5: {  	[tilespmem:s11], [sflag:$0x3] =	stream.indirect.gather [hbm4b:s3+s8], $0x8, s25, s8, $0xb8;
	[tilespmem:$0x15000] =	vst v63  }
0x1f6: {  	s28 =	sadd.s32 $0xE80, s20;
	s29 =	rddreg [dreg:$0x1e]  }
0x1f7: {  	[tilespmem:s26], [sflag:$0x3] =	stream.indirect.gather [hbm4b:s3+s8], $0x8, s28, s8, $0xb8;
	[tilespmem:$0x15000] =	vst v63  }
0x1f8: {  	s30 =	sadd.s32 $0xF00, s20;
	s31 =	rddreg [dreg:$0x1f]  }
0x1f9: {  	[tilespmem:s29], [sflag:$0x3] =	stream.indirect.gather [hbm4b:s3+s8], $0x8, s30, s8, $0xb8;
	[tilespmem:$0x15000] =	vst v63  }
0x1fa: {  	s23 =	sadd.s32 $0xF80, s20;
	s24 =	sld [smem:$0x7E6]  }
0x1fb: {  	[tilespmem:s31], [sflag:$0x3] =	stream.indirect.gather [hbm4b:s3+s8], $0x8, s23, s8, $0xb8;
	[tilespmem:$0x15000] =	vst v63  }
0x1fc: {  	s25 =	sadd.s32 $0x1000, s20;
	s26 =	sld [smem:$0x7E7]  }
0x1fd: {  	[tilespmem:s24], [sflag:$0x3] =	stream.indirect.gather [hbm4b:s3+s8], $0x8, s25, s8, $0xb8;
	[tilespmem:$0x15000] =	vst v63  }
0x1fe: {  	s28 =	sadd.s32 $0x1080, s20;
	s29 =	sld [smem:$0x7E8]  }
0x1ff: {  	[tilespmem:s26], [sflag:$0x3] =	stream.indirect.gather [hbm4b:s3+s8], $0x8, s28, s8, $0xb8;
	[tilespmem:$0x15000] =	vst v63  }
0x200: {  	s30 =	sadd.s32 $0x1100, s20;
	s31 =	sld [smem:$0x7E9]  }
0x201: {  	[tilespmem:s29], [sflag:$0x3] =	stream.indirect.gather [hbm4b:s3+s8], $0x8, s30, s8, $0xb8;
	[tilespmem:$0x15000] =	vst v63  }
0x202: {  	s23 =	sadd.s32 $0x1180, s20;
	s24 =	sld [smem:$0x7EA]  }
0x203: {  	[tilespmem:s31], [sflag:$0x3] =	stream.indirect.gather [hbm4b:s3+s8], $0x8, s23, s8, $0xb8;
	[tilespmem:$0x15000] =	vst v63  }
0x204: {  	s25 =	sadd.s32 $0x1200, s20;
	s26 =	sld [smem:$0x7EB]  }
0x205: {  	[tilespmem:s24], [sflag:$0x3] =	stream.indirect.gather [hbm4b:s3+s8], $0x8, s25, s8, $0xb8;
	[tilespmem:$0x15000] =	vst v63  }
0x206: {  	s28 =	sadd.s32 $0x1280, s20;
	s29 =	sld [smem:$0x7EC]  }
0x207: {  	[tilespmem:s26], [sflag:$0x3] =	stream.indirect.gather [hbm4b:s3+s8], $0x8, s28, s8, $0xb8;
	[tilespmem:$0x15000] =	vst v63  }
0x208: {  	s30 =	sadd.s32 $0x1300, s20;
	s31 =	sld [smem:$0x7ED]  }
0x209: {  	[tilespmem:s29], [sflag:$0x3] =	stream.indirect.gather [hbm4b:s3+s8], $0x8, s30, s8, $0xb8;
	[tilespmem:$0x15000] =	vst v63  }
0x20a: {  	s23 =	sadd.s32 $0x1380, s20;
	s24 =	sld [smem:$0x7EE]  }
0x20b: {  	[tilespmem:s31], [sflag:$0x3] =	stream.indirect.gather [hbm4b:s3+s8], $0x8, s23, s8, $0xb8;
	[tilespmem:$0x15000] =	vst v63  }
0x20c: {  	s25 =	sadd.s32 $0x1400, s20;
	s26 =	sld [smem:$0x7EF]  }
0x20d: {  	[tilespmem:s24], [sflag:$0x3] =	stream.indirect.gather [hbm4b:s3+s8], $0x8, s25, s8, $0xb8;
	[tilespmem:$0x15000] =	vst v63  }
0x20e: {  	s28 =	sadd.s32 $0x1480, s20;
	s29 =	sld [smem:$0x7F0]  }
0x20f: {  	[tilespmem:s26], [sflag:$0x3] =	stream.indirect.gather [hbm4b:s3+s8], $0x8, s28, s8, $0xb8;
	[tilespmem:$0x15000] =	vst v63  }
0x210: {  	s30 =	sadd.s32 $0x1500, s20;
	s31 =	sld [smem:$0x7F1]  }
0x211: {  	[tilespmem:s29], [sflag:$0x3] =	stream.indirect.gather [hbm4b:s3+s8], $0x8, s30, s8, $0xb8;
	[tilespmem:$0x15000] =	vst v63  }
0x212: {  	s23 =	sadd.s32 $0x1580, s20;
	s24 =	sld [smem:$0x7F2]  }
0x213: {  	[tilespmem:s31], [sflag:$0x3] =	stream.indirect.gather [hbm4b:s3+s8], $0x8, s23, s8, $0xb8;
	[tilespmem:$0x15000] =	vst v63  }
0x214: {  	s25 =	sadd.s32 $0x1600, s20;
	s26 =	sld [smem:$0x7F3]  }
0x215: {  	[tilespmem:s24], [sflag:$0x3] =	stream.indirect.gather [hbm4b:s3+s8], $0x8, s25, s8, $0xb8;
	[tilespmem:$0x15000] =	vst v63  }
0x216: {  	s28 =	sadd.s32 $0x1680, s20;
	s29 =	sld [smem:$0x7F4]  }
0x217: {  	[tilespmem:s26], [sflag:$0x3] =	stream.indirect.gather [hbm4b:s3+s8], $0x8, s28, s8, $0xb8;
	[tilespmem:$0x15000] =	vst v63  }
0x218: {  	s30 =	sadd.s32 $0x1700, s20;
	s31 =	sld [smem:$0x7F5]  }
0x219: {  	[tilespmem:s29], [sflag:$0x3] =	stream.indirect.gather [hbm4b:s3+s8], $0x8, s30, s8, $0xb8;
	[tilespmem:$0x15000] =	vst v63  }
0x21a: {  	s23 =	sadd.s32 $0x1780, s20;
	s24 =	sld [smem:$0x7F6]  }
0x21b: {  	[tilespmem:s31], [sflag:$0x3] =	stream.indirect.gather [hbm4b:s3+s8], $0x8, s23, s8, $0xb8;
	[tilespmem:$0x15000] =	vst v63  }
0x21c: {  	s25 =	sadd.s32 $0x1800, s20;
	s26 =	sld [smem:$0x7F7]  }
0x21d: {  	[tilespmem:s24], [sflag:$0x3] =	stream.indirect.gather [hbm4b:s3+s8], $0x8, s25, s8, $0xb8;
	[tilespmem:$0x15000] =	vst v63  }
0x21e: {  	s28 =	sadd.s32 $0x1880, s20;
	s29 =	sld [smem:$0x7F8]  }
0x21f: {  	[tilespmem:s26], [sflag:$0x3] =	stream.indirect.gather [hbm4b:s3+s8], $0x8, s28, s8, $0xb8;
	[tilespmem:$0x15000] =	vst v63  }
0x220: {  	s30 =	sadd.s32 $0x1900, s20;
	s31 =	sld [smem:$0x7F9]  }
0x221: {  	[tilespmem:s29], [sflag:$0x3] =	stream.indirect.gather [hbm4b:s3+s8], $0x8, s30, s8, $0xb8;
	[tilespmem:$0x15000] =	vst v63  }
0x222: {  	s23 =	sadd.s32 $0x1980, s20;
	s24 =	sld [smem:$0x7FA]  }
0x223: {  	[tilespmem:s31], [sflag:$0x3] =	stream.indirect.gather [hbm4b:s3+s8], $0x8, s23, s8, $0xb8;
	[tilespmem:$0x15000] =	vst v63  }
0x224: {  	s25 =	sadd.s32 $0x1A00, s20;
	s26 =	sld [smem:$0x7FB]  }
0x225: {  	[tilespmem:s24], [sflag:$0x3] =	stream.indirect.gather [hbm4b:s3+s8], $0x8, s25, s8, $0xb8;
	[tilespmem:$0x15000] =	vst v63  }
0x226: {  	s28 =	sadd.s32 $0x1A80, s20;
	s29 =	sld [smem:$0x7FC]  }
0x227: {  	[tilespmem:s26], [sflag:$0x3] =	stream.indirect.gather [hbm4b:s3+s8], $0x8, s28, s8, $0xb8;
	[tilespmem:$0x15000] =	vst v63  }
0x228: {  	s30 =	sadd.s32 $0x1B00, s20;
	s31 =	sld [smem:$0x7FD]  }
0x229: {  	[tilespmem:s29], [sflag:$0x3] =	stream.indirect.gather [hbm4b:s3+s8], $0x8, s30, s8, $0xb8;
	[tilespmem:$0x15000] =	vst v63  }
0x22a: {  	s20 =	sadd.s32 $0x1B80, s20  }
0x22b: {  	[tilespmem:s31], [sflag:$0x3] =	stream.indirect.gather [hbm4b:s3+s8], $0x8, s20, s8, $0xb8;
	[tilespmem:$0x15000] =	vst v63  }
0x22c: {  	_ =	swait.ge [sflag:s12], $0x400  }
0x22d: {  	[sflag:s12] =	ssyncset.done $0x0  }
0x22e: {  	[sflag:s12] =	ssyncadd.s32 $0xFFFFFC00  }
0x22f: {  	_ =	swait.ge [sflag:s12], $0x400  }
0x230: {  	[sflag:s12] =	ssyncset.done $0x0  }
0x231: {  	[sflag:s12] =	ssyncadd.s32 $0xFFFFFC00  }
0x232: {  	_ =	swait.ge [sflag:s12], $0x400  }
0x233: {  	[sflag:s12] =	ssyncset.done $0x0  }
0x234: {  	[sflag:s12] =	ssyncadd.s32 $0xFFFFFC00  }
0x235: {  	_ =	swait.ge [sflag:s12], $0x400  }
0x236: {  	[sflag:s12] =	ssyncset.done $0x0  }
0x237: {  	[sflag:s12] =	ssyncadd.s32 $0xFFFFFC00  }
0x238: {  	_ =	swait.ge [sflag:s12], $0x400  }
0x239: {  	[sflag:s12] =	ssyncset.done $0x0  }
0x23a: {  	[sflag:s12] =	ssyncadd.s32 $0xFFFFFC00  }
0x23b: {  	_ =	swait.ge [sflag:s12], $0x400  }
0x23c: {  	[sflag:s12] =	ssyncset.done $0x0  }
0x23d: {  	[sflag:s12] =	ssyncadd.s32 $0xFFFFFC00  }
0x23e: {  	_ =	swait.ge [sflag:s12], $0x400  }
0x23f: {  	[sflag:s12] =	ssyncset.done $0x0  }
0x240: {  	[sflag:s12] =	ssyncadd.s32 $0xFFFFFC00  }
0x241: {  	_ =	swait.ge [sflag:s12], $0x400  }
0x242: {  	[sflag:s12] =	ssyncset.done $0x0  }
0x243: {  	[sflag:s12] =	ssyncadd.s32 $0xFFFFFC00  }
0x244: {  	_ =	swait.ge [sflag:s12], $0x400  }
0x245: {  	[sflag:s12] =	ssyncset.done $0x0  }
0x246: {  	[sflag:s12] =	ssyncadd.s32 $0xFFFFFC00  }
0x247: {  	_ =	swait.ge [sflag:s12], $0x400  }
0x248: {  	[sflag:s12] =	ssyncset.done $0x0  }
0x249: {  	[sflag:s12] =	ssyncadd.s32 $0xFFFFFC00  }
0x24a: {  	_ =	swait.ge [sflag:s12], $0x400  }
0x24b: {  	[sflag:s12] =	ssyncset.done $0x0  }
0x24c: {  	[sflag:s12] =	ssyncadd.s32 $0xFFFFFC00  }
0x24d: {  	_ =	swait.ge [sflag:s12], $0x400  }
0x24e: {  	[sflag:s12] =	ssyncset.done $0x0  }
0x24f: {  	[sflag:s12] =	ssyncadd.s32 $0xFFFFFC00  }
0x250: {  	_ =	swait.ge [sflag:s12], $0x400  }
0x251: {  	[sflag:s12] =	ssyncset.done $0x0  }
0x252: {  	[sflag:s12] =	ssyncadd.s32 $0xFFFFFC00  }
0x253: {  	_ =	swait.ge [sflag:s12], $0x400  }
0x254: {  	[sflag:s12] =	ssyncset.done $0x0  }
0x255: {  	[sflag:s12] =	ssyncadd.s32 $0xFFFFFC00  }
0x256: {  	_ =	swait.ge [sflag:s12], $0x400  }
0x257: {  	[sflag:s12] =	ssyncset.done $0x0  }
0x258: {  	[sflag:s12] =	ssyncadd.s32 $0xFFFFFC00  }
0x259: {  	_ =	swait.ge [sflag:s12], $0x400  }
0x25a: {  	[sflag:s12] =	ssyncset.done $0x0  }
0x25b: {  	[sflag:s12] =	ssyncadd.s32 $0xFFFFFC00  }
0x25c: {  	_ =	swait.ge [sflag:s12], $0x400  }
0x25d: {  	[sflag:s12] =	ssyncset.done $0x0  }
0x25e: {  	[sflag:s12] =	ssyncadd.s32 $0xFFFFFC00  }
0x25f: {  	_ =	swait.ge [sflag:s12], $0x400  }
0x260: {  	[sflag:s12] =	ssyncset.done $0x0  }
0x261: {  	[sflag:s12] =	ssyncadd.s32 $0xFFFFFC00  }
0x262: {  	_ =	swait.ge [sflag:s12], $0x400  }
0x263: {  	[sflag:s12] =	ssyncset.done $0x0  }
0x264: {  	[sflag:s12] =	ssyncadd.s32 $0xFFFFFC00  }
0x265: {  	_ =	swait.ge [sflag:s12], $0x400  }
0x266: {  	[sflag:s12] =	ssyncset.done $0x0  }
0x267: {  	[sflag:s12] =	ssyncadd.s32 $0xFFFFFC00  }
0x268: {  	_ =	swait.ge [sflag:s12], $0x400  }
0x269: {  	[sflag:s12] =	ssyncset.done $0x0  }
0x26a: {  	[sflag:s12] =	ssyncadd.s32 $0xFFFFFC00  }
0x26b: {  	_ =	swait.ge [sflag:s12], $0x400  }
0x26c: {  	[sflag:s12] =	ssyncset.done $0x0  }
0x26d: {  	[sflag:s12] =	ssyncadd.s32 $0xFFFFFC00  }
0x26e: {  	_ =	swait.ge [sflag:s12], $0x400  }
0x26f: {  	[sflag:s12] =	ssyncset.done $0x0  }
0x270: {  	[sflag:s12] =	ssyncadd.s32 $0xFFFFFC00  }
0x271: {  	_ =	swait.ge [sflag:s12], $0x400  }
0x272: {  	[sflag:s12] =	ssyncset.done $0x0  }
0x273: {  	[sflag:s12] =	ssyncadd.s32 $0xFFFFFC00  }
0x274: {  	_ =	swait.ge [sflag:s12], $0x400  }
0x275: {  	[sflag:s12] =	ssyncset.done $0x0  }
0x276: {  	[sflag:s12] =	ssyncadd.s32 $0xFFFFFC00  }
0x277: {  	_ =	swait.ge [sflag:s12], $0x400  }
0x278: {  	s21 =	smov.u32 s18;
	s18 =	sadd.s32 $0x7000, s18;
	[sflag:s12] =	ssyncset.done $0x0  }
0x279: {  	p0 =	sne.s32 s18, $0x1C000;
	[sflag:s12] =	ssyncadd.s32 $0xFFFFFC00  }
.Ltmp0:
0x27a: {  	_ =	swait.ge [sflag:s12], $0x400;
	(pc) =	sbr.rel @p0 .LBB2_2-.Ltmp0, $4  }
0x27b: {  	[sflag:s12] =	ssyncset.done $0x0  }
0x27c: {  	[sflag:s12] =	ssyncadd.s32 $0xFFFFFC00  }
0x27d: {  	s19 =	smov.u32 s16;
	s17 =	smov.u32 s21;
	_ =	swait.ge [sflag:s12], $0x400  }
0x27e: {  	s16 =	sadd.s32 $0x1C00, s16;
	p1 =	seq.s32 s17, $0x0;
	[sflag:s12] =	ssyncset.done $0x0  }
0x27f: {  	s18 =	simm.s32 @!p1 $0x4;
	[sflag:s12] =	ssyncadd.s32 $0xFFFFFC00  }
0x280: {  	[hbm4b:s19+s1] =	stream.linear.scatter [tilespmem:s11], [sflag:$0x5], $0x7000, $0x38;
	[tilespmem:$0x15000] =	vst v63  }
0x281: {  	_ =	swait.ge @!p1 [sflag:s18], $0x7000  }
0x282: {  	[sflag:s18] =	ssyncset.done @!p1 $0x0  }
0x283: {  	s17 =	sshra.s32 s17, $0x2;
	[sflag:s18] =	ssyncadd.s32 @!p1 $0xFFFF9000  }
0x284: {  	[tilespmem:s9], [sflag:$0x2] =	stream.indirect.gather [hbm4b:s3+s8], $0x8, s17, s8, $0xb8;
	[tilespmem:$0x15000] =	vst v63  }
0x285: {  	s24 =	sadd.s32 $0x80, s17;
	s23 =	rddreg [dreg:$0x2]  }
0x286: {  	[tilespmem:s23], [sflag:$0x2] =	stream.indirect.gather [hbm4b:s3+s8], $0x8, s24, s8, $0xb8;
	[tilespmem:$0x15000] =	vst v63  }
0x287: {  	s25 =	sadd.s32 $0x100, s17;
	s20 =	rddreg [dreg:$0x3]  }
0x288: {  	[tilespmem:s20], [sflag:$0x2] =	stream.indirect.gather [hbm4b:s3+s8], $0x8, s25, s8, $0xb8;
	[tilespmem:$0x15000] =	vst v63  }
0x289: {  	s28 =	sadd.s32 $0x180, s17;
	s26 =	rddreg [dreg:$0x4]  }
0x28a: {  	[tilespmem:s26], [sflag:$0x2] =	stream.indirect.gather [hbm4b:s3+s8], $0x8, s28, s8, $0xb8;
	[tilespmem:$0x15000] =	vst v63  }
0x28b: {  	s30 =	sadd.s32 $0x200, s17;
	s29 =	rddreg [dreg:$0x5]  }
0x28c: {  	[tilespmem:s29], [sflag:$0x2] =	stream.indirect.gather [hbm4b:s3+s8], $0x8, s30, s8, $0xb8;
	[tilespmem:$0x15000] =	vst v63  }
0x28d: {  	s21 =	sadd.s32 $0x280, s17;
	s31 =	rddreg [dreg:$0x6]  }
0x28e: {  	[tilespmem:s31], [sflag:$0x2] =	stream.indirect.gather [hbm4b:s3+s8], $0x8, s21, s8, $0xb8;
	[tilespmem:$0x15000] =	vst v63  }
0x28f: {  	s22 =	rddreg [dreg:$0x7];
	s23 =	sadd.s32 $0x300, s17  }
0x290: {  	[tilespmem:s22], [sflag:$0x2] =	stream.indirect.gather [hbm4b:s3+s8], $0x8, s23, s8, $0xb8;
	[tilespmem:$0x15000] =	vst v63  }
0x291: {  	s24 =	rddreg [dreg:$0x8];
	s25 =	sadd.s32 $0x380, s17  }
0x292: {  	[tilespmem:s24], [sflag:$0x2] =	stream.indirect.gather [hbm4b:s3+s8], $0x8, s25, s8, $0xb8;
	[tilespmem:$0x15000] =	vst v63  }
0x293: {  	s26 =	rddreg [dreg:$0x9];
	s28 =	sadd.s32 $0x400, s17  }
0x294: {  	[tilespmem:s26], [sflag:$0x2] =	stream.indirect.gather [hbm4b:s3+s8], $0x8, s28, s8, $0xb8;
	[tilespmem:$0x15000] =	vst v63  }
0x295: {  	s29 =	rddreg [dreg:$0xa];
	s30 =	sadd.s32 $0x480, s17  }
0x296: {  	[tilespmem:s29], [sflag:$0x2] =	stream.indirect.gather [hbm4b:s3+s8], $0x8, s30, s8, $0xb8;
	[tilespmem:$0x15000] =	vst v63  }
0x297: {  	s31 =	rddreg [dreg:$0xb];
	s21 =	sadd.s32 $0x500, s17  }
0x298: {  	[tilespmem:s31], [sflag:$0x2] =	stream.indirect.gather [hbm4b:s3+s8], $0x8, s21, s8, $0xb8;
	[tilespmem:$0x15000] =	vst v63  }
0x299: {  	s22 =	rddreg [dreg:$0xc];
	s23 =	sadd.s32 $0x580, s17  }
0x29a: {  	[tilespmem:s22], [sflag:$0x2] =	stream.indirect.gather [hbm4b:s3+s8], $0x8, s23, s8, $0xb8;
	[tilespmem:$0x15000] =	vst v63  }
0x29b: {  	s24 =	rddreg [dreg:$0xd];
	s25 =	sadd.s32 $0x600, s17  }
0x29c: {  	[tilespmem:s24], [sflag:$0x2] =	stream.indirect.gather [hbm4b:s3+s8], $0x8, s25, s8, $0xb8;
	[tilespmem:$0x15000] =	vst v63  }
0x29d: {  	s26 =	rddreg [dreg:$0xe];
	s28 =	sadd.s32 $0x680, s17  }
0x29e: {  	[tilespmem:s26], [sflag:$0x2] =	stream.indirect.gather [hbm4b:s3+s8], $0x8, s28, s8, $0xb8;
	[tilespmem:$0x15000] =	vst v63  }
0x29f: {  	s29 =	rddreg [dreg:$0xf];
	s30 =	sadd.s32 $0x700, s17  }
0x2a0: {  	[tilespmem:s29], [sflag:$0x2] =	stream.indirect.gather [hbm4b:s3+s8], $0x8, s30, s8, $0xb8;
	[tilespmem:$0x15000] =	vst v63  }
0x2a1: {  	s31 =	rddreg [dreg:$0x10];
	s21 =	sadd.s32 $0x780, s17  }
0x2a2: {  	[tilespmem:s31], [sflag:$0x2] =	stream.indirect.gather [hbm4b:s3+s8], $0x8, s21, s8, $0xb8;
	[tilespmem:$0x15000] =	vst v63  }
0x2a3: {  	s22 =	rddreg [dreg:$0x11];
	s23 =	sadd.s32 $0x800, s17  }
0x2a4: {  	[tilespmem:s22], [sflag:$0x2] =	stream.indirect.gather [hbm4b:s3+s8], $0x8, s23, s8, $0xb8;
	[tilespmem:$0x15000] =	vst v63  }
0x2a5: {  	s24 =	rddreg [dreg:$0x12];
	s25 =	sadd.s32 $0x880, s17  }
0x2a6: {  	[tilespmem:s24], [sflag:$0x2] =	stream.indirect.gather [hbm4b:s3+s8], $0x8, s25, s8, $0xb8;
	[tilespmem:$0x15000] =	vst v63  }
0x2a7: {  	s26 =	rddreg [dreg:$0x13];
	s28 =	sadd.s32 $0x900, s17  }
0x2a8: {  	[tilespmem:s26], [sflag:$0x2] =	stream.indirect.gather [hbm4b:s3+s8], $0x8, s28, s8, $0xb8;
	[tilespmem:$0x15000] =	vst v63  }
0x2a9: {  	s29 =	rddreg [dreg:$0x14];
	s30 =	sadd.s32 $0x980, s17  }
0x2aa: {  	[tilespmem:s29], [sflag:$0x2] =	stream.indirect.gather [hbm4b:s3+s8], $0x8, s30, s8, $0xb8;
	[tilespmem:$0x15000] =	vst v63  }
0x2ab: {  	s31 =	rddreg [dreg:$0x15];
	s21 =	sadd.s32 $0xA00, s17  }
0x2ac: {  	[tilespmem:s31], [sflag:$0x2] =	stream.indirect.gather [hbm4b:s3+s8], $0x8, s21, s8, $0xb8;
	[tilespmem:$0x15000] =	vst v63  }
0x2ad: {  	s22 =	rddreg [dreg:$0x16];
	s23 =	sadd.s32 $0xA80, s17  }
0x2ae: {  	[tilespmem:s22], [sflag:$0x2] =	stream.indirect.gather [hbm4b:s3+s8], $0x8, s23, s8, $0xb8;
	[tilespmem:$0x15000] =	vst v63  }
0x2af: {  	s24 =	rddreg [dreg:$0x17];
	s25 =	sadd.s32 $0xB00, s17  }
0x2b0: {  	[tilespmem:s24], [sflag:$0x2] =	stream.indirect.gather [hbm4b:s3+s8], $0x8, s25, s8, $0xb8;
	[tilespmem:$0x15000] =	vst v63  }
0x2b1: {  	s26 =	rddreg [dreg:$0x18];
	s28 =	sadd.s32 $0xB80, s17  }
0x2b2: {  	[tilespmem:s26], [sflag:$0x2] =	stream.indirect.gather [hbm4b:s3+s8], $0x8, s28, s8, $0xb8;
	[tilespmem:$0x15000] =	vst v63  }
0x2b3: {  	s29 =	rddreg [dreg:$0x19];
	s30 =	sadd.s32 $0xC00, s17  }
0x2b4: {  	[tilespmem:s29], [sflag:$0x2] =	stream.indirect.gather [hbm4b:s3+s8], $0x8, s30, s8, $0xb8;
	[tilespmem:$0x15000] =	vst v63  }
0x2b5: {  	s31 =	rddreg [dreg:$0x1a];
	s21 =	sadd.s32 $0xC80, s17  }
0x2b6: {  	[tilespmem:s31], [sflag:$0x2] =	stream.indirect.gather [hbm4b:s3+s8], $0x8, s21, s8, $0xb8;
	[tilespmem:$0x15000] =	vst v63  }
0x2b7: {  	s22 =	rddreg [dreg:$0x1b];
	s23 =	sadd.s32 $0xD00, s17  }
0x2b8: {  	[tilespmem:s22], [sflag:$0x2] =	stream.indirect.gather [hbm4b:s3+s8], $0x8, s23, s8, $0xb8;
	[tilespmem:$0x15000] =	vst v63  }
0x2b9: {  	s24 =	rddreg [dreg:$0x1c];
	s25 =	sadd.s32 $0xD80, s17  }
0x2ba: {  	[tilespmem:s24], [sflag:$0x2] =	stream.indirect.gather [hbm4b:s3+s8], $0x8, s25, s8, $0xb8;
	[tilespmem:$0x15000] =	vst v63  }
0x2bb: {  	_ =	swait.ge [sflag:s10], $0x400  }
0x2bc: {  	[sflag:s10] =	ssyncset.done $0x0  }
0x2bd: {  	[sflag:s10] =	ssyncadd.s32 $0xFFFFFC00  }
0x2be: {  	_ =	swait.ge [sflag:s10], $0x400  }
0x2bf: {  	[sflag:s10] =	ssyncset.done $0x0  }
0x2c0: {  	[sflag:s10] =	ssyncadd.s32 $0xFFFFFC00  }
0x2c1: {  	_ =	swait.ge [sflag:s10], $0x400  }
0x2c2: {  	[sflag:s10] =	ssyncset.done $0x0  }
0x2c3: {  	[sflag:s10] =	ssyncadd.s32 $0xFFFFFC00  }
0x2c4: {  	_ =	swait.ge [sflag:s10], $0x400  }
0x2c5: {  	[sflag:s10] =	ssyncset.done $0x0  }
0x2c6: {  	[sflag:s10] =	ssyncadd.s32 $0xFFFFFC00  }
0x2c7: {  	_ =	swait.ge [sflag:s10], $0x400  }
0x2c8: {  	[sflag:s10] =	ssyncset.done $0x0  }
0x2c9: {  	[sflag:s10] =	ssyncadd.s32 $0xFFFFFC00  }
0x2ca: {  	_ =	swait.ge [sflag:s10], $0x400  }
0x2cb: {  	[sflag:s10] =	ssyncset.done $0x0  }
0x2cc: {  	[sflag:s10] =	ssyncadd.s32 $0xFFFFFC00  }
0x2cd: {  	_ =	swait.ge [sflag:s10], $0x400  }
0x2ce: {  	[sflag:s10] =	ssyncset.done $0x0  }
0x2cf: {  	[sflag:s10] =	ssyncadd.s32 $0xFFFFFC00  }
0x2d0: {  	_ =	swait.ge [sflag:s10], $0x400  }
0x2d1: {  	[sflag:s10] =	ssyncset.done $0x0  }
0x2d2: {  	[sflag:s10] =	ssyncadd.s32 $0xFFFFFC00  }
0x2d3: {  	_ =	swait.ge [sflag:s10], $0x400  }
0x2d4: {  	[sflag:s10] =	ssyncset.done $0x0  }
0x2d5: {  	[sflag:s10] =	ssyncadd.s32 $0xFFFFFC00  }
0x2d6: {  	_ =	swait.ge [sflag:s10], $0x400  }
0x2d7: {  	[sflag:s10] =	ssyncset.done $0x0  }
0x2d8: {  	[sflag:s10] =	ssyncadd.s32 $0xFFFFFC00  }
0x2d9: {  	_ =	swait.ge [sflag:s10], $0x400  }
0x2da: {  	[sflag:s10] =	ssyncset.done $0x0  }
0x2db: {  	[sflag:s10] =	ssyncadd.s32 $0xFFFFFC00  }
0x2dc: {  	_ =	swait.ge [sflag:s10], $0x400  }
0x2dd: {  	[sflag:s10] =	ssyncset.done $0x0  }
0x2de: {  	[sflag:s10] =	ssyncadd.s32 $0xFFFFFC00  }
0x2df: {  	_ =	swait.ge [sflag:s10], $0x400  }
0x2e0: {  	[sflag:s10] =	ssyncset.done $0x0  }
0x2e1: {  	[sflag:s10] =	ssyncadd.s32 $0xFFFFFC00  }
0x2e2: {  	_ =	swait.ge [sflag:s10], $0x400  }
0x2e3: {  	[sflag:s10] =	ssyncset.done $0x0  }
0x2e4: {  	[sflag:s10] =	ssyncadd.s32 $0xFFFFFC00  }
0x2e5: {  	_ =	swait.ge [sflag:s10], $0x400  }
0x2e6: {  	[sflag:s10] =	ssyncset.done $0x0  }
0x2e7: {  	[sflag:s10] =	ssyncadd.s32 $0xFFFFFC00  }
0x2e8: {  	_ =	swait.ge [sflag:s10], $0x400  }
0x2e9: {  	[sflag:s10] =	ssyncset.done $0x0  }
0x2ea: {  	[sflag:s10] =	ssyncadd.s32 $0xFFFFFC00  }
0x2eb: {  	_ =	swait.ge [sflag:s10], $0x400  }
0x2ec: {  	[sflag:s10] =	ssyncset.done $0x0  }
0x2ed: {  	[sflag:s10] =	ssyncadd.s32 $0xFFFFFC00  }
0x2ee: {  	_ =	swait.ge [sflag:s10], $0x400  }
0x2ef: {  	[sflag:s10] =	ssyncset.done $0x0  }
0x2f0: {  	[sflag:s10] =	ssyncadd.s32 $0xFFFFFC00  }
0x2f1: {  	_ =	swait.ge [sflag:s10], $0x400  }
0x2f2: {  	[sflag:s10] =	ssyncset.done $0x0  }
0x2f3: {  	[sflag:s10] =	ssyncadd.s32 $0xFFFFFC00  }
0x2f4: {  	_ =	swait.ge [sflag:s10], $0x400  }
0x2f5: {  	[sflag:s10] =	ssyncset.done $0x0  }
0x2f6: {  	[sflag:s10] =	ssyncadd.s32 $0xFFFFFC00  }
0x2f7: {  	_ =	swait.ge [sflag:s10], $0x400  }
0x2f8: {  	[sflag:s10] =	ssyncset.done $0x0  }
0x2f9: {  	[sflag:s10] =	ssyncadd.s32 $0xFFFFFC00  }
0x2fa: {  	_ =	swait.ge [sflag:s10], $0x400  }
0x2fb: {  	[sflag:s10] =	ssyncset.done $0x0  }
0x2fc: {  	[sflag:s10] =	ssyncadd.s32 $0xFFFFFC00  }
0x2fd: {  	_ =	swait.ge [sflag:s10], $0x400  }
0x2fe: {  	[sflag:s10] =	ssyncset.done $0x0  }
0x2ff: {  	[sflag:s10] =	ssyncadd.s32 $0xFFFFFC00  }
0x300: {  	_ =	swait.ge [sflag:s10], $0x400  }
0x301: {  	[sflag:s10] =	ssyncset.done $0x0  }
0x302: {  	[sflag:s10] =	ssyncadd.s32 $0xFFFFFC00  }
0x303: {  	_ =	swait.ge [sflag:s10], $0x400  }
0x304: {  	[sflag:s10] =	ssyncset.done $0x0  }
0x305: {  	[sflag:s10] =	ssyncadd.s32 $0xFFFFFC00  }
0x306: {  	_ =	swait.ge [sflag:s10], $0x400  }
0x307: {  	[sflag:s10] =	ssyncset.done $0x0  }
0x308: {  	[sflag:s10] =	ssyncadd.s32 $0xFFFFFC00  }
0x309: {  	_ =	swait.ge [sflag:s10], $0x400  }
0x30a: {  	[sflag:s10] =	ssyncset.done $0x0  }
0x30b: {  	[sflag:s10] =	ssyncadd.s32 $0xFFFFFC00  }
0x30c: {  	_ =	swait.ge [sflag:s10], $0x400  }
0x30d: {  	[sflag:s10] =	ssyncset.done $0x0  }
0x30e: {  	s19 =	simm.s32 @!p1 $0x5;
	s26 =	sadd.s32 $0xFFFFF200, s16;
	[sflag:s10] =	ssyncadd.s32 $0xFFFFFC00  }
0x30f: {  	[hbm4b:s26+s1] =	stream.linear.scatter [tilespmem:s9], [sflag:$0x4], $0x7000, $0x38;
	[tilespmem:$0x15000] =	vst v63  }
0x310: {  	_ =	swait.ge @!p1 [sflag:s19], $0x7000  }
0x311: {  	[sflag:s19] =	ssyncset.done @!p1 $0x0  }
0x312: {  	s28 =	sadd.s32 $0xE00, s17;
	s29 =	rddreg [dreg:$0x1d];
	[sflag:s19] =	ssyncadd.s32 @!p1 $0xFFFF9000  }
0x313: {  	[tilespmem:s11], [sflag:$0x3] =	stream.indirect.gather [hbm4b:s3+s8], $0x8, s28, s8, $0xb8;
	[tilespmem:$0x15000] =	vst v63  }
0x314: {  	s30 =	sadd.s32 $0xE80, s17;
	s31 =	rddreg [dreg:$0x1e]  }
0x315: {  	[tilespmem:s29], [sflag:$0x3] =	stream.indirect.gather [hbm4b:s3+s8], $0x8, s30, s8, $0xb8;
	[tilespmem:$0x15000] =	vst v63  }
0x316: {  	s21 =	sadd.s32 $0xF00, s17;
	s22 =	rddreg [dreg:$0x1f]  }
0x317: {  	[tilespmem:s31], [sflag:$0x3] =	stream.indirect.gather [hbm4b:s3+s8], $0x8, s21, s8, $0xb8;
	[tilespmem:$0x15000] =	vst v63  }
0x318: {  	s23 =	sadd.s32 $0xF80, s17;
	s24 =	sld [smem:$0x7E6]  }
0x319: {  	[tilespmem:s22], [sflag:$0x3] =	stream.indirect.gather [hbm4b:s3+s8], $0x8, s23, s8, $0xb8;
	[tilespmem:$0x15000] =	vst v63  }
0x31a: {  	s25 =	sadd.s32 $0x1000, s17;
	s26 =	sld [smem:$0x7E7]  }
0x31b: {  	[tilespmem:s24], [sflag:$0x3] =	stream.indirect.gather [hbm4b:s3+s8], $0x8, s25, s8, $0xb8;
	[tilespmem:$0x15000] =	vst v63  }
0x31c: {  	s28 =	sadd.s32 $0x1080, s17;
	s29 =	sld [smem:$0x7E8]  }
0x31d: {  	[tilespmem:s26], [sflag:$0x3] =	stream.indirect.gather [hbm4b:s3+s8], $0x8, s28, s8, $0xb8;
	[tilespmem:$0x15000] =	vst v63  }
0x31e: {  	s30 =	sadd.s32 $0x1100, s17;
	s31 =	sld [smem:$0x7E9]  }
0x31f: {  	[tilespmem:s29], [sflag:$0x3] =	stream.indirect.gather [hbm4b:s3+s8], $0x8, s30, s8, $0xb8;
	[tilespmem:$0x15000] =	vst v63  }
0x320: {  	s21 =	sadd.s32 $0x1180, s17;
	s22 =	sld [smem:$0x7EA]  }
0x321: {  	[tilespmem:s31], [sflag:$0x3] =	stream.indirect.gather [hbm4b:s3+s8], $0x8, s21, s8, $0xb8;
	[tilespmem:$0x15000] =	vst v63  }
0x322: {  	s23 =	sadd.s32 $0x1200, s17;
	s24 =	sld [smem:$0x7EB]  }
0x323: {  	[tilespmem:s22], [sflag:$0x3] =	stream.indirect.gather [hbm4b:s3+s8], $0x8, s23, s8, $0xb8;
	[tilespmem:$0x15000] =	vst v63  }
0x324: {  	s25 =	sadd.s32 $0x1280, s17;
	s26 =	sld [smem:$0x7EC]  }
0x325: {  	[tilespmem:s24], [sflag:$0x3] =	stream.indirect.gather [hbm4b:s3+s8], $0x8, s25, s8, $0xb8;
	[tilespmem:$0x15000] =	vst v63  }
0x326: {  	s28 =	sadd.s32 $0x1300, s17;
	s29 =	sld [smem:$0x7ED]  }
0x327: {  	[tilespmem:s26], [sflag:$0x3] =	stream.indirect.gather [hbm4b:s3+s8], $0x8, s28, s8, $0xb8;
	[tilespmem:$0x15000] =	vst v63  }
0x328: {  	s30 =	sadd.s32 $0x1380, s17;
	s31 =	sld [smem:$0x7EE]  }
0x329: {  	[tilespmem:s29], [sflag:$0x3] =	stream.indirect.gather [hbm4b:s3+s8], $0x8, s30, s8, $0xb8;
	[tilespmem:$0x15000] =	vst v63  }
0x32a: {  	s21 =	sadd.s32 $0x1400, s17;
	s22 =	sld [smem:$0x7EF]  }
0x32b: {  	[tilespmem:s31], [sflag:$0x3] =	stream.indirect.gather [hbm4b:s3+s8], $0x8, s21, s8, $0xb8;
	[tilespmem:$0x15000] =	vst v63  }
0x32c: {  	s23 =	sadd.s32 $0x1480, s17;
	s24 =	sld [smem:$0x7F0]  }
0x32d: {  	[tilespmem:s22], [sflag:$0x3] =	stream.indirect.gather [hbm4b:s3+s8], $0x8, s23, s8, $0xb8;
	[tilespmem:$0x15000] =	vst v63  }
0x32e: {  	s25 =	sadd.s32 $0x1500, s17;
	s26 =	sld [smem:$0x7F1]  }
0x32f: {  	[tilespmem:s24], [sflag:$0x3] =	stream.indirect.gather [hbm4b:s3+s8], $0x8, s25, s8, $0xb8;
	[tilespmem:$0x15000] =	vst v63  }
0x330: {  	s28 =	sadd.s32 $0x1580, s17;
	s29 =	sld [smem:$0x7F2]  }
0x331: {  	[tilespmem:s26], [sflag:$0x3] =	stream.indirect.gather [hbm4b:s3+s8], $0x8, s28, s8, $0xb8;
	[tilespmem:$0x15000] =	vst v63  }
0x332: {  	s30 =	sadd.s32 $0x1600, s17;
	s31 =	sld [smem:$0x7F3]  }
0x333: {  	[tilespmem:s29], [sflag:$0x3] =	stream.indirect.gather [hbm4b:s3+s8], $0x8, s30, s8, $0xb8;
	[tilespmem:$0x15000] =	vst v63  }
0x334: {  	s21 =	sadd.s32 $0x1680, s17;
	s22 =	sld [smem:$0x7F4]  }
0x335: {  	[tilespmem:s31], [sflag:$0x3] =	stream.indirect.gather [hbm4b:s3+s8], $0x8, s21, s8, $0xb8;
	[tilespmem:$0x15000] =	vst v63  }
0x336: {  	s23 =	sadd.s32 $0x1700, s17;
	s24 =	sld [smem:$0x7F5]  }
0x337: {  	[tilespmem:s22], [sflag:$0x3] =	stream.indirect.gather [hbm4b:s3+s8], $0x8, s23, s8, $0xb8;
	[tilespmem:$0x15000] =	vst v63  }
0x338: {  	s25 =	sadd.s32 $0x1780, s17;
	s26 =	sld [smem:$0x7F6]  }
0x339: {  	[tilespmem:s24], [sflag:$0x3] =	stream.indirect.gather [hbm4b:s3+s8], $0x8, s25, s8, $0xb8;
	[tilespmem:$0x15000] =	vst v63  }
0x33a: {  	s28 =	sadd.s32 $0x1800, s17;
	s29 =	sld [smem:$0x7F7]  }
0x33b: {  	[tilespmem:s26], [sflag:$0x3] =	stream.indirect.gather [hbm4b:s3+s8], $0x8, s28, s8, $0xb8;
	[tilespmem:$0x15000] =	vst v63  }
0x33c: {  	s30 =	sadd.s32 $0x1880, s17;
	s31 =	sld [smem:$0x7F8]  }
0x33d: {  	[tilespmem:s29], [sflag:$0x3] =	stream.indirect.gather [hbm4b:s3+s8], $0x8, s30, s8, $0xb8;
	[tilespmem:$0x15000] =	vst v63  }
0x33e: {  	s21 =	sadd.s32 $0x1900, s17;
	s22 =	sld [smem:$0x7F9]  }
0x33f: {  	[tilespmem:s31], [sflag:$0x3] =	stream.indirect.gather [hbm4b:s3+s8], $0x8, s21, s8, $0xb8;
	[tilespmem:$0x15000] =	vst v63  }
0x340: {  	s23 =	sadd.s32 $0x1980, s17;
	s24 =	sld [smem:$0x7FA]  }
0x341: {  	[tilespmem:s22], [sflag:$0x3] =	stream.indirect.gather [hbm4b:s3+s8], $0x8, s23, s8, $0xb8;
	[tilespmem:$0x15000] =	vst v63  }
0x342: {  	s25 =	sadd.s32 $0x1A00, s17;
	s26 =	sld [smem:$0x7FB]  }
0x343: {  	[tilespmem:s24], [sflag:$0x3] =	stream.indirect.gather [hbm4b:s3+s8], $0x8, s25, s8, $0xb8;
	[tilespmem:$0x15000] =	vst v63  }
0x344: {  	s28 =	sadd.s32 $0x1A80, s17;
	s29 =	sld [smem:$0x7FC]  }
0x345: {  	[tilespmem:s26], [sflag:$0x3] =	stream.indirect.gather [hbm4b:s3+s8], $0x8, s28, s8, $0xb8;
	[tilespmem:$0x15000] =	vst v63  }
0x346: {  	s30 =	sadd.s32 $0x1B00, s17;
	s31 =	sld [smem:$0x7FD]  }
0x347: {  	[tilespmem:s29], [sflag:$0x3] =	stream.indirect.gather [hbm4b:s3+s8], $0x8, s30, s8, $0xb8;
	[tilespmem:$0x15000] =	vst v63  }
0x348: {  	s17 =	sadd.s32 $0x1B80, s17  }
0x349: {  	[tilespmem:s31], [sflag:$0x3] =	stream.indirect.gather [hbm4b:s3+s8], $0x8, s17, s8, $0xb8;
	[tilespmem:$0x15000] =	vst v63  }
0x34a: {  	_ =	swait.ge [sflag:s12], $0x400  }
0x34b: {  	[sflag:s12] =	ssyncset.done $0x0  }
0x34c: {  	[sflag:s12] =	ssyncadd.s32 $0xFFFFFC00  }
0x34d: {  	_ =	swait.ge [sflag:s12], $0x400  }
0x34e: {  	[sflag:s12] =	ssyncset.done $0x0  }
0x34f: {  	[sflag:s12] =	ssyncadd.s32 $0xFFFFFC00  }
0x350: {  	_ =	swait.ge [sflag:s12], $0x400  }
0x351: {  	[sflag:s12] =	ssyncset.done $0x0  }
0x352: {  	[sflag:s12] =	ssyncadd.s32 $0xFFFFFC00  }
0x353: {  	_ =	swait.ge [sflag:s12], $0x400  }
0x354: {  	[sflag:s12] =	ssyncset.done $0x0  }
0x355: {  	[sflag:s12] =	ssyncadd.s32 $0xFFFFFC00  }
0x356: {  	_ =	swait.ge [sflag:s12], $0x400  }
0x357: {  	[sflag:s12] =	ssyncset.done $0x0  }
0x358: {  	[sflag:s12] =	ssyncadd.s32 $0xFFFFFC00  }
0x359: {  	_ =	swait.ge [sflag:s12], $0x400  }
0x35a: {  	[sflag:s12] =	ssyncset.done $0x0  }
0x35b: {  	[sflag:s12] =	ssyncadd.s32 $0xFFFFFC00  }
0x35c: {  	_ =	swait.ge [sflag:s12], $0x400  }
0x35d: {  	[sflag:s12] =	ssyncset.done $0x0  }
0x35e: {  	[sflag:s12] =	ssyncadd.s32 $0xFFFFFC00  }
0x35f: {  	_ =	swait.ge [sflag:s12], $0x400  }
0x360: {  	[sflag:s12] =	ssyncset.done $0x0  }
0x361: {  	[sflag:s12] =	ssyncadd.s32 $0xFFFFFC00  }
0x362: {  	_ =	swait.ge [sflag:s12], $0x400  }
0x363: {  	[sflag:s12] =	ssyncset.done $0x0  }
0x364: {  	[sflag:s12] =	ssyncadd.s32 $0xFFFFFC00  }
0x365: {  	_ =	swait.ge [sflag:s12], $0x400  }
0x366: {  	[sflag:s12] =	ssyncset.done $0x0  }
0x367: {  	[sflag:s12] =	ssyncadd.s32 $0xFFFFFC00  }
0x368: {  	_ =	swait.ge [sflag:s12], $0x400  }
0x369: {  	[sflag:s12] =	ssyncset.done $0x0  }
0x36a: {  	[sflag:s12] =	ssyncadd.s32 $0xFFFFFC00  }
0x36b: {  	_ =	swait.ge [sflag:s12], $0x400  }
0x36c: {  	[sflag:s12] =	ssyncset.done $0x0  }
0x36d: {  	[sflag:s12] =	ssyncadd.s32 $0xFFFFFC00  }
0x36e: {  	_ =	swait.ge [sflag:s12], $0x400  }
0x36f: {  	[sflag:s12] =	ssyncset.done $0x0  }
0x370: {  	[sflag:s12] =	ssyncadd.s32 $0xFFFFFC00  }
0x371: {  	_ =	swait.ge [sflag:s12], $0x400  }
0x372: {  	[sflag:s12] =	ssyncset.done $0x0  }
0x373: {  	[sflag:s12] =	ssyncadd.s32 $0xFFFFFC00  }
0x374: {  	_ =	swait.ge [sflag:s12], $0x400  }
0x375: {  	[sflag:s12] =	ssyncset.done $0x0  }
0x376: {  	[sflag:s12] =	ssyncadd.s32 $0xFFFFFC00  }
0x377: {  	_ =	swait.ge [sflag:s12], $0x400  }
0x378: {  	[sflag:s12] =	ssyncset.done $0x0  }
0x379: {  	[sflag:s12] =	ssyncadd.s32 $0xFFFFFC00  }
0x37a: {  	_ =	swait.ge [sflag:s12], $0x400  }
0x37b: {  	[sflag:s12] =	ssyncset.done $0x0  }
0x37c: {  	[sflag:s12] =	ssyncadd.s32 $0xFFFFFC00  }
0x37d: {  	_ =	swait.ge [sflag:s12], $0x400  }
0x37e: {  	[sflag:s12] =	ssyncset.done $0x0  }
0x37f: {  	[sflag:s12] =	ssyncadd.s32 $0xFFFFFC00  }
0x380: {  	_ =	swait.ge [sflag:s12], $0x400  }
0x381: {  	[sflag:s12] =	ssyncset.done $0x0  }
0x382: {  	[sflag:s12] =	ssyncadd.s32 $0xFFFFFC00  }
0x383: {  	_ =	swait.ge [sflag:s12], $0x400  }
0x384: {  	[sflag:s12] =	ssyncset.done $0x0  }
0x385: {  	[sflag:s12] =	ssyncadd.s32 $0xFFFFFC00  }
0x386: {  	_ =	swait.ge [sflag:s12], $0x400  }
0x387: {  	[sflag:s12] =	ssyncset.done $0x0  }
0x388: {  	[sflag:s12] =	ssyncadd.s32 $0xFFFFFC00  }
0x389: {  	_ =	swait.ge [sflag:s12], $0x400  }
0x38a: {  	[sflag:s12] =	ssyncset.done $0x0  }
0x38b: {  	[sflag:s12] =	ssyncadd.s32 $0xFFFFFC00  }
0x38c: {  	_ =	swait.ge [sflag:s12], $0x400  }
0x38d: {  	[sflag:s12] =	ssyncset.done $0x0  }
0x38e: {  	[sflag:s12] =	ssyncadd.s32 $0xFFFFFC00  }
0x38f: {  	_ =	swait.ge [sflag:s12], $0x400  }
0x390: {  	[sflag:s12] =	ssyncset.done $0x0  }
0x391: {  	[sflag:s12] =	ssyncadd.s32 $0xFFFFFC00  }
0x392: {  	_ =	swait.ge [sflag:s12], $0x400  }
0x393: {  	[sflag:s12] =	ssyncset.done $0x0  }
0x394: {  	[sflag:s12] =	ssyncadd.s32 $0xFFFFFC00  }
0x395: {  	_ =	swait.ge [sflag:s12], $0x400  }
0x396: {  	[sflag:s12] =	ssyncset.done $0x0  }
0x397: {  	[sflag:s12] =	ssyncadd.s32 $0xFFFFFC00  }
0x398: {  	_ =	swait.ge [sflag:s12], $0x400  }
0x399: {  	[sflag:s12] =	ssyncset.done $0x0  }
0x39a: {  	[sflag:s12] =	ssyncadd.s32 $0xFFFFFC00  }
0x39b: {  	_ =	swait.ge [sflag:s12], $0x400  }
0x39c: {  	[sflag:s12] =	ssyncset.done $0x0  }
0x39d: {  	s15 =	sadd.s32 $0x1, s15;
	[sflag:s12] =	ssyncadd.s32 $0xFFFFFC00  }
0x39e: {  	[hbm4b:s16+s1] =	stream.linear.scatter [tilespmem:s11], [sflag:$0x5], $0x7000, $0x38;
	[tilespmem:$0x15000] =	vst v63  }
0x39f: {  	p0 =	sne.s32 s15, s5;
	_ =	swait.ge [sflag:s13], $0x7000  }
.Ltmp1:
0x3a0: {  	[sflag:s13] =	ssyncset.done $0x0;
	(pc) =	sbr.rel @p0 .LBB2_1-.Ltmp1, $4  }
0x3a1: {  	[sflag:s13] =	ssyncadd.s32 $0xFFFF9000  }
0x3a2: {  	_ =	swait.ge [sflag:s14], $0x7000  }
0x3a3: {  	[sflag:s14] =	ssyncset.done $0x0  }
0x3a4: {  	[sflag:s14] =	ssyncadd.s32 $0xFFFF9000  }
0x3a5: {  	_ =	sfence.sel $0x180000  }
0x3a6: {  	[bflag:$0x0] =	sbarrier.arrive $0xFFFF  }
0x3a7: {  	p0 =	sne.s32 s2, $0x0;
	_ =	strace $0x90000047  }
0x3a8: {  	s0 =	sadd.s32 @!p0 $0x100000, s0;
	[bflag:$0x2] =	sbarrier.arrive $0xFFFF  }
0x3a9: {  	[sflag:s0] =	ssyncadd.tile.s32 @!p0 $0x1;
	_ =	shalt  }
.Lfunc_end2:
_tile_overlayer_lowered:
.L_overlay_start_2:
0x3aa: {  	(tag) =	ssettag $0x2  }
0x3ab: {  	s0 =	rddreg [dreg:$0x0];
	s2 =	stileid.u32  }
0x3ac: {  	s1 =	rddreg [dreg:$0x1];
	p0 =	sne.s32 s2, $0x0  }
0x3ad: {  	s3 =	rddreg [dreg:$0x2];
	[bflag:$0x3] =	sbarrier.arrive $0xFFFF;
	s2 =	simm.s32 @!p0 $0x1C06  }
0x3ae: {  	[timem:s3], [sflag:s2] =	dma.local @!p0 [hbm:s0], s1  }
0x3af: {  	s0 =	simm.s32 @!p0 $0x6  }
0x3b0: {  	_ =	swait.ge @!p0 [sflag:s0], s1  }
0x3b1: {  	s1 =	ssub.s32 @!p0 $0x0, s1;
	[sflag:s0] =	ssyncset.done @!p0 $0x0  }
0x3b2: {  	[sflag:s0] =	ssyncadd.s32 @!p0 s1  }
0x3b3: {  	[bflag:$0x3] =	sbarrier.arrive $0xFFFF  }
0x3b4: {  	_ =	shalt  }

// kernel: kernel.9.cloned.1.call-start
scs
__scs_entry_jumppad:
0x0: {  	(pc) =	sbr.rel $0x88, $3  }
0x1: {  	(tag) =	ssettag $0x0;
	lr =	simm.s32 $0x1  }
0x2: {  	[smem:$0x3F9D] =	sst lr;
	_ =	strace $0xD0000000  }
0x3: {  	_ = 	snop  }
0x4: {  	_ = 	snop  }
0x5: {  	_ = 	snop  }
0x6: {  	_ = 	snop  }
0x7: {  	_ = 	snop  }
__scs_overlays_trampoline_lowered:
0x8: {  	[smem:$0x3FAC] =	sst s0  }
0x9: {  	[smem:$0x3FAD] =	sst s1  }
0xa: {  	[smem:$0x3FAE] =	sst s2  }
0xb: {  	[smem:$0x3FAF] =	sst s3  }
0xc: {  	[smem:$0x3FB0] =	sst s4  }
0xd: {  	[smem:$0x3FB1] =	sst s5  }
0xe: {  	[smem:$0x3FB2] =	sst s6  }
0xf: {  	[smem:$0x3FB3] =	sst s7  }
0x10: {  	[smem:$0x3FB4] =	sst s8  }
0x11: {  	[smem:$0x3FB5] =	sst s9;
	s0 =	simm.s32 @!p0 $0x0  }
0x12: {  	s1 =	sld [smem:$0x3F9B];
	s0 =	simm.s32 @p0 $0x1  }
0x13: {  	[smem:$0x3FB6] =	sst s0;
	s0 =	simm.s32 @!p1 $0x0  }
0x14: {  	s2 =	sld [smem:$0x3F9A];
	s0 =	simm.s32 @p1 $0x1  }
0x15: {  	[smem:$0x3FB7] =	sst s0;
	s0 =	simm.s32 @!p2 $0x0  }
0x16: {  	s3 =	sld [smem:$0x3FDB];
	s0 =	simm.s32 @p2 $0x1  }
0x17: {  	s4 =	simm.s32 $0x1BF5;
	[smem:$0x3FB9] =	sst s0  }
0x18: {  	s0 =	sld [smem:$0x3F9C];
	_ =	swait.ge [sflag:s4], $0x0  }
0x19: {  	s7 =	sld [smem:$0x3F9D]  }
0x1a: {  	s8 =	sadd.s32 $0xFFFFE003, lr  }
0x1b: {  	s9 =	sadd.s32 $0xFFFFFEF7, lr;
	s5 =	simm.s32 $0xFFFFFFFF;
	p2 =	slt.u32 s8, $0xFFFFF086  }
0x1c: {  	p1 =	slt.u32 s9, $0xF7A;
	s5 =	simm.s32 @!p2 $0x0  }
0x1d: {  	s5 =	simm.s32 @p1 $0x1;
	p0 =	seq.s32 s7, s2  }
0x1e: {  	s7 =	smul.u32 @!p0 $0xF7A, s2;
	p2 =	seq.s32 @!p0 s5, $0x0  }
0x1f: {  	s9 =	smul.u32 $0xF7A, s1;
	s8 =	simm.s32 @!p0 $0x1BF5;
	p2 =	por !p2, p0  }
0x20: {  	[sflag:s8] =	ssyncset.s32 @!p0 $0xFFFFF086;
	s6 =	sadd.s32 @!p0 s3, s7;
	s7 =	simm.s32 @!p0 $0x108  }
0x21: {  	s3 =	sadd.s32 s3, s9;
	s6 =	sadd.s32 @!p0 $0x88, s6;
	s7 =	simm.s32 @p2 $0x1082  }
0x22: {  	[simem:s7], [sflag:s8] =	dma.local @!p0 [hbm:s6], $0xF7A  }
0x23: {  	s9 =	sor.u32 $0xD0000000, s2;
	s6 =	simm.s32 $0x108;
	_ =	swait.ge @!p0 [sflag:s8], $0x0  }
0x24: {  	s3 =	sadd.s32 $0x88, s3;
	s6 =	simm.s32 @!p1 $0x1082;
	[sflag:s4] =	ssyncset.s32 $0xFFFFF086  }
0x25: {  	[simem:s6], [sflag:s4] =	dma.local [hbm:s3], $0xF7A  }
0x26: {  	[smem:$0x3F9D] =	sst s1;
	(tag) =	ssettag s2;
	_ =	strace s9  }
0x27: {  	s1 =	sld [smem:$0x3FAD]  }
0x28: {  	s2 =	sld [smem:$0x3FAE]  }
0x29: {  	s4 =	sld [smem:$0x3FB0]  }
0x2a: {  	p0 =	seq.s32 s5, $0x0;
	s5 =	sld [smem:$0x3FB1]  }
0x2b: {  	s6 =	sld [smem:$0x3FB2]  }
0x2c: {  	s7 =	sld [smem:$0x3FB3]  }
0x2d: {  	s3 =	simm.s32 $0x108;
	s8 =	sld [smem:$0x3FB4]  }
0x2e: {  	s3 =	simm.s32 @!p0 $0x1082;
	s9 =	sld [smem:$0x3FB5]  }
0x2f: {  	lr =	sadd.s32 s0, s3;
	s0 =	sld [smem:$0x3FAC]  }
0x30: {  	s3 =	sld [smem:$0x3FAF]  }
0x31: {  	[smem:$0x3FB8] =	sst s10  }
0x32: {  	s10 =	sld [smem:$0x3FB6];
	_ =	sdelay $0x3  }
0x33: {  	p0 =	seq.s32 s10, $0x1;
	s10 =	sld [smem:$0x3FB8];
	_ =	sdelay $0x3  }
0x34: {  	[smem:$0x3FB8] =	sst s10  }
0x35: {  	s10 =	sld [smem:$0x3FB7];
	_ =	sdelay $0x3  }
0x36: {  	p1 =	seq.s32 s10, $0x1;
	s10 =	sld [smem:$0x3FB8];
	_ =	sdelay $0x3  }
0x37: {  	[smem:$0x3FB8] =	sst s10  }
0x38: {  	s10 =	sld [smem:$0x3FB9]  }
0x39: {  	_ = 	snop;
	(pc) =	sbr.ind lr, $3  }
0x3a: {  	_ = 	snop  }
0x3b: {  	_ = 	snop  }
0x3c: {  	p2 =	seq.s32 s10, $0x1;
	s10 =	sld [smem:$0x3FB8]  }
0x3d: {  	_ =	shalt  }
0x3e: {  	_ =	shalt  }
0x3f: {  	_ =	shalt  }
0x40: {  	_ =	shalt  }
0x41: {  	_ =	shalt  }
0x42: {  	_ =	shalt  }
0x43: {  	_ =	shalt  }
0x44: {  	_ =	shalt  }
0x45: {  	_ =	shalt  }
0x46: {  	_ =	shalt  }
0x47: {  	_ =	shalt  }
0x48: {  	_ =	shalt  }
0x49: {  	_ =	shalt  }
0x4a: {  	_ =	shalt  }
0x4b: {  	_ =	shalt  }
0x4c: {  	_ =	shalt  }
0x4d: {  	_ =	shalt  }
0x4e: {  	_ =	shalt  }
0x4f: {  	_ =	shalt  }
0x50: {  	_ =	shalt  }
0x51: {  	_ =	shalt  }
0x52: {  	_ =	shalt  }
0x53: {  	_ =	shalt  }
0x54: {  	_ =	shalt  }
0x55: {  	_ =	shalt  }
0x56: {  	_ =	shalt  }
0x57: {  	_ =	shalt  }
0x58: {  	_ =	shalt  }
0x59: {  	_ =	shalt  }
0x5a: {  	_ =	shalt  }
0x5b: {  	_ =	shalt  }
0x5c: {  	_ =	shalt  }
0x5d: {  	_ =	shalt  }
0x5e: {  	_ =	shalt  }
0x5f: {  	_ =	shalt  }
0x60: {  	_ =	shalt  }
0x61: {  	_ =	shalt  }
0x62: {  	_ =	shalt  }
0x63: {  	_ =	shalt  }
0x64: {  	_ =	shalt  }
0x65: {  	_ =	shalt  }
0x66: {  	_ =	shalt  }
0x67: {  	_ =	shalt  }
0x68: {  	_ =	shalt  }
0x69: {  	_ =	shalt  }
0x6a: {  	_ =	shalt  }
0x6b: {  	_ =	shalt  }
0x6c: {  	_ =	shalt  }
0x6d: {  	_ =	shalt  }
0x6e: {  	_ =	shalt  }
0x6f: {  	_ =	shalt  }
0x70: {  	_ =	shalt  }
0x71: {  	_ =	shalt  }
0x72: {  	_ =	shalt  }
0x73: {  	_ =	shalt  }
0x74: {  	_ =	shalt  }
0x75: {  	_ =	shalt  }
0x76: {  	_ =	shalt  }
0x77: {  	_ =	shalt  }
0x78: {  	_ =	shalt  }
0x79: {  	_ =	shalt  }
0x7a: {  	_ =	shalt  }
0x7b: {  	_ =	shalt  }
0x7c: {  	_ =	shalt  }
0x7d: {  	_ =	shalt  }
0x7e: {  	_ =	shalt  }
0x7f: {  	_ =	shalt  }
0x80: {  	_ =	shalt  }
0x81: {  	_ =	shalt  }
0x82: {  	_ =	shalt  }
0x83: {  	_ =	shalt  }
0x84: {  	_ =	shalt  }
0x85: {  	_ =	shalt  }
0x86: {  	_ =	shalt  }
0x87: {  	_ =	shalt  }
.Lfunc_end0:
.L_simem_size_0:
called_computation.1_lowered:
.L_overlay_start_0:
0x88: {  	s2 =	sld [smem:$0x3FD9]  }
0x89: {  	s3 =	sld [smem:$0x3FFE];
	_ =	sdelay $0x1  }
0x8a: {  	s1 =	srdreg.scid  }
0x8b: {  	s0 =	sand.u32 $0x1, s1  }
0x8c: {  	s16 =	sshll.u32 s0, $0xA;
	s2 =	sadd.s32 s3, s2  }
0x8d: {  	s2 =	sadd.s32 s2, s16  }
0x8e: {  	[smem:$0x3FC4] =	sst s2  }
0x8f: {  	_ = 	snop  }
0x90: {  	(tm) =	ssettm $0x1  }
0x91: {  	s17 =	sld [smem:$0x3FFB];
	_ =	sdelay $0x3  }
0x92: {  	_ =	strace s17  }
0x93: {  	s2 =	sld [smem:$0x3FFC];
	_ =	sdelay $0x3  }
0x94: {  	_ =	strace s2  }
0x95: {  	s2 =	sld [smem:$0x3FFD];
	_ =	sdelay $0x3  }
0x96: {  	_ =	strace s2  }
0x97: {  	_ =	strace $0x8FFFFFFF  }
0x98: {  	s18 =	sld [smem:$0x3FDB];
	_ =	sdelay $0x1  }
0x99: {  	s19 =	simm.s32 $_scs_section_size  }
0x9a: {  	s4 =	simm.s32 $_size__tile_overlayer_lowered;
	s5 =	simm.s32 $_tile_overlayer_lowered  }
0x9b: {  	s22 =	simm.s32 $0x1BFF;
	s21 =	sshll.u32 s5, $0x1;
	s2 =	sadd.s32 s19, s18  }
0x9c: {  	s6 =	simm.s32 $0x0;
	s20 =	sshll.u32 s4, $0x1;
	s4 =	sadd.s32 s21, s2  }
0x9d: {  	[timem:s6], [sflag:s22] =	dma.local [hbm:s4], s20  }
0x9e: {  	_ =	swait.ge [sflag:s22], s20  }
0x9f: {  	s3 =	ssub.s32 $0x0, s20;
	[sflag:s22] =	ssyncset.done $0x0  }
0xa0: {  	[sflag:s22] =	ssyncadd.s32 s3;
	_ =	sdelay $0x1  }
0xa1: {  	s23 =	simm.s32 $0x1B8B  }
0xa2: {  	_ =	swait.ge [sflag:s23], $0x1  }
0xa3: {  	[sflag:s23] =	ssyncset.done $0x0  }
0xa4: {  	s25 =	simm.s32 $0x1B8E;
	s24 =	sld [smem:$0x3FFE];
	[sflag:s23] =	ssyncadd.s32 $0xFFFFFFFF  }
0xa5: {  	s26 =	simm.s32 $execute0_lowered;
	[smem:$0x3FD2] =	sst s25  }
0xa6: {  	s4 =	sshll.u32 s26, $0x1;
	_ =	strace $0x80000049;
	[dreg:$0x1] =	wrdreg $0xFFFFFFFF  }
0xa7: {  	s28 =	simm.s32 $_size_execute0_lowered;
	s2 =	sadd.s32 s2, s4;
	[dreg:$0x0] =	wrdreg $0x0  }
0xa8: {  	s4 =	sshll.u32 s28, $0x1;
	[dreg:$0x2] =	wrdreg s2  }
0xa9: {  	[dreg:$0x3] =	wrdreg s4  }
0xaa: {  	[dreg:$0x4] =	wrdreg $0xC0  }
0xab: {  	_ =	task [dreg:s6], $0x5FFFF  }
0xac: {  	[dreg:$0x1] =	wrdreg $0xFFFFFFFF  }
0xad: {  	[dreg:$0x0] =	wrdreg $0x60  }
0xae: {  	[dreg:$0x2] =	wrdreg s24  }
0xaf: {  	[dreg:$0x3] =	wrdreg $0xD2000  }
0xb0: {  	[dreg:$0x4] =	wrdreg $0x9  }
0xb1: {  	_ =	task.clear_ibuf [dreg:s6], $0x5FFFF;
	_ =	strace $0x90000049  }
0xb2: {  	s29 =	simm.s32 $0x9;
	_ =	strace $0x8000004B  }
0xb3: {  	_ =	swait.ge [sflag:s29], $0x1  }
0xb4: {  	[sflag:s29] =	ssyncadd.s32 $0xFFFFFFFF  }
0xb5: {  	_ =	strace $0x9000004B  }
0xb6: {  	_ =	sfence  }
0xb7: {  	s30 =	sld [smem:$0x0];
	_ =	sdelay $0x2  }
0xb8: {  	s31 =	sshll.u32 s1, $0xD;
	s1 =	sshrl.u32 s1, $0x2  }
0xb9: {  	s3 =	sand.u32 $0x4000, s31;
	s1 =	sadd.s32 s1, s30  }
0xba: {  	s0 =	sor.u32 s3, s0;
	s1 =	sshll.u32 s1, $0x11  }
0xbb: {  	s0 =	sor.u32 s1, s0  }
0xbc: {  	s0 =	sadd.s32 $0x8F2B, s0  }
0xbd: {  	[sflag:s0] =	ssyncadd.remote.s32 $0x1  }
0xbe: {  	_ =	sfence.sel $0xFFFF  }
0xbf: {  	[dreg:$0x0] =	wrdreg $0xFFFFFFFF;
	(pc) =	sbr.abs _section_cstart, $3  }
0xc0: {  	[dreg:$0x1] =	wrdreg $0xFFFFFFFF  }
0xc1: {  	_ =	task.clear_ibuf [dreg:s6], $0x2FFFF;
	_ =	strace $0x9FFFFFFF  }
0xc2: {  	(tm) =	ssettm $0x7FFFFFFF  }
0xc3: {  	_ =	shalt  }
tec
execute0_lowered:
.L_overlay_start_1:
0x0: {  	(tag) =	ssettag $0x1  }
0x1: {  	s4 =	rddreg [dreg:$0x0]  }
0x2: {  	s2 =	rddreg [dreg:$0x1]  }
0x3: {  	s0 =	rddreg [dreg:$0x2];
	s3 =	simm.s32 $0x0;
	s5 =	srdreg.scid  }
0x4: {  	s1 =	stileid.u32;
	s28 =	simm.s32 $0x6600;
	[smem:$0x7FF] =	sst s3  }
0x5: {  	s29 =	simm.s32 $0x6A00;
	_ =	strace $0x8000004A;
	[dreg:$0x3] =	wrdreg s28  }
0x6: {  	s30 =	simm.s32 $0x6E00;
	s31 =	simm.s32 $0x7200;
	[dreg:$0x4] =	wrdreg s29  }
0x7: {  	s16 =	simm.s32 $0x7E00;
	s17 =	simm.s32 $0x8200;
	[dreg:$0x5] =	wrdreg s30  }
0x8: {  	s18 =	simm.s32 $0x8600;
	s19 =	simm.s32 $0x8A00;
	[dreg:$0x6] =	wrdreg s31  }
0x9: {  	s20 =	simm.s32 $0x8E00;
	s21 =	simm.s32 $0x9200;
	[dreg:$0x9] =	wrdreg s16  }
0xa: {  	s23 =	simm.s32 $0x9600;
	s10 =	sand.u32 $0x1, s5;
	[dreg:$0xa] =	wrdreg s17  }
0xb: {  	s24 =	sshll.u32 s1, $0x1;
	s6 =	smul.u32 $0xC380, s1;
	[dreg:$0xb] =	wrdreg s18  }
0xc: {  	s11 =	sadd.s32 $0x294800, s4;
	s15 =	sshll.u32 s1, $0x6;
	[dreg:$0xc] =	wrdreg s19  }
0xd: {  	s22 =	smul.u32 $0xC400, s1;
	s7 =	sor.u32 s10, s24;
	[dreg:$0xd] =	wrdreg s20  }
0xe: {  	s25 =	smul.u32 $0xC3800, s10;
	s26 =	ssub.s32 $0x2, s10;
	[dreg:$0xe] =	wrdreg s21  }
0xf: {  	s10 =	smul.u32 $0x6200, s10;
	[dreg:$0xf] =	wrdreg s23;
	s24 =	simm.s32 $0x9E00  }
0x10: {  	s28 =	simm.s32 $0xAA00;
	s29 =	simm.s32 $0xAE00;
	[dreg:$0x10] =	wrdreg s24  }
0x11: {  	s30 =	simm.s32 $0xB200;
	s16 =	simm.s32 $0xBA00;
	[dreg:$0x13] =	wrdreg s28  }
0x12: {  	s17 =	simm.s32 $0xBE00;
	s18 =	simm.s32 $0xC200;
	[dreg:$0x14] =	wrdreg s29  }
0x13: {  	s19 =	simm.s32 $0xC600;
	s20 =	simm.s32 $0xCA00;
	[dreg:$0x15] =	wrdreg s30  }
0x14: {  	s31 =	simm.s32 $0xCE00;
	s21 =	simm.s32 $0x0;
	[dreg:$0x17] =	wrdreg s16  }
0x15: {  	s8 =	smul.u32 $0xC40, s7;
	s9 =	sshrl.u32 s6, $0x3;
	[dreg:$0x18] =	wrdreg s17  }
0x16: {  	s13 =	sshrl.u32 s26, $0x1;
	s14 =	sadd.s32 s6, s2;
	[dreg:$0x19] =	wrdreg s18  }
0x17: {  	s7 =	smul.u32 $0x6200, s7;
	s16 =	simm.s32 $0x9A00;
	[dreg:$0x1a] =	wrdreg s19  }
0x18: {  	s17 =	simm.s32 $0x80;
	s18 =	simm.s32 $0x4;
	[dreg:$0x1b] =	wrdreg s20  }
0x19: {  	s19 =	simm.s32 $0x3;
	[dreg:$0x1c] =	wrdreg s31;
	s20 =	simm.s32 $0x5  }
0x1a: {  	s5 =	sadd.s32 s6, s25;
	s9 =	sadd.s32 s9, s4;
	s13 =	ssub.s32 s26, s13  }
0x1b: {  	s6 =	sor.u32 $0x1C06, s15;
	s25 =	simm.s32 $0xA200;
	s26 =	simm.s32 $0xA600  }
0x1c: {  	s15 =	simm.s32 $0xB600;
	s8 =	sadd.s32 s8, s4;
	[dreg:$0x11] =	wrdreg s25  }
0x1d: {  	s5 =	sshrl.u32 s5, $0x3;
	s7 =	sadd.s32 s11, s7;
	[dreg:$0x12] =	wrdreg s26  }
0x1e: {  	s11 =	sadd.s32 s22, s11;
	[dreg:$0x16] =	wrdreg s15;
	s15 =	simm.s32 $0x2  }
0x1f: {  	s12 =	sadd.s32 s5, s4;
	s4 =	sadd.s32 $0x27C000, s8;
	s8 =	simm.s32 $0x7600  }
0x20: {  	s5 =	sadd.s32 $0x1000, s9;
	s9 =	simm.s32 $0x7A00;
	s10 =	sadd.s32 s10, s11  }
0x21: {  	s11 =	sshrl.u32 s14, $0x3;
	s14 =	simm.s32 $0x1;
	[dreg:$0x7] =	wrdreg s8  }
0x22: {  	[dreg:$0x8] =	wrdreg s9;
	s8 =	sadd.s32 $0x19800, s12;
	s9 =	smax.u32 s13, $0x1  }
0x23: {  	s10 =	sadd.s32 $0x700, s10;
	s12 =	simm.s32 $0x6;
	s13 =	simm.s32 $0x6200  }
.LBB2_1:
0x24: {  	[tilespmem:s3], [sflag:$0x1] =	stream.linear.gather [hbm4b:s4+s3], $0x6200, $0x38;
	[tilespmem:$0x19580] =	vst v63  }
0x25: {  	[spmem:s11], [sflag:s6] =	dma.local [hbm:s5], $0x1870  }
0x26: {  	_ =	swait.ge [sflag:s12], $0x1870  }
0x27: {  	[sflag:s12] =	ssyncset.done $0x0  }
0x28: {  	[sflag:s12] =	ssyncadd.s32 $0xFFFFE790  }
0x29: {  	[bflag:$0x0] =	sbarrier.arrive $0xFFFF  }
0x2a: {  	[tilespmem:s13], [sflag:$0x2] =	stream.linear.gather [hbm4b:s7+s3], $0x3800, $0x38;
	[tilespmem:$0x19580] =	vst v63  }
0x2b: {  	_ =	swait.ge [sflag:s14], $0x6200  }
0x2c: {  	[sflag:s14] =	ssyncset.done $0x0  }
0x2d: {  	[sflag:s14] =	ssyncadd.s32 $0xFFFF9E00  }
0x2e: {  	_ =	swait.ge [sflag:s15], $0x3800  }
0x2f: {  	[sflag:s15] =	ssyncset.done $0x0  }
0x30: {  	[sflag:s15] =	ssyncadd.s32 $0xFFFFC800  }
0x31: {  	[tilespmem:s16], [sflag:$0x3] =	stream.linear.gather [hbm4b:s10+s3], $0x3800, $0x38;
	[tilespmem:$0x19580] =	vst v63  }
0x32: {  	s22 =	simm.s32 $0x0  }
0x33: {  	[spmem:s2] =	stream.indirect.scatter.add.f32 [tilespmem:s13], [sflag:$0x4], $0x8, s22, s17, $0xb8;
	[tilespmem:$0x19580] =	vst v63  }
0x34: {  	s26 =	simm.s32 $0x80;
	s23 =	rddreg [dreg:$0x3]  }
0x35: {  	[spmem:s2] =	stream.indirect.scatter.add.f32 [tilespmem:s23], [sflag:$0x4], $0x8, s26, s17, $0xb8;
	[tilespmem:$0x19580] =	vst v63  }
0x36: {  	s28 =	simm.s32 $0x100;
	s24 =	rddreg [dreg:$0x4]  }
0x37: {  	[spmem:s2] =	stream.indirect.scatter.add.f32 [tilespmem:s24], [sflag:$0x4], $0x8, s28, s17, $0xb8;
	[tilespmem:$0x19580] =	vst v63  }
0x38: {  	s30 =	simm.s32 $0x180;
	s29 =	rddreg [dreg:$0x5]  }
0x39: {  	[spmem:s2] =	stream.indirect.scatter.add.f32 [tilespmem:s29], [sflag:$0x4], $0x8, s30, s17, $0xb8;
	[tilespmem:$0x19580] =	vst v63  }
0x3a: {  	s25 =	simm.s32 $0x200;
	s31 =	rddreg [dreg:$0x6]  }
0x3b: {  	[spmem:s2] =	stream.indirect.scatter.add.f32 [tilespmem:s31], [sflag:$0x4], $0x8, s25, s17, $0xb8;
	[tilespmem:$0x19580] =	vst v63  }
0x3c: {  	s26 =	rddreg [dreg:$0x7];
	s28 =	simm.s32 $0x280  }
0x3d: {  	[spmem:s2] =	stream.indirect.scatter.add.f32 [tilespmem:s26], [sflag:$0x4], $0x8, s28, s17, $0xb8;
	[tilespmem:$0x19580] =	vst v63  }
0x3e: {  	s29 =	rddreg [dreg:$0x8];
	s30 =	simm.s32 $0x300  }
0x3f: {  	[spmem:s2] =	stream.indirect.scatter.add.f32 [tilespmem:s29], [sflag:$0x4], $0x8, s30, s17, $0xb8;
	[tilespmem:$0x19580] =	vst v63  }
0x40: {  	s31 =	rddreg [dreg:$0x9];
	s25 =	simm.s32 $0x380  }
0x41: {  	[spmem:s2] =	stream.indirect.scatter.add.f32 [tilespmem:s31], [sflag:$0x4], $0x8, s25, s17, $0xb8;
	[tilespmem:$0x19580] =	vst v63  }
0x42: {  	s26 =	rddreg [dreg:$0xa];
	s28 =	simm.s32 $0x400  }
0x43: {  	[spmem:s2] =	stream.indirect.scatter.add.f32 [tilespmem:s26], [sflag:$0x4], $0x8, s28, s17, $0xb8;
	[tilespmem:$0x19580] =	vst v63  }
0x44: {  	s29 =	rddreg [dreg:$0xb];
	s30 =	simm.s32 $0x480  }
0x45: {  	[spmem:s2] =	stream.indirect.scatter.add.f32 [tilespmem:s29], [sflag:$0x4], $0x8, s30, s17, $0xb8;
	[tilespmem:$0x19580] =	vst v63  }
0x46: {  	s23 =	simm.s32 $0x500;
	s31 =	rddreg [dreg:$0xc]  }
0x47: {  	[spmem:s2] =	stream.indirect.scatter.add.f32 [tilespmem:s31], [sflag:$0x4], $0x8, s23, s17, $0xb8;
	[tilespmem:$0x19580] =	vst v63  }
0x48: {  	s25 =	rddreg [dreg:$0xd];
	s26 =	simm.s32 $0x580  }
0x49: {  	[spmem:s2] =	stream.indirect.scatter.add.f32 [tilespmem:s25], [sflag:$0x4], $0x8, s26, s17, $0xb8;
	[tilespmem:$0x19580] =	vst v63  }
0x4a: {  	s28 =	rddreg [dreg:$0xe];
	s29 =	simm.s32 $0x600  }
0x4b: {  	[spmem:s2] =	stream.indirect.scatter.add.f32 [tilespmem:s28], [sflag:$0x4], $0x8, s29, s17, $0xb8;
	[tilespmem:$0x19580] =	vst v63  }
0x4c: {  	s30 =	rddreg [dreg:$0xf];
	s31 =	simm.s32 $0x680  }
0x4d: {  	[spmem:s2] =	stream.indirect.scatter.add.f32 [tilespmem:s30], [sflag:$0x4], $0x8, s31, s17, $0xb8;
	[tilespmem:$0x19580] =	vst v63  }
0x4e: {  	_ =	swait.ge [sflag:s18], $0x400  }
0x4f: {  	[sflag:s18] =	ssyncset.done $0x0  }
0x50: {  	[sflag:s18] =	ssyncadd.s32 $0xFFFFFC00  }
0x51: {  	_ =	swait.ge [sflag:s18], $0x400  }
0x52: {  	[sflag:s18] =	ssyncset.done $0x0  }
0x53: {  	[sflag:s18] =	ssyncadd.s32 $0xFFFFFC00  }
0x54: {  	_ =	swait.ge [sflag:s18], $0x400  }
0x55: {  	[sflag:s18] =	ssyncset.done $0x0  }
0x56: {  	[sflag:s18] =	ssyncadd.s32 $0xFFFFFC00  }
0x57: {  	_ =	swait.ge [sflag:s18], $0x400  }
0x58: {  	[sflag:s18] =	ssyncset.done $0x0  }
0x59: {  	[sflag:s18] =	ssyncadd.s32 $0xFFFFFC00  }
0x5a: {  	_ =	swait.ge [sflag:s18], $0x400  }
0x5b: {  	[sflag:s18] =	ssyncset.done $0x0  }
0x5c: {  	[sflag:s18] =	ssyncadd.s32 $0xFFFFFC00  }
0x5d: {  	_ =	swait.ge [sflag:s18], $0x400  }
0x5e: {  	[sflag:s18] =	ssyncset.done $0x0  }
0x5f: {  	[sflag:s18] =	ssyncadd.s32 $0xFFFFFC00  }
0x60: {  	_ =	swait.ge [sflag:s18], $0x400  }
0x61: {  	[sflag:s18] =	ssyncset.done $0x0  }
0x62: {  	[sflag:s18] =	ssyncadd.s32 $0xFFFFFC00  }
0x63: {  	_ =	swait.ge [sflag:s18], $0x400  }
0x64: {  	[sflag:s18] =	ssyncset.done $0x0  }
0x65: {  	[sflag:s18] =	ssyncadd.s32 $0xFFFFFC00  }
0x66: {  	_ =	swait.ge [sflag:s18], $0x400  }
0x67: {  	[sflag:s18] =	ssyncset.done $0x0  }
0x68: {  	[sflag:s18] =	ssyncadd.s32 $0xFFFFFC00  }
0x69: {  	_ =	swait.ge [sflag:s18], $0x400  }
0x6a: {  	[sflag:s18] =	ssyncset.done $0x0  }
0x6b: {  	[sflag:s18] =	ssyncadd.s32 $0xFFFFFC00  }
0x6c: {  	_ =	swait.ge [sflag:s18], $0x400  }
0x6d: {  	[sflag:s18] =	ssyncset.done $0x0  }
0x6e: {  	[sflag:s18] =	ssyncadd.s32 $0xFFFFFC00  }
0x6f: {  	_ =	swait.ge [sflag:s18], $0x400  }
0x70: {  	[sflag:s18] =	ssyncset.done $0x0  }
0x71: {  	[sflag:s18] =	ssyncadd.s32 $0xFFFFFC00  }
0x72: {  	_ =	swait.ge [sflag:s18], $0x400  }
0x73: {  	[sflag:s18] =	ssyncset.done $0x0  }
0x74: {  	[sflag:s18] =	ssyncadd.s32 $0xFFFFFC00  }
0x75: {  	_ =	swait.ge [sflag:s18], $0x400  }
0x76: {  	[sflag:s18] =	ssyncset.done $0x0  }
0x77: {  	[sflag:s18] =	ssyncadd.s32 $0xFFFFFC00  }
0x78: {  	p0 =	por $0x0, $0x0;
	_ =	swait.ge [sflag:s19], $0x3800  }
0x79: {  	s22 =	sadd.s32 @!p0 $0x700, s10;
	[sflag:s19] =	ssyncset.done $0x0  }
0x7a: {  	s24 =	simm.s32 @!p0 $0x6200;
	s23 =	simm.s32 @!p0 $0x0;
	[sflag:s19] =	ssyncadd.s32 $0xFFFFC800  }
0x7b: {  	[tilespmem:s24], [sflag:$0x2] =	stream.linear.gather @!p0 [hbm4b:s22+s23], $0x3800, $0x38;
	[tilespmem:$0x19580] =	vst v63  }
0x7c: {  	s23 =	simm.s32 $0x700  }
0x7d: {  	[spmem:s2] =	stream.indirect.scatter.add.f32 [tilespmem:s16], [sflag:$0x5], $0x8, s23, s17, $0xb8;
	[tilespmem:$0x19580] =	vst v63  }
0x7e: {  	s25 =	simm.s32 $0x780;
	s24 =	rddreg [dreg:$0x10]  }
0x7f: {  	[spmem:s2] =	stream.indirect.scatter.add.f32 [tilespmem:s24], [sflag:$0x5], $0x8, s25, s17, $0xb8;
	[tilespmem:$0x19580] =	vst v63  }
0x80: {  	s28 =	simm.s32 $0x800;
	s26 =	rddreg [dreg:$0x11]  }
0x81: {  	[spmem:s2] =	stream.indirect.scatter.add.f32 [tilespmem:s26], [sflag:$0x5], $0x8, s28, s17, $0xb8;
	[tilespmem:$0x19580] =	vst v63  }
0x82: {  	s30 =	simm.s32 $0x880;
	s29 =	rddreg [dreg:$0x12]  }
0x83: {  	[spmem:s2] =	stream.indirect.scatter.add.f32 [tilespmem:s29], [sflag:$0x5], $0x8, s30, s17, $0xb8;
	[tilespmem:$0x19580] =	vst v63  }
0x84: {  	s31 =	rddreg [dreg:$0x13];
	s25 =	simm.s32 $0x900  }
0x85: {  	[spmem:s2] =	stream.indirect.scatter.add.f32 [tilespmem:s31], [sflag:$0x5], $0x8, s25, s17, $0xb8;
	[tilespmem:$0x19580] =	vst v63  }
0x86: {  	s26 =	rddreg [dreg:$0x14];
	s28 =	simm.s32 $0x980  }
0x87: {  	[spmem:s2] =	stream.indirect.scatter.add.f32 [tilespmem:s26], [sflag:$0x5], $0x8, s28, s17, $0xb8;
	[tilespmem:$0x19580] =	vst v63  }
0x88: {  	s29 =	rddreg [dreg:$0x15];
	s30 =	simm.s32 $0xA00  }
0x89: {  	[spmem:s2] =	stream.indirect.scatter.add.f32 [tilespmem:s29], [sflag:$0x5], $0x8, s30, s17, $0xb8;
	[tilespmem:$0x19580] =	vst v63  }
0x8a: {  	s31 =	rddreg [dreg:$0x16];
	s25 =	simm.s32 $0xA80  }
0x8b: {  	[spmem:s2] =	stream.indirect.scatter.add.f32 [tilespmem:s31], [sflag:$0x5], $0x8, s25, s17, $0xb8;
	[tilespmem:$0x19580] =	vst v63  }
0x8c: {  	s26 =	rddreg [dreg:$0x17];
	s28 =	simm.s32 $0xB00  }
0x8d: {  	[spmem:s2] =	stream.indirect.scatter.add.f32 [tilespmem:s26], [sflag:$0x5], $0x8, s28, s17, $0xb8;
	[tilespmem:$0x19580] =	vst v63  }
0x8e: {  	s29 =	rddreg [dreg:$0x18];
	s30 =	simm.s32 $0xB80  }
0x8f: {  	[spmem:s2] =	stream.indirect.scatter.add.f32 [tilespmem:s29], [sflag:$0x5], $0x8, s30, s17, $0xb8;
	[tilespmem:$0x19580] =	vst v63  }
0x90: {  	s23 =	simm.s32 $0xC00;
	s31 =	rddreg [dreg:$0x19]  }
0x91: {  	[spmem:s2] =	stream.indirect.scatter.add.f32 [tilespmem:s31], [sflag:$0x5], $0x8, s23, s17, $0xb8;
	[tilespmem:$0x19580] =	vst v63  }
0x92: {  	s25 =	rddreg [dreg:$0x1a];
	s26 =	simm.s32 $0xC80  }
0x93: {  	[spmem:s2] =	stream.indirect.scatter.add.f32 [tilespmem:s25], [sflag:$0x5], $0x8, s26, s17, $0xb8;
	[tilespmem:$0x19580] =	vst v63  }
0x94: {  	s28 =	rddreg [dreg:$0x1b];
	s29 =	simm.s32 $0xD00  }
0x95: {  	[spmem:s2] =	stream.indirect.scatter.add.f32 [tilespmem:s28], [sflag:$0x5], $0x8, s29, s17, $0xb8;
	[tilespmem:$0x19580] =	vst v63  }
0x96: {  	s30 =	rddreg [dreg:$0x1c];
	s31 =	simm.s32 $0xD80  }
0x97: {  	[spmem:s2] =	stream.indirect.scatter.add.f32 [tilespmem:s30], [sflag:$0x5], $0x8, s31, s17, $0xb8;
	[tilespmem:$0x19580] =	vst v63  }
0x98: {  	_ =	swait.ge [sflag:s20], $0x400  }
0x99: {  	[sflag:s20] =	ssyncset.done $0x0  }
0x9a: {  	[sflag:s20] =	ssyncadd.s32 $0xFFFFFC00  }
0x9b: {  	_ =	swait.ge [sflag:s20], $0x400  }
0x9c: {  	[sflag:s20] =	ssyncset.done $0x0  }
0x9d: {  	[sflag:s20] =	ssyncadd.s32 $0xFFFFFC00  }
0x9e: {  	_ =	swait.ge [sflag:s20], $0x400  }
0x9f: {  	[sflag:s20] =	ssyncset.done $0x0  }
0xa0: {  	[sflag:s20] =	ssyncadd.s32 $0xFFFFFC00  }
0xa1: {  	_ =	swait.ge [sflag:s20], $0x400  }
0xa2: {  	[sflag:s20] =	ssyncset.done $0x0  }
0xa3: {  	[sflag:s20] =	ssyncadd.s32 $0xFFFFFC00  }
0xa4: {  	_ =	swait.ge [sflag:s20], $0x400  }
0xa5: {  	[sflag:s20] =	ssyncset.done $0x0  }
0xa6: {  	[sflag:s20] =	ssyncadd.s32 $0xFFFFFC00  }
0xa7: {  	_ =	swait.ge [sflag:s20], $0x400  }
0xa8: {  	[sflag:s20] =	ssyncset.done $0x0  }
0xa9: {  	[sflag:s20] =	ssyncadd.s32 $0xFFFFFC00  }
0xaa: {  	_ =	swait.ge [sflag:s20], $0x400  }
0xab: {  	[sflag:s20] =	ssyncset.done $0x0  }
0xac: {  	[sflag:s20] =	ssyncadd.s32 $0xFFFFFC00  }
0xad: {  	_ =	swait.ge [sflag:s20], $0x400  }
0xae: {  	[sflag:s20] =	ssyncset.done $0x0  }
0xaf: {  	[sflag:s20] =	ssyncadd.s32 $0xFFFFFC00  }
0xb0: {  	_ =	swait.ge [sflag:s20], $0x400  }
0xb1: {  	[sflag:s20] =	ssyncset.done $0x0  }
0xb2: {  	[sflag:s20] =	ssyncadd.s32 $0xFFFFFC00  }
0xb3: {  	_ =	swait.ge [sflag:s20], $0x400  }
0xb4: {  	[sflag:s20] =	ssyncset.done $0x0  }
0xb5: {  	[sflag:s20] =	ssyncadd.s32 $0xFFFFFC00  }
0xb6: {  	_ =	swait.ge [sflag:s20], $0x400  }
0xb7: {  	[sflag:s20] =	ssyncset.done $0x0  }
0xb8: {  	[sflag:s20] =	ssyncadd.s32 $0xFFFFFC00  }
0xb9: {  	_ =	swait.ge [sflag:s20], $0x400  }
0xba: {  	[sflag:s20] =	ssyncset.done $0x0  }
0xbb: {  	[sflag:s20] =	ssyncadd.s32 $0xFFFFFC00  }
0xbc: {  	_ =	swait.ge [sflag:s20], $0x400  }
0xbd: {  	[sflag:s20] =	ssyncset.done $0x0  }
0xbe: {  	[sflag:s20] =	ssyncadd.s32 $0xFFFFFC00  }
0xbf: {  	s22 =	simm.s32 $0x3800;
	s23 =	smov.u32 s10;
	_ =	swait.ge [sflag:s20], $0x400  }
.LBB2_2:
0xc0: {  	[sflag:s20] =	ssyncset.done $0x0  }
0xc1: {  	[sflag:s20] =	ssyncadd.s32 $0xFFFFFC00  }
0xc2: {  	_ =	swait.ge [sflag:s15], $0x3800  }
0xc3: {  	[sflag:s15] =	ssyncset.done $0x0  }
0xc4: {  	s23 =	sadd.s32 $0xE00, s23;
	s25 =	smov.u32 s22;
	[sflag:s15] =	ssyncadd.s32 $0xFFFFC800  }
0xc5: {  	[tilespmem:s16], [sflag:$0x3] =	stream.linear.gather [hbm4b:s23+s3], $0x3800, $0x38;
	[tilespmem:$0x19580] =	vst v63  }
0xc6: {  	s24 =	sshra.s32 s25, $0x2  }
0xc7: {  	[spmem:s2] =	stream.indirect.scatter.add.f32 [tilespmem:s13], [sflag:$0x4], $0x8, s24, s17, $0xb8;
	[tilespmem:$0x19580] =	vst v63  }
0xc8: {  	s28 =	sadd.s32 $0x80, s24;
	s26 =	rddreg [dreg:$0x3]  }
0xc9: {  	[spmem:s2] =	stream.indirect.scatter.add.f32 [tilespmem:s26], [sflag:$0x4], $0x8, s28, s17, $0xb8;
	[tilespmem:$0x19580] =	vst v63  }
0xca: {  	s31 =	sadd.s32 $0x100, s24;
	s29 =	rddreg [dreg:$0x4]  }
0xcb: {  	[spmem:s2] =	stream.indirect.scatter.add.f32 [tilespmem:s29], [sflag:$0x4], $0x8, s31, s17, $0xb8;
	[tilespmem:$0x19580] =	vst v63  }
0xcc: {  	s30 =	rddreg [dreg:$0x5];
	s31 =	sadd.s32 $0x180, s24  }
0xcd: {  	[spmem:s2] =	stream.indirect.scatter.add.f32 [tilespmem:s30], [sflag:$0x4], $0x8, s31, s17, $0xb8;
	[tilespmem:$0x19580] =	vst v63  }
0xce: {  	s29 =	rddreg [dreg:$0x6];
	s30 =	sadd.s32 $0x200, s24  }
0xcf: {  	[spmem:s2] =	stream.indirect.scatter.add.f32 [tilespmem:s29], [sflag:$0x4], $0x8, s30, s17, $0xb8;
	[tilespmem:$0x19580] =	vst v63  }
0xd0: {  	s31 =	rddreg [dreg:$0x7];
	s30 =	sadd.s32 $0x280, s24  }
0xd1: {  	[spmem:s2] =	stream.indirect.scatter.add.f32 [tilespmem:s31], [sflag:$0x4], $0x8, s30, s17, $0xb8;
	[tilespmem:$0x19580] =	vst v63  }
0xd2: {  	s29 =	rddreg [dreg:$0x8];
	s31 =	sadd.s32 $0x300, s24  }
0xd3: {  	[spmem:s2] =	stream.indirect.scatter.add.f32 [tilespmem:s29], [sflag:$0x4], $0x8, s31, s17, $0xb8;
	[tilespmem:$0x19580] =	vst v63  }
0xd4: {  	s30 =	rddreg [dreg:$0x9];
	s31 =	sadd.s32 $0x380, s24  }
0xd5: {  	[spmem:s2] =	stream.indirect.scatter.add.f32 [tilespmem:s30], [sflag:$0x4], $0x8, s31, s17, $0xb8;
	[tilespmem:$0x19580] =	vst v63  }
0xd6: {  	s29 =	rddreg [dreg:$0xa];
	s30 =	sadd.s32 $0x400, s24  }
0xd7: {  	[spmem:s2] =	stream.indirect.scatter.add.f32 [tilespmem:s29], [sflag:$0x4], $0x8, s30, s17, $0xb8;
	[tilespmem:$0x19580] =	vst v63  }
0xd8: {  	s31 =	rddreg [dreg:$0xb];
	s30 =	sadd.s32 $0x480, s24  }
0xd9: {  	[spmem:s2] =	stream.indirect.scatter.add.f32 [tilespmem:s31], [sflag:$0x4], $0x8, s30, s17, $0xb8;
	[tilespmem:$0x19580] =	vst v63  }
0xda: {  	s29 =	rddreg [dreg:$0xc];
	s31 =	sadd.s32 $0x500, s24  }
0xdb: {  	[spmem:s2] =	stream.indirect.scatter.add.f32 [tilespmem:s29], [sflag:$0x4], $0x8, s31, s17, $0xb8;
	[tilespmem:$0x19580] =	vst v63  }
0xdc: {  	s30 =	rddreg [dreg:$0xd];
	s31 =	sadd.s32 $0x580, s24  }
0xdd: {  	[spmem:s2] =	stream.indirect.scatter.add.f32 [tilespmem:s30], [sflag:$0x4], $0x8, s31, s17, $0xb8;
	[tilespmem:$0x19580] =	vst v63  }
0xde: {  	s29 =	rddreg [dreg:$0xe];
	s30 =	sadd.s32 $0x600, s24  }
0xdf: {  	[spmem:s2] =	stream.indirect.scatter.add.f32 [tilespmem:s29], [sflag:$0x4], $0x8, s30, s17, $0xb8;
	[tilespmem:$0x19580] =	vst v63  }
0xe0: {  	s31 =	rddreg [dreg:$0xf];
	s29 =	sadd.s32 $0x680, s24  }
0xe1: {  	[spmem:s2] =	stream.indirect.scatter.add.f32 [tilespmem:s31], [sflag:$0x4], $0x8, s29, s17, $0xb8;
	[tilespmem:$0x19580] =	vst v63  }
0xe2: {  	_ =	swait.ge [sflag:s18], $0x400  }
0xe3: {  	[sflag:s18] =	ssyncset.done $0x0  }
0xe4: {  	[sflag:s18] =	ssyncadd.s32 $0xFFFFFC00  }
0xe5: {  	_ =	swait.ge [sflag:s18], $0x400  }
0xe6: {  	[sflag:s18] =	ssyncset.done $0x0  }
0xe7: {  	[sflag:s18] =	ssyncadd.s32 $0xFFFFFC00  }
0xe8: {  	_ =	swait.ge [sflag:s18], $0x400  }
0xe9: {  	[sflag:s18] =	ssyncset.done $0x0  }
0xea: {  	[sflag:s18] =	ssyncadd.s32 $0xFFFFFC00  }
0xeb: {  	_ =	swait.ge [sflag:s18], $0x400  }
0xec: {  	[sflag:s18] =	ssyncset.done $0x0  }
0xed: {  	[sflag:s18] =	ssyncadd.s32 $0xFFFFFC00  }
0xee: {  	_ =	swait.ge [sflag:s18], $0x400  }
0xef: {  	[sflag:s18] =	ssyncset.done $0x0  }
0xf0: {  	[sflag:s18] =	ssyncadd.s32 $0xFFFFFC00  }
0xf1: {  	_ =	swait.ge [sflag:s18], $0x400  }
0xf2: {  	[sflag:s18] =	ssyncset.done $0x0  }
0xf3: {  	[sflag:s18] =	ssyncadd.s32 $0xFFFFFC00  }
0xf4: {  	_ =	swait.ge [sflag:s18], $0x400  }
0xf5: {  	[sflag:s18] =	ssyncset.done $0x0  }
0xf6: {  	[sflag:s18] =	ssyncadd.s32 $0xFFFFFC00  }
0xf7: {  	_ =	swait.ge [sflag:s18], $0x400  }
0xf8: {  	[sflag:s18] =	ssyncset.done $0x0  }
0xf9: {  	[sflag:s18] =	ssyncadd.s32 $0xFFFFFC00  }
0xfa: {  	_ =	swait.ge [sflag:s18], $0x400  }
0xfb: {  	[sflag:s18] =	ssyncset.done $0x0  }
0xfc: {  	[sflag:s18] =	ssyncadd.s32 $0xFFFFFC00  }
0xfd: {  	_ =	swait.ge [sflag:s18], $0x400  }
0xfe: {  	[sflag:s18] =	ssyncset.done $0x0  }
0xff: {  	[sflag:s18] =	ssyncadd.s32 $0xFFFFFC00  }
0x100: {  	_ =	swait.ge [sflag:s18], $0x400  }
0x101: {  	[sflag:s18] =	ssyncset.done $0x0  }
0x102: {  	[sflag:s18] =	ssyncadd.s32 $0xFFFFFC00  }
0x103: {  	_ =	swait.ge [sflag:s18], $0x400  }
0x104: {  	[sflag:s18] =	ssyncset.done $0x0  }
0x105: {  	[sflag:s18] =	ssyncadd.s32 $0xFFFFFC00  }
0x106: {  	_ =	swait.ge [sflag:s18], $0x400  }
0x107: {  	[sflag:s18] =	ssyncset.done $0x0  }
0x108: {  	[sflag:s18] =	ssyncadd.s32 $0xFFFFFC00  }
0x109: {  	_ =	swait.ge [sflag:s18], $0x400  }
0x10a: {  	[sflag:s18] =	ssyncset.done $0x0  }
0x10b: {  	[sflag:s18] =	ssyncadd.s32 $0xFFFFFC00  }
0x10c: {  	p1 =	seq.s32 s25, $0x15000;
	_ =	swait.ge [sflag:s19], $0x3800  }
0x10d: {  	s25 =	sadd.s32 @!p1 $0x700, s23;
	[sflag:s19] =	ssyncset.done $0x0  }
0x10e: {  	s26 =	simm.s32 @!p1 $0x0;
	s28 =	simm.s32 @!p1 $0x6200;
	[sflag:s19] =	ssyncadd.s32 $0xFFFFC800  }
0x10f: {  	[tilespmem:s28], [sflag:$0x2] =	stream.linear.gather @!p1 [hbm4b:s25+s26], $0x3800, $0x38;
	[tilespmem:$0x19580] =	vst v63  }
0x110: {  	s30 =	sadd.s32 $0x700, s24  }
0x111: {  	[spmem:s2] =	stream.indirect.scatter.add.f32 [tilespmem:s16], [sflag:$0x5], $0x8, s30, s17, $0xb8;
	[tilespmem:$0x19580] =	vst v63  }
0x112: {  	s31 =	sadd.s32 $0x780, s24;
	s26 =	rddreg [dreg:$0x10]  }
0x113: {  	[spmem:s2] =	stream.indirect.scatter.add.f32 [tilespmem:s26], [sflag:$0x5], $0x8, s31, s17, $0xb8;
	[tilespmem:$0x19580] =	vst v63  }
0x114: {  	s28 =	sadd.s32 $0x800, s24;
	s30 =	rddreg [dreg:$0x11]  }
0x115: {  	[spmem:s2] =	stream.indirect.scatter.add.f32 [tilespmem:s30], [sflag:$0x5], $0x8, s28, s17, $0xb8;
	[tilespmem:$0x19580] =	vst v63  }
0x116: {  	s26 =	sadd.s32 $0x880, s24;
	s31 =	rddreg [dreg:$0x12]  }
0x117: {  	[spmem:s2] =	stream.indirect.scatter.add.f32 [tilespmem:s31], [sflag:$0x5], $0x8, s26, s17, $0xb8;
	[tilespmem:$0x19580] =	vst v63  }
0x118: {  	s28 =	sadd.s32 $0x900, s24;
	s30 =	rddreg [dreg:$0x13]  }
0x119: {  	[spmem:s2] =	stream.indirect.scatter.add.f32 [tilespmem:s30], [sflag:$0x5], $0x8, s28, s17, $0xb8;
	[tilespmem:$0x19580] =	vst v63  }
0x11a: {  	s26 =	sadd.s32 $0x980, s24;
	s31 =	rddreg [dreg:$0x14]  }
0x11b: {  	[spmem:s2] =	stream.indirect.scatter.add.f32 [tilespmem:s31], [sflag:$0x5], $0x8, s26, s17, $0xb8;
	[tilespmem:$0x19580] =	vst v63  }
0x11c: {  	s28 =	sadd.s32 $0xA00, s24;
	s30 =	rddreg [dreg:$0x15]  }
0x11d: {  	[spmem:s2] =	stream.indirect.scatter.add.f32 [tilespmem:s30], [sflag:$0x5], $0x8, s28, s17, $0xb8;
	[tilespmem:$0x19580] =	vst v63  }
0x11e: {  	s26 =	sadd.s32 $0xA80, s24;
	s31 =	rddreg [dreg:$0x16]  }
0x11f: {  	[spmem:s2] =	stream.indirect.scatter.add.f32 [tilespmem:s31], [sflag:$0x5], $0x8, s26, s17, $0xb8;
	[tilespmem:$0x19580] =	vst v63  }
0x120: {  	s28 =	sadd.s32 $0xB00, s24;
	s30 =	rddreg [dreg:$0x17]  }
0x121: {  	[spmem:s2] =	stream.indirect.scatter.add.f32 [tilespmem:s30], [sflag:$0x5], $0x8, s28, s17, $0xb8;
	[tilespmem:$0x19580] =	vst v63  }
0x122: {  	s26 =	sadd.s32 $0xB80, s24;
	s31 =	rddreg [dreg:$0x18]  }
0x123: {  	[spmem:s2] =	stream.indirect.scatter.add.f32 [tilespmem:s31], [sflag:$0x5], $0x8, s26, s17, $0xb8;
	[tilespmem:$0x19580] =	vst v63  }
0x124: {  	s28 =	sadd.s32 $0xC00, s24;
	s30 =	rddreg [dreg:$0x19]  }
0x125: {  	[spmem:s2] =	stream.indirect.scatter.add.f32 [tilespmem:s30], [sflag:$0x5], $0x8, s28, s17, $0xb8;
	[tilespmem:$0x19580] =	vst v63  }
0x126: {  	s26 =	sadd.s32 $0xC80, s24;
	s31 =	rddreg [dreg:$0x1a]  }
0x127: {  	[spmem:s2] =	stream.indirect.scatter.add.f32 [tilespmem:s31], [sflag:$0x5], $0x8, s26, s17, $0xb8;
	[tilespmem:$0x19580] =	vst v63  }
0x128: {  	s28 =	sadd.s32 $0xD00, s24;
	s30 =	rddreg [dreg:$0x1b]  }
0x129: {  	[spmem:s2] =	stream.indirect.scatter.add.f32 [tilespmem:s30], [sflag:$0x5], $0x8, s28, s17, $0xb8;
	[tilespmem:$0x19580] =	vst v63  }
0x12a: {  	s24 =	sadd.s32 $0xD80, s24;
	s31 =	rddreg [dreg:$0x1c]  }
0x12b: {  	[spmem:s2] =	stream.indirect.scatter.add.f32 [tilespmem:s31], [sflag:$0x5], $0x8, s24, s17, $0xb8;
	[tilespmem:$0x19580] =	vst v63  }
0x12c: {  	_ =	swait.ge [sflag:s20], $0x400  }
0x12d: {  	[sflag:s20] =	ssyncset.done $0x0  }
0x12e: {  	[sflag:s20] =	ssyncadd.s32 $0xFFFFFC00  }
0x12f: {  	_ =	swait.ge [sflag:s20], $0x400  }
0x130: {  	[sflag:s20] =	ssyncset.done $0x0  }
0x131: {  	[sflag:s20] =	ssyncadd.s32 $0xFFFFFC00  }
0x132: {  	_ =	swait.ge [sflag:s20], $0x400  }
0x133: {  	[sflag:s20] =	ssyncset.done $0x0  }
0x134: {  	[sflag:s20] =	ssyncadd.s32 $0xFFFFFC00  }
0x135: {  	_ =	swait.ge [sflag:s20], $0x400  }
0x136: {  	[sflag:s20] =	ssyncset.done $0x0  }
0x137: {  	[sflag:s20] =	ssyncadd.s32 $0xFFFFFC00  }
0x138: {  	_ =	swait.ge [sflag:s20], $0x400  }
0x139: {  	[sflag:s20] =	ssyncset.done $0x0  }
0x13a: {  	[sflag:s20] =	ssyncadd.s32 $0xFFFFFC00  }
0x13b: {  	_ =	swait.ge [sflag:s20], $0x400  }
0x13c: {  	[sflag:s20] =	ssyncset.done $0x0  }
0x13d: {  	[sflag:s20] =	ssyncadd.s32 $0xFFFFFC00  }
0x13e: {  	_ =	swait.ge [sflag:s20], $0x400  }
0x13f: {  	[sflag:s20] =	ssyncset.done $0x0  }
0x140: {  	[sflag:s20] =	ssyncadd.s32 $0xFFFFFC00  }
0x141: {  	_ =	swait.ge [sflag:s20], $0x400  }
0x142: {  	[sflag:s20] =	ssyncset.done $0x0  }
0x143: {  	[sflag:s20] =	ssyncadd.s32 $0xFFFFFC00  }
0x144: {  	_ =	swait.ge [sflag:s20], $0x400  }
0x145: {  	[sflag:s20] =	ssyncset.done $0x0  }
0x146: {  	[sflag:s20] =	ssyncadd.s32 $0xFFFFFC00  }
0x147: {  	_ =	swait.ge [sflag:s20], $0x400  }
0x148: {  	[sflag:s20] =	ssyncset.done $0x0  }
0x149: {  	[sflag:s20] =	ssyncadd.s32 $0xFFFFFC00  }
0x14a: {  	_ =	swait.ge [sflag:s20], $0x400  }
0x14b: {  	[sflag:s20] =	ssyncset.done $0x0  }
0x14c: {  	[sflag:s20] =	ssyncadd.s32 $0xFFFFFC00  }
0x14d: {  	s22 =	sadd.s32 $0x3800, s22;
	_ =	swait.ge [sflag:s20], $0x400  }
0x14e: {  	p0 =	sne.s32 s22, $0x18800;
	[sflag:s20] =	ssyncset.done $0x0  }
.Ltmp0:
0x14f: {  	[sflag:s20] =	ssyncadd.s32 $0xFFFFFC00;
	(pc) =	sbr.rel @p0 .LBB2_2-.Ltmp0, $4  }
0x150: {  	_ =	swait.ge [sflag:s20], $0x400  }
0x151: {  	[sflag:s20] =	ssyncset.done $0x0  }
0x152: {  	[sflag:s20] =	ssyncadd.s32 $0xFFFFFC00  }
0x153: {  	_ =	swait.ge [sflag:s20], $0x400  }
0x154: {  	[sflag:s20] =	ssyncset.done $0x0;
	s21 =	sadd.s32 $0x1, s21  }
0x155: {  	[sflag:s20] =	ssyncadd.s32 $0xFFFFFC00;
	p0 =	sne.s32 s21, s9  }
.Ltmp1:
0x156: {  	[bflag:$0x0] =	sbarrier.arrive $0xFFFF;
	(pc) =	sbr.rel @p0 .LBB2_1-.Ltmp1, $4  }
0x157: {  	[hbm:s8], [sflag:s6] =	dma.local [spmem:s11], $0x1870  }
0x158: {  	_ =	swait.ge [sflag:s12], $0x1870  }
0x159: {  	[sflag:s12] =	ssyncset.done $0x0  }
0x15a: {  	[sflag:s12] =	ssyncadd.s32 $0xFFFFE790  }
0x15b: {  	_ =	sfence.sel $0x180000  }
0x15c: {  	[bflag:$0x0] =	sbarrier.arrive $0xFFFF  }
0x15d: {  	p0 =	sne.s32 s1, $0x0;
	_ =	strace $0x9000004A  }
0x15e: {  	s0 =	sadd.s32 @!p0 $0x100000, s0;
	[bflag:$0x2] =	sbarrier.arrive $0xFFFF  }
0x15f: {  	[sflag:s0] =	ssyncadd.tile.s32 @!p0 $0x1;
	_ =	shalt  }
.Lfunc_end2:
_tile_overlayer_lowered:
.L_overlay_start_2:
0x160: {  	(tag) =	ssettag $0x2  }
0x161: {  	s0 =	rddreg [dreg:$0x0];
	s2 =	stileid.u32  }
0x162: {  	s1 =	rddreg [dreg:$0x1];
	p0 =	sne.s32 s2, $0x0  }
0x163: {  	s3 =	rddreg [dreg:$0x2];
	[bflag:$0x3] =	sbarrier.arrive $0xFFFF;
	s2 =	simm.s32 @!p0 $0x1C06  }
0x164: {  	[timem:s3], [sflag:s2] =	dma.local @!p0 [hbm:s0], s1  }
0x165: {  	s0 =	simm.s32 @!p0 $0x6  }
0x166: {  	_ =	swait.ge @!p0 [sflag:s0], s1  }
0x167: {  	s1 =	ssub.s32 @!p0 $0x0, s1;
	[sflag:s0] =	ssyncset.done @!p0 $0x0  }
0x168: {  	[sflag:s0] =	ssyncadd.s32 @!p0 s1  }
0x169: {  	[bflag:$0x3] =	sbarrier.arrive $0xFFFF  }
0x16a: {  	_ =	shalt  }

</sc_bundles>
